<compile_context>
chip_gen: v7x
topology: tpu7x:2x2x1
jax: 0.10.2.dev20260603
libtpu: 0.0.44.dev20260713+nightly
codegen_flags: <defaults>
</compile_context>

<pallas_src>
import functools

import jax
import jax.numpy as jnp
from jax import lax
from jax.experimental import pallas as pl
from jax.experimental.pallas import tpu as pltpu
from jax.experimental.pallas import tpu_sc as plsc

_B, _L, _C, _H, _W = 2, 8, 3, 256, 256
_HW = _H * _W
_NS = 16
_SLICE = _HW // _NS
_HS = _SLICE // 2
_PW = _H + 2
_PP = _PW * _PW
_PSTRIDE = _PP + 4

def _sc_body(ct1_hbm, cum_hbm, img_hbm, p01_hbm, p2_hbm, out_hbm,
             plane_v, acc_v, ck_v, ct_v, sem_p, sem_t):
    b = lax.axis_index("c")
    s = lax.axis_index("s")
    off = s * _SLICE

    def tap_setup(pb, o, size):
        ax = ct_v[pl.ds(pb + o, 16)] - ck_v[pl.ds(o, 16)]
        ay = ct_v[pl.ds(pb + size + o, 16)] - ck_v[pl.ds(size + o, 16)]

        def coords(a):
            v = a * 0.5
            i = v.astype(jnp.int32)
            nf = i.astype(jnp.float32)
            m = a - (nf + nf)
            r1 = m * (0.5 * _W) + 0.5
            p0 = r1.astype(jnp.int32)
            p0f = p0.astype(jnp.float32)
            f = r1 - p0f
            return p0, f

        x0p, fx = coords(ax)
        y0p, fy = coords(ay)
        ux = 1.0 - fx
        uy = 1.0 - fy
        wa = ux * uy
        wb = ux * fy
        wc = fx * uy
        wd = fx * fy
        i00 = y0p * _PW + x0p
        i10 = i00 + _PW
        return (i00, i10, i00 + 1, i10 + 1), (wa, wb, wc, wd)

    def ct_issue(t, pb, offh, size):
        ct0 = (b * _L + t) * 2 * _HW + offh
        pltpu.async_copy(ct1_hbm.at[pl.ds(ct0, size)],
                         ct_v.at[pl.ds(pb, size)], sem_t)
        pltpu.async_copy(ct1_hbm.at[pl.ds(ct0 + _HW, size)],
                         ct_v.at[pl.ds(pb + size, size)], sem_t)

    def ct_wait(t, pb, offh, size):
        ct0 = (b * _L + t) * 2 * _HW + offh
        pltpu.make_async_copy(ct1_hbm.at[pl.ds(ct0, size)],
                              ct_v.at[pl.ds(pb, size)], sem_t).wait()
        pltpu.make_async_copy(ct1_hbm.at[pl.ds(ct0 + _HW, size)],
                              ct_v.at[pl.ds(pb + size, size)], sem_t).wait()

    for h in range(2):
        offh = off + h * _HS

        def k_iter_a(kk, _):
            k = (_L - 1) - kk
            plane_cp = pltpu.async_copy(
                p01_hbm.at[pl.ds((b * _L + k) * _PSTRIDE, _PP)], plane_v,
                sem_p)
            ck0 = (b * _L + k) * 2 * _HW + offh
            pltpu.sync_copy(cum_hbm.at[pl.ds(ck0, _HS)],
                            ck_v.at[pl.ds(0, _HS)])
            pltpu.sync_copy(cum_hbm.at[pl.ds(ck0 + _HW, _HS)],
                            ck_v.at[pl.ds(_HS, _HS)])
            for c in range(2):
                pltpu.sync_copy(
                    img_hbm.at[pl.ds(((b * _L + k) * _C + c) * _HW + offh,
                                     _HS)],
                    acc_v.at[pl.ds((c * _L + k) * _HS, _HS)])

            @pl.when(k < _L - 1)
            def _():
                ct_issue(k + 1, 0, offh, _HS)

            plane_cp.wait()

            def t_iter(t, _):
                parity = (t - k - 1) & 1
                pb = parity * (2 * _HS)
                ct_wait(t, pb, offh, _HS)

                @pl.when(t + 1 < _L)
                def _():
                    ct_issue(t + 1, 2 * _HS - pb, offh, _HS)

                @plsc.parallel_loop(0, _HS // 16, unroll=6)
                def g_iter(g):
                    o = g * 16
                    (i00, i10, i01, i11), (wa, wb, wc, wd) = tap_setup(
                        pb, o, _HS)
                    w00 = plsc.load_gather(plane_v, [i00])
                    w10 = plsc.load_gather(plane_v, [i10])
                    w01 = plsc.load_gather(plane_v, [i01])
                    w11 = plsc.load_gather(plane_v, [i11])

                    def bc(x):
                        return lax.bitcast_convert_type(x, jnp.float32)

                    c0 = (wa * bc(w00 << 16) + wb * bc(w10 << 16)
                          + wc * bc(w01 << 16) + wd * bc(w11 << 16))
                    c1 = (wa * bc(w00) + wb * bc(w10)
                          + wc * bc(w01) + wd * bc(w11))
                    s0 = pl.ds(t * _HS + o, 16)
                    s1 = pl.ds((_L + t) * _HS + o, 16)
                    acc_v[s0] = acc_v[s0] + c0
                    acc_v[s1] = acc_v[s1] + c1

                return 0

            lax.fori_loop(k + 1, _L, t_iter, 0)
            return 0

        lax.fori_loop(0, _L, k_iter_a, 0)

        flushes = [
            (acc_v.at[pl.ds((c * _L + t) * _HS, _HS)],
             out_hbm.at[pl.ds(((b * _L + t) * _C + c) * _HW + offh, _HS)])
            for c in range(2) for t in range(_L)
        ]
        for src, dst in flushes:
            pltpu.async_copy(src, dst, sem_t)
        for src, dst in flushes:
            pltpu.make_async_copy(src, dst, sem_t).wait()

    def k_iter_b(kk, _):
        k = (_L - 1) - kk
        plane_cp = pltpu.async_copy(
            p2_hbm.at[pl.ds((b * _L + k) * _PSTRIDE, _PP)], plane_v, sem_p)
        ck0 = (b * _L + k) * 2 * _HW + off
        pltpu.sync_copy(cum_hbm.at[pl.ds(ck0, _SLICE)],
                        ck_v.at[pl.ds(0, _SLICE)])
        pltpu.sync_copy(cum_hbm.at[pl.ds(ck0 + _HW, _SLICE)],
                        ck_v.at[pl.ds(_SLICE, _SLICE)])
        pltpu.sync_copy(
            img_hbm.at[pl.ds(((b * _L + k) * _C + 2) * _HW + off, _SLICE)],
            acc_v.at[pl.ds(k * _SLICE, _SLICE)])

        @pl.when(k < _L - 1)
        def _():
            ct_issue(k + 1, 0, off, _SLICE)

        plane_cp.wait()

        def t_iter(t, _):
            parity = (t - k - 1) & 1
            pb = parity * (2 * _SLICE)
            ct_wait(t, pb, off, _SLICE)

            @pl.when(t + 1 < _L)
            def _():
                ct_issue(t + 1, 2 * _SLICE - pb, off, _SLICE)

            @plsc.parallel_loop(0, _SLICE // 16, unroll=8)
            def g_iter(g):
                o = g * 16
                (i00, i10, i01, i11), (wa, wb, wc, wd) = tap_setup(
                    pb, o, _SLICE)

                def gbc(idx):
                    return lax.bitcast_convert_type(
                        plsc.load_gather(plane_v, [idx]), jnp.float32)

                contrib = (wa * gbc(i00) + wb * gbc(i10)
                           + wc * gbc(i01) + wd * gbc(i11))
                a_sl = pl.ds(t * _SLICE + o, 16)
                acc_v[a_sl] = acc_v[a_sl] + contrib

            return 0

        lax.fori_loop(k + 1, _L, t_iter, 0)
        return 0

    lax.fori_loop(0, _L, k_iter_b, 0)

    flushes = [
        (acc_v.at[pl.ds(t * _SLICE, _SLICE)],
         out_hbm.at[pl.ds(((b * _L + t) * _C + 2) * _HW + off, _SLICE)])
        for t in range(_L)
    ]
    for src, dst in flushes:
        pltpu.async_copy(src, dst, sem_t)
    for src, dst in flushes:
        pltpu.make_async_copy(src, dst, sem_t).wait()


_warp_pscan = functools.partial(
    pl.kernel,
    out_type=jax.ShapeDtypeStruct((_B * _L * _C * _HW,), jnp.float32),
    mesh=plsc.VectorSubcoreMesh(core_axis_name="c", subcore_axis_name="s",
                                num_cores=_B, num_subcores=_NS),
    compiler_params=pltpu.CompilerParams(needs_layout_passes=False, use_tc_tiling_on_sc=False),
    scratch_types=[
        pltpu.VMEM((_PP,), jnp.int32),
        pltpu.VMEM((_L * _SLICE,), jnp.float32),
        pltpu.VMEM((2 * _SLICE,), jnp.float32),
        pltpu.VMEM((4 * _SLICE,), jnp.float32),
        pltpu.SemaphoreType.DMA,
        pltpu.SemaphoreType.DMA,
    ],
)(_sc_body)


def kernel(flows, images):
    cum = jnp.cumsum(flows.astype(jnp.float32), axis=1)
    ww = (jnp.arange(_W, dtype=jnp.float32) + 0.5) * (2.0 / _W)
    hh = (jnp.arange(_H, dtype=jnp.float32) + 0.5) * (2.0 / _H)
    base1 = jnp.stack([
        jnp.broadcast_to(ww[None, :], (_H, _W)),
        jnp.broadcast_to(hh[:, None], (_H, _W)),
    ])
    coff = 2.0 * (jnp.ceil(jnp.max(jnp.abs(cum))) + 1.0)
    ct1 = cum.reshape(_B, _L, 2, _H, _W) + (base1[None, None] + coff)

    pad = jnp.pad(images, ((0, 0), (0, 0), (0, 0), (1, 1), (1, 1)))
    b0 = lax.bitcast_convert_type(
        pad[:, :, 0].astype(jnp.bfloat16), jnp.uint16).astype(jnp.uint32)
    b1 = lax.bitcast_convert_type(
        pad[:, :, 1].astype(jnp.bfloat16), jnp.uint16).astype(jnp.uint32)
    p01 = lax.bitcast_convert_type(b0 | (b1 << 16), jnp.int32)
    p01 = jnp.pad(p01.reshape(_B * _L, _PP), ((0, 0), (0, 4))).reshape(-1)
    p2 = lax.bitcast_convert_type(pad[:, :, 2], jnp.int32)
    p2 = jnp.pad(p2.reshape(_B * _L, _PP), ((0, 0), (0, 4))).reshape(-1)

    out = _warp_pscan(ct1.reshape(-1), cum.reshape(-1), images.reshape(-1),
                      p01, p2)
    return out.reshape(_B, _L, _C, _H, _W)

# --- scband reference (transcript-rebuilt; emitter-appended) ---
"""Pipeline reference for scband-grid-sample-pscan-65687229825295 (READ-ONLY COPY).

The authoritative reference and input builder live on the scoring server;
editing this copy changes nothing except your own understanding.
"""

import jax, jax.numpy as jnp
import numpy as np

B, L, C, H, W = 2, 8, 3, 256, 256


def setup_inputs(seed: int = 0) -> dict:
    key = jax.random.key(seed)
    k1, k2 = jax.random.split(key)
    flows = jax.random.normal(k1, (B, L, 2, H, W), dtype=jnp.float32)
    images = jax.random.normal(k2, (B, L, C, H, W), dtype=jnp.float32)
    return {"flows": flows, "images": images}


def _bilinear_sample(img, rel, base_x, base_y, Hc, Wc):
    # img: [C, H, W], rel: [2, H, W] relative flow (flow_t - flow_k)
    gx = base_x + rel[0]
    gy = base_y + rel[1]
    # wrap into [-1, 1) exactly as the triton kernel does
    gx = jnp.mod(gx + 1.0, 2.0) - 1.0
    gx = jnp.where(gx < -1.0, gx + 2.0, gx)
    gy = jnp.mod(gy + 1.0, 2.0) - 1.0
    gy = jnp.where(gy < -1.0, gy + 2.0, gy)
    rx = (gx + 1.0) * 0.5 * Wc - 0.5
    ry = (gy + 1.0) * 0.5 * Hc - 0.5
    x0 = jnp.floor(rx).astype(jnp.int32)
    y0 = jnp.floor(ry).astype(jnp.int32)
    x1 = x0 + 1
    y1 = y0 + 1
    wa = (x1.astype(rx.dtype) - rx) * (y1.astype(ry.dtype) - ry)
    wb = (x1.astype(rx.dtype) - rx) * (ry - y0.astype(ry.dtype))
    wc = (rx - x0.astype(rx.dtype)) * (y1.astype(ry.dtype) - ry)
    wd = (rx - x0.astype(rx.dtype)) * (ry - y0.astype(ry.dtype))

    def load(yy, xx):
        m = (xx >= 0) & (xx < Wc) & (yy >= 0) & (yy < Hc)
        yc = jnp.clip(yy, 0, Hc - 1)
        xc = jnp.clip(xx, 0, Wc - 1)
        v = img[:, yc, xc]  # gather -> [C, H, W]
        return jnp.where(m[None, :, :], v, 0.0)

    return (wa[None] * load(y0, x0) + wb[None] * load(y1, x0)
            + wc[None] * load(y0, x1) + wd[None] * load(y1, x1))


def reference(flows, images):
    Bc, Lc, Cc, Hc, Wc = images.shape
    cum = jnp.cumsum(flows.astype(jnp.float32), axis=1).astype(flows.dtype)
    ww = (jnp.arange(Wc, dtype=jnp.float32) + 0.5) * (2.0 / Wc) - 1.0
    hh = (jnp.arange(Hc, dtype=jnp.float32) + 0.5) * (2.0 / Hc) - 1.0
    base_x = jnp.broadcast_to(ww[None, :], (Hc, Wc))
    base_y = jnp.broadcast_to(hh[:, None], (Hc, Wc))
    sample_k = jax.vmap(lambda img, rel: _bilinear_sample(img, rel, base_x, base_y, Hc, Wc))
    sample_bk = jax.vmap(sample_k)
    frame_idx = jnp.arange(Lc)

    def step(carry, t):
        rel = cum[:, t][:, None] - cum                   # [B, L, 2, H, W]
        warped = sample_bk(images, rel)                  # [B, L, C, H, W]
        mask = (frame_idx <= t)[None, :, None, None, None]
        out_t = jnp.sum(jnp.where(mask, warped, 0.0), axis=1)  # prefix-scan accumulation
        return carry, out_t

    _, outs = jax.lax.scan(step, None, frame_idx)        # [L, B, C, H, W]
    return jnp.moveaxis(outs, 0, 1)                      # [B, L, C, H, W]

if __name__ == "__main__":
    import jax
    _d = setup_inputs()
    print(jax.jit(kernel)(*tuple(_d.values())))

</pallas_src>

<mosaic_0001>
#map = affine_map<(d0, d1) -> (0)>
module attributes {stable_mosaic.version = 14 : i64} {
  func.func @_sc_body(%arg0: i32, %arg1: i32, %arg2: memref<2097152xf32, #tpu.memory_space<hbm>>, %arg3: memref<2097152xf32, #tpu.memory_space<hbm>>, %arg4: memref<3145728xf32, #tpu.memory_space<hbm>>, %arg5: memref<1065088xi32, #tpu.memory_space<hbm>>, %arg6: memref<1065088xi32, #tpu.memory_space<hbm>>, %arg7: memref<3145728xf32, #tpu.memory_space<hbm>>, %arg8: memref<66564xi32, #tpu.memory_space<vmem>>, %arg9: memref<32768xf32, #tpu.memory_space<vmem>>, %arg10: memref<8192xf32, #tpu.memory_space<vmem>>, %arg11: memref<16384xf32, #tpu.memory_space<vmem>>, %arg12: memref<!tpu.dma_semaphore, #tpu.memory_space<semaphore_mem>>, %arg13: memref<!tpu.dma_semaphore, #tpu.memory_space<semaphore_mem>>) attributes {dimension_semantics = [#tpu.dimension_semantics<core_parallel>, #tpu.dimension_semantics<subcore_parallel>], iteration_bounds = array<i64: 2, 16>, scalar_prefetch = 0 : i64, scratch_operands = 6 : i64, tpu.core_type = #tpu.core_type<sc_vector_subcore>, window_params = [{transform_indices = #map}, {transform_indices = #map}, {transform_indices = #map}, {transform_indices = #map}, {transform_indices = #map}, {transform_indices = #map}]} {
    %mul3A = arith.constant 4096 : i32
    %mul3A_0 = arith.muli %arg1, %mul3A : i32
    %add3A = arith.constant 0 : i32
    %add3A_1 = arith.addi %mul3A_0, %add3A : i32
    %scan3A = arith.constant 0 : i32
    %scan3A_2 = arith.constant 0 : i32
    %scan3A_3 = arith.constant 8 : i32
    %scan3A_4 = arith.addi %scan3A_2, %scan3A_3 : i32
    %scan3A_5 = arith.constant 1 : i32
    %scan3A_6 = scf.for %scan3A_942 = %scan3A_2 to %scan3A_4 step %scan3A_5 iter_args(%scan3A_943 = %scan3A) -> (i32)  : i32 {
      %sub3A = arith.constant 7 : i32
      %sub3A_944 = arith.subi %sub3A, %scan3A_942 : i32
      %mul3A_945 = arith.constant 8 : i32
      %mul3A_946 = arith.muli %arg0, %mul3A_945 : i32
      %add3A_947 = arith.addi %mul3A_946, %sub3A_944 : i32
      %mul3A_948 = arith.constant 66568 : i32
      %mul3A_949 = arith.muli %add3A_947, %mul3A_948 : i32
      %dma_start3A_950 = tpu.memref_slice %arg5[%mul3A_949] : memref<1065088xi32, #tpu.memory_space<hbm>> -> memref<66564xi32, #tpu.memory_space<hbm>>
      %dma_start3A_951 = tpu.memref_slice %arg5[%mul3A_949] : memref<1065088xi32, #tpu.memory_space<hbm>> -> memref<66564xi32, #tpu.memory_space<hbm>>
      tpu.enqueue_dma source(%dma_start3A_951 : memref<66564xi32, #tpu.memory_space<hbm>>) target(%arg8 : memref<66564xi32, #tpu.memory_space<vmem>>) target_semaphore(%arg12 : memref<!tpu.dma_semaphore, #tpu.memory_space<semaphore_mem>>)
      %mul3A_952 = arith.constant 8 : i32
      %mul3A_953 = arith.muli %arg0, %mul3A_952 : i32
      %add3A_954 = arith.addi %mul3A_953, %sub3A_944 : i32
      %mul3A_955 = arith.constant 2 : i32
      %mul3A_956 = arith.muli %add3A_954, %mul3A_955 : i32
      %mul3A_957 = arith.constant 65536 : i32
      %mul3A_958 = arith.muli %mul3A_956, %mul3A_957 : i32
      %add3A_959 = arith.addi %mul3A_958, %add3A_1 : i32
      "tpu.region"() ({
        %run_scoped3A = tpu.sem_alloc : memref<!tpu.dma_semaphore, #tpu.memory_space<semaphore_mem>>
        %dma_start3A_1008 = arith.constant 0 : i32
        %dma_start3A_1009 = tpu.memref_slice %arg10[%dma_start3A_1008] : memref<8192xf32, #tpu.memory_space<vmem>> -> memref<2048xf32, #tpu.memory_space<vmem>>
        %dma_start3A_1010 = tpu.memref_slice %arg3[%add3A_959] : memref<2097152xf32, #tpu.memory_space<hbm>> -> memref<2048xf32, #tpu.memory_space<hbm>>
        %dma_start3A_1011 = arith.constant 0 : i32
        %dma_start3A_1012 = tpu.memref_slice %arg10[%dma_start3A_1011] : memref<8192xf32, #tpu.memory_space<vmem>> -> memref<2048xf32, #tpu.memory_space<vmem>>
        %dma_start3A_1013 = tpu.memref_slice %arg3[%add3A_959] : memref<2097152xf32, #tpu.memory_space<hbm>> -> memref<2048xf32, #tpu.memory_space<hbm>>
        tpu.enqueue_dma source(%dma_start3A_1013 : memref<2048xf32, #tpu.memory_space<hbm>>) target(%dma_start3A_1012 : memref<2048xf32, #tpu.memory_space<vmem>>) target_semaphore(%run_scoped3A : memref<!tpu.dma_semaphore, #tpu.memory_space<semaphore_mem>>)
        %dma_wait3A_1014 = arith.constant 0 : i32
        %dma_wait3A_1015 = tpu.memref_slice %arg10[%dma_wait3A_1014] : memref<8192xf32, #tpu.memory_space<vmem>> -> memref<2048xf32, #tpu.memory_space<vmem>>
        %dma_wait3A_1016 = tpu.memref_slice %arg3[%add3A_959] : memref<2097152xf32, #tpu.memory_space<hbm>> -> memref<2048xf32, #tpu.memory_space<hbm>>
        %dma_wait3A_1017 = arith.constant 0 : i32
        %dma_wait3A_1018 = tpu.memref_slice %arg10[%dma_wait3A_1017] : memref<8192xf32, #tpu.memory_space<vmem>> -> memref<2048xf32, #tpu.memory_space<vmem>>
        %dma_wait3A_1019 = tpu.memref_slice %arg3[%add3A_959] : memref<2097152xf32, #tpu.memory_space<hbm>> -> memref<2048xf32, #tpu.memory_space<hbm>>
        tpu.wait_dma2 semaphore(%run_scoped3A : memref<!tpu.dma_semaphore, #tpu.memory_space<semaphore_mem>>) src(%dma_wait3A_1019 : memref<2048xf32, #tpu.memory_space<hbm>>) dst(%dma_wait3A_1018 : memref<2048xf32, #tpu.memory_space<vmem>>)
        tpu.yield
      }) : () -> ()
      %add3A_960 = arith.constant 65536 : i32
      %add3A_961 = arith.addi %add3A_959, %add3A_960 : i32
      "tpu.region"() ({
        %run_scoped3A = tpu.sem_alloc : memref<!tpu.dma_semaphore, #tpu.memory_space<semaphore_mem>>
        %dma_start3A_1008 = arith.constant 2048 : i32
        %dma_start3A_1009 = tpu.memref_slice %arg10[%dma_start3A_1008] : memref<8192xf32, #tpu.memory_space<vmem>> -> memref<2048xf32, #tpu.memory_space<vmem>>
        %dma_start3A_1010 = tpu.memref_slice %arg3[%add3A_961] : memref<2097152xf32, #tpu.memory_space<hbm>> -> memref<2048xf32, #tpu.memory_space<hbm>>
        %dma_start3A_1011 = arith.constant 2048 : i32
        %dma_start3A_1012 = tpu.memref_slice %arg10[%dma_start3A_1011] : memref<8192xf32, #tpu.memory_space<vmem>> -> memref<2048xf32, #tpu.memory_space<vmem>>
        %dma_start3A_1013 = tpu.memref_slice %arg3[%add3A_961] : memref<2097152xf32, #tpu.memory_space<hbm>> -> memref<2048xf32, #tpu.memory_space<hbm>>
        tpu.enqueue_dma source(%dma_start3A_1013 : memref<2048xf32, #tpu.memory_space<hbm>>) target(%dma_start3A_1012 : memref<2048xf32, #tpu.memory_space<vmem>>) target_semaphore(%run_scoped3A : memref<!tpu.dma_semaphore, #tpu.memory_space<semaphore_mem>>)
        %dma_wait3A_1014 = arith.constant 2048 : i32
        %dma_wait3A_1015 = tpu.memref_slice %arg10[%dma_wait3A_1014] : memref<8192xf32, #tpu.memory_space<vmem>> -> memref<2048xf32, #tpu.memory_space<vmem>>
        %dma_wait3A_1016 = tpu.memref_slice %arg3[%add3A_961] : memref<2097152xf32, #tpu.memory_space<hbm>> -> memref<2048xf32, #tpu.memory_space<hbm>>
        %dma_wait3A_1017 = arith.constant 2048 : i32
        %dma_wait3A_1018 = tpu.memref_slice %arg10[%dma_wait3A_1017] : memref<8192xf32, #tpu.memory_space<vmem>> -> memref<2048xf32, #tpu.memory_space<vmem>>
        %dma_wait3A_1019 = tpu.memref_slice %arg3[%add3A_961] : memref<2097152xf32, #tpu.memory_space<hbm>> -> memref<2048xf32, #tpu.memory_space<hbm>>
        tpu.wait_dma2 semaphore(%run_scoped3A : memref<!tpu.dma_semaphore, #tpu.memory_space<semaphore_mem>>) src(%dma_wait3A_1019 : memref<2048xf32, #tpu.memory_space<hbm>>) dst(%dma_wait3A_1018 : memref<2048xf32, #tpu.memory_space<vmem>>)
        tpu.yield
      }) : () -> ()
      %mul3A_962 = arith.constant 8 : i32
      %mul3A_963 = arith.muli %arg0, %mul3A_962 : i32
      %add3A_964 = arith.addi %mul3A_963, %sub3A_944 : i32
      %mul3A_965 = arith.constant 3 : i32
      %mul3A_966 = arith.muli %add3A_964, %mul3A_965 : i32
      %add3A_967 = arith.constant 0 : i32
      %add3A_968 = arith.addi %mul3A_966, %add3A_967 : i32
      %mul3A_969 = arith.constant 65536 : i32
      %mul3A_970 = arith.muli %add3A_968, %mul3A_969 : i32
      %add3A_971 = arith.addi %mul3A_970, %add3A_1 : i32
      %add3A_972 = arith.constant 0 : i32
      %add3A_973 = arith.addi %add3A_972, %sub3A_944 : i32
      %mul3A_974 = arith.constant 2048 : i32
      %mul3A_975 = arith.muli %add3A_973, %mul3A_974 : i32
      "tpu.region"() ({
        %run_scoped3A = tpu.sem_alloc : memref<!tpu.dma_semaphore, #tpu.memory_space<semaphore_mem>>
        %dma_start3A_1008 = tpu.memref_slice %arg9[%mul3A_975] : memref<32768xf32, #tpu.memory_space<vmem>> -> memref<2048xf32, #tpu.memory_space<vmem>>
        %dma_start3A_1009 = tpu.memref_slice %arg4[%add3A_971] : memref<3145728xf32, #tpu.memory_space<hbm>> -> memref<2048xf32, #tpu.memory_space<hbm>>
        %dma_start3A_1010 = tpu.memref_slice %arg9[%mul3A_975] : memref<32768xf32, #tpu.memory_space<vmem>> -> memref<2048xf32, #tpu.memory_space<vmem>>
        %dma_start3A_1011 = tpu.memref_slice %arg4[%add3A_971] : memref<3145728xf32, #tpu.memory_space<hbm>> -> memref<2048xf32, #tpu.memory_space<hbm>>
        tpu.enqueue_dma source(%dma_start3A_1011 : memref<2048xf32, #tpu.memory_space<hbm>>) target(%dma_start3A_1010 : memref<2048xf32, #tpu.memory_space<vmem>>) target_semaphore(%run_scoped3A : memref<!tpu.dma_semaphore, #tpu.memory_space<semaphore_mem>>)
        %dma_wait3A_1012 = tpu.memref_slice %arg9[%mul3A_975] : memref<32768xf32, #tpu.memory_space<vmem>> -> memref<2048xf32, #tpu.memory_space<vmem>>
        %dma_wait3A_1013 = tpu.memref_slice %arg4[%add3A_971] : memref<3145728xf32, #tpu.memory_space<hbm>> -> memref<2048xf32, #tpu.memory_space<hbm>>
        %dma_wait3A_1014 = tpu.memref_slice %arg9[%mul3A_975] : memref<32768xf32, #tpu.memory_space<vmem>> -> memref<2048xf32, #tpu.memory_space<vmem>>
        %dma_wait3A_1015 = tpu.memref_slice %arg4[%add3A_971] : memref<3145728xf32, #tpu.memory_space<hbm>> -> memref<2048xf32, #tpu.memory_space<hbm>>
        tpu.wait_dma2 semaphore(%run_scoped3A : memref<!tpu.dma_semaphore, #tpu.memory_space<semaphore_mem>>) src(%dma_wait3A_1015 : memref<2048xf32, #tpu.memory_space<hbm>>) dst(%dma_wait3A_1014 : memref<2048xf32, #tpu.memory_space<vmem>>)
        tpu.yield
      }) : () -> ()
      %mul3A_976 = arith.constant 8 : i32
      %mul3A_977 = arith.muli %arg0, %mul3A_976 : i32
      %add3A_978 = arith.addi %mul3A_977, %sub3A_944 : i32
      %mul3A_979 = arith.constant 3 : i32
      %mul3A_980 = arith.muli %add3A_978, %mul3A_979 : i32
      %add3A_981 = arith.constant 1 : i32
      %add3A_982 = arith.addi %mul3A_980, %add3A_981 : i32
      %mul3A_983 = arith.constant 65536 : i32
      %mul3A_984 = arith.muli %add3A_982, %mul3A_983 : i32
      %add3A_985 = arith.addi %mul3A_984, %add3A_1 : i32
      %add3A_986 = arith.constant 8 : i32
      %add3A_987 = arith.addi %add3A_986, %sub3A_944 : i32
      %mul3A_988 = arith.constant 2048 : i32
      %mul3A_989 = arith.muli %add3A_987, %mul3A_988 : i32
      "tpu.region"() ({
        %run_scoped3A = tpu.sem_alloc : memref<!tpu.dma_semaphore, #tpu.memory_space<semaphore_mem>>
        %dma_start3A_1008 = tpu.memref_slice %arg9[%mul3A_989] : memref<32768xf32, #tpu.memory_space<vmem>> -> memref<2048xf32, #tpu.memory_space<vmem>>
        %dma_start3A_1009 = tpu.memref_slice %arg4[%add3A_985] : memref<3145728xf32, #tpu.memory_space<hbm>> -> memref<2048xf32, #tpu.memory_space<hbm>>
        %dma_start3A_1010 = tpu.memref_slice %arg9[%mul3A_989] : memref<32768xf32, #tpu.memory_space<vmem>> -> memref<2048xf32, #tpu.memory_space<vmem>>
        %dma_start3A_1011 = tpu.memref_slice %arg4[%add3A_985] : memref<3145728xf32, #tpu.memory_space<hbm>> -> memref<2048xf32, #tpu.memory_space<hbm>>
        tpu.enqueue_dma source(%dma_start3A_1011 : memref<2048xf32, #tpu.memory_space<hbm>>) target(%dma_start3A_1010 : memref<2048xf32, #tpu.memory_space<vmem>>) target_semaphore(%run_scoped3A : memref<!tpu.dma_semaphore, #tpu.memory_space<semaphore_mem>>)
        %dma_wait3A_1012 = tpu.memref_slice %arg9[%mul3A_989] : memref<32768xf32, #tpu.memory_space<vmem>> -> memref<2048xf32, #tpu.memory_space<vmem>>
        %dma_wait3A_1013 = tpu.memref_slice %arg4[%add3A_985] : memref<3145728xf32, #tpu.memory_space<hbm>> -> memref<2048xf32, #tpu.memory_space<hbm>>
        %dma_wait3A_1014 = tpu.memref_slice %arg9[%mul3A_989] : memref<32768xf32, #tpu.memory_space<vmem>> -> memref<2048xf32, #tpu.memory_space<vmem>>
        %dma_wait3A_1015 = tpu.memref_slice %arg4[%add3A_985] : memref<3145728xf32, #tpu.memory_space<hbm>> -> memref<2048xf32, #tpu.memory_space<hbm>>
        tpu.wait_dma2 semaphore(%run_scoped3A : memref<!tpu.dma_semaphore, #tpu.memory_space<semaphore_mem>>) src(%dma_wait3A_1015 : memref<2048xf32, #tpu.memory_space<hbm>>) dst(%dma_wait3A_1014 : memref<2048xf32, #tpu.memory_space<vmem>>)
        tpu.yield
      }) : () -> ()
      %lt3A = arith.constant 7 : i32
      %lt3A_990 = arith.cmpi slt, %sub3A_944, %lt3A : i32
      %convert_element_type3A = arith.extui %lt3A_990 : i1 to i32
      %cond3A = arith.constant 0 : i32
      %cond3A_991 = arith.cmpi ne, %convert_element_type3A, %cond3A : i32
      scf.if %cond3A_991 {
        %add3A_1008 = arith.constant 1 : i32
        %add3A_1009 = arith.addi %sub3A_944, %add3A_1008 : i32
        %mul3A_1010 = arith.constant 8 : i32
        %mul3A_1011 = arith.muli %arg0, %mul3A_1010 : i32
        %add3A_1012 = arith.addi %mul3A_1011, %add3A_1009 : i32
        %mul3A_1013 = arith.constant 2 : i32
        %mul3A_1014 = arith.muli %add3A_1012, %mul3A_1013 : i32
        %mul3A_1015 = arith.constant 65536 : i32
        %mul3A_1016 = arith.muli %mul3A_1014, %mul3A_1015 : i32
        %add3A_1017 = arith.addi %mul3A_1016, %add3A_1 : i32
        %dma_start3A_1018 = arith.constant 0 : i32
        %dma_start3A_1019 = tpu.memref_slice %arg11[%dma_start3A_1018] : memref<16384xf32, #tpu.memory_space<vmem>> -> memref<2048xf32, #tpu.memory_space<vmem>>
        %dma_start3A_1020 = tpu.memref_slice %arg2[%add3A_1017] : memref<2097152xf32, #tpu.memory_space<hbm>> -> memref<2048xf32, #tpu.memory_space<hbm>>
        %dma_start3A_1021 = arith.constant 0 : i32
        %dma_start3A_1022 = tpu.memref_slice %arg11[%dma_start3A_1021] : memref<16384xf32, #tpu.memory_space<vmem>> -> memref<2048xf32, #tpu.memory_space<vmem>>
        %dma_start3A_1023 = tpu.memref_slice %arg2[%add3A_1017] : memref<2097152xf32, #tpu.memory_space<hbm>> -> memref<2048xf32, #tpu.memory_space<hbm>>
        tpu.enqueue_dma source(%dma_start3A_1023 : memref<2048xf32, #tpu.memory_space<hbm>>) target(%dma_start3A_1022 : memref<2048xf32, #tpu.memory_space<vmem>>) target_semaphore(%arg13 : memref<!tpu.dma_semaphore, #tpu.memory_space<semaphore_mem>>)
        %add3A_1024 = arith.constant 65536 : i32
        %add3A_1025 = arith.addi %add3A_1017, %add3A_1024 : i32
        %dma_start3A_1026 = arith.constant 2048 : i32
        %dma_start3A_1027 = tpu.memref_slice %arg11[%dma_start3A_1026] : memref<16384xf32, #tpu.memory_space<vmem>> -> memref<2048xf32, #tpu.memory_space<vmem>>
        %dma_start3A_1028 = tpu.memref_slice %arg2[%add3A_1025] : memref<2097152xf32, #tpu.memory_space<hbm>> -> memref<2048xf32, #tpu.memory_space<hbm>>
        %dma_start3A_1029 = arith.constant 2048 : i32
        %dma_start3A_1030 = tpu.memref_slice %arg11[%dma_start3A_1029] : memref<16384xf32, #tpu.memory_space<vmem>> -> memref<2048xf32, #tpu.memory_space<vmem>>
        %dma_start3A_1031 = tpu.memref_slice %arg2[%add3A_1025] : memref<2097152xf32, #tpu.memory_space<hbm>> -> memref<2048xf32, #tpu.memory_space<hbm>>
        tpu.enqueue_dma source(%dma_start3A_1031 : memref<2048xf32, #tpu.memory_space<hbm>>) target(%dma_start3A_1030 : memref<2048xf32, #tpu.memory_space<vmem>>) target_semaphore(%arg13 : memref<!tpu.dma_semaphore, #tpu.memory_space<semaphore_mem>>)
      } else {
      }
      %dma_wait3A_992 = tpu.memref_slice %arg5[%mul3A_949] : memref<1065088xi32, #tpu.memory_space<hbm>> -> memref<66564xi32, #tpu.memory_space<hbm>>
      %dma_wait3A_993 = tpu.memref_slice %arg5[%mul3A_949] : memref<1065088xi32, #tpu.memory_space<hbm>> -> memref<66564xi32, #tpu.memory_space<hbm>>
      tpu.wait_dma2 semaphore(%arg12 : memref<!tpu.dma_semaphore, #tpu.memory_space<semaphore_mem>>) src(%dma_wait3A_993 : memref<66564xi32, #tpu.memory_space<hbm>>) dst(%arg8 : memref<66564xi32, #tpu.memory_space<vmem>>)
      %add3A_994 = arith.constant 1 : i32
      %add3A_995 = arith.addi %sub3A_944, %add3A_994 : i32
      %while3A = arith.constant 8 : i32
      %while3A_996 = arith.constant 0 : i32
      %while3A_997 = arith.subi %while3A, %add3A_995 : i32
      %while3A_998 = arith.addi %add3A_995, %while3A_997 : i32
      %while3A_999 = arith.constant 1 : i32
      %while3A_1000 = arith.divsi %while3A_997, %while3A_999 : i32
      %while3A_1001 = arith.muli %while3A_1000, %while3A_999 : i32
      %while3A_1002 = arith.addi %add3A_995, %while3A_1001 : i32
      %while3A_1003 = arith.constant 1 : i32
      %while3A_1004 = scf.for %while3A_1008 = %add3A_995 to %while3A_1002 step %while3A_1003 iter_args(%while3A_1009 = %while3A_996) -> (i32)  : i32 {
        %sub3A_1010 = arith.subi %while3A_1008, %sub3A_944 : i32
        %sub3A_1011 = arith.constant 1 : i32
        %sub3A_1012 = arith.subi %sub3A_1010, %sub3A_1011 : i32
        %and3A = arith.constant 1 : i32
        %and3A_1013 = arith.andi %sub3A_1012, %and3A : i32
        %mul3A_1014 = arith.constant 4096 : i32
        %mul3A_1015 = arith.muli %and3A_1013, %mul3A_1014 : i32
        %mul3A_1016 = arith.constant 8 : i32
        %mul3A_1017 = arith.muli %arg0, %mul3A_1016 : i32
        %add3A_1018 = arith.addi %mul3A_1017, %while3A_1008 : i32
        %mul3A_1019 = arith.constant 2 : i32
        %mul3A_1020 = arith.muli %add3A_1018, %mul3A_1019 : i32
        %mul3A_1021 = arith.constant 65536 : i32
        %mul3A_1022 = arith.muli %mul3A_1020, %mul3A_1021 : i32
        %add3A_1023 = arith.addi %mul3A_1022, %add3A_1 : i32
        %dma_wait3A_1024 = tpu.memref_slice %arg11[%mul3A_1015] : memref<16384xf32, #tpu.memory_space<vmem>> -> memref<2048xf32, #tpu.memory_space<vmem>>
        %dma_wait3A_1025 = tpu.memref_slice %arg2[%add3A_1023] : memref<2097152xf32, #tpu.memory_space<hbm>> -> memref<2048xf32, #tpu.memory_space<hbm>>
        %dma_wait3A_1026 = tpu.memref_slice %arg11[%mul3A_1015] : memref<16384xf32, #tpu.memory_space<vmem>> -> memref<2048xf32, #tpu.memory_space<vmem>>
        %dma_wait3A_1027 = tpu.memref_slice %arg2[%add3A_1023] : memref<2097152xf32, #tpu.memory_space<hbm>> -> memref<2048xf32, #tpu.memory_space<hbm>>
        tpu.wait_dma2 semaphore(%arg13 : memref<!tpu.dma_semaphore, #tpu.memory_space<semaphore_mem>>) src(%dma_wait3A_1027 : memref<2048xf32, #tpu.memory_space<hbm>>) dst(%dma_wait3A_1026 : memref<2048xf32, #tpu.memory_space<vmem>>)
        %add3A_1028 = arith.constant 65536 : i32
        %add3A_1029 = arith.addi %add3A_1023, %add3A_1028 : i32
        %add3A_1030 = arith.constant 2048 : i32
        %add3A_1031 = arith.addi %mul3A_1015, %add3A_1030 : i32
        %dma_wait3A_1032 = tpu.memref_slice %arg11[%add3A_1031] : memref<16384xf32, #tpu.memory_space<vmem>> -> memref<2048xf32, #tpu.memory_space<vmem>>
        %dma_wait3A_1033 = tpu.memref_slice %arg2[%add3A_1029] : memref<2097152xf32, #tpu.memory_space<hbm>> -> memref<2048xf32, #tpu.memory_space<hbm>>
        %dma_wait3A_1034 = tpu.memref_slice %arg11[%add3A_1031] : memref<16384xf32, #tpu.memory_space<vmem>> -> memref<2048xf32, #tpu.memory_space<vmem>>
        %dma_wait3A_1035 = tpu.memref_slice %arg2[%add3A_1029] : memref<2097152xf32, #tpu.memory_space<hbm>> -> memref<2048xf32, #tpu.memory_space<hbm>>
        tpu.wait_dma2 semaphore(%arg13 : memref<!tpu.dma_semaphore, #tpu.memory_space<semaphore_mem>>) src(%dma_wait3A_1035 : memref<2048xf32, #tpu.memory_space<hbm>>) dst(%dma_wait3A_1034 : memref<2048xf32, #tpu.memory_space<vmem>>)
        %add3A_1036 = arith.constant 1 : i32
        %add3A_1037 = arith.addi %while3A_1008, %add3A_1036 : i32
        %lt3A_1038 = arith.constant 8 : i32
        %lt3A_1039 = arith.cmpi slt, %add3A_1037, %lt3A_1038 : i32
        %convert_element_type3A_1040 = arith.extui %lt3A_1039 : i1 to i32
        %cond3A_1041 = arith.constant 0 : i32
        %cond3A_1042 = arith.cmpi ne, %convert_element_type3A_1040, %cond3A_1041 : i32
        scf.if %cond3A_1042 {
          %add3A_1046 = arith.constant 1 : i32
          %add3A_1047 = arith.addi %while3A_1008, %add3A_1046 : i32
          %sub3A_1048 = arith.constant 4096 : i32
          %sub3A_1049 = arith.subi %sub3A_1048, %mul3A_1015 : i32
          %mul3A_1050 = arith.constant 8 : i32
          %mul3A_1051 = arith.muli %arg0, %mul3A_1050 : i32
          %add3A_1052 = arith.addi %mul3A_1051, %add3A_1047 : i32
          %mul3A_1053 = arith.constant 2 : i32
          %mul3A_1054 = arith.muli %add3A_1052, %mul3A_1053 : i32
          %mul3A_1055 = arith.constant 65536 : i32
          %mul3A_1056 = arith.muli %mul3A_1054, %mul3A_1055 : i32
          %add3A_1057 = arith.addi %mul3A_1056, %add3A_1 : i32
          %dma_start3A_1058 = tpu.memref_slice %arg11[%sub3A_1049] : memref<16384xf32, #tpu.memory_space<vmem>> -> memref<2048xf32, #tpu.memory_space<vmem>>
          %dma_start3A_1059 = tpu.memref_slice %arg2[%add3A_1057] : memref<2097152xf32, #tpu.memory_space<hbm>> -> memref<2048xf32, #tpu.memory_space<hbm>>
          %dma_start3A_1060 = tpu.memref_slice %arg11[%sub3A_1049] : memref<16384xf32, #tpu.memory_space<vmem>> -> memref<2048xf32, #tpu.memory_space<vmem>>
          %dma_start3A_1061 = tpu.memref_slice %arg2[%add3A_1057] : memref<2097152xf32, #tpu.memory_space<hbm>> -> memref<2048xf32, #tpu.memory_space<hbm>>
          tpu.enqueue_dma source(%dma_start3A_1061 : memref<2048xf32, #tpu.memory_space<hbm>>) target(%dma_start3A_1060 : memref<2048xf32, #tpu.memory_space<vmem>>) target_semaphore(%arg13 : memref<!tpu.dma_semaphore, #tpu.memory_space<semaphore_mem>>)
          %add3A_1062 = arith.constant 65536 : i32
          %add3A_1063 = arith.addi %add3A_1057, %add3A_1062 : i32
          %add3A_1064 = arith.constant 2048 : i32
          %add3A_1065 = arith.addi %sub3A_1049, %add3A_1064 : i32
          %dma_start3A_1066 = tpu.memref_slice %arg11[%add3A_1065] : memref<16384xf32, #tpu.memory_space<vmem>> -> memref<2048xf32, #tpu.memory_space<vmem>>
          %dma_start3A_1067 = tpu.memref_slice %arg2[%add3A_1063] : memref<2097152xf32, #tpu.memory_space<hbm>> -> memref<2048xf32, #tpu.memory_space<hbm>>
          %dma_start3A_1068 = tpu.memref_slice %arg11[%add3A_1065] : memref<16384xf32, #tpu.memory_space<vmem>> -> memref<2048xf32, #tpu.memory_space<vmem>>
          %dma_start3A_1069 = tpu.memref_slice %arg2[%add3A_1063] : memref<2097152xf32, #tpu.memory_space<hbm>> -> memref<2048xf32, #tpu.memory_space<hbm>>
          tpu.enqueue_dma source(%dma_start3A_1069 : memref<2048xf32, #tpu.memory_space<hbm>>) target(%dma_start3A_1068 : memref<2048xf32, #tpu.memory_space<vmem>>) target_semaphore(%arg13 : memref<!tpu.dma_semaphore, #tpu.memory_space<semaphore_mem>>)
        } else {
        }
        %parallel_loop3A = arith.constant 0 : i32
        %parallel_loop3A_1043 = arith.constant 128 : i32
        %parallel_loop3A_1044 = arith.constant 1 : i32
        scf.for %parallel_loop3A_1046 = %parallel_loop3A to %parallel_loop3A_1043 step %parallel_loop3A_1044  : i32 {
          %parallel_loop3A_1047 = arith.constant 16 : i32
          %parallel_loop3A_1048 = arith.muli %parallel_loop3A_1046, %parallel_loop3A_1047 : i32
          %parallel_loop3A_1049 = arith.addi %mul3A_1015, %parallel_loop3A_1048 : i32
          %parallel_loop3A_1050 = arith.index_cast %parallel_loop3A_1049 : i32 to index
          %parallel_loop3A_1051 = tpu.vector_load %arg11[%parallel_loop3A_1050] {strides = array<i32>} : memref<16384xf32, #tpu.memory_space<vmem>>, vector<16xf32>,
          %parallel_loop3A_1052 = arith.index_cast %parallel_loop3A_1048 : i32 to index
          %parallel_loop3A_1053 = tpu.vector_load %arg10[%parallel_loop3A_1052] {strides = array<i32>} : memref<8192xf32, #tpu.memory_space<vmem>>, vector<16xf32>,
          %parallel_loop3A_1054 = arith.subf %parallel_loop3A_1051, %parallel_loop3A_1053 : vector<16xf32>
          %parallel_loop3A_1055 = arith.constant 2048 : i32
          %parallel_loop3A_1056 = arith.addi %mul3A_1015, %parallel_loop3A_1055 : i32
          %parallel_loop3A_1057 = arith.addi %parallel_loop3A_1056, %parallel_loop3A_1048 : i32
          %parallel_loop3A_1058 = arith.index_cast %parallel_loop3A_1057 : i32 to index
          %parallel_loop3A_1059 = tpu.vector_load %arg11[%parallel_loop3A_1058] {strides = array<i32>} : memref<16384xf32, #tpu.memory_space<vmem>>, vector<16xf32>,
          %parallel_loop3A_1060 = arith.constant 2048 : i32
          %parallel_loop3A_1061 = arith.addi %parallel_loop3A_1060, %parallel_loop3A_1048 : i32
          %parallel_loop3A_1062 = arith.index_cast %parallel_loop3A_1061 : i32 to index
          %parallel_loop3A_1063 = tpu.vector_load %arg10[%parallel_loop3A_1062] {strides = array<i32>} : memref<8192xf32, #tpu.memory_space<vmem>>, vector<16xf32>,
          %parallel_loop3A_1064 = arith.subf %parallel_loop3A_1059, %parallel_loop3A_1063 : vector<16xf32>
          %parallel_loop3A_1065 = arith.constant 5.000000e-01 : f32
          %parallel_loop3A_1066 = vector.broadcast %parallel_loop3A_1065 : f32 to vector<16xf32>
          %parallel_loop3A_1067 = arith.mulf %parallel_loop3A_1054, %parallel_loop3A_1066 : vector<16xf32>
          %parallel_loop3A_1068 = arith.fptosi %parallel_loop3A_1067 : vector<16xf32> to vector<16xi32>
          %parallel_loop3A_1069 = arith.sitofp %parallel_loop3A_1068 : vector<16xi32> to vector<16xf32>
          %parallel_loop3A_1070 = arith.addf %parallel_loop3A_1069, %parallel_loop3A_1069 : vector<16xf32>
          %parallel_loop3A_1071 = arith.subf %parallel_loop3A_1054, %parallel_loop3A_1070 : vector<16xf32>
          %parallel_loop3A_1072 = arith.constant 1.280000e+02 : f32
          %parallel_loop3A_1073 = vector.broadcast %parallel_loop3A_1072 : f32 to vector<16xf32>
          %parallel_loop3A_1074 = arith.mulf %parallel_loop3A_1071, %parallel_loop3A_1073 : vector<16xf32>
          %parallel_loop3A_1075 = arith.constant 5.000000e-01 : f32
          %parallel_loop3A_1076 = vector.broadcast %parallel_loop3A_1075 : f32 to vector<16xf32>
          %parallel_loop3A_1077 = arith.addf %parallel_loop3A_1074, %parallel_loop3A_1076 : vector<16xf32>
          %parallel_loop3A_1078 = arith.fptosi %parallel_loop3A_1077 : vector<16xf32> to vector<16xi32>
          %parallel_loop3A_1079 = arith.sitofp %parallel_loop3A_1078 : vector<16xi32> to vector<16xf32>
          %parallel_loop3A_1080 = arith.subf %parallel_loop3A_1077, %parallel_loop3A_1079 : vector<16xf32>
          %parallel_loop3A_1081 = arith.constant 5.000000e-01 : f32
          %parallel_loop3A_1082 = vector.broadcast %parallel_loop3A_1081 : f32 to vector<16xf32>
          %parallel_loop3A_1083 = arith.mulf %parallel_loop3A_1064, %parallel_loop3A_1082 : vector<16xf32>
          %parallel_loop3A_1084 = arith.fptosi %parallel_loop3A_1083 : vector<16xf32> to vector<16xi32>
          %parallel_loop3A_1085 = arith.sitofp %parallel_loop3A_1084 : vector<16xi32> to vector<16xf32>
          %parallel_loop3A_1086 = arith.addf %parallel_loop3A_1085, %parallel_loop3A_1085 : vector<16xf32>
          %parallel_loop3A_1087 = arith.subf %parallel_loop3A_1064, %parallel_loop3A_1086 : vector<16xf32>
          %parallel_loop3A_1088 = arith.constant 1.280000e+02 : f32
          %parallel_loop3A_1089 = vector.broadcast %parallel_loop3A_1088 : f32 to vector<16xf32>
          %parallel_loop3A_1090 = arith.mulf %parallel_loop3A_1087, %parallel_loop3A_1089 : vector<16xf32>
          %parallel_loop3A_1091 = arith.constant 5.000000e-01 : f32
          %parallel_loop3A_1092 = vector.broadcast %parallel_loop3A_1091 : f32 to vector<16xf32>
          %parallel_loop3A_1093 = arith.addf %parallel_loop3A_1090, %parallel_loop3A_1092 : vector<16xf32>
          %parallel_loop3A_1094 = arith.fptosi %parallel_loop3A_1093 : vector<16xf32> to vector<16xi32>
          %parallel_loop3A_1095 = arith.sitofp %parallel_loop3A_1094 : vector<16xi32> to vector<16xf32>
          %parallel_loop3A_1096 = arith.subf %parallel_loop3A_1093, %parallel_loop3A_1095 : vector<16xf32>
          %parallel_loop3A_1097 = arith.constant 1.000000e+00 : f32
          %parallel_loop3A_1098 = vector.broadcast %parallel_loop3A_1097 : f32 to vector<16xf32>
          %parallel_loop3A_1099 = arith.subf %parallel_loop3A_1098, %parallel_loop3A_1080 : vector<16xf32>
          %parallel_loop3A_1100 = arith.constant 1.000000e+00 : f32
          %parallel_loop3A_1101 = vector.broadcast %parallel_loop3A_1100 : f32 to vector<16xf32>
          %parallel_loop3A_1102 = arith.subf %parallel_loop3A_1101, %parallel_loop3A_1096 : vector<16xf32>
          %parallel_loop3A_1103 = arith.mulf %parallel_loop3A_1099, %parallel_loop3A_1102 : vector<16xf32>
          %parallel_loop3A_1104 = arith.mulf %parallel_loop3A_1099, %parallel_loop3A_1096 : vector<16xf32>
          %parallel_loop3A_1105 = arith.mulf %parallel_loop3A_1080, %parallel_loop3A_1102 : vector<16xf32>
          %parallel_loop3A_1106 = arith.mulf %parallel_loop3A_1080, %parallel_loop3A_1096 : vector<16xf32>
          %parallel_loop3A_1107 = arith.constant 258 : i32
          %parallel_loop3A_1108 = vector.broadcast %parallel_loop3A_1107 : i32 to vector<16xi32>
          %parallel_loop3A_1109 = arith.muli %parallel_loop3A_1094, %parallel_loop3A_1108 : vector<16xi32>
          %parallel_loop3A_1110 = arith.addi %parallel_loop3A_1109, %parallel_loop3A_1078 : vector<16xi32>
          %parallel_loop3A_1111 = arith.constant 258 : i32
          %parallel_loop3A_1112 = vector.broadcast %parallel_loop3A_1111 : i32 to vector<16xi32>
          %parallel_loop3A_1113 = arith.addi %parallel_loop3A_1110, %parallel_loop3A_1112 : vector<16xi32>
          %parallel_loop3A_1114 = arith.constant 1 : i32
          %parallel_loop3A_1115 = vector.broadcast %parallel_loop3A_1114 : i32 to vector<16xi32>
          %parallel_loop3A_1116 = arith.addi %parallel_loop3A_1110, %parallel_loop3A_1115 : vector<16xi32>
          %parallel_loop3A_1117 = arith.constant 1 : i32
          %parallel_loop3A_1118 = vector.broadcast %parallel_loop3A_1117 : i32 to vector<16xi32>
          %parallel_loop3A_1119 = arith.addi %parallel_loop3A_1113, %parallel_loop3A_1118 : vector<16xi32>
          %parallel_loop3A_1120 = tpu.vector_load_idx %arg8[%parallel_loop3A_1110] : memref<66564xi32, #tpu.memory_space<vmem>>[vector<16xi32>], vector<16xi32>,
          %parallel_loop3A_1121 = tpu.vector_load_idx %arg8[%parallel_loop3A_1113] : memref<66564xi32, #tpu.memory_space<vmem>>[vector<16xi32>], vector<16xi32>,
          %parallel_loop3A_1122 = tpu.vector_load_idx %arg8[%parallel_loop3A_1116] : memref<66564xi32, #tpu.memory_space<vmem>>[vector<16xi32>], vector<16xi32>,
          %parallel_loop3A_1123 = tpu.vector_load_idx %arg8[%parallel_loop3A_1119] : memref<66564xi32, #tpu.memory_space<vmem>>[vector<16xi32>], vector<16xi32>,
          %parallel_loop3A_1124 = arith.constant 16 : i32
          %parallel_loop3A_1125 = vector.broadcast %parallel_loop3A_1124 : i32 to vector<16xi32>
          %parallel_loop3A_1126 = arith.shli %parallel_loop3A_1120, %parallel_loop3A_1125 : vector<16xi32>
          %parallel_loop3A_1127 = tpu.bitcast %parallel_loop3A_1126 : vector<16xi32> -> vector<16xf32>
          %parallel_loop3A_1128 = arith.mulf %parallel_loop3A_1103, %parallel_loop3A_1127 : vector<16xf32>
          %parallel_loop3A_1129 = arith.constant 16 : i32
          %parallel_loop3A_1130 = vector.broadcast %parallel_loop3A_1129 : i32 to vector<16xi32>
          %parallel_loop3A_1131 = arith.shli %parallel_loop3A_1121, %parallel_loop3A_1130 : vector<16xi32>
          %parallel_loop3A_1132 = tpu.bitcast %parallel_loop3A_1131 : vector<16xi32> -> vector<16xf32>
          %parallel_loop3A_1133 = arith.mulf %parallel_loop3A_1104, %parallel_loop3A_1132 : vector<16xf32>
          %parallel_loop3A_1134 = arith.addf %parallel_loop3A_1128, %parallel_loop3A_1133 : vector<16xf32>
          %parallel_loop3A_1135 = arith.constant 16 : i32
          %parallel_loop3A_1136 = vector.broadcast %parallel_loop3A_1135 : i32 to vector<16xi32>
          %parallel_loop3A_1137 = arith.shli %parallel_loop3A_1122, %parallel_loop3A_1136 : vector<16xi32>
          %parallel_loop3A_1138 = tpu.bitcast %parallel_loop3A_1137 : vector<16xi32> -> vector<16xf32>
          %parallel_loop3A_1139 = arith.mulf %parallel_loop3A_1105, %parallel_loop3A_1138 : vector<16xf32>
          %parallel_loop3A_1140 = arith.addf %parallel_loop3A_1134, %parallel_loop3A_1139 : vector<16xf32>
          %parallel_loop3A_1141 = arith.constant 16 : i32
          %parallel_loop3A_1142 = vector.broadcast %parallel_loop3A_1141 : i32 to vector<16xi32>
          %parallel_loop3A_1143 = arith.shli %parallel_loop3A_1123, %parallel_loop3A_1142 : vector<16xi32>
          %parallel_loop3A_1144 = tpu.bitcast %parallel_loop3A_1143 : vector<16xi32> -> vector<16xf32>
          %parallel_loop3A_1145 = arith.mulf %parallel_loop3A_1106, %parallel_loop3A_1144 : vector<16xf32>
          %parallel_loop3A_1146 = arith.addf %parallel_loop3A_1140, %parallel_loop3A_1145 : vector<16xf32>
          %parallel_loop3A_1147 = tpu.bitcast %parallel_loop3A_1120 : vector<16xi32> -> vector<16xf32>
          %parallel_loop3A_1148 = arith.mulf %parallel_loop3A_1103, %parallel_loop3A_1147 : vector<16xf32>
          %parallel_loop3A_1149 = tpu.bitcast %parallel_loop3A_1121 : vector<16xi32> -> vector<16xf32>
          %parallel_loop3A_1150 = arith.mulf %parallel_loop3A_1104, %parallel_loop3A_1149 : vector<16xf32>
          %parallel_loop3A_1151 = arith.addf %parallel_loop3A_1148, %parallel_loop3A_1150 : vector<16xf32>
          %parallel_loop3A_1152 = tpu.bitcast %parallel_loop3A_1122 : vector<16xi32> -> vector<16xf32>
          %parallel_loop3A_1153 = arith.mulf %parallel_loop3A_1105, %parallel_loop3A_1152 : vector<16xf32>
          %parallel_loop3A_1154 = arith.addf %parallel_loop3A_1151, %parallel_loop3A_1153 : vector<16xf32>
          %parallel_loop3A_1155 = tpu.bitcast %parallel_loop3A_1123 : vector<16xi32> -> vector<16xf32>
          %parallel_loop3A_1156 = arith.mulf %parallel_loop3A_1106, %parallel_loop3A_1155 : vector<16xf32>
          %parallel_loop3A_1157 = arith.addf %parallel_loop3A_1154, %parallel_loop3A_1156 : vector<16xf32>
          %parallel_loop3A_1158 = arith.constant 2048 : i32
          %parallel_loop3A_1159 = arith.muli %while3A_1008, %parallel_loop3A_1158 : i32
          %parallel_loop3A_1160 = arith.addi %parallel_loop3A_1159, %parallel_loop3A_1048 : i32
          %parallel_loop3A_1161 = arith.constant 8 : i32
          %parallel_loop3A_1162 = arith.addi %parallel_loop3A_1161, %while3A_1008 : i32
          %parallel_loop3A_1163 = arith.constant 2048 : i32
          %parallel_loop3A_1164 = arith.muli %parallel_loop3A_1162, %parallel_loop3A_1163 : i32
          %parallel_loop3A_1165 = arith.addi %parallel_loop3A_1164, %parallel_loop3A_1048 : i32
          %parallel_loop3A_1166 = arith.index_cast %parallel_loop3A_1160 : i32 to index
          %parallel_loop3A_1167 = tpu.vector_load %arg9[%parallel_loop3A_1166] {strides = array<i32>} : memref<32768xf32, #tpu.memory_space<vmem>>, vector<16xf32>,
          %parallel_loop3A_1168 = arith.addf %parallel_loop3A_1167, %parallel_loop3A_1146 : vector<16xf32>
          %parallel_loop3A_1169 = arith.index_cast %parallel_loop3A_1160 : i32 to index
          %parallel_loop3A_1170 = tpu.vector_load %arg9[%parallel_loop3A_1169] {strides = array<i32>} : memref<32768xf32, #tpu.memory_space<vmem>>, vector<16xf32>,
          tpu.vector_store %arg9[%parallel_loop3A_1169], %parallel_loop3A_1168 {strides = array<i32>} : memref<32768xf32, #tpu.memory_space<vmem>>, vector<16xf32>,
          %parallel_loop3A_1171 = arith.index_cast %parallel_loop3A_1165 : i32 to index
          %parallel_loop3A_1172 = tpu.vector_load %arg9[%parallel_loop3A_1171] {strides = array<i32>} : memref<32768xf32, #tpu.memory_space<vmem>>, vector<16xf32>,
          %parallel_loop3A_1173 = arith.addf %parallel_loop3A_1172, %parallel_loop3A_1157 : vector<16xf32>
          %parallel_loop3A_1174 = arith.index_cast %parallel_loop3A_1165 : i32 to index
          %parallel_loop3A_1175 = tpu.vector_load %arg9[%parallel_loop3A_1174] {strides = array<i32>} : memref<32768xf32, #tpu.memory_space<vmem>>, vector<16xf32>,
          tpu.vector_store %arg9[%parallel_loop3A_1174], %parallel_loop3A_1173 {strides = array<i32>} : memref<32768xf32, #tpu.memory_space<vmem>>, vector<16xf32>,
        } {sc.loop_unroll_factor = 6 : i64, sc.parallel_access}
        %while3A_1045 = arith.constant 0 : i32
        scf.yield %while3A_1045 : i32
      }
      %while3A_1005 = arith.constant 1 : i32
      %while3A_1006 = scf.for %while3A_1008 = %while3A_1002 to %while3A_998 step %while3A_1005 iter_args(%while3A_1009 = %while3A_1004) -> (i32)  : i32 {
        %sub3A_1010 = arith.subi %while3A_1008, %sub3A_944 : i32
        %sub3A_1011 = arith.constant 1 : i32
        %sub3A_1012 = arith.subi %sub3A_1010, %sub3A_1011 : i32
        %and3A = arith.constant 1 : i32
        %and3A_1013 = arith.andi %sub3A_1012, %and3A : i32
        %mul3A_1014 = arith.constant 4096 : i32
        %mul3A_1015 = arith.muli %and3A_1013, %mul3A_1014 : i32
        %mul3A_1016 = arith.constant 8 : i32
        %mul3A_1017 = arith.muli %arg0, %mul3A_1016 : i32
        %add3A_1018 = arith.addi %mul3A_1017, %while3A_1008 : i32
        %mul3A_1019 = arith.constant 2 : i32
        %mul3A_1020 = arith.muli %add3A_1018, %mul3A_1019 : i32
        %mul3A_1021 = arith.constant 65536 : i32
        %mul3A_1022 = arith.muli %mul3A_1020, %mul3A_1021 : i32
        %add3A_1023 = arith.addi %mul3A_1022, %add3A_1 : i32
        %dma_wait3A_1024 = tpu.memref_slice %arg11[%mul3A_1015] : memref<16384xf32, #tpu.memory_space<vmem>> -> memref<2048xf32, #tpu.memory_space<vmem>>
        %dma_wait3A_1025 = tpu.memref_slice %arg2[%add3A_1023] : memref<2097152xf32, #tpu.memory_space<hbm>> -> memref<2048xf32, #tpu.memory_space<hbm>>
        %dma_wait3A_1026 = tpu.memref_slice %arg11[%mul3A_1015] : memref<16384xf32, #tpu.memory_space<vmem>> -> memref<2048xf32, #tpu.memory_space<vmem>>
        %dma_wait3A_1027 = tpu.memref_slice %arg2[%add3A_1023] : memref<2097152xf32, #tpu.memory_space<hbm>> -> memref<2048xf32, #tpu.memory_space<hbm>>
        tpu.wait_dma2 semaphore(%arg13 : memref<!tpu.dma_semaphore, #tpu.memory_space<semaphore_mem>>) src(%dma_wait3A_1027 : memref<2048xf32, #tpu.memory_space<hbm>>) dst(%dma_wait3A_1026 : memref<2048xf32, #tpu.memory_space<vmem>>)
        %add3A_1028 = arith.constant 65536 : i32
        %add3A_1029 = arith.addi %add3A_1023, %add3A_1028 : i32
        %add3A_1030 = arith.constant 2048 : i32
        %add3A_1031 = arith.addi %mul3A_1015, %add3A_1030 : i32
        %dma_wait3A_1032 = tpu.memref_slice %arg11[%add3A_1031] : memref<16384xf32, #tpu.memory_space<vmem>> -> memref<2048xf32, #tpu.memory_space<vmem>>
        %dma_wait3A_1033 = tpu.memref_slice %arg2[%add3A_1029] : memref<2097152xf32, #tpu.memory_space<hbm>> -> memref<2048xf32, #tpu.memory_space<hbm>>
        %dma_wait3A_1034 = tpu.memref_slice %arg11[%add3A_1031] : memref<16384xf32, #tpu.memory_space<vmem>> -> memref<2048xf32, #tpu.memory_space<vmem>>
        %dma_wait3A_1035 = tpu.memref_slice %arg2[%add3A_1029] : memref<2097152xf32, #tpu.memory_space<hbm>> -> memref<2048xf32, #tpu.memory_space<hbm>>
        tpu.wait_dma2 semaphore(%arg13 : memref<!tpu.dma_semaphore, #tpu.memory_space<semaphore_mem>>) src(%dma_wait3A_1035 : memref<2048xf32, #tpu.memory_space<hbm>>) dst(%dma_wait3A_1034 : memref<2048xf32, #tpu.memory_space<vmem>>)
        %add3A_1036 = arith.constant 1 : i32
        %add3A_1037 = arith.addi %while3A_1008, %add3A_1036 : i32
        %lt3A_1038 = arith.constant 8 : i32
        %lt3A_1039 = arith.cmpi slt, %add3A_1037, %lt3A_1038 : i32
        %convert_element_type3A_1040 = arith.extui %lt3A_1039 : i1 to i32
        %cond3A_1041 = arith.constant 0 : i32
        %cond3A_1042 = arith.cmpi ne, %convert_element_type3A_1040, %cond3A_1041 : i32
        scf.if %cond3A_1042 {
          %add3A_1046 = arith.constant 1 : i32
          %add3A_1047 = arith.addi %while3A_1008, %add3A_1046 : i32
          %sub3A_1048 = arith.constant 4096 : i32
          %sub3A_1049 = arith.subi %sub3A_1048, %mul3A_1015 : i32
          %mul3A_1050 = arith.constant 8 : i32
          %mul3A_1051 = arith.muli %arg0, %mul3A_1050 : i32
          %add3A_1052 = arith.addi %mul3A_1051, %add3A_1047 : i32
          %mul3A_1053 = arith.constant 2 : i32
          %mul3A_1054 = arith.muli %add3A_1052, %mul3A_1053 : i32
          %mul3A_1055 = arith.constant 65536 : i32
          %mul3A_1056 = arith.muli %mul3A_1054, %mul3A_1055 : i32
          %add3A_1057 = arith.addi %mul3A_1056, %add3A_1 : i32
          %dma_start3A_1058 = tpu.memref_slice %arg11[%sub3A_1049] : memref<16384xf32, #tpu.memory_space<vmem>> -> memref<2048xf32, #tpu.memory_space<vmem>>
          %dma_start3A_1059 = tpu.memref_slice %arg2[%add3A_1057] : memref<2097152xf32, #tpu.memory_space<hbm>> -> memref<2048xf32, #tpu.memory_space<hbm>>
          %dma_start3A_1060 = tpu.memref_slice %arg11[%sub3A_1049] : memref<16384xf32, #tpu.memory_space<vmem>> -> memref<2048xf32, #tpu.memory_space<vmem>>
          %dma_start3A_1061 = tpu.memref_slice %arg2[%add3A_1057] : memref<2097152xf32, #tpu.memory_space<hbm>> -> memref<2048xf32, #tpu.memory_space<hbm>>
          tpu.enqueue_dma source(%dma_start3A_1061 : memref<2048xf32, #tpu.memory_space<hbm>>) target(%dma_start3A_1060 : memref<2048xf32, #tpu.memory_space<vmem>>) target_semaphore(%arg13 : memref<!tpu.dma_semaphore, #tpu.memory_space<semaphore_mem>>)
          %add3A_1062 = arith.constant 65536 : i32
          %add3A_1063 = arith.addi %add3A_1057, %add3A_1062 : i32
          %add3A_1064 = arith.constant 2048 : i32
          %add3A_1065 = arith.addi %sub3A_1049, %add3A_1064 : i32
          %dma_start3A_1066 = tpu.memref_slice %arg11[%add3A_1065] : memref<16384xf32, #tpu.memory_space<vmem>> -> memref<2048xf32, #tpu.memory_space<vmem>>
          %dma_start3A_1067 = tpu.memref_slice %arg2[%add3A_1063] : memref<2097152xf32, #tpu.memory_space<hbm>> -> memref<2048xf32, #tpu.memory_space<hbm>>
          %dma_start3A_1068 = tpu.memref_slice %arg11[%add3A_1065] : memref<16384xf32, #tpu.memory_space<vmem>> -> memref<2048xf32, #tpu.memory_space<vmem>>
          %dma_start3A_1069 = tpu.memref_slice %arg2[%add3A_1063] : memref<2097152xf32, #tpu.memory_space<hbm>> -> memref<2048xf32, #tpu.memory_space<hbm>>
          tpu.enqueue_dma source(%dma_start3A_1069 : memref<2048xf32, #tpu.memory_space<hbm>>) target(%dma_start3A_1068 : memref<2048xf32, #tpu.memory_space<vmem>>) target_semaphore(%arg13 : memref<!tpu.dma_semaphore, #tpu.memory_space<semaphore_mem>>)
        } else {
        }
        %parallel_loop3A = arith.constant 0 : i32
        %parallel_loop3A_1043 = arith.constant 128 : i32
        %parallel_loop3A_1044 = arith.constant 1 : i32
        scf.for %parallel_loop3A_1046 = %parallel_loop3A to %parallel_loop3A_1043 step %parallel_loop3A_1044  : i32 {
          %parallel_loop3A_1047 = arith.constant 16 : i32
          %parallel_loop3A_1048 = arith.muli %parallel_loop3A_1046, %parallel_loop3A_1047 : i32
          %parallel_loop3A_1049 = arith.addi %mul3A_1015, %parallel_loop3A_1048 : i32
          %parallel_loop3A_1050 = arith.index_cast %parallel_loop3A_1049 : i32 to index
          %parallel_loop3A_1051 = tpu.vector_load %arg11[%parallel_loop3A_1050] {strides = array<i32>} : memref<16384xf32, #tpu.memory_space<vmem>>, vector<16xf32>,
          %parallel_loop3A_1052 = arith.index_cast %parallel_loop3A_1048 : i32 to index
          %parallel_loop3A_1053 = tpu.vector_load %arg10[%parallel_loop3A_1052] {strides = array<i32>} : memref<8192xf32, #tpu.memory_space<vmem>>, vector<16xf32>,
          %parallel_loop3A_1054 = arith.subf %parallel_loop3A_1051, %parallel_loop3A_1053 : vector<16xf32>
          %parallel_loop3A_1055 = arith.constant 2048 : i32
          %parallel_loop3A_1056 = arith.addi %mul3A_1015, %parallel_loop3A_1055 : i32
          %parallel_loop3A_1057 = arith.addi %parallel_loop3A_1056, %parallel_loop3A_1048 : i32
          %parallel_loop3A_1058 = arith.index_cast %parallel_loop3A_1057 : i32 to index
          %parallel_loop3A_1059 = tpu.vector_load %arg11[%parallel_loop3A_1058] {strides = array<i32>} : memref<16384xf32, #tpu.memory_space<vmem>>, vector<16xf32>,
          %parallel_loop3A_1060 = arith.constant 2048 : i32
          %parallel_loop3A_1061 = arith.addi %parallel_loop3A_1060, %parallel_loop3A_1048 : i32
          %parallel_loop3A_1062 = arith.index_cast %parallel_loop3A_1061 : i32 to index
          %parallel_loop3A_1063 = tpu.vector_load %arg10[%parallel_loop3A_1062] {strides = array<i32>} : memref<8192xf32, #tpu.memory_space<vmem>>, vector<16xf32>,
          %parallel_loop3A_1064 = arith.subf %parallel_loop3A_1059, %parallel_loop3A_1063 : vector<16xf32>
          %parallel_loop3A_1065 = arith.constant 5.000000e-01 : f32
          %parallel_loop3A_1066 = vector.broadcast %parallel_loop3A_1065 : f32 to vector<16xf32>
          %parallel_loop3A_1067 = arith.mulf %parallel_loop3A_1054, %parallel_loop3A_1066 : vector<16xf32>
          %parallel_loop3A_1068 = arith.fptosi %parallel_loop3A_1067 : vector<16xf32> to vector<16xi32>
          %parallel_loop3A_1069 = arith.sitofp %parallel_loop3A_1068 : vector<16xi32> to vector<16xf32>
          %parallel_loop3A_1070 = arith.addf %parallel_loop3A_1069, %parallel_loop3A_1069 : vector<16xf32>
          %parallel_loop3A_1071 = arith.subf %parallel_loop3A_1054, %parallel_loop3A_1070 : vector<16xf32>
          %parallel_loop3A_1072 = arith.constant 1.280000e+02 : f32
          %parallel_loop3A_1073 = vector.broadcast %parallel_loop3A_1072 : f32 to vector<16xf32>
          %parallel_loop3A_1074 = arith.mulf %parallel_loop3A_1071, %parallel_loop3A_1073 : vector<16xf32>
          %parallel_loop3A_1075 = arith.constant 5.000000e-01 : f32
          %parallel_loop3A_1076 = vector.broadcast %parallel_loop3A_1075 : f32 to vector<16xf32>
          %parallel_loop3A_1077 = arith.addf %parallel_loop3A_1074, %parallel_loop3A_1076 : vector<16xf32>
          %parallel_loop3A_1078 = arith.fptosi %parallel_loop3A_1077 : vector<16xf32> to vector<16xi32>
          %parallel_loop3A_1079 = arith.sitofp %parallel_loop3A_1078 : vector<16xi32> to vector<16xf32>
          %parallel_loop3A_1080 = arith.subf %parallel_loop3A_1077, %parallel_loop3A_1079 : vector<16xf32>
          %parallel_loop3A_1081 = arith.constant 5.000000e-01 : f32
          %parallel_loop3A_1082 = vector.broadcast %parallel_loop3A_1081 : f32 to vector<16xf32>
          %parallel_loop3A_1083 = arith.mulf %parallel_loop3A_1064, %parallel_loop3A_1082 : vector<16xf32>
          %parallel_loop3A_1084 = arith.fptosi %parallel_loop3A_1083 : vector<16xf32> to vector<16xi32>
          %parallel_loop3A_1085 = arith.sitofp %parallel_loop3A_1084 : vector<16xi32> to vector<16xf32>
          %parallel_loop3A_1086 = arith.addf %parallel_loop3A_1085, %parallel_loop3A_1085 : vector<16xf32>
          %parallel_loop3A_1087 = arith.subf %parallel_loop3A_1064, %parallel_loop3A_1086 : vector<16xf32>
          %parallel_loop3A_1088 = arith.constant 1.280000e+02 : f32
          %parallel_loop3A_1089 = vector.broadcast %parallel_loop3A_1088 : f32 to vector<16xf32>
          %parallel_loop3A_1090 = arith.mulf %parallel_loop3A_1087, %parallel_loop3A_1089 : vector<16xf32>
          %parallel_loop3A_1091 = arith.constant 5.000000e-01 : f32
          %parallel_loop3A_1092 = vector.broadcast %parallel_loop3A_1091 : f32 to vector<16xf32>
          %parallel_loop3A_1093 = arith.addf %parallel_loop3A_1090, %parallel_loop3A_1092 : vector<16xf32>
          %parallel_loop3A_1094 = arith.fptosi %parallel_loop3A_1093 : vector<16xf32> to vector<16xi32>
          %parallel_loop3A_1095 = arith.sitofp %parallel_loop3A_1094 : vector<16xi32> to vector<16xf32>
          %parallel_loop3A_1096 = arith.subf %parallel_loop3A_1093, %parallel_loop3A_1095 : vector<16xf32>
          %parallel_loop3A_1097 = arith.constant 1.000000e+00 : f32
          %parallel_loop3A_1098 = vector.broadcast %parallel_loop3A_1097 : f32 to vector<16xf32>
          %parallel_loop3A_1099 = arith.subf %parallel_loop3A_1098, %parallel_loop3A_1080 : vector<16xf32>
          %parallel_loop3A_1100 = arith.constant 1.000000e+00 : f32
          %parallel_loop3A_1101 = vector.broadcast %parallel_loop3A_1100 : f32 to vector<16xf32>
          %parallel_loop3A_1102 = arith.subf %parallel_loop3A_1101, %parallel_loop3A_1096 : vector<16xf32>
          %parallel_loop3A_1103 = arith.mulf %parallel_loop3A_1099, %parallel_loop3A_1102 : vector<16xf32>
          %parallel_loop3A_1104 = arith.mulf %parallel_loop3A_1099, %parallel_loop3A_1096 : vector<16xf32>
          %parallel_loop3A_1105 = arith.mulf %parallel_loop3A_1080, %parallel_loop3A_1102 : vector<16xf32>
          %parallel_loop3A_1106 = arith.mulf %parallel_loop3A_1080, %parallel_loop3A_1096 : vector<16xf32>
          %parallel_loop3A_1107 = arith.constant 258 : i32
          %parallel_loop3A_1108 = vector.broadcast %parallel_loop3A_1107 : i32 to vector<16xi32>
          %parallel_loop3A_1109 = arith.muli %parallel_loop3A_1094, %parallel_loop3A_1108 : vector<16xi32>
          %parallel_loop3A_1110 = arith.addi %parallel_loop3A_1109, %parallel_loop3A_1078 : vector<16xi32>
          %parallel_loop3A_1111 = arith.constant 258 : i32
          %parallel_loop3A_1112 = vector.broadcast %parallel_loop3A_1111 : i32 to vector<16xi32>
          %parallel_loop3A_1113 = arith.addi %parallel_loop3A_1110, %parallel_loop3A_1112 : vector<16xi32>
          %parallel_loop3A_1114 = arith.constant 1 : i32
          %parallel_loop3A_1115 = vector.broadcast %parallel_loop3A_1114 : i32 to vector<16xi32>
          %parallel_loop3A_1116 = arith.addi %parallel_loop3A_1110, %parallel_loop3A_1115 : vector<16xi32>
          %parallel_loop3A_1117 = arith.constant 1 : i32
          %parallel_loop3A_1118 = vector.broadcast %parallel_loop3A_1117 : i32 to vector<16xi32>
          %parallel_loop3A_1119 = arith.addi %parallel_loop3A_1113, %parallel_loop3A_1118 : vector<16xi32>
          %parallel_loop3A_1120 = tpu.vector_load_idx %arg8[%parallel_loop3A_1110] : memref<66564xi32, #tpu.memory_space<vmem>>[vector<16xi32>], vector<16xi32>,
          %parallel_loop3A_1121 = tpu.vector_load_idx %arg8[%parallel_loop3A_1113] : memref<66564xi32, #tpu.memory_space<vmem>>[vector<16xi32>], vector<16xi32>,
          %parallel_loop3A_1122 = tpu.vector_load_idx %arg8[%parallel_loop3A_1116] : memref<66564xi32, #tpu.memory_space<vmem>>[vector<16xi32>], vector<16xi32>,
          %parallel_loop3A_1123 = tpu.vector_load_idx %arg8[%parallel_loop3A_1119] : memref<66564xi32, #tpu.memory_space<vmem>>[vector<16xi32>], vector<16xi32>,
          %parallel_loop3A_1124 = arith.constant 16 : i32
          %parallel_loop3A_1125 = vector.broadcast %parallel_loop3A_1124 : i32 to vector<16xi32>
          %parallel_loop3A_1126 = arith.shli %parallel_loop3A_1120, %parallel_loop3A_1125 : vector<16xi32>
          %parallel_loop3A_1127 = tpu.bitcast %parallel_loop3A_1126 : vector<16xi32> -> vector<16xf32>
          %parallel_loop3A_1128 = arith.mulf %parallel_loop3A_1103, %parallel_loop3A_1127 : vector<16xf32>
          %parallel_loop3A_1129 = arith.constant 16 : i32
          %parallel_loop3A_1130 = vector.broadcast %parallel_loop3A_1129 : i32 to vector<16xi32>
          %parallel_loop3A_1131 = arith.shli %parallel_loop3A_1121, %parallel_loop3A_1130 : vector<16xi32>
          %parallel_loop3A_1132 = tpu.bitcast %parallel_loop3A_1131 : vector<16xi32> -> vector<16xf32>
          %parallel_loop3A_1133 = arith.mulf %parallel_loop3A_1104, %parallel_loop3A_1132 : vector<16xf32>
          %parallel_loop3A_1134 = arith.addf %parallel_loop3A_1128, %parallel_loop3A_1133 : vector<16xf32>
          %parallel_loop3A_1135 = arith.constant 16 : i32
          %parallel_loop3A_1136 = vector.broadcast %parallel_loop3A_1135 : i32 to vector<16xi32>
          %parallel_loop3A_1137 = arith.shli %parallel_loop3A_1122, %parallel_loop3A_1136 : vector<16xi32>
          %parallel_loop3A_1138 = tpu.bitcast %parallel_loop3A_1137 : vector<16xi32> -> vector<16xf32>
          %parallel_loop3A_1139 = arith.mulf %parallel_loop3A_1105, %parallel_loop3A_1138 : vector<16xf32>
          %parallel_loop3A_1140 = arith.addf %parallel_loop3A_1134, %parallel_loop3A_1139 : vector<16xf32>
          %parallel_loop3A_1141 = arith.constant 16 : i32
          %parallel_loop3A_1142 = vector.broadcast %parallel_loop3A_1141 : i32 to vector<16xi32>
          %parallel_loop3A_1143 = arith.shli %parallel_loop3A_1123, %parallel_loop3A_1142 : vector<16xi32>
          %parallel_loop3A_1144 = tpu.bitcast %parallel_loop3A_1143 : vector<16xi32> -> vector<16xf32>
          %parallel_loop3A_1145 = arith.mulf %parallel_loop3A_1106, %parallel_loop3A_1144 : vector<16xf32>
          %parallel_loop3A_1146 = arith.addf %parallel_loop3A_1140, %parallel_loop3A_1145 : vector<16xf32>
          %parallel_loop3A_1147 = tpu.bitcast %parallel_loop3A_1120 : vector<16xi32> -> vector<16xf32>
          %parallel_loop3A_1148 = arith.mulf %parallel_loop3A_1103, %parallel_loop3A_1147 : vector<16xf32>
          %parallel_loop3A_1149 = tpu.bitcast %parallel_loop3A_1121 : vector<16xi32> -> vector<16xf32>
          %parallel_loop3A_1150 = arith.mulf %parallel_loop3A_1104, %parallel_loop3A_1149 : vector<16xf32>
          %parallel_loop3A_1151 = arith.addf %parallel_loop3A_1148, %parallel_loop3A_1150 : vector<16xf32>
          %parallel_loop3A_1152 = tpu.bitcast %parallel_loop3A_1122 : vector<16xi32> -> vector<16xf32>
          %parallel_loop3A_1153 = arith.mulf %parallel_loop3A_1105, %parallel_loop3A_1152 : vector<16xf32>
          %parallel_loop3A_1154 = arith.addf %parallel_loop3A_1151, %parallel_loop3A_1153 : vector<16xf32>
          %parallel_loop3A_1155 = tpu.bitcast %parallel_loop3A_1123 : vector<16xi32> -> vector<16xf32>
          %parallel_loop3A_1156 = arith.mulf %parallel_loop3A_1106, %parallel_loop3A_1155 : vector<16xf32>
          %parallel_loop3A_1157 = arith.addf %parallel_loop3A_1154, %parallel_loop3A_1156 : vector<16xf32>
          %parallel_loop3A_1158 = arith.constant 2048 : i32
          %parallel_loop3A_1159 = arith.muli %while3A_1008, %parallel_loop3A_1158 : i32
          %parallel_loop3A_1160 = arith.addi %parallel_loop3A_1159, %parallel_loop3A_1048 : i32
          %parallel_loop3A_1161 = arith.constant 8 : i32
          %parallel_loop3A_1162 = arith.addi %parallel_loop3A_1161, %while3A_1008 : i32
          %parallel_loop3A_1163 = arith.constant 2048 : i32
          %parallel_loop3A_1164 = arith.muli %parallel_loop3A_1162, %parallel_loop3A_1163 : i32
          %parallel_loop3A_1165 = arith.addi %parallel_loop3A_1164, %parallel_loop3A_1048 : i32
          %parallel_loop3A_1166 = arith.index_cast %parallel_loop3A_1160 : i32 to index
          %parallel_loop3A_1167 = tpu.vector_load %arg9[%parallel_loop3A_1166] {strides = array<i32>} : memref<32768xf32, #tpu.memory_space<vmem>>, vector<16xf32>,
          %parallel_loop3A_1168 = arith.addf %parallel_loop3A_1167, %parallel_loop3A_1146 : vector<16xf32>
          %parallel_loop3A_1169 = arith.index_cast %parallel_loop3A_1160 : i32 to index
          %parallel_loop3A_1170 = tpu.vector_load %arg9[%parallel_loop3A_1169] {strides = array<i32>} : memref<32768xf32, #tpu.memory_space<vmem>>, vector<16xf32>,
          tpu.vector_store %arg9[%parallel_loop3A_1169], %parallel_loop3A_1168 {strides = array<i32>} : memref<32768xf32, #tpu.memory_space<vmem>>, vector<16xf32>,
          %parallel_loop3A_1171 = arith.index_cast %parallel_loop3A_1165 : i32 to index
          %parallel_loop3A_1172 = tpu.vector_load %arg9[%parallel_loop3A_1171] {strides = array<i32>} : memref<32768xf32, #tpu.memory_space<vmem>>, vector<16xf32>,
          %parallel_loop3A_1173 = arith.addf %parallel_loop3A_1172, %parallel_loop3A_1157 : vector<16xf32>
          %parallel_loop3A_1174 = arith.index_cast %parallel_loop3A_1165 : i32 to index
          %parallel_loop3A_1175 = tpu.vector_load %arg9[%parallel_loop3A_1174] {strides = array<i32>} : memref<32768xf32, #tpu.memory_space<vmem>>, vector<16xf32>,
          tpu.vector_store %arg9[%parallel_loop3A_1174], %parallel_loop3A_1173 {strides = array<i32>} : memref<32768xf32, #tpu.memory_space<vmem>>, vector<16xf32>,
        } {sc.loop_unroll_factor = 6 : i64, sc.parallel_access}
        %while3A_1045 = arith.constant 0 : i32
        scf.yield %while3A_1045 : i32
      }
      %scan3A_1007 = arith.constant 0 : i32
      scf.yield %scan3A_1007 : i32
    }
    %scan3A_7 = arith.constant 8 : i32
    %mul3A_8 = arith.constant 8 : i32
    %mul3A_9 = arith.muli %arg0, %mul3A_8 : i32
    %add3A_10 = arith.constant 0 : i32
    %add3A_11 = arith.addi %mul3A_9, %add3A_10 : i32
    %mul3A_12 = arith.constant 3 : i32
    %mul3A_13 = arith.muli %add3A_11, %mul3A_12 : i32
    %add3A_14 = arith.constant 0 : i32
    %add3A_15 = arith.addi %mul3A_13, %add3A_14 : i32
    %mul3A_16 = arith.constant 65536 : i32
    %mul3A_17 = arith.muli %add3A_15, %mul3A_16 : i32
    %add3A_18 = arith.addi %mul3A_17, %add3A_1 : i32
    %mul3A_19 = arith.constant 8 : i32
    %mul3A_20 = arith.muli %arg0, %mul3A_19 : i32
    %add3A_21 = arith.constant 1 : i32
    %add3A_22 = arith.addi %mul3A_20, %add3A_21 : i32
    %mul3A_23 = arith.constant 3 : i32
    %mul3A_24 = arith.muli %add3A_22, %mul3A_23 : i32
    %add3A_25 = arith.constant 0 : i32
    %add3A_26 = arith.addi %mul3A_24, %add3A_25 : i32
    %mul3A_27 = arith.constant 65536 : i32
    %mul3A_28 = arith.muli %add3A_26, %mul3A_27 : i32
    %add3A_29 = arith.addi %mul3A_28, %add3A_1 : i32
    %mul3A_30 = arith.constant 8 : i32
    %mul3A_31 = arith.muli %arg0, %mul3A_30 : i32
    %add3A_32 = arith.constant 2 : i32
    %add3A_33 = arith.addi %mul3A_31, %add3A_32 : i32
    %mul3A_34 = arith.constant 3 : i32
    %mul3A_35 = arith.muli %add3A_33, %mul3A_34 : i32
    %add3A_36 = arith.constant 0 : i32
    %add3A_37 = arith.addi %mul3A_35, %add3A_36 : i32
    %mul3A_38 = arith.constant 65536 : i32
    %mul3A_39 = arith.muli %add3A_37, %mul3A_38 : i32
    %add3A_40 = arith.addi %mul3A_39, %add3A_1 : i32
    %mul3A_41 = arith.constant 8 : i32
    %mul3A_42 = arith.muli %arg0, %mul3A_41 : i32
    %add3A_43 = arith.constant 3 : i32
    %add3A_44 = arith.addi %mul3A_42, %add3A_43 : i32
    %mul3A_45 = arith.constant 3 : i32
    %mul3A_46 = arith.muli %add3A_44, %mul3A_45 : i32
    %add3A_47 = arith.constant 0 : i32
    %add3A_48 = arith.addi %mul3A_46, %add3A_47 : i32
    %mul3A_49 = arith.constant 65536 : i32
    %mul3A_50 = arith.muli %add3A_48, %mul3A_49 : i32
    %add3A_51 = arith.addi %mul3A_50, %add3A_1 : i32
    %mul3A_52 = arith.constant 8 : i32
    %mul3A_53 = arith.muli %arg0, %mul3A_52 : i32
    %add3A_54 = arith.constant 4 : i32
    %add3A_55 = arith.addi %mul3A_53, %add3A_54 : i32
    %mul3A_56 = arith.constant 3 : i32
    %mul3A_57 = arith.muli %add3A_55, %mul3A_56 : i32
    %add3A_58 = arith.constant 0 : i32
    %add3A_59 = arith.addi %mul3A_57, %add3A_58 : i32
    %mul3A_60 = arith.constant 65536 : i32
    %mul3A_61 = arith.muli %add3A_59, %mul3A_60 : i32
    %add3A_62 = arith.addi %mul3A_61, %add3A_1 : i32
    %mul3A_63 = arith.constant 8 : i32
    %mul3A_64 = arith.muli %arg0, %mul3A_63 : i32
    %add3A_65 = arith.constant 5 : i32
    %add3A_66 = arith.addi %mul3A_64, %add3A_65 : i32
    %mul3A_67 = arith.constant 3 : i32
    %mul3A_68 = arith.muli %add3A_66, %mul3A_67 : i32
    %add3A_69 = arith.constant 0 : i32
    %add3A_70 = arith.addi %mul3A_68, %add3A_69 : i32
    %mul3A_71 = arith.constant 65536 : i32
    %mul3A_72 = arith.muli %add3A_70, %mul3A_71 : i32
    %add3A_73 = arith.addi %mul3A_72, %add3A_1 : i32
    %mul3A_74 = arith.constant 8 : i32
    %mul3A_75 = arith.muli %arg0, %mul3A_74 : i32
    %add3A_76 = arith.constant 6 : i32
    %add3A_77 = arith.addi %mul3A_75, %add3A_76 : i32
    %mul3A_78 = arith.constant 3 : i32
    %mul3A_79 = arith.muli %add3A_77, %mul3A_78 : i32
    %add3A_80 = arith.constant 0 : i32
    %add3A_81 = arith.addi %mul3A_79, %add3A_80 : i32
    %mul3A_82 = arith.constant 65536 : i32
    %mul3A_83 = arith.muli %add3A_81, %mul3A_82 : i32
    %add3A_84 = arith.addi %mul3A_83, %add3A_1 : i32
    %mul3A_85 = arith.constant 8 : i32
    %mul3A_86 = arith.muli %arg0, %mul3A_85 : i32
    %add3A_87 = arith.constant 7 : i32
    %add3A_88 = arith.addi %mul3A_86, %add3A_87 : i32
    %mul3A_89 = arith.constant 3 : i32
    %mul3A_90 = arith.muli %add3A_88, %mul3A_89 : i32
    %add3A_91 = arith.constant 0 : i32
    %add3A_92 = arith.addi %mul3A_90, %add3A_91 : i32
    %mul3A_93 = arith.constant 65536 : i32
    %mul3A_94 = arith.muli %add3A_92, %mul3A_93 : i32
    %add3A_95 = arith.addi %mul3A_94, %add3A_1 : i32
    %mul3A_96 = arith.constant 8 : i32
    %mul3A_97 = arith.muli %arg0, %mul3A_96 : i32
    %add3A_98 = arith.constant 0 : i32
    %add3A_99 = arith.addi %mul3A_97, %add3A_98 : i32
    %mul3A_100 = arith.constant 3 : i32
    %mul3A_101 = arith.muli %add3A_99, %mul3A_100 : i32
    %add3A_102 = arith.constant 1 : i32
    %add3A_103 = arith.addi %mul3A_101, %add3A_102 : i32
    %mul3A_104 = arith.constant 65536 : i32
    %mul3A_105 = arith.muli %add3A_103, %mul3A_104 : i32
    %add3A_106 = arith.addi %mul3A_105, %add3A_1 : i32
    %mul3A_107 = arith.constant 8 : i32
    %mul3A_108 = arith.muli %arg0, %mul3A_107 : i32
    %add3A_109 = arith.constant 1 : i32
    %add3A_110 = arith.addi %mul3A_108, %add3A_109 : i32
    %mul3A_111 = arith.constant 3 : i32
    %mul3A_112 = arith.muli %add3A_110, %mul3A_111 : i32
    %add3A_113 = arith.constant 1 : i32
    %add3A_114 = arith.addi %mul3A_112, %add3A_113 : i32
    %mul3A_115 = arith.constant 65536 : i32
    %mul3A_116 = arith.muli %add3A_114, %mul3A_115 : i32
    %add3A_117 = arith.addi %mul3A_116, %add3A_1 : i32
    %mul3A_118 = arith.constant 8 : i32
    %mul3A_119 = arith.muli %arg0, %mul3A_118 : i32
    %add3A_120 = arith.constant 2 : i32
    %add3A_121 = arith.addi %mul3A_119, %add3A_120 : i32
    %mul3A_122 = arith.constant 3 : i32
    %mul3A_123 = arith.muli %add3A_121, %mul3A_122 : i32
    %add3A_124 = arith.constant 1 : i32
    %add3A_125 = arith.addi %mul3A_123, %add3A_124 : i32
    %mul3A_126 = arith.constant 65536 : i32
    %mul3A_127 = arith.muli %add3A_125, %mul3A_126 : i32
    %add3A_128 = arith.addi %mul3A_127, %add3A_1 : i32
    %mul3A_129 = arith.constant 8 : i32
    %mul3A_130 = arith.muli %arg0, %mul3A_129 : i32
    %add3A_131 = arith.constant 3 : i32
    %add3A_132 = arith.addi %mul3A_130, %add3A_131 : i32
    %mul3A_133 = arith.constant 3 : i32
    %mul3A_134 = arith.muli %add3A_132, %mul3A_133 : i32
    %add3A_135 = arith.constant 1 : i32
    %add3A_136 = arith.addi %mul3A_134, %add3A_135 : i32
    %mul3A_137 = arith.constant 65536 : i32
    %mul3A_138 = arith.muli %add3A_136, %mul3A_137 : i32
    %add3A_139 = arith.addi %mul3A_138, %add3A_1 : i32
    %mul3A_140 = arith.constant 8 : i32
    %mul3A_141 = arith.muli %arg0, %mul3A_140 : i32
    %add3A_142 = arith.constant 4 : i32
    %add3A_143 = arith.addi %mul3A_141, %add3A_142 : i32
    %mul3A_144 = arith.constant 3 : i32
    %mul3A_145 = arith.muli %add3A_143, %mul3A_144 : i32
    %add3A_146 = arith.constant 1 : i32
    %add3A_147 = arith.addi %mul3A_145, %add3A_146 : i32
    %mul3A_148 = arith.constant 65536 : i32
    %mul3A_149 = arith.muli %add3A_147, %mul3A_148 : i32
    %add3A_150 = arith.addi %mul3A_149, %add3A_1 : i32
    %mul3A_151 = arith.constant 8 : i32
    %mul3A_152 = arith.muli %arg0, %mul3A_151 : i32
    %add3A_153 = arith.constant 5 : i32
    %add3A_154 = arith.addi %mul3A_152, %add3A_153 : i32
    %mul3A_155 = arith.constant 3 : i32
    %mul3A_156 = arith.muli %add3A_154, %mul3A_155 : i32
    %add3A_157 = arith.constant 1 : i32
    %add3A_158 = arith.addi %mul3A_156, %add3A_157 : i32
    %mul3A_159 = arith.constant 65536 : i32
    %mul3A_160 = arith.muli %add3A_158, %mul3A_159 : i32
    %add3A_161 = arith.addi %mul3A_160, %add3A_1 : i32
    %mul3A_162 = arith.constant 8 : i32
    %mul3A_163 = arith.muli %arg0, %mul3A_162 : i32
    %add3A_164 = arith.constant 6 : i32
    %add3A_165 = arith.addi %mul3A_163, %add3A_164 : i32
    %mul3A_166 = arith.constant 3 : i32
    %mul3A_167 = arith.muli %add3A_165, %mul3A_166 : i32
    %add3A_168 = arith.constant 1 : i32
    %add3A_169 = arith.addi %mul3A_167, %add3A_168 : i32
    %mul3A_170 = arith.constant 65536 : i32
    %mul3A_171 = arith.muli %add3A_169, %mul3A_170 : i32
    %add3A_172 = arith.addi %mul3A_171, %add3A_1 : i32
    %mul3A_173 = arith.constant 8 : i32
    %mul3A_174 = arith.muli %arg0, %mul3A_173 : i32
    %add3A_175 = arith.constant 7 : i32
    %add3A_176 = arith.addi %mul3A_174, %add3A_175 : i32
    %mul3A_177 = arith.constant 3 : i32
    %mul3A_178 = arith.muli %add3A_176, %mul3A_177 : i32
    %add3A_179 = arith.constant 1 : i32
    %add3A_180 = arith.addi %mul3A_178, %add3A_179 : i32
    %mul3A_181 = arith.constant 65536 : i32
    %mul3A_182 = arith.muli %add3A_180, %mul3A_181 : i32
    %add3A_183 = arith.addi %mul3A_182, %add3A_1 : i32
    %dma_start3A = arith.constant 0 : i32
    %dma_start3A_184 = tpu.memref_slice %arg9[%dma_start3A] : memref<32768xf32, #tpu.memory_space<vmem>> -> memref<2048xf32, #tpu.memory_space<vmem>>
    %dma_start3A_185 = tpu.memref_slice %arg7[%add3A_18] : memref<3145728xf32, #tpu.memory_space<hbm>> -> memref<2048xf32, #tpu.memory_space<hbm>>
    %dma_start3A_186 = tpu.memref_slice %arg7[%add3A_18] : memref<3145728xf32, #tpu.memory_space<hbm>> -> memref<2048xf32, #tpu.memory_space<hbm>>
    %dma_start3A_187 = arith.constant 0 : i32
    %dma_start3A_188 = tpu.memref_slice %arg9[%dma_start3A_187] : memref<32768xf32, #tpu.memory_space<vmem>> -> memref<2048xf32, #tpu.memory_space<vmem>>
    tpu.enqueue_dma source(%dma_start3A_188 : memref<2048xf32, #tpu.memory_space<vmem>>) target(%dma_start3A_186 : memref<2048xf32, #tpu.memory_space<hbm>>) target_semaphore(%arg13 : memref<!tpu.dma_semaphore, #tpu.memory_space<semaphore_mem>>)
    %dma_start3A_189 = arith.constant 2048 : i32
    %dma_start3A_190 = tpu.memref_slice %arg9[%dma_start3A_189] : memref<32768xf32, #tpu.memory_space<vmem>> -> memref<2048xf32, #tpu.memory_space<vmem>>
    %dma_start3A_191 = tpu.memref_slice %arg7[%add3A_29] : memref<3145728xf32, #tpu.memory_space<hbm>> -> memref<2048xf32, #tpu.memory_space<hbm>>
    %dma_start3A_192 = tpu.memref_slice %arg7[%add3A_29] : memref<3145728xf32, #tpu.memory_space<hbm>> -> memref<2048xf32, #tpu.memory_space<hbm>>
    %dma_start3A_193 = arith.constant 2048 : i32
    %dma_start3A_194 = tpu.memref_slice %arg9[%dma_start3A_193] : memref<32768xf32, #tpu.memory_space<vmem>> -> memref<2048xf32, #tpu.memory_space<vmem>>
    tpu.enqueue_dma source(%dma_start3A_194 : memref<2048xf32, #tpu.memory_space<vmem>>) target(%dma_start3A_192 : memref<2048xf32, #tpu.memory_space<hbm>>) target_semaphore(%arg13 : memref<!tpu.dma_semaphore, #tpu.memory_space<semaphore_mem>>)
    %dma_start3A_195 = arith.constant 4096 : i32
    %dma_start3A_196 = tpu.memref_slice %arg9[%dma_start3A_195] : memref<32768xf32, #tpu.memory_space<vmem>> -> memref<2048xf32, #tpu.memory_space<vmem>>
    %dma_start3A_197 = tpu.memref_slice %arg7[%add3A_40] : memref<3145728xf32, #tpu.memory_space<hbm>> -> memref<2048xf32, #tpu.memory_space<hbm>>
    %dma_start3A_198 = tpu.memref_slice %arg7[%add3A_40] : memref<3145728xf32, #tpu.memory_space<hbm>> -> memref<2048xf32, #tpu.memory_space<hbm>>
    %dma_start3A_199 = arith.constant 4096 : i32
    %dma_start3A_200 = tpu.memref_slice %arg9[%dma_start3A_199] : memref<32768xf32, #tpu.memory_space<vmem>> -> memref<2048xf32, #tpu.memory_space<vmem>>
    tpu.enqueue_dma source(%dma_start3A_200 : memref<2048xf32, #tpu.memory_space<vmem>>) target(%dma_start3A_198 : memref<2048xf32, #tpu.memory_space<hbm>>) target_semaphore(%arg13 : memref<!tpu.dma_semaphore, #tpu.memory_space<semaphore_mem>>)
    %dma_start3A_201 = arith.constant 6144 : i32
    %dma_start3A_202 = tpu.memref_slice %arg9[%dma_start3A_201] : memref<32768xf32, #tpu.memory_space<vmem>> -> memref<2048xf32, #tpu.memory_space<vmem>>
    %dma_start3A_203 = tpu.memref_slice %arg7[%add3A_51] : memref<3145728xf32, #tpu.memory_space<hbm>> -> memref<2048xf32, #tpu.memory_space<hbm>>
    %dma_start3A_204 = tpu.memref_slice %arg7[%add3A_51] : memref<3145728xf32, #tpu.memory_space<hbm>> -> memref<2048xf32, #tpu.memory_space<hbm>>
    %dma_start3A_205 = arith.constant 6144 : i32
    %dma_start3A_206 = tpu.memref_slice %arg9[%dma_start3A_205] : memref<32768xf32, #tpu.memory_space<vmem>> -> memref<2048xf32, #tpu.memory_space<vmem>>
    tpu.enqueue_dma source(%dma_start3A_206 : memref<2048xf32, #tpu.memory_space<vmem>>) target(%dma_start3A_204 : memref<2048xf32, #tpu.memory_space<hbm>>) target_semaphore(%arg13 : memref<!tpu.dma_semaphore, #tpu.memory_space<semaphore_mem>>)
    %dma_start3A_207 = arith.constant 8192 : i32
    %dma_start3A_208 = tpu.memref_slice %arg9[%dma_start3A_207] : memref<32768xf32, #tpu.memory_space<vmem>> -> memref<2048xf32, #tpu.memory_space<vmem>>
    %dma_start3A_209 = tpu.memref_slice %arg7[%add3A_62] : memref<3145728xf32, #tpu.memory_space<hbm>> -> memref<2048xf32, #tpu.memory_space<hbm>>
    %dma_start3A_210 = tpu.memref_slice %arg7[%add3A_62] : memref<3145728xf32, #tpu.memory_space<hbm>> -> memref<2048xf32, #tpu.memory_space<hbm>>
    %dma_start3A_211 = arith.constant 8192 : i32
    %dma_start3A_212 = tpu.memref_slice %arg9[%dma_start3A_211] : memref<32768xf32, #tpu.memory_space<vmem>> -> memref<2048xf32, #tpu.memory_space<vmem>>
    tpu.enqueue_dma source(%dma_start3A_212 : memref<2048xf32, #tpu.memory_space<vmem>>) target(%dma_start3A_210 : memref<2048xf32, #tpu.memory_space<hbm>>) target_semaphore(%arg13 : memref<!tpu.dma_semaphore, #tpu.memory_space<semaphore_mem>>)
    %dma_start3A_213 = arith.constant 10240 : i32
    %dma_start3A_214 = tpu.memref_slice %arg9[%dma_start3A_213] : memref<32768xf32, #tpu.memory_space<vmem>> -> memref<2048xf32, #tpu.memory_space<vmem>>
    %dma_start3A_215 = tpu.memref_slice %arg7[%add3A_73] : memref<3145728xf32, #tpu.memory_space<hbm>> -> memref<2048xf32, #tpu.memory_space<hbm>>
    %dma_start3A_216 = tpu.memref_slice %arg7[%add3A_73] : memref<3145728xf32, #tpu.memory_space<hbm>> -> memref<2048xf32, #tpu.memory_space<hbm>>
    %dma_start3A_217 = arith.constant 10240 : i32
    %dma_start3A_218 = tpu.memref_slice %arg9[%dma_start3A_217] : memref<32768xf32, #tpu.memory_space<vmem>> -> memref<2048xf32, #tpu.memory_space<vmem>>
    tpu.enqueue_dma source(%dma_start3A_218 : memref<2048xf32, #tpu.memory_space<vmem>>) target(%dma_start3A_216 : memref<2048xf32, #tpu.memory_space<hbm>>) target_semaphore(%arg13 : memref<!tpu.dma_semaphore, #tpu.memory_space<semaphore_mem>>)
    %dma_start3A_219 = arith.constant 12288 : i32
    %dma_start3A_220 = tpu.memref_slice %arg9[%dma_start3A_219] : memref<32768xf32, #tpu.memory_space<vmem>> -> memref<2048xf32, #tpu.memory_space<vmem>>
    %dma_start3A_221 = tpu.memref_slice %arg7[%add3A_84] : memref<3145728xf32, #tpu.memory_space<hbm>> -> memref<2048xf32, #tpu.memory_space<hbm>>
    %dma_start3A_222 = tpu.memref_slice %arg7[%add3A_84] : memref<3145728xf32, #tpu.memory_space<hbm>> -> memref<2048xf32, #tpu.memory_space<hbm>>
    %dma_start3A_223 = arith.constant 12288 : i32
    %dma_start3A_224 = tpu.memref_slice %arg9[%dma_start3A_223] : memref<32768xf32, #tpu.memory_space<vmem>> -> memref<2048xf32, #tpu.memory_space<vmem>>
    tpu.enqueue_dma source(%dma_start3A_224 : memref<2048xf32, #tpu.memory_space<vmem>>) target(%dma_start3A_222 : memref<2048xf32, #tpu.memory_space<hbm>>) target_semaphore(%arg13 : memref<!tpu.dma_semaphore, #tpu.memory_space<semaphore_mem>>)
    %dma_start3A_225 = arith.constant 14336 : i32
    %dma_start3A_226 = tpu.memref_slice %arg9[%dma_start3A_225] : memref<32768xf32, #tpu.memory_space<vmem>> -> memref<2048xf32, #tpu.memory_space<vmem>>
    %dma_start3A_227 = tpu.memref_slice %arg7[%add3A_95] : memref<3145728xf32, #tpu.memory_space<hbm>> -> memref<2048xf32, #tpu.memory_space<hbm>>
    %dma_start3A_228 = tpu.memref_slice %arg7[%add3A_95] : memref<3145728xf32, #tpu.memory_space<hbm>> -> memref<2048xf32, #tpu.memory_space<hbm>>
    %dma_start3A_229 = arith.constant 14336 : i32
    %dma_start3A_230 = tpu.memref_slice %arg9[%dma_start3A_229] : memref<32768xf32, #tpu.memory_space<vmem>> -> memref<2048xf32, #tpu.memory_space<vmem>>
    tpu.enqueue_dma source(%dma_start3A_230 : memref<2048xf32, #tpu.memory_space<vmem>>) target(%dma_start3A_228 : memref<2048xf32, #tpu.memory_space<hbm>>) target_semaphore(%arg13 : memref<!tpu.dma_semaphore, #tpu.memory_space<semaphore_mem>>)
    %dma_start3A_231 = arith.constant 16384 : i32
    %dma_start3A_232 = tpu.memref_slice %arg9[%dma_start3A_231] : memref<32768xf32, #tpu.memory_space<vmem>> -> memref<2048xf32, #tpu.memory_space<vmem>>
    %dma_start3A_233 = tpu.memref_slice %arg7[%add3A_106] : memref<3145728xf32, #tpu.memory_space<hbm>> -> memref<2048xf32, #tpu.memory_space<hbm>>
    %dma_start3A_234 = tpu.memref_slice %arg7[%add3A_106] : memref<3145728xf32, #tpu.memory_space<hbm>> -> memref<2048xf32, #tpu.memory_space<hbm>>
    %dma_start3A_235 = arith.constant 16384 : i32
    %dma_start3A_236 = tpu.memref_slice %arg9[%dma_start3A_235] : memref<32768xf32, #tpu.memory_space<vmem>> -> memref<2048xf32, #tpu.memory_space<vmem>>
    tpu.enqueue_dma source(%dma_start3A_236 : memref<2048xf32, #tpu.memory_space<vmem>>) target(%dma_start3A_234 : memref<2048xf32, #tpu.memory_space<hbm>>) target_semaphore(%arg13 : memref<!tpu.dma_semaphore, #tpu.memory_space<semaphore_mem>>)
    %dma_start3A_237 = arith.constant 18432 : i32
    %dma_start3A_238 = tpu.memref_slice %arg9[%dma_start3A_237] : memref<32768xf32, #tpu.memory_space<vmem>> -> memref<2048xf32, #tpu.memory_space<vmem>>
    %dma_start3A_239 = tpu.memref_slice %arg7[%add3A_117] : memref<3145728xf32, #tpu.memory_space<hbm>> -> memref<2048xf32, #tpu.memory_space<hbm>>
    %dma_start3A_240 = tpu.memref_slice %arg7[%add3A_117] : memref<3145728xf32, #tpu.memory_space<hbm>> -> memref<2048xf32, #tpu.memory_space<hbm>>
    %dma_start3A_241 = arith.constant 18432 : i32
    %dma_start3A_242 = tpu.memref_slice %arg9[%dma_start3A_241] : memref<32768xf32, #tpu.memory_space<vmem>> -> memref<2048xf32, #tpu.memory_space<vmem>>
    tpu.enqueue_dma source(%dma_start3A_242 : memref<2048xf32, #tpu.memory_space<vmem>>) target(%dma_start3A_240 : memref<2048xf32, #tpu.memory_space<hbm>>) target_semaphore(%arg13 : memref<!tpu.dma_semaphore, #tpu.memory_space<semaphore_mem>>)
    %dma_start3A_243 = arith.constant 20480 : i32
    %dma_start3A_244 = tpu.memref_slice %arg9[%dma_start3A_243] : memref<32768xf32, #tpu.memory_space<vmem>> -> memref<2048xf32, #tpu.memory_space<vmem>>
    %dma_start3A_245 = tpu.memref_slice %arg7[%add3A_128] : memref<3145728xf32, #tpu.memory_space<hbm>> -> memref<2048xf32, #tpu.memory_space<hbm>>
    %dma_start3A_246 = tpu.memref_slice %arg7[%add3A_128] : memref<3145728xf32, #tpu.memory_space<hbm>> -> memref<2048xf32, #tpu.memory_space<hbm>>
    %dma_start3A_247 = arith.constant 20480 : i32
    %dma_start3A_248 = tpu.memref_slice %arg9[%dma_start3A_247] : memref<32768xf32, #tpu.memory_space<vmem>> -> memref<2048xf32, #tpu.memory_space<vmem>>
    tpu.enqueue_dma source(%dma_start3A_248 : memref<2048xf32, #tpu.memory_space<vmem>>) target(%dma_start3A_246 : memref<2048xf32, #tpu.memory_space<hbm>>) target_semaphore(%arg13 : memref<!tpu.dma_semaphore, #tpu.memory_space<semaphore_mem>>)
    %dma_start3A_249 = arith.constant 22528 : i32
    %dma_start3A_250 = tpu.memref_slice %arg9[%dma_start3A_249] : memref<32768xf32, #tpu.memory_space<vmem>> -> memref<2048xf32, #tpu.memory_space<vmem>>
    %dma_start3A_251 = tpu.memref_slice %arg7[%add3A_139] : memref<3145728xf32, #tpu.memory_space<hbm>> -> memref<2048xf32, #tpu.memory_space<hbm>>
    %dma_start3A_252 = tpu.memref_slice %arg7[%add3A_139] : memref<3145728xf32, #tpu.memory_space<hbm>> -> memref<2048xf32, #tpu.memory_space<hbm>>
    %dma_start3A_253 = arith.constant 22528 : i32
    %dma_start3A_254 = tpu.memref_slice %arg9[%dma_start3A_253] : memref<32768xf32, #tpu.memory_space<vmem>> -> memref<2048xf32, #tpu.memory_space<vmem>>
    tpu.enqueue_dma source(%dma_start3A_254 : memref<2048xf32, #tpu.memory_space<vmem>>) target(%dma_start3A_252 : memref<2048xf32, #tpu.memory_space<hbm>>) target_semaphore(%arg13 : memref<!tpu.dma_semaphore, #tpu.memory_space<semaphore_mem>>)
    %dma_start3A_255 = arith.constant 24576 : i32
    %dma_start3A_256 = tpu.memref_slice %arg9[%dma_start3A_255] : memref<32768xf32, #tpu.memory_space<vmem>> -> memref<2048xf32, #tpu.memory_space<vmem>>
    %dma_start3A_257 = tpu.memref_slice %arg7[%add3A_150] : memref<3145728xf32, #tpu.memory_space<hbm>> -> memref<2048xf32, #tpu.memory_space<hbm>>
    %dma_start3A_258 = tpu.memref_slice %arg7[%add3A_150] : memref<3145728xf32, #tpu.memory_space<hbm>> -> memref<2048xf32, #tpu.memory_space<hbm>>
    %dma_start3A_259 = arith.constant 24576 : i32
    %dma_start3A_260 = tpu.memref_slice %arg9[%dma_start3A_259] : memref<32768xf32, #tpu.memory_space<vmem>> -> memref<2048xf32, #tpu.memory_space<vmem>>
    tpu.enqueue_dma source(%dma_start3A_260 : memref<2048xf32, #tpu.memory_space<vmem>>) target(%dma_start3A_258 : memref<2048xf32, #tpu.memory_space<hbm>>) target_semaphore(%arg13 : memref<!tpu.dma_semaphore, #tpu.memory_space<semaphore_mem>>)
    %dma_start3A_261 = arith.constant 26624 : i32
    %dma_start3A_262 = tpu.memref_slice %arg9[%dma_start3A_261] : memref<32768xf32, #tpu.memory_space<vmem>> -> memref<2048xf32, #tpu.memory_space<vmem>>
    %dma_start3A_263 = tpu.memref_slice %arg7[%add3A_161] : memref<3145728xf32, #tpu.memory_space<hbm>> -> memref<2048xf32, #tpu.memory_space<hbm>>
    %dma_start3A_264 = tpu.memref_slice %arg7[%add3A_161] : memref<3145728xf32, #tpu.memory_space<hbm>> -> memref<2048xf32, #tpu.memory_space<hbm>>
    %dma_start3A_265 = arith.constant 26624 : i32
    %dma_start3A_266 = tpu.memref_slice %arg9[%dma_start3A_265] : memref<32768xf32, #tpu.memory_space<vmem>> -> memref<2048xf32, #tpu.memory_space<vmem>>
    tpu.enqueue_dma source(%dma_start3A_266 : memref<2048xf32, #tpu.memory_space<vmem>>) target(%dma_start3A_264 : memref<2048xf32, #tpu.memory_space<hbm>>) target_semaphore(%arg13 : memref<!tpu.dma_semaphore, #tpu.memory_space<semaphore_mem>>)
    %dma_start3A_267 = arith.constant 28672 : i32
    %dma_start3A_268 = tpu.memref_slice %arg9[%dma_start3A_267] : memref<32768xf32, #tpu.memory_space<vmem>> -> memref<2048xf32, #tpu.memory_space<vmem>>
    %dma_start3A_269 = tpu.memref_slice %arg7[%add3A_172] : memref<3145728xf32, #tpu.memory_space<hbm>> -> memref<2048xf32, #tpu.memory_space<hbm>>
    %dma_start3A_270 = tpu.memref_slice %arg7[%add3A_172] : memref<3145728xf32, #tpu.memory_space<hbm>> -> memref<2048xf32, #tpu.memory_space<hbm>>
    %dma_start3A_271 = arith.constant 28672 : i32
    %dma_start3A_272 = tpu.memref_slice %arg9[%dma_start3A_271] : memref<32768xf32, #tpu.memory_space<vmem>> -> memref<2048xf32, #tpu.memory_space<vmem>>
    tpu.enqueue_dma source(%dma_start3A_272 : memref<2048xf32, #tpu.memory_space<vmem>>) target(%dma_start3A_270 : memref<2048xf32, #tpu.memory_space<hbm>>) target_semaphore(%arg13 : memref<!tpu.dma_semaphore, #tpu.memory_space<semaphore_mem>>)
    %dma_start3A_273 = arith.constant 30720 : i32
    %dma_start3A_274 = tpu.memref_slice %arg9[%dma_start3A_273] : memref<32768xf32, #tpu.memory_space<vmem>> -> memref<2048xf32, #tpu.memory_space<vmem>>
    %dma_start3A_275 = tpu.memref_slice %arg7[%add3A_183] : memref<3145728xf32, #tpu.memory_space<hbm>> -> memref<2048xf32, #tpu.memory_space<hbm>>
    %dma_start3A_276 = tpu.memref_slice %arg7[%add3A_183] : memref<3145728xf32, #tpu.memory_space<hbm>> -> memref<2048xf32, #tpu.memory_space<hbm>>
    %dma_start3A_277 = arith.constant 30720 : i32
    %dma_start3A_278 = tpu.memref_slice %arg9[%dma_start3A_277] : memref<32768xf32, #tpu.memory_space<vmem>> -> memref<2048xf32, #tpu.memory_space<vmem>>
    tpu.enqueue_dma source(%dma_start3A_278 : memref<2048xf32, #tpu.memory_space<vmem>>) target(%dma_start3A_276 : memref<2048xf32, #tpu.memory_space<hbm>>) target_semaphore(%arg13 : memref<!tpu.dma_semaphore, #tpu.memory_space<semaphore_mem>>)
    %dma_wait3A = arith.constant 0 : i32
    %dma_wait3A_279 = tpu.memref_slice %arg9[%dma_wait3A] : memref<32768xf32, #tpu.memory_space<vmem>> -> memref<2048xf32, #tpu.memory_space<vmem>>
    %dma_wait3A_280 = tpu.memref_slice %arg7[%add3A_18] : memref<3145728xf32, #tpu.memory_space<hbm>> -> memref<2048xf32, #tpu.memory_space<hbm>>
    %dma_wait3A_281 = tpu.memref_slice %arg7[%add3A_18] : memref<3145728xf32, #tpu.memory_space<hbm>> -> memref<2048xf32, #tpu.memory_space<hbm>>
    %dma_wait3A_282 = arith.constant 0 : i32
    %dma_wait3A_283 = tpu.memref_slice %arg9[%dma_wait3A_282] : memref<32768xf32, #tpu.memory_space<vmem>> -> memref<2048xf32, #tpu.memory_space<vmem>>
    tpu.wait_dma2 semaphore(%arg13 : memref<!tpu.dma_semaphore, #tpu.memory_space<semaphore_mem>>) src(%dma_wait3A_283 : memref<2048xf32, #tpu.memory_space<vmem>>) dst(%dma_wait3A_281 : memref<2048xf32, #tpu.memory_space<hbm>>)
    %dma_wait3A_284 = arith.constant 2048 : i32
    %dma_wait3A_285 = tpu.memref_slice %arg9[%dma_wait3A_284] : memref<32768xf32, #tpu.memory_space<vmem>> -> memref<2048xf32, #tpu.memory_space<vmem>>
    %dma_wait3A_286 = tpu.memref_slice %arg7[%add3A_29] : memref<3145728xf32, #tpu.memory_space<hbm>> -> memref<2048xf32, #tpu.memory_space<hbm>>
    %dma_wait3A_287 = tpu.memref_slice %arg7[%add3A_29] : memref<3145728xf32, #tpu.memory_space<hbm>> -> memref<2048xf32, #tpu.memory_space<hbm>>
    %dma_wait3A_288 = arith.constant 2048 : i32
    %dma_wait3A_289 = tpu.memref_slice %arg9[%dma_wait3A_288] : memref<32768xf32, #tpu.memory_space<vmem>> -> memref<2048xf32, #tpu.memory_space<vmem>>
    tpu.wait_dma2 semaphore(%arg13 : memref<!tpu.dma_semaphore, #tpu.memory_space<semaphore_mem>>) src(%dma_wait3A_289 : memref<2048xf32, #tpu.memory_space<vmem>>) dst(%dma_wait3A_287 : memref<2048xf32, #tpu.memory_space<hbm>>)
    %dma_wait3A_290 = arith.constant 4096 : i32
    %dma_wait3A_291 = tpu.memref_slice %arg9[%dma_wait3A_290] : memref<32768xf32, #tpu.memory_space<vmem>> -> memref<2048xf32, #tpu.memory_space<vmem>>
    %dma_wait3A_292 = tpu.memref_slice %arg7[%add3A_40] : memref<3145728xf32, #tpu.memory_space<hbm>> -> memref<2048xf32, #tpu.memory_space<hbm>>
    %dma_wait3A_293 = tpu.memref_slice %arg7[%add3A_40] : memref<3145728xf32, #tpu.memory_space<hbm>> -> memref<2048xf32, #tpu.memory_space<hbm>>
    %dma_wait3A_294 = arith.constant 4096 : i32
    %dma_wait3A_295 = tpu.memref_slice %arg9[%dma_wait3A_294] : memref<32768xf32, #tpu.memory_space<vmem>> -> memref<2048xf32, #tpu.memory_space<vmem>>
    tpu.wait_dma2 semaphore(%arg13 : memref<!tpu.dma_semaphore, #tpu.memory_space<semaphore_mem>>) src(%dma_wait3A_295 : memref<2048xf32, #tpu.memory_space<vmem>>) dst(%dma_wait3A_293 : memref<2048xf32, #tpu.memory_space<hbm>>)
    %dma_wait3A_296 = arith.constant 6144 : i32
    %dma_wait3A_297 = tpu.memref_slice %arg9[%dma_wait3A_296] : memref<32768xf32, #tpu.memory_space<vmem>> -> memref<2048xf32, #tpu.memory_space<vmem>>
    %dma_wait3A_298 = tpu.memref_slice %arg7[%add3A_51] : memref<3145728xf32, #tpu.memory_space<hbm>> -> memref<2048xf32, #tpu.memory_space<hbm>>
    %dma_wait3A_299 = tpu.memref_slice %arg7[%add3A_51] : memref<3145728xf32, #tpu.memory_space<hbm>> -> memref<2048xf32, #tpu.memory_space<hbm>>
    %dma_wait3A_300 = arith.constant 6144 : i32
    %dma_wait3A_301 = tpu.memref_slice %arg9[%dma_wait3A_300] : memref<32768xf32, #tpu.memory_space<vmem>> -> memref<2048xf32, #tpu.memory_space<vmem>>
    tpu.wait_dma2 semaphore(%arg13 : memref<!tpu.dma_semaphore, #tpu.memory_space<semaphore_mem>>) src(%dma_wait3A_301 : memref<2048xf32, #tpu.memory_space<vmem>>) dst(%dma_wait3A_299 : memref<2048xf32, #tpu.memory_space<hbm>>)
    %dma_wait3A_302 = arith.constant 8192 : i32
    %dma_wait3A_303 = tpu.memref_slice %arg9[%dma_wait3A_302] : memref<32768xf32, #tpu.memory_space<vmem>> -> memref<2048xf32, #tpu.memory_space<vmem>>
    %dma_wait3A_304 = tpu.memref_slice %arg7[%add3A_62] : memref<3145728xf32, #tpu.memory_space<hbm>> -> memref<2048xf32, #tpu.memory_space<hbm>>
    %dma_wait3A_305 = tpu.memref_slice %arg7[%add3A_62] : memref<3145728xf32, #tpu.memory_space<hbm>> -> memref<2048xf32, #tpu.memory_space<hbm>>
    %dma_wait3A_306 = arith.constant 8192 : i32
    %dma_wait3A_307 = tpu.memref_slice %arg9[%dma_wait3A_306] : memref<32768xf32, #tpu.memory_space<vmem>> -> memref<2048xf32, #tpu.memory_space<vmem>>
    tpu.wait_dma2 semaphore(%arg13 : memref<!tpu.dma_semaphore, #tpu.memory_space<semaphore_mem>>) src(%dma_wait3A_307 : memref<2048xf32, #tpu.memory_space<vmem>>) dst(%dma_wait3A_305 : memref<2048xf32, #tpu.memory_space<hbm>>)
    %dma_wait3A_308 = arith.constant 10240 : i32
    %dma_wait3A_309 = tpu.memref_slice %arg9[%dma_wait3A_308] : memref<32768xf32, #tpu.memory_space<vmem>> -> memref<2048xf32, #tpu.memory_space<vmem>>
    %dma_wait3A_310 = tpu.memref_slice %arg7[%add3A_73] : memref<3145728xf32, #tpu.memory_space<hbm>> -> memref<2048xf32, #tpu.memory_space<hbm>>
    %dma_wait3A_311 = tpu.memref_slice %arg7[%add3A_73] : memref<3145728xf32, #tpu.memory_space<hbm>> -> memref<2048xf32, #tpu.memory_space<hbm>>
    %dma_wait3A_312 = arith.constant 10240 : i32
    %dma_wait3A_313 = tpu.memref_slice %arg9[%dma_wait3A_312] : memref<32768xf32, #tpu.memory_space<vmem>> -> memref<2048xf32, #tpu.memory_space<vmem>>
    tpu.wait_dma2 semaphore(%arg13 : memref<!tpu.dma_semaphore, #tpu.memory_space<semaphore_mem>>) src(%dma_wait3A_313 : memref<2048xf32, #tpu.memory_space<vmem>>) dst(%dma_wait3A_311 : memref<2048xf32, #tpu.memory_space<hbm>>)
    %dma_wait3A_314 = arith.constant 12288 : i32
    %dma_wait3A_315 = tpu.memref_slice %arg9[%dma_wait3A_314] : memref<32768xf32, #tpu.memory_space<vmem>> -> memref<2048xf32, #tpu.memory_space<vmem>>
    %dma_wait3A_316 = tpu.memref_slice %arg7[%add3A_84] : memref<3145728xf32, #tpu.memory_space<hbm>> -> memref<2048xf32, #tpu.memory_space<hbm>>
    %dma_wait3A_317 = tpu.memref_slice %arg7[%add3A_84] : memref<3145728xf32, #tpu.memory_space<hbm>> -> memref<2048xf32, #tpu.memory_space<hbm>>
    %dma_wait3A_318 = arith.constant 12288 : i32
    %dma_wait3A_319 = tpu.memref_slice %arg9[%dma_wait3A_318] : memref<32768xf32, #tpu.memory_space<vmem>> -> memref<2048xf32, #tpu.memory_space<vmem>>
    tpu.wait_dma2 semaphore(%arg13 : memref<!tpu.dma_semaphore, #tpu.memory_space<semaphore_mem>>) src(%dma_wait3A_319 : memref<2048xf32, #tpu.memory_space<vmem>>) dst(%dma_wait3A_317 : memref<2048xf32, #tpu.memory_space<hbm>>)
    %dma_wait3A_320 = arith.constant 14336 : i32
    %dma_wait3A_321 = tpu.memref_slice %arg9[%dma_wait3A_320] : memref<32768xf32, #tpu.memory_space<vmem>> -> memref<2048xf32, #tpu.memory_space<vmem>>
    %dma_wait3A_322 = tpu.memref_slice %arg7[%add3A_95] : memref<3145728xf32, #tpu.memory_space<hbm>> -> memref<2048xf32, #tpu.memory_space<hbm>>
    %dma_wait3A_323 = tpu.memref_slice %arg7[%add3A_95] : memref<3145728xf32, #tpu.memory_space<hbm>> -> memref<2048xf32, #tpu.memory_space<hbm>>
    %dma_wait3A_324 = arith.constant 14336 : i32
    %dma_wait3A_325 = tpu.memref_slice %arg9[%dma_wait3A_324] : memref<32768xf32, #tpu.memory_space<vmem>> -> memref<2048xf32, #tpu.memory_space<vmem>>
    tpu.wait_dma2 semaphore(%arg13 : memref<!tpu.dma_semaphore, #tpu.memory_space<semaphore_mem>>) src(%dma_wait3A_325 : memref<2048xf32, #tpu.memory_space<vmem>>) dst(%dma_wait3A_323 : memref<2048xf32, #tpu.memory_space<hbm>>)
    %dma_wait3A_326 = arith.constant 16384 : i32
    %dma_wait3A_327 = tpu.memref_slice %arg9[%dma_wait3A_326] : memref<32768xf32, #tpu.memory_space<vmem>> -> memref<2048xf32, #tpu.memory_space<vmem>>
    %dma_wait3A_328 = tpu.memref_slice %arg7[%add3A_106] : memref<3145728xf32, #tpu.memory_space<hbm>> -> memref<2048xf32, #tpu.memory_space<hbm>>
    %dma_wait3A_329 = tpu.memref_slice %arg7[%add3A_106] : memref<3145728xf32, #tpu.memory_space<hbm>> -> memref<2048xf32, #tpu.memory_space<hbm>>
    %dma_wait3A_330 = arith.constant 16384 : i32
    %dma_wait3A_331 = tpu.memref_slice %arg9[%dma_wait3A_330] : memref<32768xf32, #tpu.memory_space<vmem>> -> memref<2048xf32, #tpu.memory_space<vmem>>
    tpu.wait_dma2 semaphore(%arg13 : memref<!tpu.dma_semaphore, #tpu.memory_space<semaphore_mem>>) src(%dma_wait3A_331 : memref<2048xf32, #tpu.memory_space<vmem>>) dst(%dma_wait3A_329 : memref<2048xf32, #tpu.memory_space<hbm>>)
    %dma_wait3A_332 = arith.constant 18432 : i32
    %dma_wait3A_333 = tpu.memref_slice %arg9[%dma_wait3A_332] : memref<32768xf32, #tpu.memory_space<vmem>> -> memref<2048xf32, #tpu.memory_space<vmem>>
    %dma_wait3A_334 = tpu.memref_slice %arg7[%add3A_117] : memref<3145728xf32, #tpu.memory_space<hbm>> -> memref<2048xf32, #tpu.memory_space<hbm>>
    %dma_wait3A_335 = tpu.memref_slice %arg7[%add3A_117] : memref<3145728xf32, #tpu.memory_space<hbm>> -> memref<2048xf32, #tpu.memory_space<hbm>>
    %dma_wait3A_336 = arith.constant 18432 : i32
    %dma_wait3A_337 = tpu.memref_slice %arg9[%dma_wait3A_336] : memref<32768xf32, #tpu.memory_space<vmem>> -> memref<2048xf32, #tpu.memory_space<vmem>>
    tpu.wait_dma2 semaphore(%arg13 : memref<!tpu.dma_semaphore, #tpu.memory_space<semaphore_mem>>) src(%dma_wait3A_337 : memref<2048xf32, #tpu.memory_space<vmem>>) dst(%dma_wait3A_335 : memref<2048xf32, #tpu.memory_space<hbm>>)
    %dma_wait3A_338 = arith.constant 20480 : i32
    %dma_wait3A_339 = tpu.memref_slice %arg9[%dma_wait3A_338] : memref<32768xf32, #tpu.memory_space<vmem>> -> memref<2048xf32, #tpu.memory_space<vmem>>
    %dma_wait3A_340 = tpu.memref_slice %arg7[%add3A_128] : memref<3145728xf32, #tpu.memory_space<hbm>> -> memref<2048xf32, #tpu.memory_space<hbm>>
    %dma_wait3A_341 = tpu.memref_slice %arg7[%add3A_128] : memref<3145728xf32, #tpu.memory_space<hbm>> -> memref<2048xf32, #tpu.memory_space<hbm>>
    %dma_wait3A_342 = arith.constant 20480 : i32
    %dma_wait3A_343 = tpu.memref_slice %arg9[%dma_wait3A_342] : memref<32768xf32, #tpu.memory_space<vmem>> -> memref<2048xf32, #tpu.memory_space<vmem>>
    tpu.wait_dma2 semaphore(%arg13 : memref<!tpu.dma_semaphore, #tpu.memory_space<semaphore_mem>>) src(%dma_wait3A_343 : memref<2048xf32, #tpu.memory_space<vmem>>) dst(%dma_wait3A_341 : memref<2048xf32, #tpu.memory_space<hbm>>)
    %dma_wait3A_344 = arith.constant 22528 : i32
    %dma_wait3A_345 = tpu.memref_slice %arg9[%dma_wait3A_344] : memref<32768xf32, #tpu.memory_space<vmem>> -> memref<2048xf32, #tpu.memory_space<vmem>>
    %dma_wait3A_346 = tpu.memref_slice %arg7[%add3A_139] : memref<3145728xf32, #tpu.memory_space<hbm>> -> memref<2048xf32, #tpu.memory_space<hbm>>
    %dma_wait3A_347 = tpu.memref_slice %arg7[%add3A_139] : memref<3145728xf32, #tpu.memory_space<hbm>> -> memref<2048xf32, #tpu.memory_space<hbm>>
    %dma_wait3A_348 = arith.constant 22528 : i32
    %dma_wait3A_349 = tpu.memref_slice %arg9[%dma_wait3A_348] : memref<32768xf32, #tpu.memory_space<vmem>> -> memref<2048xf32, #tpu.memory_space<vmem>>
    tpu.wait_dma2 semaphore(%arg13 : memref<!tpu.dma_semaphore, #tpu.memory_space<semaphore_mem>>) src(%dma_wait3A_349 : memref<2048xf32, #tpu.memory_space<vmem>>) dst(%dma_wait3A_347 : memref<2048xf32, #tpu.memory_space<hbm>>)
    %dma_wait3A_350 = arith.constant 24576 : i32
    %dma_wait3A_351 = tpu.memref_slice %arg9[%dma_wait3A_350] : memref<32768xf32, #tpu.memory_space<vmem>> -> memref<2048xf32, #tpu.memory_space<vmem>>
    %dma_wait3A_352 = tpu.memref_slice %arg7[%add3A_150] : memref<3145728xf32, #tpu.memory_space<hbm>> -> memref<2048xf32, #tpu.memory_space<hbm>>
    %dma_wait3A_353 = tpu.memref_slice %arg7[%add3A_150] : memref<3145728xf32, #tpu.memory_space<hbm>> -> memref<2048xf32, #tpu.memory_space<hbm>>
    %dma_wait3A_354 = arith.constant 24576 : i32
    %dma_wait3A_355 = tpu.memref_slice %arg9[%dma_wait3A_354] : memref<32768xf32, #tpu.memory_space<vmem>> -> memref<2048xf32, #tpu.memory_space<vmem>>
    tpu.wait_dma2 semaphore(%arg13 : memref<!tpu.dma_semaphore, #tpu.memory_space<semaphore_mem>>) src(%dma_wait3A_355 : memref<2048xf32, #tpu.memory_space<vmem>>) dst(%dma_wait3A_353 : memref<2048xf32, #tpu.memory_space<hbm>>)
    %dma_wait3A_356 = arith.constant 26624 : i32
    %dma_wait3A_357 = tpu.memref_slice %arg9[%dma_wait3A_356] : memref<32768xf32, #tpu.memory_space<vmem>> -> memref<2048xf32, #tpu.memory_space<vmem>>
    %dma_wait3A_358 = tpu.memref_slice %arg7[%add3A_161] : memref<3145728xf32, #tpu.memory_space<hbm>> -> memref<2048xf32, #tpu.memory_space<hbm>>
    %dma_wait3A_359 = tpu.memref_slice %arg7[%add3A_161] : memref<3145728xf32, #tpu.memory_space<hbm>> -> memref<2048xf32, #tpu.memory_space<hbm>>
    %dma_wait3A_360 = arith.constant 26624 : i32
    %dma_wait3A_361 = tpu.memref_slice %arg9[%dma_wait3A_360] : memref<32768xf32, #tpu.memory_space<vmem>> -> memref<2048xf32, #tpu.memory_space<vmem>>
    tpu.wait_dma2 semaphore(%arg13 : memref<!tpu.dma_semaphore, #tpu.memory_space<semaphore_mem>>) src(%dma_wait3A_361 : memref<2048xf32, #tpu.memory_space<vmem>>) dst(%dma_wait3A_359 : memref<2048xf32, #tpu.memory_space<hbm>>)
    %dma_wait3A_362 = arith.constant 28672 : i32
    %dma_wait3A_363 = tpu.memref_slice %arg9[%dma_wait3A_362] : memref<32768xf32, #tpu.memory_space<vmem>> -> memref<2048xf32, #tpu.memory_space<vmem>>
    %dma_wait3A_364 = tpu.memref_slice %arg7[%add3A_172] : memref<3145728xf32, #tpu.memory_space<hbm>> -> memref<2048xf32, #tpu.memory_space<hbm>>
    %dma_wait3A_365 = tpu.memref_slice %arg7[%add3A_172] : memref<3145728xf32, #tpu.memory_space<hbm>> -> memref<2048xf32, #tpu.memory_space<hbm>>
    %dma_wait3A_366 = arith.constant 28672 : i32
    %dma_wait3A_367 = tpu.memref_slice %arg9[%dma_wait3A_366] : memref<32768xf32, #tpu.memory_space<vmem>> -> memref<2048xf32, #tpu.memory_space<vmem>>
    tpu.wait_dma2 semaphore(%arg13 : memref<!tpu.dma_semaphore, #tpu.memory_space<semaphore_mem>>) src(%dma_wait3A_367 : memref<2048xf32, #tpu.memory_space<vmem>>) dst(%dma_wait3A_365 : memref<2048xf32, #tpu.memory_space<hbm>>)
    %dma_wait3A_368 = arith.constant 30720 : i32
    %dma_wait3A_369 = tpu.memref_slice %arg9[%dma_wait3A_368] : memref<32768xf32, #tpu.memory_space<vmem>> -> memref<2048xf32, #tpu.memory_space<vmem>>
    %dma_wait3A_370 = tpu.memref_slice %arg7[%add3A_183] : memref<3145728xf32, #tpu.memory_space<hbm>> -> memref<2048xf32, #tpu.memory_space<hbm>>
    %dma_wait3A_371 = tpu.memref_slice %arg7[%add3A_183] : memref<3145728xf32, #tpu.memory_space<hbm>> -> memref<2048xf32, #tpu.memory_space<hbm>>
    %dma_wait3A_372 = arith.constant 30720 : i32
    %dma_wait3A_373 = tpu.memref_slice %arg9[%dma_wait3A_372] : memref<32768xf32, #tpu.memory_space<vmem>> -> memref<2048xf32, #tpu.memory_space<vmem>>
    tpu.wait_dma2 semaphore(%arg13 : memref<!tpu.dma_semaphore, #tpu.memory_space<semaphore_mem>>) src(%dma_wait3A_373 : memref<2048xf32, #tpu.memory_space<vmem>>) dst(%dma_wait3A_371 : memref<2048xf32, #tpu.memory_space<hbm>>)
    %add3A_374 = arith.constant 2048 : i32
    %add3A_375 = arith.addi %mul3A_0, %add3A_374 : i32
    %scan3A_376 = arith.constant 0 : i32
    %scan3A_377 = arith.constant 0 : i32
    %scan3A_378 = arith.constant 8 : i32
    %scan3A_379 = arith.addi %scan3A_377, %scan3A_378 : i32
    %scan3A_380 = arith.constant 1 : i32
    %scan3A_381 = scf.for %scan3A_942 = %scan3A_377 to %scan3A_379 step %scan3A_380 iter_args(%scan3A_943 = %scan3A_376) -> (i32)  : i32 {
      %sub3A = arith.constant 7 : i32
      %sub3A_944 = arith.subi %sub3A, %scan3A_942 : i32
      %mul3A_945 = arith.constant 8 : i32
      %mul3A_946 = arith.muli %arg0, %mul3A_945 : i32
      %add3A_947 = arith.addi %mul3A_946, %sub3A_944 : i32
      %mul3A_948 = arith.constant 66568 : i32
      %mul3A_949 = arith.muli %add3A_947, %mul3A_948 : i32
      %dma_start3A_950 = tpu.memref_slice %arg5[%mul3A_949] : memref<1065088xi32, #tpu.memory_space<hbm>> -> memref<66564xi32, #tpu.memory_space<hbm>>
      %dma_start3A_951 = tpu.memref_slice %arg5[%mul3A_949] : memref<1065088xi32, #tpu.memory_space<hbm>> -> memref<66564xi32, #tpu.memory_space<hbm>>
      tpu.enqueue_dma source(%dma_start3A_951 : memref<66564xi32, #tpu.memory_space<hbm>>) target(%arg8 : memref<66564xi32, #tpu.memory_space<vmem>>) target_semaphore(%arg12 : memref<!tpu.dma_semaphore, #tpu.memory_space<semaphore_mem>>)
      %mul3A_952 = arith.constant 8 : i32
      %mul3A_953 = arith.muli %arg0, %mul3A_952 : i32
      %add3A_954 = arith.addi %mul3A_953, %sub3A_944 : i32
      %mul3A_955 = arith.constant 2 : i32
      %mul3A_956 = arith.muli %add3A_954, %mul3A_955 : i32
      %mul3A_957 = arith.constant 65536 : i32
      %mul3A_958 = arith.muli %mul3A_956, %mul3A_957 : i32
      %add3A_959 = arith.addi %mul3A_958, %add3A_375 : i32
      "tpu.region"() ({
        %run_scoped3A = tpu.sem_alloc : memref<!tpu.dma_semaphore, #tpu.memory_space<semaphore_mem>>
        %dma_start3A_1008 = arith.constant 0 : i32
        %dma_start3A_1009 = tpu.memref_slice %arg10[%dma_start3A_1008] : memref<8192xf32, #tpu.memory_space<vmem>> -> memref<2048xf32, #tpu.memory_space<vmem>>
        %dma_start3A_1010 = tpu.memref_slice %arg3[%add3A_959] : memref<2097152xf32, #tpu.memory_space<hbm>> -> memref<2048xf32, #tpu.memory_space<hbm>>
        %dma_start3A_1011 = arith.constant 0 : i32
        %dma_start3A_1012 = tpu.memref_slice %arg10[%dma_start3A_1011] : memref<8192xf32, #tpu.memory_space<vmem>> -> memref<2048xf32, #tpu.memory_space<vmem>>
        %dma_start3A_1013 = tpu.memref_slice %arg3[%add3A_959] : memref<2097152xf32, #tpu.memory_space<hbm>> -> memref<2048xf32, #tpu.memory_space<hbm>>
        tpu.enqueue_dma source(%dma_start3A_1013 : memref<2048xf32, #tpu.memory_space<hbm>>) target(%dma_start3A_1012 : memref<2048xf32, #tpu.memory_space<vmem>>) target_semaphore(%run_scoped3A : memref<!tpu.dma_semaphore, #tpu.memory_space<semaphore_mem>>)
        %dma_wait3A_1014 = arith.constant 0 : i32
        %dma_wait3A_1015 = tpu.memref_slice %arg10[%dma_wait3A_1014] : memref<8192xf32, #tpu.memory_space<vmem>> -> memref<2048xf32, #tpu.memory_space<vmem>>
        %dma_wait3A_1016 = tpu.memref_slice %arg3[%add3A_959] : memref<2097152xf32, #tpu.memory_space<hbm>> -> memref<2048xf32, #tpu.memory_space<hbm>>
        %dma_wait3A_1017 = arith.constant 0 : i32
        %dma_wait3A_1018 = tpu.memref_slice %arg10[%dma_wait3A_1017] : memref<8192xf32, #tpu.memory_space<vmem>> -> memref<2048xf32, #tpu.memory_space<vmem>>
        %dma_wait3A_1019 = tpu.memref_slice %arg3[%add3A_959] : memref<2097152xf32, #tpu.memory_space<hbm>> -> memref<2048xf32, #tpu.memory_space<hbm>>
        tpu.wait_dma2 semaphore(%run_scoped3A : memref<!tpu.dma_semaphore, #tpu.memory_space<semaphore_mem>>) src(%dma_wait3A_1019 : memref<2048xf32, #tpu.memory_space<hbm>>) dst(%dma_wait3A_1018 : memref<2048xf32, #tpu.memory_space<vmem>>)
        tpu.yield
      }) : () -> ()
      %add3A_960 = arith.constant 65536 : i32
      %add3A_961 = arith.addi %add3A_959, %add3A_960 : i32
      "tpu.region"() ({
        %run_scoped3A = tpu.sem_alloc : memref<!tpu.dma_semaphore, #tpu.memory_space<semaphore_mem>>
        %dma_start3A_1008 = arith.constant 2048 : i32
        %dma_start3A_1009 = tpu.memref_slice %arg10[%dma_start3A_1008] : memref<8192xf32, #tpu.memory_space<vmem>> -> memref<2048xf32, #tpu.memory_space<vmem>>
        %dma_start3A_1010 = tpu.memref_slice %arg3[%add3A_961] : memref<2097152xf32, #tpu.memory_space<hbm>> -> memref<2048xf32, #tpu.memory_space<hbm>>
        %dma_start3A_1011 = arith.constant 2048 : i32
        %dma_start3A_1012 = tpu.memref_slice %arg10[%dma_start3A_1011] : memref<8192xf32, #tpu.memory_space<vmem>> -> memref<2048xf32, #tpu.memory_space<vmem>>
        %dma_start3A_1013 = tpu.memref_slice %arg3[%add3A_961] : memref<2097152xf32, #tpu.memory_space<hbm>> -> memref<2048xf32, #tpu.memory_space<hbm>>
        tpu.enqueue_dma source(%dma_start3A_1013 : memref<2048xf32, #tpu.memory_space<hbm>>) target(%dma_start3A_1012 : memref<2048xf32, #tpu.memory_space<vmem>>) target_semaphore(%run_scoped3A : memref<!tpu.dma_semaphore, #tpu.memory_space<semaphore_mem>>)
        %dma_wait3A_1014 = arith.constant 2048 : i32
        %dma_wait3A_1015 = tpu.memref_slice %arg10[%dma_wait3A_1014] : memref<8192xf32, #tpu.memory_space<vmem>> -> memref<2048xf32, #tpu.memory_space<vmem>>
        %dma_wait3A_1016 = tpu.memref_slice %arg3[%add3A_961] : memref<2097152xf32, #tpu.memory_space<hbm>> -> memref<2048xf32, #tpu.memory_space<hbm>>
        %dma_wait3A_1017 = arith.constant 2048 : i32
        %dma_wait3A_1018 = tpu.memref_slice %arg10[%dma_wait3A_1017] : memref<8192xf32, #tpu.memory_space<vmem>> -> memref<2048xf32, #tpu.memory_space<vmem>>
        %dma_wait3A_1019 = tpu.memref_slice %arg3[%add3A_961] : memref<2097152xf32, #tpu.memory_space<hbm>> -> memref<2048xf32, #tpu.memory_space<hbm>>
        tpu.wait_dma2 semaphore(%run_scoped3A : memref<!tpu.dma_semaphore, #tpu.memory_space<semaphore_mem>>) src(%dma_wait3A_1019 : memref<2048xf32, #tpu.memory_space<hbm>>) dst(%dma_wait3A_1018 : memref<2048xf32, #tpu.memory_space<vmem>>)
        tpu.yield
      }) : () -> ()
      %mul3A_962 = arith.constant 8 : i32
      %mul3A_963 = arith.muli %arg0, %mul3A_962 : i32
      %add3A_964 = arith.addi %mul3A_963, %sub3A_944 : i32
      %mul3A_965 = arith.constant 3 : i32
      %mul3A_966 = arith.muli %add3A_964, %mul3A_965 : i32
      %add3A_967 = arith.constant 0 : i32
      %add3A_968 = arith.addi %mul3A_966, %add3A_967 : i32
      %mul3A_969 = arith.constant 65536 : i32
      %mul3A_970 = arith.muli %add3A_968, %mul3A_969 : i32
      %add3A_971 = arith.addi %mul3A_970, %add3A_375 : i32
      %add3A_972 = arith.constant 0 : i32
      %add3A_973 = arith.addi %add3A_972, %sub3A_944 : i32
      %mul3A_974 = arith.constant 2048 : i32
      %mul3A_975 = arith.muli %add3A_973, %mul3A_974 : i32
      "tpu.region"() ({
        %run_scoped3A = tpu.sem_alloc : memref<!tpu.dma_semaphore, #tpu.memory_space<semaphore_mem>>
        %dma_start3A_1008 = tpu.memref_slice %arg9[%mul3A_975] : memref<32768xf32, #tpu.memory_space<vmem>> -> memref<2048xf32, #tpu.memory_space<vmem>>
        %dma_start3A_1009 = tpu.memref_slice %arg4[%add3A_971] : memref<3145728xf32, #tpu.memory_space<hbm>> -> memref<2048xf32, #tpu.memory_space<hbm>>
        %dma_start3A_1010 = tpu.memref_slice %arg9[%mul3A_975] : memref<32768xf32, #tpu.memory_space<vmem>> -> memref<2048xf32, #tpu.memory_space<vmem>>
        %dma_start3A_1011 = tpu.memref_slice %arg4[%add3A_971] : memref<3145728xf32, #tpu.memory_space<hbm>> -> memref<2048xf32, #tpu.memory_space<hbm>>
        tpu.enqueue_dma source(%dma_start3A_1011 : memref<2048xf32, #tpu.memory_space<hbm>>) target(%dma_start3A_1010 : memref<2048xf32, #tpu.memory_space<vmem>>) target_semaphore(%run_scoped3A : memref<!tpu.dma_semaphore, #tpu.memory_space<semaphore_mem>>)
        %dma_wait3A_1012 = tpu.memref_slice %arg9[%mul3A_975] : memref<32768xf32, #tpu.memory_space<vmem>> -> memref<2048xf32, #tpu.memory_space<vmem>>
        %dma_wait3A_1013 = tpu.memref_slice %arg4[%add3A_971] : memref<3145728xf32, #tpu.memory_space<hbm>> -> memref<2048xf32, #tpu.memory_space<hbm>>
        %dma_wait3A_1014 = tpu.memref_slice %arg9[%mul3A_975] : memref<32768xf32, #tpu.memory_space<vmem>> -> memref<2048xf32, #tpu.memory_space<vmem>>
        %dma_wait3A_1015 = tpu.memref_slice %arg4[%add3A_971] : memref<3145728xf32, #tpu.memory_space<hbm>> -> memref<2048xf32, #tpu.memory_space<hbm>>
        tpu.wait_dma2 semaphore(%run_scoped3A : memref<!tpu.dma_semaphore, #tpu.memory_space<semaphore_mem>>) src(%dma_wait3A_1015 : memref<2048xf32, #tpu.memory_space<hbm>>) dst(%dma_wait3A_1014 : memref<2048xf32, #tpu.memory_space<vmem>>)
        tpu.yield
      }) : () -> ()
      %mul3A_976 = arith.constant 8 : i32
      %mul3A_977 = arith.muli %arg0, %mul3A_976 : i32
      %add3A_978 = arith.addi %mul3A_977, %sub3A_944 : i32
      %mul3A_979 = arith.constant 3 : i32
      %mul3A_980 = arith.muli %add3A_978, %mul3A_979 : i32
      %add3A_981 = arith.constant 1 : i32
      %add3A_982 = arith.addi %mul3A_980, %add3A_981 : i32
      %mul3A_983 = arith.constant 65536 : i32
      %mul3A_984 = arith.muli %add3A_982, %mul3A_983 : i32
      %add3A_985 = arith.addi %mul3A_984, %add3A_375 : i32
      %add3A_986 = arith.constant 8 : i32
      %add3A_987 = arith.addi %add3A_986, %sub3A_944 : i32
      %mul3A_988 = arith.constant 2048 : i32
      %mul3A_989 = arith.muli %add3A_987, %mul3A_988 : i32
      "tpu.region"() ({
        %run_scoped3A = tpu.sem_alloc : memref<!tpu.dma_semaphore, #tpu.memory_space<semaphore_mem>>
        %dma_start3A_1008 = tpu.memref_slice %arg9[%mul3A_989] : memref<32768xf32, #tpu.memory_space<vmem>> -> memref<2048xf32, #tpu.memory_space<vmem>>
        %dma_start3A_1009 = tpu.memref_slice %arg4[%add3A_985] : memref<3145728xf32, #tpu.memory_space<hbm>> -> memref<2048xf32, #tpu.memory_space<hbm>>
        %dma_start3A_1010 = tpu.memref_slice %arg9[%mul3A_989] : memref<32768xf32, #tpu.memory_space<vmem>> -> memref<2048xf32, #tpu.memory_space<vmem>>
        %dma_start3A_1011 = tpu.memref_slice %arg4[%add3A_985] : memref<3145728xf32, #tpu.memory_space<hbm>> -> memref<2048xf32, #tpu.memory_space<hbm>>
        tpu.enqueue_dma source(%dma_start3A_1011 : memref<2048xf32, #tpu.memory_space<hbm>>) target(%dma_start3A_1010 : memref<2048xf32, #tpu.memory_space<vmem>>) target_semaphore(%run_scoped3A : memref<!tpu.dma_semaphore, #tpu.memory_space<semaphore_mem>>)
        %dma_wait3A_1012 = tpu.memref_slice %arg9[%mul3A_989] : memref<32768xf32, #tpu.memory_space<vmem>> -> memref<2048xf32, #tpu.memory_space<vmem>>
        %dma_wait3A_1013 = tpu.memref_slice %arg4[%add3A_985] : memref<3145728xf32, #tpu.memory_space<hbm>> -> memref<2048xf32, #tpu.memory_space<hbm>>
        %dma_wait3A_1014 = tpu.memref_slice %arg9[%mul3A_989] : memref<32768xf32, #tpu.memory_space<vmem>> -> memref<2048xf32, #tpu.memory_space<vmem>>
        %dma_wait3A_1015 = tpu.memref_slice %arg4[%add3A_985] : memref<3145728xf32, #tpu.memory_space<hbm>> -> memref<2048xf32, #tpu.memory_space<hbm>>
        tpu.wait_dma2 semaphore(%run_scoped3A : memref<!tpu.dma_semaphore, #tpu.memory_space<semaphore_mem>>) src(%dma_wait3A_1015 : memref<2048xf32, #tpu.memory_space<hbm>>) dst(%dma_wait3A_1014 : memref<2048xf32, #tpu.memory_space<vmem>>)
        tpu.yield
      }) : () -> ()
      %lt3A = arith.constant 7 : i32
      %lt3A_990 = arith.cmpi slt, %sub3A_944, %lt3A : i32
      %convert_element_type3A = arith.extui %lt3A_990 : i1 to i32
      %cond3A = arith.constant 0 : i32
      %cond3A_991 = arith.cmpi ne, %convert_element_type3A, %cond3A : i32
      scf.if %cond3A_991 {
        %add3A_1008 = arith.constant 1 : i32
        %add3A_1009 = arith.addi %sub3A_944, %add3A_1008 : i32
        %mul3A_1010 = arith.constant 8 : i32
        %mul3A_1011 = arith.muli %arg0, %mul3A_1010 : i32
        %add3A_1012 = arith.addi %mul3A_1011, %add3A_1009 : i32
        %mul3A_1013 = arith.constant 2 : i32
        %mul3A_1014 = arith.muli %add3A_1012, %mul3A_1013 : i32
        %mul3A_1015 = arith.constant 65536 : i32
        %mul3A_1016 = arith.muli %mul3A_1014, %mul3A_1015 : i32
        %add3A_1017 = arith.addi %mul3A_1016, %add3A_375 : i32
        %dma_start3A_1018 = arith.constant 0 : i32
        %dma_start3A_1019 = tpu.memref_slice %arg11[%dma_start3A_1018] : memref<16384xf32, #tpu.memory_space<vmem>> -> memref<2048xf32, #tpu.memory_space<vmem>>
        %dma_start3A_1020 = tpu.memref_slice %arg2[%add3A_1017] : memref<2097152xf32, #tpu.memory_space<hbm>> -> memref<2048xf32, #tpu.memory_space<hbm>>
        %dma_start3A_1021 = arith.constant 0 : i32
        %dma_start3A_1022 = tpu.memref_slice %arg11[%dma_start3A_1021] : memref<16384xf32, #tpu.memory_space<vmem>> -> memref<2048xf32, #tpu.memory_space<vmem>>
        %dma_start3A_1023 = tpu.memref_slice %arg2[%add3A_1017] : memref<2097152xf32, #tpu.memory_space<hbm>> -> memref<2048xf32, #tpu.memory_space<hbm>>
        tpu.enqueue_dma source(%dma_start3A_1023 : memref<2048xf32, #tpu.memory_space<hbm>>) target(%dma_start3A_1022 : memref<2048xf32, #tpu.memory_space<vmem>>) target_semaphore(%arg13 : memref<!tpu.dma_semaphore, #tpu.memory_space<semaphore_mem>>)
        %add3A_1024 = arith.constant 65536 : i32
        %add3A_1025 = arith.addi %add3A_1017, %add3A_1024 : i32
        %dma_start3A_1026 = arith.constant 2048 : i32
        %dma_start3A_1027 = tpu.memref_slice %arg11[%dma_start3A_1026] : memref<16384xf32, #tpu.memory_space<vmem>> -> memref<2048xf32, #tpu.memory_space<vmem>>
        %dma_start3A_1028 = tpu.memref_slice %arg2[%add3A_1025] : memref<2097152xf32, #tpu.memory_space<hbm>> -> memref<2048xf32, #tpu.memory_space<hbm>>
        %dma_start3A_1029 = arith.constant 2048 : i32
        %dma_start3A_1030 = tpu.memref_slice %arg11[%dma_start3A_1029] : memref<16384xf32, #tpu.memory_space<vmem>> -> memref<2048xf32, #tpu.memory_space<vmem>>
        %dma_start3A_1031 = tpu.memref_slice %arg2[%add3A_1025] : memref<2097152xf32, #tpu.memory_space<hbm>> -> memref<2048xf32, #tpu.memory_space<hbm>>
        tpu.enqueue_dma source(%dma_start3A_1031 : memref<2048xf32, #tpu.memory_space<hbm>>) target(%dma_start3A_1030 : memref<2048xf32, #tpu.memory_space<vmem>>) target_semaphore(%arg13 : memref<!tpu.dma_semaphore, #tpu.memory_space<semaphore_mem>>)
      } else {
      }
      %dma_wait3A_992 = tpu.memref_slice %arg5[%mul3A_949] : memref<1065088xi32, #tpu.memory_space<hbm>> -> memref<66564xi32, #tpu.memory_space<hbm>>
      %dma_wait3A_993 = tpu.memref_slice %arg5[%mul3A_949] : memref<1065088xi32, #tpu.memory_space<hbm>> -> memref<66564xi32, #tpu.memory_space<hbm>>
      tpu.wait_dma2 semaphore(%arg12 : memref<!tpu.dma_semaphore, #tpu.memory_space<semaphore_mem>>) src(%dma_wait3A_993 : memref<66564xi32, #tpu.memory_space<hbm>>) dst(%arg8 : memref<66564xi32, #tpu.memory_space<vmem>>)
      %add3A_994 = arith.constant 1 : i32
      %add3A_995 = arith.addi %sub3A_944, %add3A_994 : i32
      %while3A = arith.constant 8 : i32
      %while3A_996 = arith.constant 0 : i32
      %while3A_997 = arith.subi %while3A, %add3A_995 : i32
      %while3A_998 = arith.addi %add3A_995, %while3A_997 : i32
      %while3A_999 = arith.constant 1 : i32
      %while3A_1000 = arith.divsi %while3A_997, %while3A_999 : i32
      %while3A_1001 = arith.muli %while3A_1000, %while3A_999 : i32
      %while3A_1002 = arith.addi %add3A_995, %while3A_1001 : i32
      %while3A_1003 = arith.constant 1 : i32
      %while3A_1004 = scf.for %while3A_1008 = %add3A_995 to %while3A_1002 step %while3A_1003 iter_args(%while3A_1009 = %while3A_996) -> (i32)  : i32 {
        %sub3A_1010 = arith.subi %while3A_1008, %sub3A_944 : i32
        %sub3A_1011 = arith.constant 1 : i32
        %sub3A_1012 = arith.subi %sub3A_1010, %sub3A_1011 : i32
        %and3A = arith.constant 1 : i32
        %and3A_1013 = arith.andi %sub3A_1012, %and3A : i32
        %mul3A_1014 = arith.constant 4096 : i32
        %mul3A_1015 = arith.muli %and3A_1013, %mul3A_1014 : i32
        %mul3A_1016 = arith.constant 8 : i32
        %mul3A_1017 = arith.muli %arg0, %mul3A_1016 : i32
        %add3A_1018 = arith.addi %mul3A_1017, %while3A_1008 : i32
        %mul3A_1019 = arith.constant 2 : i32
        %mul3A_1020 = arith.muli %add3A_1018, %mul3A_1019 : i32
        %mul3A_1021 = arith.constant 65536 : i32
        %mul3A_1022 = arith.muli %mul3A_1020, %mul3A_1021 : i32
        %add3A_1023 = arith.addi %mul3A_1022, %add3A_375 : i32
        %dma_wait3A_1024 = tpu.memref_slice %arg11[%mul3A_1015] : memref<16384xf32, #tpu.memory_space<vmem>> -> memref<2048xf32, #tpu.memory_space<vmem>>
        %dma_wait3A_1025 = tpu.memref_slice %arg2[%add3A_1023] : memref<2097152xf32, #tpu.memory_space<hbm>> -> memref<2048xf32, #tpu.memory_space<hbm>>
        %dma_wait3A_1026 = tpu.memref_slice %arg11[%mul3A_1015] : memref<16384xf32, #tpu.memory_space<vmem>> -> memref<2048xf32, #tpu.memory_space<vmem>>
        %dma_wait3A_1027 = tpu.memref_slice %arg2[%add3A_1023] : memref<2097152xf32, #tpu.memory_space<hbm>> -> memref<2048xf32, #tpu.memory_space<hbm>>
        tpu.wait_dma2 semaphore(%arg13 : memref<!tpu.dma_semaphore, #tpu.memory_space<semaphore_mem>>) src(%dma_wait3A_1027 : memref<2048xf32, #tpu.memory_space<hbm>>) dst(%dma_wait3A_1026 : memref<2048xf32, #tpu.memory_space<vmem>>)
        %add3A_1028 = arith.constant 65536 : i32
        %add3A_1029 = arith.addi %add3A_1023, %add3A_1028 : i32
        %add3A_1030 = arith.constant 2048 : i32
        %add3A_1031 = arith.addi %mul3A_1015, %add3A_1030 : i32
        %dma_wait3A_1032 = tpu.memref_slice %arg11[%add3A_1031] : memref<16384xf32, #tpu.memory_space<vmem>> -> memref<2048xf32, #tpu.memory_space<vmem>>
        %dma_wait3A_1033 = tpu.memref_slice %arg2[%add3A_1029] : memref<2097152xf32, #tpu.memory_space<hbm>> -> memref<2048xf32, #tpu.memory_space<hbm>>
        %dma_wait3A_1034 = tpu.memref_slice %arg11[%add3A_1031] : memref<16384xf32, #tpu.memory_space<vmem>> -> memref<2048xf32, #tpu.memory_space<vmem>>
        %dma_wait3A_1035 = tpu.memref_slice %arg2[%add3A_1029] : memref<2097152xf32, #tpu.memory_space<hbm>> -> memref<2048xf32, #tpu.memory_space<hbm>>
        tpu.wait_dma2 semaphore(%arg13 : memref<!tpu.dma_semaphore, #tpu.memory_space<semaphore_mem>>) src(%dma_wait3A_1035 : memref<2048xf32, #tpu.memory_space<hbm>>) dst(%dma_wait3A_1034 : memref<2048xf32, #tpu.memory_space<vmem>>)
        %add3A_1036 = arith.constant 1 : i32
        %add3A_1037 = arith.addi %while3A_1008, %add3A_1036 : i32
        %lt3A_1038 = arith.constant 8 : i32
        %lt3A_1039 = arith.cmpi slt, %add3A_1037, %lt3A_1038 : i32
        %convert_element_type3A_1040 = arith.extui %lt3A_1039 : i1 to i32
        %cond3A_1041 = arith.constant 0 : i32
        %cond3A_1042 = arith.cmpi ne, %convert_element_type3A_1040, %cond3A_1041 : i32
        scf.if %cond3A_1042 {
          %add3A_1046 = arith.constant 1 : i32
          %add3A_1047 = arith.addi %while3A_1008, %add3A_1046 : i32
          %sub3A_1048 = arith.constant 4096 : i32
          %sub3A_1049 = arith.subi %sub3A_1048, %mul3A_1015 : i32
          %mul3A_1050 = arith.constant 8 : i32
          %mul3A_1051 = arith.muli %arg0, %mul3A_1050 : i32
          %add3A_1052 = arith.addi %mul3A_1051, %add3A_1047 : i32
          %mul3A_1053 = arith.constant 2 : i32
          %mul3A_1054 = arith.muli %add3A_1052, %mul3A_1053 : i32
          %mul3A_1055 = arith.constant 65536 : i32
          %mul3A_1056 = arith.muli %mul3A_1054, %mul3A_1055 : i32
          %add3A_1057 = arith.addi %mul3A_1056, %add3A_375 : i32
          %dma_start3A_1058 = tpu.memref_slice %arg11[%sub3A_1049] : memref<16384xf32, #tpu.memory_space<vmem>> -> memref<2048xf32, #tpu.memory_space<vmem>>
          %dma_start3A_1059 = tpu.memref_slice %arg2[%add3A_1057] : memref<2097152xf32, #tpu.memory_space<hbm>> -> memref<2048xf32, #tpu.memory_space<hbm>>
          %dma_start3A_1060 = tpu.memref_slice %arg11[%sub3A_1049] : memref<16384xf32, #tpu.memory_space<vmem>> -> memref<2048xf32, #tpu.memory_space<vmem>>
          %dma_start3A_1061 = tpu.memref_slice %arg2[%add3A_1057] : memref<2097152xf32, #tpu.memory_space<hbm>> -> memref<2048xf32, #tpu.memory_space<hbm>>
          tpu.enqueue_dma source(%dma_start3A_1061 : memref<2048xf32, #tpu.memory_space<hbm>>) target(%dma_start3A_1060 : memref<2048xf32, #tpu.memory_space<vmem>>) target_semaphore(%arg13 : memref<!tpu.dma_semaphore, #tpu.memory_space<semaphore_mem>>)
          %add3A_1062 = arith.constant 65536 : i32
          %add3A_1063 = arith.addi %add3A_1057, %add3A_1062 : i32
          %add3A_1064 = arith.constant 2048 : i32
          %add3A_1065 = arith.addi %sub3A_1049, %add3A_1064 : i32
          %dma_start3A_1066 = tpu.memref_slice %arg11[%add3A_1065] : memref<16384xf32, #tpu.memory_space<vmem>> -> memref<2048xf32, #tpu.memory_space<vmem>>
          %dma_start3A_1067 = tpu.memref_slice %arg2[%add3A_1063] : memref<2097152xf32, #tpu.memory_space<hbm>> -> memref<2048xf32, #tpu.memory_space<hbm>>
          %dma_start3A_1068 = tpu.memref_slice %arg11[%add3A_1065] : memref<16384xf32, #tpu.memory_space<vmem>> -> memref<2048xf32, #tpu.memory_space<vmem>>
          %dma_start3A_1069 = tpu.memref_slice %arg2[%add3A_1063] : memref<2097152xf32, #tpu.memory_space<hbm>> -> memref<2048xf32, #tpu.memory_space<hbm>>
          tpu.enqueue_dma source(%dma_start3A_1069 : memref<2048xf32, #tpu.memory_space<hbm>>) target(%dma_start3A_1068 : memref<2048xf32, #tpu.memory_space<vmem>>) target_semaphore(%arg13 : memref<!tpu.dma_semaphore, #tpu.memory_space<semaphore_mem>>)
        } else {
        }
        %parallel_loop3A = arith.constant 0 : i32
        %parallel_loop3A_1043 = arith.constant 128 : i32
        %parallel_loop3A_1044 = arith.constant 1 : i32
        scf.for %parallel_loop3A_1046 = %parallel_loop3A to %parallel_loop3A_1043 step %parallel_loop3A_1044  : i32 {
          %parallel_loop3A_1047 = arith.constant 16 : i32
          %parallel_loop3A_1048 = arith.muli %parallel_loop3A_1046, %parallel_loop3A_1047 : i32
          %parallel_loop3A_1049 = arith.addi %mul3A_1015, %parallel_loop3A_1048 : i32
          %parallel_loop3A_1050 = arith.index_cast %parallel_loop3A_1049 : i32 to index
          %parallel_loop3A_1051 = tpu.vector_load %arg11[%parallel_loop3A_1050] {strides = array<i32>} : memref<16384xf32, #tpu.memory_space<vmem>>, vector<16xf32>,
          %parallel_loop3A_1052 = arith.index_cast %parallel_loop3A_1048 : i32 to index
          %parallel_loop3A_1053 = tpu.vector_load %arg10[%parallel_loop3A_1052] {strides = array<i32>} : memref<8192xf32, #tpu.memory_space<vmem>>, vector<16xf32>,
          %parallel_loop3A_1054 = arith.subf %parallel_loop3A_1051, %parallel_loop3A_1053 : vector<16xf32>
          %parallel_loop3A_1055 = arith.constant 2048 : i32
          %parallel_loop3A_1056 = arith.addi %mul3A_1015, %parallel_loop3A_1055 : i32
          %parallel_loop3A_1057 = arith.addi %parallel_loop3A_1056, %parallel_loop3A_1048 : i32
          %parallel_loop3A_1058 = arith.index_cast %parallel_loop3A_1057 : i32 to index
          %parallel_loop3A_1059 = tpu.vector_load %arg11[%parallel_loop3A_1058] {strides = array<i32>} : memref<16384xf32, #tpu.memory_space<vmem>>, vector<16xf32>,
          %parallel_loop3A_1060 = arith.constant 2048 : i32
          %parallel_loop3A_1061 = arith.addi %parallel_loop3A_1060, %parallel_loop3A_1048 : i32
          %parallel_loop3A_1062 = arith.index_cast %parallel_loop3A_1061 : i32 to index
          %parallel_loop3A_1063 = tpu.vector_load %arg10[%parallel_loop3A_1062] {strides = array<i32>} : memref<8192xf32, #tpu.memory_space<vmem>>, vector<16xf32>,
          %parallel_loop3A_1064 = arith.subf %parallel_loop3A_1059, %parallel_loop3A_1063 : vector<16xf32>
          %parallel_loop3A_1065 = arith.constant 5.000000e-01 : f32
          %parallel_loop3A_1066 = vector.broadcast %parallel_loop3A_1065 : f32 to vector<16xf32>
          %parallel_loop3A_1067 = arith.mulf %parallel_loop3A_1054, %parallel_loop3A_1066 : vector<16xf32>
          %parallel_loop3A_1068 = arith.fptosi %parallel_loop3A_1067 : vector<16xf32> to vector<16xi32>
          %parallel_loop3A_1069 = arith.sitofp %parallel_loop3A_1068 : vector<16xi32> to vector<16xf32>
          %parallel_loop3A_1070 = arith.addf %parallel_loop3A_1069, %parallel_loop3A_1069 : vector<16xf32>
          %parallel_loop3A_1071 = arith.subf %parallel_loop3A_1054, %parallel_loop3A_1070 : vector<16xf32>
          %parallel_loop3A_1072 = arith.constant 1.280000e+02 : f32
          %parallel_loop3A_1073 = vector.broadcast %parallel_loop3A_1072 : f32 to vector<16xf32>
          %parallel_loop3A_1074 = arith.mulf %parallel_loop3A_1071, %parallel_loop3A_1073 : vector<16xf32>
          %parallel_loop3A_1075 = arith.constant 5.000000e-01 : f32
          %parallel_loop3A_1076 = vector.broadcast %parallel_loop3A_1075 : f32 to vector<16xf32>
          %parallel_loop3A_1077 = arith.addf %parallel_loop3A_1074, %parallel_loop3A_1076 : vector<16xf32>
          %parallel_loop3A_1078 = arith.fptosi %parallel_loop3A_1077 : vector<16xf32> to vector<16xi32>
          %parallel_loop3A_1079 = arith.sitofp %parallel_loop3A_1078 : vector<16xi32> to vector<16xf32>
          %parallel_loop3A_1080 = arith.subf %parallel_loop3A_1077, %parallel_loop3A_1079 : vector<16xf32>
          %parallel_loop3A_1081 = arith.constant 5.000000e-01 : f32
          %parallel_loop3A_1082 = vector.broadcast %parallel_loop3A_1081 : f32 to vector<16xf32>
          %parallel_loop3A_1083 = arith.mulf %parallel_loop3A_1064, %parallel_loop3A_1082 : vector<16xf32>
          %parallel_loop3A_1084 = arith.fptosi %parallel_loop3A_1083 : vector<16xf32> to vector<16xi32>
          %parallel_loop3A_1085 = arith.sitofp %parallel_loop3A_1084 : vector<16xi32> to vector<16xf32>
          %parallel_loop3A_1086 = arith.addf %parallel_loop3A_1085, %parallel_loop3A_1085 : vector<16xf32>
          %parallel_loop3A_1087 = arith.subf %parallel_loop3A_1064, %parallel_loop3A_1086 : vector<16xf32>
          %parallel_loop3A_1088 = arith.constant 1.280000e+02 : f32
          %parallel_loop3A_1089 = vector.broadcast %parallel_loop3A_1088 : f32 to vector<16xf32>
          %parallel_loop3A_1090 = arith.mulf %parallel_loop3A_1087, %parallel_loop3A_1089 : vector<16xf32>
          %parallel_loop3A_1091 = arith.constant 5.000000e-01 : f32
          %parallel_loop3A_1092 = vector.broadcast %parallel_loop3A_1091 : f32 to vector<16xf32>
          %parallel_loop3A_1093 = arith.addf %parallel_loop3A_1090, %parallel_loop3A_1092 : vector<16xf32>
          %parallel_loop3A_1094 = arith.fptosi %parallel_loop3A_1093 : vector<16xf32> to vector<16xi32>
          %parallel_loop3A_1095 = arith.sitofp %parallel_loop3A_1094 : vector<16xi32> to vector<16xf32>
          %parallel_loop3A_1096 = arith.subf %parallel_loop3A_1093, %parallel_loop3A_1095 : vector<16xf32>
          %parallel_loop3A_1097 = arith.constant 1.000000e+00 : f32
          %parallel_loop3A_1098 = vector.broadcast %parallel_loop3A_1097 : f32 to vector<16xf32>
          %parallel_loop3A_1099 = arith.subf %parallel_loop3A_1098, %parallel_loop3A_1080 : vector<16xf32>
          %parallel_loop3A_1100 = arith.constant 1.000000e+00 : f32
          %parallel_loop3A_1101 = vector.broadcast %parallel_loop3A_1100 : f32 to vector<16xf32>
          %parallel_loop3A_1102 = arith.subf %parallel_loop3A_1101, %parallel_loop3A_1096 : vector<16xf32>
          %parallel_loop3A_1103 = arith.mulf %parallel_loop3A_1099, %parallel_loop3A_1102 : vector<16xf32>
          %parallel_loop3A_1104 = arith.mulf %parallel_loop3A_1099, %parallel_loop3A_1096 : vector<16xf32>
          %parallel_loop3A_1105 = arith.mulf %parallel_loop3A_1080, %parallel_loop3A_1102 : vector<16xf32>
          %parallel_loop3A_1106 = arith.mulf %parallel_loop3A_1080, %parallel_loop3A_1096 : vector<16xf32>
          %parallel_loop3A_1107 = arith.constant 258 : i32
          %parallel_loop3A_1108 = vector.broadcast %parallel_loop3A_1107 : i32 to vector<16xi32>
          %parallel_loop3A_1109 = arith.muli %parallel_loop3A_1094, %parallel_loop3A_1108 : vector<16xi32>
          %parallel_loop3A_1110 = arith.addi %parallel_loop3A_1109, %parallel_loop3A_1078 : vector<16xi32>
          %parallel_loop3A_1111 = arith.constant 258 : i32
          %parallel_loop3A_1112 = vector.broadcast %parallel_loop3A_1111 : i32 to vector<16xi32>
          %parallel_loop3A_1113 = arith.addi %parallel_loop3A_1110, %parallel_loop3A_1112 : vector<16xi32>
          %parallel_loop3A_1114 = arith.constant 1 : i32
          %parallel_loop3A_1115 = vector.broadcast %parallel_loop3A_1114 : i32 to vector<16xi32>
          %parallel_loop3A_1116 = arith.addi %parallel_loop3A_1110, %parallel_loop3A_1115 : vector<16xi32>
          %parallel_loop3A_1117 = arith.constant 1 : i32
          %parallel_loop3A_1118 = vector.broadcast %parallel_loop3A_1117 : i32 to vector<16xi32>
          %parallel_loop3A_1119 = arith.addi %parallel_loop3A_1113, %parallel_loop3A_1118 : vector<16xi32>
          %parallel_loop3A_1120 = tpu.vector_load_idx %arg8[%parallel_loop3A_1110] : memref<66564xi32, #tpu.memory_space<vmem>>[vector<16xi32>], vector<16xi32>,
          %parallel_loop3A_1121 = tpu.vector_load_idx %arg8[%parallel_loop3A_1113] : memref<66564xi32, #tpu.memory_space<vmem>>[vector<16xi32>], vector<16xi32>,
          %parallel_loop3A_1122 = tpu.vector_load_idx %arg8[%parallel_loop3A_1116] : memref<66564xi32, #tpu.memory_space<vmem>>[vector<16xi32>], vector<16xi32>,
          %parallel_loop3A_1123 = tpu.vector_load_idx %arg8[%parallel_loop3A_1119] : memref<66564xi32, #tpu.memory_space<vmem>>[vector<16xi32>], vector<16xi32>,
          %parallel_loop3A_1124 = arith.constant 16 : i32
          %parallel_loop3A_1125 = vector.broadcast %parallel_loop3A_1124 : i32 to vector<16xi32>
          %parallel_loop3A_1126 = arith.shli %parallel_loop3A_1120, %parallel_loop3A_1125 : vector<16xi32>
          %parallel_loop3A_1127 = tpu.bitcast %parallel_loop3A_1126 : vector<16xi32> -> vector<16xf32>
          %parallel_loop3A_1128 = arith.mulf %parallel_loop3A_1103, %parallel_loop3A_1127 : vector<16xf32>
          %parallel_loop3A_1129 = arith.constant 16 : i32
          %parallel_loop3A_1130 = vector.broadcast %parallel_loop3A_1129 : i32 to vector<16xi32>
          %parallel_loop3A_1131 = arith.shli %parallel_loop3A_1121, %parallel_loop3A_1130 : vector<16xi32>
          %parallel_loop3A_1132 = tpu.bitcast %parallel_loop3A_1131 : vector<16xi32> -> vector<16xf32>
          %parallel_loop3A_1133 = arith.mulf %parallel_loop3A_1104, %parallel_loop3A_1132 : vector<16xf32>
          %parallel_loop3A_1134 = arith.addf %parallel_loop3A_1128, %parallel_loop3A_1133 : vector<16xf32>
          %parallel_loop3A_1135 = arith.constant 16 : i32
          %parallel_loop3A_1136 = vector.broadcast %parallel_loop3A_1135 : i32 to vector<16xi32>
          %parallel_loop3A_1137 = arith.shli %parallel_loop3A_1122, %parallel_loop3A_1136 : vector<16xi32>
          %parallel_loop3A_1138 = tpu.bitcast %parallel_loop3A_1137 : vector<16xi32> -> vector<16xf32>
          %parallel_loop3A_1139 = arith.mulf %parallel_loop3A_1105, %parallel_loop3A_1138 : vector<16xf32>
          %parallel_loop3A_1140 = arith.addf %parallel_loop3A_1134, %parallel_loop3A_1139 : vector<16xf32>
          %parallel_loop3A_1141 = arith.constant 16 : i32
          %parallel_loop3A_1142 = vector.broadcast %parallel_loop3A_1141 : i32 to vector<16xi32>
          %parallel_loop3A_1143 = arith.shli %parallel_loop3A_1123, %parallel_loop3A_1142 : vector<16xi32>
          %parallel_loop3A_1144 = tpu.bitcast %parallel_loop3A_1143 : vector<16xi32> -> vector<16xf32>
          %parallel_loop3A_1145 = arith.mulf %parallel_loop3A_1106, %parallel_loop3A_1144 : vector<16xf32>
          %parallel_loop3A_1146 = arith.addf %parallel_loop3A_1140, %parallel_loop3A_1145 : vector<16xf32>
          %parallel_loop3A_1147 = tpu.bitcast %parallel_loop3A_1120 : vector<16xi32> -> vector<16xf32>
          %parallel_loop3A_1148 = arith.mulf %parallel_loop3A_1103, %parallel_loop3A_1147 : vector<16xf32>
          %parallel_loop3A_1149 = tpu.bitcast %parallel_loop3A_1121 : vector<16xi32> -> vector<16xf32>
          %parallel_loop3A_1150 = arith.mulf %parallel_loop3A_1104, %parallel_loop3A_1149 : vector<16xf32>
          %parallel_loop3A_1151 = arith.addf %parallel_loop3A_1148, %parallel_loop3A_1150 : vector<16xf32>
          %parallel_loop3A_1152 = tpu.bitcast %parallel_loop3A_1122 : vector<16xi32> -> vector<16xf32>
          %parallel_loop3A_1153 = arith.mulf %parallel_loop3A_1105, %parallel_loop3A_1152 : vector<16xf32>
          %parallel_loop3A_1154 = arith.addf %parallel_loop3A_1151, %parallel_loop3A_1153 : vector<16xf32>
          %parallel_loop3A_1155 = tpu.bitcast %parallel_loop3A_1123 : vector<16xi32> -> vector<16xf32>
          %parallel_loop3A_1156 = arith.mulf %parallel_loop3A_1106, %parallel_loop3A_1155 : vector<16xf32>
          %parallel_loop3A_1157 = arith.addf %parallel_loop3A_1154, %parallel_loop3A_1156 : vector<16xf32>
          %parallel_loop3A_1158 = arith.constant 2048 : i32
          %parallel_loop3A_1159 = arith.muli %while3A_1008, %parallel_loop3A_1158 : i32
          %parallel_loop3A_1160 = arith.addi %parallel_loop3A_1159, %parallel_loop3A_1048 : i32
          %parallel_loop3A_1161 = arith.constant 8 : i32
          %parallel_loop3A_1162 = arith.addi %parallel_loop3A_1161, %while3A_1008 : i32
          %parallel_loop3A_1163 = arith.constant 2048 : i32
          %parallel_loop3A_1164 = arith.muli %parallel_loop3A_1162, %parallel_loop3A_1163 : i32
          %parallel_loop3A_1165 = arith.addi %parallel_loop3A_1164, %parallel_loop3A_1048 : i32
          %parallel_loop3A_1166 = arith.index_cast %parallel_loop3A_1160 : i32 to index
          %parallel_loop3A_1167 = tpu.vector_load %arg9[%parallel_loop3A_1166] {strides = array<i32>} : memref<32768xf32, #tpu.memory_space<vmem>>, vector<16xf32>,
          %parallel_loop3A_1168 = arith.addf %parallel_loop3A_1167, %parallel_loop3A_1146 : vector<16xf32>
          %parallel_loop3A_1169 = arith.index_cast %parallel_loop3A_1160 : i32 to index
          %parallel_loop3A_1170 = tpu.vector_load %arg9[%parallel_loop3A_1169] {strides = array<i32>} : memref<32768xf32, #tpu.memory_space<vmem>>, vector<16xf32>,
          tpu.vector_store %arg9[%parallel_loop3A_1169], %parallel_loop3A_1168 {strides = array<i32>} : memref<32768xf32, #tpu.memory_space<vmem>>, vector<16xf32>,
          %parallel_loop3A_1171 = arith.index_cast %parallel_loop3A_1165 : i32 to index
          %parallel_loop3A_1172 = tpu.vector_load %arg9[%parallel_loop3A_1171] {strides = array<i32>} : memref<32768xf32, #tpu.memory_space<vmem>>, vector<16xf32>,
          %parallel_loop3A_1173 = arith.addf %parallel_loop3A_1172, %parallel_loop3A_1157 : vector<16xf32>
          %parallel_loop3A_1174 = arith.index_cast %parallel_loop3A_1165 : i32 to index
          %parallel_loop3A_1175 = tpu.vector_load %arg9[%parallel_loop3A_1174] {strides = array<i32>} : memref<32768xf32, #tpu.memory_space<vmem>>, vector<16xf32>,
          tpu.vector_store %arg9[%parallel_loop3A_1174], %parallel_loop3A_1173 {strides = array<i32>} : memref<32768xf32, #tpu.memory_space<vmem>>, vector<16xf32>,
        } {sc.loop_unroll_factor = 6 : i64, sc.parallel_access}
        %while3A_1045 = arith.constant 0 : i32
        scf.yield %while3A_1045 : i32
      }
      %while3A_1005 = arith.constant 1 : i32
      %while3A_1006 = scf.for %while3A_1008 = %while3A_1002 to %while3A_998 step %while3A_1005 iter_args(%while3A_1009 = %while3A_1004) -> (i32)  : i32 {
        %sub3A_1010 = arith.subi %while3A_1008, %sub3A_944 : i32
        %sub3A_1011 = arith.constant 1 : i32
        %sub3A_1012 = arith.subi %sub3A_1010, %sub3A_1011 : i32
        %and3A = arith.constant 1 : i32
        %and3A_1013 = arith.andi %sub3A_1012, %and3A : i32
        %mul3A_1014 = arith.constant 4096 : i32
        %mul3A_1015 = arith.muli %and3A_1013, %mul3A_1014 : i32
        %mul3A_1016 = arith.constant 8 : i32
        %mul3A_1017 = arith.muli %arg0, %mul3A_1016 : i32
        %add3A_1018 = arith.addi %mul3A_1017, %while3A_1008 : i32
        %mul3A_1019 = arith.constant 2 : i32
        %mul3A_1020 = arith.muli %add3A_1018, %mul3A_1019 : i32
        %mul3A_1021 = arith.constant 65536 : i32
        %mul3A_1022 = arith.muli %mul3A_1020, %mul3A_1021 : i32
        %add3A_1023 = arith.addi %mul3A_1022, %add3A_375 : i32
        %dma_wait3A_1024 = tpu.memref_slice %arg11[%mul3A_1015] : memref<16384xf32, #tpu.memory_space<vmem>> -> memref<2048xf32, #tpu.memory_space<vmem>>
        %dma_wait3A_1025 = tpu.memref_slice %arg2[%add3A_1023] : memref<2097152xf32, #tpu.memory_space<hbm>> -> memref<2048xf32, #tpu.memory_space<hbm>>
        %dma_wait3A_1026 = tpu.memref_slice %arg11[%mul3A_1015] : memref<16384xf32, #tpu.memory_space<vmem>> -> memref<2048xf32, #tpu.memory_space<vmem>>
        %dma_wait3A_1027 = tpu.memref_slice %arg2[%add3A_1023] : memref<2097152xf32, #tpu.memory_space<hbm>> -> memref<2048xf32, #tpu.memory_space<hbm>>
        tpu.wait_dma2 semaphore(%arg13 : memref<!tpu.dma_semaphore, #tpu.memory_space<semaphore_mem>>) src(%dma_wait3A_1027 : memref<2048xf32, #tpu.memory_space<hbm>>) dst(%dma_wait3A_1026 : memref<2048xf32, #tpu.memory_space<vmem>>)
        %add3A_1028 = arith.constant 65536 : i32
        %add3A_1029 = arith.addi %add3A_1023, %add3A_1028 : i32
        %add3A_1030 = arith.constant 2048 : i32
        %add3A_1031 = arith.addi %mul3A_1015, %add3A_1030 : i32
        %dma_wait3A_1032 = tpu.memref_slice %arg11[%add3A_1031] : memref<16384xf32, #tpu.memory_space<vmem>> -> memref<2048xf32, #tpu.memory_space<vmem>>
        %dma_wait3A_1033 = tpu.memref_slice %arg2[%add3A_1029] : memref<2097152xf32, #tpu.memory_space<hbm>> -> memref<2048xf32, #tpu.memory_space<hbm>>
        %dma_wait3A_1034 = tpu.memref_slice %arg11[%add3A_1031] : memref<16384xf32, #tpu.memory_space<vmem>> -> memref<2048xf32, #tpu.memory_space<vmem>>
        %dma_wait3A_1035 = tpu.memref_slice %arg2[%add3A_1029] : memref<2097152xf32, #tpu.memory_space<hbm>> -> memref<2048xf32, #tpu.memory_space<hbm>>
        tpu.wait_dma2 semaphore(%arg13 : memref<!tpu.dma_semaphore, #tpu.memory_space<semaphore_mem>>) src(%dma_wait3A_1035 : memref<2048xf32, #tpu.memory_space<hbm>>) dst(%dma_wait3A_1034 : memref<2048xf32, #tpu.memory_space<vmem>>)
        %add3A_1036 = arith.constant 1 : i32
        %add3A_1037 = arith.addi %while3A_1008, %add3A_1036 : i32
        %lt3A_1038 = arith.constant 8 : i32
        %lt3A_1039 = arith.cmpi slt, %add3A_1037, %lt3A_1038 : i32
        %convert_element_type3A_1040 = arith.extui %lt3A_1039 : i1 to i32
        %cond3A_1041 = arith.constant 0 : i32
        %cond3A_1042 = arith.cmpi ne, %convert_element_type3A_1040, %cond3A_1041 : i32
        scf.if %cond3A_1042 {
          %add3A_1046 = arith.constant 1 : i32
          %add3A_1047 = arith.addi %while3A_1008, %add3A_1046 : i32
          %sub3A_1048 = arith.constant 4096 : i32
          %sub3A_1049 = arith.subi %sub3A_1048, %mul3A_1015 : i32
          %mul3A_1050 = arith.constant 8 : i32
          %mul3A_1051 = arith.muli %arg0, %mul3A_1050 : i32
          %add3A_1052 = arith.addi %mul3A_1051, %add3A_1047 : i32
          %mul3A_1053 = arith.constant 2 : i32
          %mul3A_1054 = arith.muli %add3A_1052, %mul3A_1053 : i32
          %mul3A_1055 = arith.constant 65536 : i32
          %mul3A_1056 = arith.muli %mul3A_1054, %mul3A_1055 : i32
          %add3A_1057 = arith.addi %mul3A_1056, %add3A_375 : i32
          %dma_start3A_1058 = tpu.memref_slice %arg11[%sub3A_1049] : memref<16384xf32, #tpu.memory_space<vmem>> -> memref<2048xf32, #tpu.memory_space<vmem>>
          %dma_start3A_1059 = tpu.memref_slice %arg2[%add3A_1057] : memref<2097152xf32, #tpu.memory_space<hbm>> -> memref<2048xf32, #tpu.memory_space<hbm>>
          %dma_start3A_1060 = tpu.memref_slice %arg11[%sub3A_1049] : memref<16384xf32, #tpu.memory_space<vmem>> -> memref<2048xf32, #tpu.memory_space<vmem>>
          %dma_start3A_1061 = tpu.memref_slice %arg2[%add3A_1057] : memref<2097152xf32, #tpu.memory_space<hbm>> -> memref<2048xf32, #tpu.memory_space<hbm>>
          tpu.enqueue_dma source(%dma_start3A_1061 : memref<2048xf32, #tpu.memory_space<hbm>>) target(%dma_start3A_1060 : memref<2048xf32, #tpu.memory_space<vmem>>) target_semaphore(%arg13 : memref<!tpu.dma_semaphore, #tpu.memory_space<semaphore_mem>>)
          %add3A_1062 = arith.constant 65536 : i32
          %add3A_1063 = arith.addi %add3A_1057, %add3A_1062 : i32
          %add3A_1064 = arith.constant 2048 : i32
          %add3A_1065 = arith.addi %sub3A_1049, %add3A_1064 : i32
          %dma_start3A_1066 = tpu.memref_slice %arg11[%add3A_1065] : memref<16384xf32, #tpu.memory_space<vmem>> -> memref<2048xf32, #tpu.memory_space<vmem>>
          %dma_start3A_1067 = tpu.memref_slice %arg2[%add3A_1063] : memref<2097152xf32, #tpu.memory_space<hbm>> -> memref<2048xf32, #tpu.memory_space<hbm>>
          %dma_start3A_1068 = tpu.memref_slice %arg11[%add3A_1065] : memref<16384xf32, #tpu.memory_space<vmem>> -> memref<2048xf32, #tpu.memory_space<vmem>>
          %dma_start3A_1069 = tpu.memref_slice %arg2[%add3A_1063] : memref<2097152xf32, #tpu.memory_space<hbm>> -> memref<2048xf32, #tpu.memory_space<hbm>>
          tpu.enqueue_dma source(%dma_start3A_1069 : memref<2048xf32, #tpu.memory_space<hbm>>) target(%dma_start3A_1068 : memref<2048xf32, #tpu.memory_space<vmem>>) target_semaphore(%arg13 : memref<!tpu.dma_semaphore, #tpu.memory_space<semaphore_mem>>)
        } else {
        }
        %parallel_loop3A = arith.constant 0 : i32
        %parallel_loop3A_1043 = arith.constant 128 : i32
        %parallel_loop3A_1044 = arith.constant 1 : i32
        scf.for %parallel_loop3A_1046 = %parallel_loop3A to %parallel_loop3A_1043 step %parallel_loop3A_1044  : i32 {
          %parallel_loop3A_1047 = arith.constant 16 : i32
          %parallel_loop3A_1048 = arith.muli %parallel_loop3A_1046, %parallel_loop3A_1047 : i32
          %parallel_loop3A_1049 = arith.addi %mul3A_1015, %parallel_loop3A_1048 : i32
          %parallel_loop3A_1050 = arith.index_cast %parallel_loop3A_1049 : i32 to index
          %parallel_loop3A_1051 = tpu.vector_load %arg11[%parallel_loop3A_1050] {strides = array<i32>} : memref<16384xf32, #tpu.memory_space<vmem>>, vector<16xf32>,
          %parallel_loop3A_1052 = arith.index_cast %parallel_loop3A_1048 : i32 to index
          %parallel_loop3A_1053 = tpu.vector_load %arg10[%parallel_loop3A_1052] {strides = array<i32>} : memref<8192xf32, #tpu.memory_space<vmem>>, vector<16xf32>,
          %parallel_loop3A_1054 = arith.subf %parallel_loop3A_1051, %parallel_loop3A_1053 : vector<16xf32>
          %parallel_loop3A_1055 = arith.constant 2048 : i32
          %parallel_loop3A_1056 = arith.addi %mul3A_1015, %parallel_loop3A_1055 : i32
          %parallel_loop3A_1057 = arith.addi %parallel_loop3A_1056, %parallel_loop3A_1048 : i32
          %parallel_loop3A_1058 = arith.index_cast %parallel_loop3A_1057 : i32 to index
          %parallel_loop3A_1059 = tpu.vector_load %arg11[%parallel_loop3A_1058] {strides = array<i32>} : memref<16384xf32, #tpu.memory_space<vmem>>, vector<16xf32>,
          %parallel_loop3A_1060 = arith.constant 2048 : i32
          %parallel_loop3A_1061 = arith.addi %parallel_loop3A_1060, %parallel_loop3A_1048 : i32
          %parallel_loop3A_1062 = arith.index_cast %parallel_loop3A_1061 : i32 to index
          %parallel_loop3A_1063 = tpu.vector_load %arg10[%parallel_loop3A_1062] {strides = array<i32>} : memref<8192xf32, #tpu.memory_space<vmem>>, vector<16xf32>,
          %parallel_loop3A_1064 = arith.subf %parallel_loop3A_1059, %parallel_loop3A_1063 : vector<16xf32>
          %parallel_loop3A_1065 = arith.constant 5.000000e-01 : f32
          %parallel_loop3A_1066 = vector.broadcast %parallel_loop3A_1065 : f32 to vector<16xf32>
          %parallel_loop3A_1067 = arith.mulf %parallel_loop3A_1054, %parallel_loop3A_1066 : vector<16xf32>
          %parallel_loop3A_1068 = arith.fptosi %parallel_loop3A_1067 : vector<16xf32> to vector<16xi32>
          %parallel_loop3A_1069 = arith.sitofp %parallel_loop3A_1068 : vector<16xi32> to vector<16xf32>
          %parallel_loop3A_1070 = arith.addf %parallel_loop3A_1069, %parallel_loop3A_1069 : vector<16xf32>
          %parallel_loop3A_1071 = arith.subf %parallel_loop3A_1054, %parallel_loop3A_1070 : vector<16xf32>
          %parallel_loop3A_1072 = arith.constant 1.280000e+02 : f32
          %parallel_loop3A_1073 = vector.broadcast %parallel_loop3A_1072 : f32 to vector<16xf32>
          %parallel_loop3A_1074 = arith.mulf %parallel_loop3A_1071, %parallel_loop3A_1073 : vector<16xf32>
          %parallel_loop3A_1075 = arith.constant 5.000000e-01 : f32
          %parallel_loop3A_1076 = vector.broadcast %parallel_loop3A_1075 : f32 to vector<16xf32>
          %parallel_loop3A_1077 = arith.addf %parallel_loop3A_1074, %parallel_loop3A_1076 : vector<16xf32>
          %parallel_loop3A_1078 = arith.fptosi %parallel_loop3A_1077 : vector<16xf32> to vector<16xi32>
          %parallel_loop3A_1079 = arith.sitofp %parallel_loop3A_1078 : vector<16xi32> to vector<16xf32>
          %parallel_loop3A_1080 = arith.subf %parallel_loop3A_1077, %parallel_loop3A_1079 : vector<16xf32>
          %parallel_loop3A_1081 = arith.constant 5.000000e-01 : f32
          %parallel_loop3A_1082 = vector.broadcast %parallel_loop3A_1081 : f32 to vector<16xf32>
          %parallel_loop3A_1083 = arith.mulf %parallel_loop3A_1064, %parallel_loop3A_1082 : vector<16xf32>
          %parallel_loop3A_1084 = arith.fptosi %parallel_loop3A_1083 : vector<16xf32> to vector<16xi32>
          %parallel_loop3A_1085 = arith.sitofp %parallel_loop3A_1084 : vector<16xi32> to vector<16xf32>
          %parallel_loop3A_1086 = arith.addf %parallel_loop3A_1085, %parallel_loop3A_1085 : vector<16xf32>
          %parallel_loop3A_1087 = arith.subf %parallel_loop3A_1064, %parallel_loop3A_1086 : vector<16xf32>
          %parallel_loop3A_1088 = arith.constant 1.280000e+02 : f32
          %parallel_loop3A_1089 = vector.broadcast %parallel_loop3A_1088 : f32 to vector<16xf32>
          %parallel_loop3A_1090 = arith.mulf %parallel_loop3A_1087, %parallel_loop3A_1089 : vector<16xf32>
          %parallel_loop3A_1091 = arith.constant 5.000000e-01 : f32
          %parallel_loop3A_1092 = vector.broadcast %parallel_loop3A_1091 : f32 to vector<16xf32>
          %parallel_loop3A_1093 = arith.addf %parallel_loop3A_1090, %parallel_loop3A_1092 : vector<16xf32>
          %parallel_loop3A_1094 = arith.fptosi %parallel_loop3A_1093 : vector<16xf32> to vector<16xi32>
          %parallel_loop3A_1095 = arith.sitofp %parallel_loop3A_1094 : vector<16xi32> to vector<16xf32>
          %parallel_loop3A_1096 = arith.subf %parallel_loop3A_1093, %parallel_loop3A_1095 : vector<16xf32>
          %parallel_loop3A_1097 = arith.constant 1.000000e+00 : f32
          %parallel_loop3A_1098 = vector.broadcast %parallel_loop3A_1097 : f32 to vector<16xf32>
          %parallel_loop3A_1099 = arith.subf %parallel_loop3A_1098, %parallel_loop3A_1080 : vector<16xf32>
          %parallel_loop3A_1100 = arith.constant 1.000000e+00 : f32
          %parallel_loop3A_1101 = vector.broadcast %parallel_loop3A_1100 : f32 to vector<16xf32>
          %parallel_loop3A_1102 = arith.subf %parallel_loop3A_1101, %parallel_loop3A_1096 : vector<16xf32>
          %parallel_loop3A_1103 = arith.mulf %parallel_loop3A_1099, %parallel_loop3A_1102 : vector<16xf32>
          %parallel_loop3A_1104 = arith.mulf %parallel_loop3A_1099, %parallel_loop3A_1096 : vector<16xf32>
          %parallel_loop3A_1105 = arith.mulf %parallel_loop3A_1080, %parallel_loop3A_1102 : vector<16xf32>
          %parallel_loop3A_1106 = arith.mulf %parallel_loop3A_1080, %parallel_loop3A_1096 : vector<16xf32>
          %parallel_loop3A_1107 = arith.constant 258 : i32
          %parallel_loop3A_1108 = vector.broadcast %parallel_loop3A_1107 : i32 to vector<16xi32>
          %parallel_loop3A_1109 = arith.muli %parallel_loop3A_1094, %parallel_loop3A_1108 : vector<16xi32>
          %parallel_loop3A_1110 = arith.addi %parallel_loop3A_1109, %parallel_loop3A_1078 : vector<16xi32>
          %parallel_loop3A_1111 = arith.constant 258 : i32
          %parallel_loop3A_1112 = vector.broadcast %parallel_loop3A_1111 : i32 to vector<16xi32>
          %parallel_loop3A_1113 = arith.addi %parallel_loop3A_1110, %parallel_loop3A_1112 : vector<16xi32>
          %parallel_loop3A_1114 = arith.constant 1 : i32
          %parallel_loop3A_1115 = vector.broadcast %parallel_loop3A_1114 : i32 to vector<16xi32>
          %parallel_loop3A_1116 = arith.addi %parallel_loop3A_1110, %parallel_loop3A_1115 : vector<16xi32>
          %parallel_loop3A_1117 = arith.constant 1 : i32
          %parallel_loop3A_1118 = vector.broadcast %parallel_loop3A_1117 : i32 to vector<16xi32>
          %parallel_loop3A_1119 = arith.addi %parallel_loop3A_1113, %parallel_loop3A_1118 : vector<16xi32>
          %parallel_loop3A_1120 = tpu.vector_load_idx %arg8[%parallel_loop3A_1110] : memref<66564xi32, #tpu.memory_space<vmem>>[vector<16xi32>], vector<16xi32>,
          %parallel_loop3A_1121 = tpu.vector_load_idx %arg8[%parallel_loop3A_1113] : memref<66564xi32, #tpu.memory_space<vmem>>[vector<16xi32>], vector<16xi32>,
          %parallel_loop3A_1122 = tpu.vector_load_idx %arg8[%parallel_loop3A_1116] : memref<66564xi32, #tpu.memory_space<vmem>>[vector<16xi32>], vector<16xi32>,
          %parallel_loop3A_1123 = tpu.vector_load_idx %arg8[%parallel_loop3A_1119] : memref<66564xi32, #tpu.memory_space<vmem>>[vector<16xi32>], vector<16xi32>,
          %parallel_loop3A_1124 = arith.constant 16 : i32
          %parallel_loop3A_1125 = vector.broadcast %parallel_loop3A_1124 : i32 to vector<16xi32>
          %parallel_loop3A_1126 = arith.shli %parallel_loop3A_1120, %parallel_loop3A_1125 : vector<16xi32>
          %parallel_loop3A_1127 = tpu.bitcast %parallel_loop3A_1126 : vector<16xi32> -> vector<16xf32>
          %parallel_loop3A_1128 = arith.mulf %parallel_loop3A_1103, %parallel_loop3A_1127 : vector<16xf32>
          %parallel_loop3A_1129 = arith.constant 16 : i32
          %parallel_loop3A_1130 = vector.broadcast %parallel_loop3A_1129 : i32 to vector<16xi32>
          %parallel_loop3A_1131 = arith.shli %parallel_loop3A_1121, %parallel_loop3A_1130 : vector<16xi32>
          %parallel_loop3A_1132 = tpu.bitcast %parallel_loop3A_1131 : vector<16xi32> -> vector<16xf32>
          %parallel_loop3A_1133 = arith.mulf %parallel_loop3A_1104, %parallel_loop3A_1132 : vector<16xf32>
          %parallel_loop3A_1134 = arith.addf %parallel_loop3A_1128, %parallel_loop3A_1133 : vector<16xf32>
          %parallel_loop3A_1135 = arith.constant 16 : i32
          %parallel_loop3A_1136 = vector.broadcast %parallel_loop3A_1135 : i32 to vector<16xi32>
          %parallel_loop3A_1137 = arith.shli %parallel_loop3A_1122, %parallel_loop3A_1136 : vector<16xi32>
          %parallel_loop3A_1138 = tpu.bitcast %parallel_loop3A_1137 : vector<16xi32> -> vector<16xf32>
          %parallel_loop3A_1139 = arith.mulf %parallel_loop3A_1105, %parallel_loop3A_1138 : vector<16xf32>
          %parallel_loop3A_1140 = arith.addf %parallel_loop3A_1134, %parallel_loop3A_1139 : vector<16xf32>
          %parallel_loop3A_1141 = arith.constant 16 : i32
          %parallel_loop3A_1142 = vector.broadcast %parallel_loop3A_1141 : i32 to vector<16xi32>
          %parallel_loop3A_1143 = arith.shli %parallel_loop3A_1123, %parallel_loop3A_1142 : vector<16xi32>
          %parallel_loop3A_1144 = tpu.bitcast %parallel_loop3A_1143 : vector<16xi32> -> vector<16xf32>
          %parallel_loop3A_1145 = arith.mulf %parallel_loop3A_1106, %parallel_loop3A_1144 : vector<16xf32>
          %parallel_loop3A_1146 = arith.addf %parallel_loop3A_1140, %parallel_loop3A_1145 : vector<16xf32>
          %parallel_loop3A_1147 = tpu.bitcast %parallel_loop3A_1120 : vector<16xi32> -> vector<16xf32>
          %parallel_loop3A_1148 = arith.mulf %parallel_loop3A_1103, %parallel_loop3A_1147 : vector<16xf32>
          %parallel_loop3A_1149 = tpu.bitcast %parallel_loop3A_1121 : vector<16xi32> -> vector<16xf32>
          %parallel_loop3A_1150 = arith.mulf %parallel_loop3A_1104, %parallel_loop3A_1149 : vector<16xf32>
          %parallel_loop3A_1151 = arith.addf %parallel_loop3A_1148, %parallel_loop3A_1150 : vector<16xf32>
          %parallel_loop3A_1152 = tpu.bitcast %parallel_loop3A_1122 : vector<16xi32> -> vector<16xf32>
          %parallel_loop3A_1153 = arith.mulf %parallel_loop3A_1105, %parallel_loop3A_1152 : vector<16xf32>
          %parallel_loop3A_1154 = arith.addf %parallel_loop3A_1151, %parallel_loop3A_1153 : vector<16xf32>
          %parallel_loop3A_1155 = tpu.bitcast %parallel_loop3A_1123 : vector<16xi32> -> vector<16xf32>
          %parallel_loop3A_1156 = arith.mulf %parallel_loop3A_1106, %parallel_loop3A_1155 : vector<16xf32>
          %parallel_loop3A_1157 = arith.addf %parallel_loop3A_1154, %parallel_loop3A_1156 : vector<16xf32>
          %parallel_loop3A_1158 = arith.constant 2048 : i32
          %parallel_loop3A_1159 = arith.muli %while3A_1008, %parallel_loop3A_1158 : i32
          %parallel_loop3A_1160 = arith.addi %parallel_loop3A_1159, %parallel_loop3A_1048 : i32
          %parallel_loop3A_1161 = arith.constant 8 : i32
          %parallel_loop3A_1162 = arith.addi %parallel_loop3A_1161, %while3A_1008 : i32
          %parallel_loop3A_1163 = arith.constant 2048 : i32
          %parallel_loop3A_1164 = arith.muli %parallel_loop3A_1162, %parallel_loop3A_1163 : i32
          %parallel_loop3A_1165 = arith.addi %parallel_loop3A_1164, %parallel_loop3A_1048 : i32
          %parallel_loop3A_1166 = arith.index_cast %parallel_loop3A_1160 : i32 to index
          %parallel_loop3A_1167 = tpu.vector_load %arg9[%parallel_loop3A_1166] {strides = array<i32>} : memref<32768xf32, #tpu.memory_space<vmem>>, vector<16xf32>,
          %parallel_loop3A_1168 = arith.addf %parallel_loop3A_1167, %parallel_loop3A_1146 : vector<16xf32>
          %parallel_loop3A_1169 = arith.index_cast %parallel_loop3A_1160 : i32 to index
          %parallel_loop3A_1170 = tpu.vector_load %arg9[%parallel_loop3A_1169] {strides = array<i32>} : memref<32768xf32, #tpu.memory_space<vmem>>, vector<16xf32>,
          tpu.vector_store %arg9[%parallel_loop3A_1169], %parallel_loop3A_1168 {strides = array<i32>} : memref<32768xf32, #tpu.memory_space<vmem>>, vector<16xf32>,
          %parallel_loop3A_1171 = arith.index_cast %parallel_loop3A_1165 : i32 to index
          %parallel_loop3A_1172 = tpu.vector_load %arg9[%parallel_loop3A_1171] {strides = array<i32>} : memref<32768xf32, #tpu.memory_space<vmem>>, vector<16xf32>,
          %parallel_loop3A_1173 = arith.addf %parallel_loop3A_1172, %parallel_loop3A_1157 : vector<16xf32>
          %parallel_loop3A_1174 = arith.index_cast %parallel_loop3A_1165 : i32 to index
          %parallel_loop3A_1175 = tpu.vector_load %arg9[%parallel_loop3A_1174] {strides = array<i32>} : memref<32768xf32, #tpu.memory_space<vmem>>, vector<16xf32>,
          tpu.vector_store %arg9[%parallel_loop3A_1174], %parallel_loop3A_1173 {strides = array<i32>} : memref<32768xf32, #tpu.memory_space<vmem>>, vector<16xf32>,
        } {sc.loop_unroll_factor = 6 : i64, sc.parallel_access}
        %while3A_1045 = arith.constant 0 : i32
        scf.yield %while3A_1045 : i32
      }
      %scan3A_1007 = arith.constant 0 : i32
      scf.yield %scan3A_1007 : i32
    }
    %scan3A_382 = arith.constant 8 : i32
    %mul3A_383 = arith.constant 8 : i32
    %mul3A_384 = arith.muli %arg0, %mul3A_383 : i32
    %add3A_385 = arith.constant 0 : i32
    %add3A_386 = arith.addi %mul3A_384, %add3A_385 : i32
    %mul3A_387 = arith.constant 3 : i32
    %mul3A_388 = arith.muli %add3A_386, %mul3A_387 : i32
    %add3A_389 = arith.constant 0 : i32
    %add3A_390 = arith.addi %mul3A_388, %add3A_389 : i32
    %mul3A_391 = arith.constant 65536 : i32
    %mul3A_392 = arith.muli %add3A_390, %mul3A_391 : i32
    %add3A_393 = arith.addi %mul3A_392, %add3A_375 : i32
    %mul3A_394 = arith.constant 8 : i32
    %mul3A_395 = arith.muli %arg0, %mul3A_394 : i32
    %add3A_396 = arith.constant 1 : i32
    %add3A_397 = arith.addi %mul3A_395, %add3A_396 : i32
    %mul3A_398 = arith.constant 3 : i32
    %mul3A_399 = arith.muli %add3A_397, %mul3A_398 : i32
    %add3A_400 = arith.constant 0 : i32
    %add3A_401 = arith.addi %mul3A_399, %add3A_400 : i32
    %mul3A_402 = arith.constant 65536 : i32
    %mul3A_403 = arith.muli %add3A_401, %mul3A_402 : i32
    %add3A_404 = arith.addi %mul3A_403, %add3A_375 : i32
    %mul3A_405 = arith.constant 8 : i32
    %mul3A_406 = arith.muli %arg0, %mul3A_405 : i32
    %add3A_407 = arith.constant 2 : i32
    %add3A_408 = arith.addi %mul3A_406, %add3A_407 : i32
    %mul3A_409 = arith.constant 3 : i32
    %mul3A_410 = arith.muli %add3A_408, %mul3A_409 : i32
    %add3A_411 = arith.constant 0 : i32
    %add3A_412 = arith.addi %mul3A_410, %add3A_411 : i32
    %mul3A_413 = arith.constant 65536 : i32
    %mul3A_414 = arith.muli %add3A_412, %mul3A_413 : i32
    %add3A_415 = arith.addi %mul3A_414, %add3A_375 : i32
    %mul3A_416 = arith.constant 8 : i32
    %mul3A_417 = arith.muli %arg0, %mul3A_416 : i32
    %add3A_418 = arith.constant 3 : i32
    %add3A_419 = arith.addi %mul3A_417, %add3A_418 : i32
    %mul3A_420 = arith.constant 3 : i32
    %mul3A_421 = arith.muli %add3A_419, %mul3A_420 : i32
    %add3A_422 = arith.constant 0 : i32
    %add3A_423 = arith.addi %mul3A_421, %add3A_422 : i32
    %mul3A_424 = arith.constant 65536 : i32
    %mul3A_425 = arith.muli %add3A_423, %mul3A_424 : i32
    %add3A_426 = arith.addi %mul3A_425, %add3A_375 : i32
    %mul3A_427 = arith.constant 8 : i32
    %mul3A_428 = arith.muli %arg0, %mul3A_427 : i32
    %add3A_429 = arith.constant 4 : i32
    %add3A_430 = arith.addi %mul3A_428, %add3A_429 : i32
    %mul3A_431 = arith.constant 3 : i32
    %mul3A_432 = arith.muli %add3A_430, %mul3A_431 : i32
    %add3A_433 = arith.constant 0 : i32
    %add3A_434 = arith.addi %mul3A_432, %add3A_433 : i32
    %mul3A_435 = arith.constant 65536 : i32
    %mul3A_436 = arith.muli %add3A_434, %mul3A_435 : i32
    %add3A_437 = arith.addi %mul3A_436, %add3A_375 : i32
    %mul3A_438 = arith.constant 8 : i32
    %mul3A_439 = arith.muli %arg0, %mul3A_438 : i32
    %add3A_440 = arith.constant 5 : i32
    %add3A_441 = arith.addi %mul3A_439, %add3A_440 : i32
    %mul3A_442 = arith.constant 3 : i32
    %mul3A_443 = arith.muli %add3A_441, %mul3A_442 : i32
    %add3A_444 = arith.constant 0 : i32
    %add3A_445 = arith.addi %mul3A_443, %add3A_444 : i32
    %mul3A_446 = arith.constant 65536 : i32
    %mul3A_447 = arith.muli %add3A_445, %mul3A_446 : i32
    %add3A_448 = arith.addi %mul3A_447, %add3A_375 : i32
    %mul3A_449 = arith.constant 8 : i32
    %mul3A_450 = arith.muli %arg0, %mul3A_449 : i32
    %add3A_451 = arith.constant 6 : i32
    %add3A_452 = arith.addi %mul3A_450, %add3A_451 : i32
    %mul3A_453 = arith.constant 3 : i32
    %mul3A_454 = arith.muli %add3A_452, %mul3A_453 : i32
    %add3A_455 = arith.constant 0 : i32
    %add3A_456 = arith.addi %mul3A_454, %add3A_455 : i32
    %mul3A_457 = arith.constant 65536 : i32
    %mul3A_458 = arith.muli %add3A_456, %mul3A_457 : i32
    %add3A_459 = arith.addi %mul3A_458, %add3A_375 : i32
    %mul3A_460 = arith.constant 8 : i32
    %mul3A_461 = arith.muli %arg0, %mul3A_460 : i32
    %add3A_462 = arith.constant 7 : i32
    %add3A_463 = arith.addi %mul3A_461, %add3A_462 : i32
    %mul3A_464 = arith.constant 3 : i32
    %mul3A_465 = arith.muli %add3A_463, %mul3A_464 : i32
    %add3A_466 = arith.constant 0 : i32
    %add3A_467 = arith.addi %mul3A_465, %add3A_466 : i32
    %mul3A_468 = arith.constant 65536 : i32
    %mul3A_469 = arith.muli %add3A_467, %mul3A_468 : i32
    %add3A_470 = arith.addi %mul3A_469, %add3A_375 : i32
    %mul3A_471 = arith.constant 8 : i32
    %mul3A_472 = arith.muli %arg0, %mul3A_471 : i32
    %add3A_473 = arith.constant 0 : i32
    %add3A_474 = arith.addi %mul3A_472, %add3A_473 : i32
    %mul3A_475 = arith.constant 3 : i32
    %mul3A_476 = arith.muli %add3A_474, %mul3A_475 : i32
    %add3A_477 = arith.constant 1 : i32
    %add3A_478 = arith.addi %mul3A_476, %add3A_477 : i32
    %mul3A_479 = arith.constant 65536 : i32
    %mul3A_480 = arith.muli %add3A_478, %mul3A_479 : i32
    %add3A_481 = arith.addi %mul3A_480, %add3A_375 : i32
    %mul3A_482 = arith.constant 8 : i32
    %mul3A_483 = arith.muli %arg0, %mul3A_482 : i32
    %add3A_484 = arith.constant 1 : i32
    %add3A_485 = arith.addi %mul3A_483, %add3A_484 : i32
    %mul3A_486 = arith.constant 3 : i32
    %mul3A_487 = arith.muli %add3A_485, %mul3A_486 : i32
    %add3A_488 = arith.constant 1 : i32
    %add3A_489 = arith.addi %mul3A_487, %add3A_488 : i32
    %mul3A_490 = arith.constant 65536 : i32
    %mul3A_491 = arith.muli %add3A_489, %mul3A_490 : i32
    %add3A_492 = arith.addi %mul3A_491, %add3A_375 : i32
    %mul3A_493 = arith.constant 8 : i32
    %mul3A_494 = arith.muli %arg0, %mul3A_493 : i32
    %add3A_495 = arith.constant 2 : i32
    %add3A_496 = arith.addi %mul3A_494, %add3A_495 : i32
    %mul3A_497 = arith.constant 3 : i32
    %mul3A_498 = arith.muli %add3A_496, %mul3A_497 : i32
    %add3A_499 = arith.constant 1 : i32
    %add3A_500 = arith.addi %mul3A_498, %add3A_499 : i32
    %mul3A_501 = arith.constant 65536 : i32
    %mul3A_502 = arith.muli %add3A_500, %mul3A_501 : i32
    %add3A_503 = arith.addi %mul3A_502, %add3A_375 : i32
    %mul3A_504 = arith.constant 8 : i32
    %mul3A_505 = arith.muli %arg0, %mul3A_504 : i32
    %add3A_506 = arith.constant 3 : i32
    %add3A_507 = arith.addi %mul3A_505, %add3A_506 : i32
    %mul3A_508 = arith.constant 3 : i32
    %mul3A_509 = arith.muli %add3A_507, %mul3A_508 : i32
    %add3A_510 = arith.constant 1 : i32
    %add3A_511 = arith.addi %mul3A_509, %add3A_510 : i32
    %mul3A_512 = arith.constant 65536 : i32
    %mul3A_513 = arith.muli %add3A_511, %mul3A_512 : i32
    %add3A_514 = arith.addi %mul3A_513, %add3A_375 : i32
    %mul3A_515 = arith.constant 8 : i32
    %mul3A_516 = arith.muli %arg0, %mul3A_515 : i32
    %add3A_517 = arith.constant 4 : i32
    %add3A_518 = arith.addi %mul3A_516, %add3A_517 : i32
    %mul3A_519 = arith.constant 3 : i32
    %mul3A_520 = arith.muli %add3A_518, %mul3A_519 : i32
    %add3A_521 = arith.constant 1 : i32
    %add3A_522 = arith.addi %mul3A_520, %add3A_521 : i32
    %mul3A_523 = arith.constant 65536 : i32
    %mul3A_524 = arith.muli %add3A_522, %mul3A_523 : i32
    %add3A_525 = arith.addi %mul3A_524, %add3A_375 : i32
    %mul3A_526 = arith.constant 8 : i32
    %mul3A_527 = arith.muli %arg0, %mul3A_526 : i32
    %add3A_528 = arith.constant 5 : i32
    %add3A_529 = arith.addi %mul3A_527, %add3A_528 : i32
    %mul3A_530 = arith.constant 3 : i32
    %mul3A_531 = arith.muli %add3A_529, %mul3A_530 : i32
    %add3A_532 = arith.constant 1 : i32
    %add3A_533 = arith.addi %mul3A_531, %add3A_532 : i32
    %mul3A_534 = arith.constant 65536 : i32
    %mul3A_535 = arith.muli %add3A_533, %mul3A_534 : i32
    %add3A_536 = arith.addi %mul3A_535, %add3A_375 : i32
    %mul3A_537 = arith.constant 8 : i32
    %mul3A_538 = arith.muli %arg0, %mul3A_537 : i32
    %add3A_539 = arith.constant 6 : i32
    %add3A_540 = arith.addi %mul3A_538, %add3A_539 : i32
    %mul3A_541 = arith.constant 3 : i32
    %mul3A_542 = arith.muli %add3A_540, %mul3A_541 : i32
    %add3A_543 = arith.constant 1 : i32
    %add3A_544 = arith.addi %mul3A_542, %add3A_543 : i32
    %mul3A_545 = arith.constant 65536 : i32
    %mul3A_546 = arith.muli %add3A_544, %mul3A_545 : i32
    %add3A_547 = arith.addi %mul3A_546, %add3A_375 : i32
    %mul3A_548 = arith.constant 8 : i32
    %mul3A_549 = arith.muli %arg0, %mul3A_548 : i32
    %add3A_550 = arith.constant 7 : i32
    %add3A_551 = arith.addi %mul3A_549, %add3A_550 : i32
    %mul3A_552 = arith.constant 3 : i32
    %mul3A_553 = arith.muli %add3A_551, %mul3A_552 : i32
    %add3A_554 = arith.constant 1 : i32
    %add3A_555 = arith.addi %mul3A_553, %add3A_554 : i32
    %mul3A_556 = arith.constant 65536 : i32
    %mul3A_557 = arith.muli %add3A_555, %mul3A_556 : i32
    %add3A_558 = arith.addi %mul3A_557, %add3A_375 : i32
    %dma_start3A_559 = arith.constant 0 : i32
    %dma_start3A_560 = tpu.memref_slice %arg9[%dma_start3A_559] : memref<32768xf32, #tpu.memory_space<vmem>> -> memref<2048xf32, #tpu.memory_space<vmem>>
    %dma_start3A_561 = tpu.memref_slice %arg7[%add3A_393] : memref<3145728xf32, #tpu.memory_space<hbm>> -> memref<2048xf32, #tpu.memory_space<hbm>>
    %dma_start3A_562 = tpu.memref_slice %arg7[%add3A_393] : memref<3145728xf32, #tpu.memory_space<hbm>> -> memref<2048xf32, #tpu.memory_space<hbm>>
    %dma_start3A_563 = arith.constant 0 : i32
    %dma_start3A_564 = tpu.memref_slice %arg9[%dma_start3A_563] : memref<32768xf32, #tpu.memory_space<vmem>> -> memref<2048xf32, #tpu.memory_space<vmem>>
    tpu.enqueue_dma source(%dma_start3A_564 : memref<2048xf32, #tpu.memory_space<vmem>>) target(%dma_start3A_562 : memref<2048xf32, #tpu.memory_space<hbm>>) target_semaphore(%arg13 : memref<!tpu.dma_semaphore, #tpu.memory_space<semaphore_mem>>)
    %dma_start3A_565 = arith.constant 2048 : i32
    %dma_start3A_566 = tpu.memref_slice %arg9[%dma_start3A_565] : memref<32768xf32, #tpu.memory_space<vmem>> -> memref<2048xf32, #tpu.memory_space<vmem>>
    %dma_start3A_567 = tpu.memref_slice %arg7[%add3A_404] : memref<3145728xf32, #tpu.memory_space<hbm>> -> memref<2048xf32, #tpu.memory_space<hbm>>
    %dma_start3A_568 = tpu.memref_slice %arg7[%add3A_404] : memref<3145728xf32, #tpu.memory_space<hbm>> -> memref<2048xf32, #tpu.memory_space<hbm>>
    %dma_start3A_569 = arith.constant 2048 : i32
    %dma_start3A_570 = tpu.memref_slice %arg9[%dma_start3A_569] : memref<32768xf32, #tpu.memory_space<vmem>> -> memref<2048xf32, #tpu.memory_space<vmem>>
    tpu.enqueue_dma source(%dma_start3A_570 : memref<2048xf32, #tpu.memory_space<vmem>>) target(%dma_start3A_568 : memref<2048xf32, #tpu.memory_space<hbm>>) target_semaphore(%arg13 : memref<!tpu.dma_semaphore, #tpu.memory_space<semaphore_mem>>)
    %dma_start3A_571 = arith.constant 4096 : i32
    %dma_start3A_572 = tpu.memref_slice %arg9[%dma_start3A_571] : memref<32768xf32, #tpu.memory_space<vmem>> -> memref<2048xf32, #tpu.memory_space<vmem>>
    %dma_start3A_573 = tpu.memref_slice %arg7[%add3A_415] : memref<3145728xf32, #tpu.memory_space<hbm>> -> memref<2048xf32, #tpu.memory_space<hbm>>
    %dma_start3A_574 = tpu.memref_slice %arg7[%add3A_415] : memref<3145728xf32, #tpu.memory_space<hbm>> -> memref<2048xf32, #tpu.memory_space<hbm>>
    %dma_start3A_575 = arith.constant 4096 : i32
    %dma_start3A_576 = tpu.memref_slice %arg9[%dma_start3A_575] : memref<32768xf32, #tpu.memory_space<vmem>> -> memref<2048xf32, #tpu.memory_space<vmem>>
    tpu.enqueue_dma source(%dma_start3A_576 : memref<2048xf32, #tpu.memory_space<vmem>>) target(%dma_start3A_574 : memref<2048xf32, #tpu.memory_space<hbm>>) target_semaphore(%arg13 : memref<!tpu.dma_semaphore, #tpu.memory_space<semaphore_mem>>)
    %dma_start3A_577 = arith.constant 6144 : i32
    %dma_start3A_578 = tpu.memref_slice %arg9[%dma_start3A_577] : memref<32768xf32, #tpu.memory_space<vmem>> -> memref<2048xf32, #tpu.memory_space<vmem>>
    %dma_start3A_579 = tpu.memref_slice %arg7[%add3A_426] : memref<3145728xf32, #tpu.memory_space<hbm>> -> memref<2048xf32, #tpu.memory_space<hbm>>
    %dma_start3A_580 = tpu.memref_slice %arg7[%add3A_426] : memref<3145728xf32, #tpu.memory_space<hbm>> -> memref<2048xf32, #tpu.memory_space<hbm>>
    %dma_start3A_581 = arith.constant 6144 : i32
    %dma_start3A_582 = tpu.memref_slice %arg9[%dma_start3A_581] : memref<32768xf32, #tpu.memory_space<vmem>> -> memref<2048xf32, #tpu.memory_space<vmem>>
    tpu.enqueue_dma source(%dma_start3A_582 : memref<2048xf32, #tpu.memory_space<vmem>>) target(%dma_start3A_580 : memref<2048xf32, #tpu.memory_space<hbm>>) target_semaphore(%arg13 : memref<!tpu.dma_semaphore, #tpu.memory_space<semaphore_mem>>)
    %dma_start3A_583 = arith.constant 8192 : i32
    %dma_start3A_584 = tpu.memref_slice %arg9[%dma_start3A_583] : memref<32768xf32, #tpu.memory_space<vmem>> -> memref<2048xf32, #tpu.memory_space<vmem>>
    %dma_start3A_585 = tpu.memref_slice %arg7[%add3A_437] : memref<3145728xf32, #tpu.memory_space<hbm>> -> memref<2048xf32, #tpu.memory_space<hbm>>
    %dma_start3A_586 = tpu.memref_slice %arg7[%add3A_437] : memref<3145728xf32, #tpu.memory_space<hbm>> -> memref<2048xf32, #tpu.memory_space<hbm>>
    %dma_start3A_587 = arith.constant 8192 : i32
    %dma_start3A_588 = tpu.memref_slice %arg9[%dma_start3A_587] : memref<32768xf32, #tpu.memory_space<vmem>> -> memref<2048xf32, #tpu.memory_space<vmem>>
    tpu.enqueue_dma source(%dma_start3A_588 : memref<2048xf32, #tpu.memory_space<vmem>>) target(%dma_start3A_586 : memref<2048xf32, #tpu.memory_space<hbm>>) target_semaphore(%arg13 : memref<!tpu.dma_semaphore, #tpu.memory_space<semaphore_mem>>)
    %dma_start3A_589 = arith.constant 10240 : i32
    %dma_start3A_590 = tpu.memref_slice %arg9[%dma_start3A_589] : memref<32768xf32, #tpu.memory_space<vmem>> -> memref<2048xf32, #tpu.memory_space<vmem>>
    %dma_start3A_591 = tpu.memref_slice %arg7[%add3A_448] : memref<3145728xf32, #tpu.memory_space<hbm>> -> memref<2048xf32, #tpu.memory_space<hbm>>
    %dma_start3A_592 = tpu.memref_slice %arg7[%add3A_448] : memref<3145728xf32, #tpu.memory_space<hbm>> -> memref<2048xf32, #tpu.memory_space<hbm>>
    %dma_start3A_593 = arith.constant 10240 : i32
    %dma_start3A_594 = tpu.memref_slice %arg9[%dma_start3A_593] : memref<32768xf32, #tpu.memory_space<vmem>> -> memref<2048xf32, #tpu.memory_space<vmem>>
    tpu.enqueue_dma source(%dma_start3A_594 : memref<2048xf32, #tpu.memory_space<vmem>>) target(%dma_start3A_592 : memref<2048xf32, #tpu.memory_space<hbm>>) target_semaphore(%arg13 : memref<!tpu.dma_semaphore, #tpu.memory_space<semaphore_mem>>)
    %dma_start3A_595 = arith.constant 12288 : i32
    %dma_start3A_596 = tpu.memref_slice %arg9[%dma_start3A_595] : memref<32768xf32, #tpu.memory_space<vmem>> -> memref<2048xf32, #tpu.memory_space<vmem>>
    %dma_start3A_597 = tpu.memref_slice %arg7[%add3A_459] : memref<3145728xf32, #tpu.memory_space<hbm>> -> memref<2048xf32, #tpu.memory_space<hbm>>
    %dma_start3A_598 = tpu.memref_slice %arg7[%add3A_459] : memref<3145728xf32, #tpu.memory_space<hbm>> -> memref<2048xf32, #tpu.memory_space<hbm>>
    %dma_start3A_599 = arith.constant 12288 : i32
    %dma_start3A_600 = tpu.memref_slice %arg9[%dma_start3A_599] : memref<32768xf32, #tpu.memory_space<vmem>> -> memref<2048xf32, #tpu.memory_space<vmem>>
    tpu.enqueue_dma source(%dma_start3A_600 : memref<2048xf32, #tpu.memory_space<vmem>>) target(%dma_start3A_598 : memref<2048xf32, #tpu.memory_space<hbm>>) target_semaphore(%arg13 : memref<!tpu.dma_semaphore, #tpu.memory_space<semaphore_mem>>)
    %dma_start3A_601 = arith.constant 14336 : i32
    %dma_start3A_602 = tpu.memref_slice %arg9[%dma_start3A_601] : memref<32768xf32, #tpu.memory_space<vmem>> -> memref<2048xf32, #tpu.memory_space<vmem>>
    %dma_start3A_603 = tpu.memref_slice %arg7[%add3A_470] : memref<3145728xf32, #tpu.memory_space<hbm>> -> memref<2048xf32, #tpu.memory_space<hbm>>
    %dma_start3A_604 = tpu.memref_slice %arg7[%add3A_470] : memref<3145728xf32, #tpu.memory_space<hbm>> -> memref<2048xf32, #tpu.memory_space<hbm>>
    %dma_start3A_605 = arith.constant 14336 : i32
    %dma_start3A_606 = tpu.memref_slice %arg9[%dma_start3A_605] : memref<32768xf32, #tpu.memory_space<vmem>> -> memref<2048xf32, #tpu.memory_space<vmem>>
    tpu.enqueue_dma source(%dma_start3A_606 : memref<2048xf32, #tpu.memory_space<vmem>>) target(%dma_start3A_604 : memref<2048xf32, #tpu.memory_space<hbm>>) target_semaphore(%arg13 : memref<!tpu.dma_semaphore, #tpu.memory_space<semaphore_mem>>)
    %dma_start3A_607 = arith.constant 16384 : i32
    %dma_start3A_608 = tpu.memref_slice %arg9[%dma_start3A_607] : memref<32768xf32, #tpu.memory_space<vmem>> -> memref<2048xf32, #tpu.memory_space<vmem>>
    %dma_start3A_609 = tpu.memref_slice %arg7[%add3A_481] : memref<3145728xf32, #tpu.memory_space<hbm>> -> memref<2048xf32, #tpu.memory_space<hbm>>
    %dma_start3A_610 = tpu.memref_slice %arg7[%add3A_481] : memref<3145728xf32, #tpu.memory_space<hbm>> -> memref<2048xf32, #tpu.memory_space<hbm>>
    %dma_start3A_611 = arith.constant 16384 : i32
    %dma_start3A_612 = tpu.memref_slice %arg9[%dma_start3A_611] : memref<32768xf32, #tpu.memory_space<vmem>> -> memref<2048xf32, #tpu.memory_space<vmem>>
    tpu.enqueue_dma source(%dma_start3A_612 : memref<2048xf32, #tpu.memory_space<vmem>>) target(%dma_start3A_610 : memref<2048xf32, #tpu.memory_space<hbm>>) target_semaphore(%arg13 : memref<!tpu.dma_semaphore, #tpu.memory_space<semaphore_mem>>)
    %dma_start3A_613 = arith.constant 18432 : i32
    %dma_start3A_614 = tpu.memref_slice %arg9[%dma_start3A_613] : memref<32768xf32, #tpu.memory_space<vmem>> -> memref<2048xf32, #tpu.memory_space<vmem>>
    %dma_start3A_615 = tpu.memref_slice %arg7[%add3A_492] : memref<3145728xf32, #tpu.memory_space<hbm>> -> memref<2048xf32, #tpu.memory_space<hbm>>
    %dma_start3A_616 = tpu.memref_slice %arg7[%add3A_492] : memref<3145728xf32, #tpu.memory_space<hbm>> -> memref<2048xf32, #tpu.memory_space<hbm>>
    %dma_start3A_617 = arith.constant 18432 : i32
    %dma_start3A_618 = tpu.memref_slice %arg9[%dma_start3A_617] : memref<32768xf32, #tpu.memory_space<vmem>> -> memref<2048xf32, #tpu.memory_space<vmem>>
    tpu.enqueue_dma source(%dma_start3A_618 : memref<2048xf32, #tpu.memory_space<vmem>>) target(%dma_start3A_616 : memref<2048xf32, #tpu.memory_space<hbm>>) target_semaphore(%arg13 : memref<!tpu.dma_semaphore, #tpu.memory_space<semaphore_mem>>)
    %dma_start3A_619 = arith.constant 20480 : i32
    %dma_start3A_620 = tpu.memref_slice %arg9[%dma_start3A_619] : memref<32768xf32, #tpu.memory_space<vmem>> -> memref<2048xf32, #tpu.memory_space<vmem>>
    %dma_start3A_621 = tpu.memref_slice %arg7[%add3A_503] : memref<3145728xf32, #tpu.memory_space<hbm>> -> memref<2048xf32, #tpu.memory_space<hbm>>
    %dma_start3A_622 = tpu.memref_slice %arg7[%add3A_503] : memref<3145728xf32, #tpu.memory_space<hbm>> -> memref<2048xf32, #tpu.memory_space<hbm>>
    %dma_start3A_623 = arith.constant 20480 : i32
    %dma_start3A_624 = tpu.memref_slice %arg9[%dma_start3A_623] : memref<32768xf32, #tpu.memory_space<vmem>> -> memref<2048xf32, #tpu.memory_space<vmem>>
    tpu.enqueue_dma source(%dma_start3A_624 : memref<2048xf32, #tpu.memory_space<vmem>>) target(%dma_start3A_622 : memref<2048xf32, #tpu.memory_space<hbm>>) target_semaphore(%arg13 : memref<!tpu.dma_semaphore, #tpu.memory_space<semaphore_mem>>)
    %dma_start3A_625 = arith.constant 22528 : i32
    %dma_start3A_626 = tpu.memref_slice %arg9[%dma_start3A_625] : memref<32768xf32, #tpu.memory_space<vmem>> -> memref<2048xf32, #tpu.memory_space<vmem>>
    %dma_start3A_627 = tpu.memref_slice %arg7[%add3A_514] : memref<3145728xf32, #tpu.memory_space<hbm>> -> memref<2048xf32, #tpu.memory_space<hbm>>
    %dma_start3A_628 = tpu.memref_slice %arg7[%add3A_514] : memref<3145728xf32, #tpu.memory_space<hbm>> -> memref<2048xf32, #tpu.memory_space<hbm>>
    %dma_start3A_629 = arith.constant 22528 : i32
    %dma_start3A_630 = tpu.memref_slice %arg9[%dma_start3A_629] : memref<32768xf32, #tpu.memory_space<vmem>> -> memref<2048xf32, #tpu.memory_space<vmem>>
    tpu.enqueue_dma source(%dma_start3A_630 : memref<2048xf32, #tpu.memory_space<vmem>>) target(%dma_start3A_628 : memref<2048xf32, #tpu.memory_space<hbm>>) target_semaphore(%arg13 : memref<!tpu.dma_semaphore, #tpu.memory_space<semaphore_mem>>)
    %dma_start3A_631 = arith.constant 24576 : i32
    %dma_start3A_632 = tpu.memref_slice %arg9[%dma_start3A_631] : memref<32768xf32, #tpu.memory_space<vmem>> -> memref<2048xf32, #tpu.memory_space<vmem>>
    %dma_start3A_633 = tpu.memref_slice %arg7[%add3A_525] : memref<3145728xf32, #tpu.memory_space<hbm>> -> memref<2048xf32, #tpu.memory_space<hbm>>
    %dma_start3A_634 = tpu.memref_slice %arg7[%add3A_525] : memref<3145728xf32, #tpu.memory_space<hbm>> -> memref<2048xf32, #tpu.memory_space<hbm>>
    %dma_start3A_635 = arith.constant 24576 : i32
    %dma_start3A_636 = tpu.memref_slice %arg9[%dma_start3A_635] : memref<32768xf32, #tpu.memory_space<vmem>> -> memref<2048xf32, #tpu.memory_space<vmem>>
    tpu.enqueue_dma source(%dma_start3A_636 : memref<2048xf32, #tpu.memory_space<vmem>>) target(%dma_start3A_634 : memref<2048xf32, #tpu.memory_space<hbm>>) target_semaphore(%arg13 : memref<!tpu.dma_semaphore, #tpu.memory_space<semaphore_mem>>)
    %dma_start3A_637 = arith.constant 26624 : i32
    %dma_start3A_638 = tpu.memref_slice %arg9[%dma_start3A_637] : memref<32768xf32, #tpu.memory_space<vmem>> -> memref<2048xf32, #tpu.memory_space<vmem>>
    %dma_start3A_639 = tpu.memref_slice %arg7[%add3A_536] : memref<3145728xf32, #tpu.memory_space<hbm>> -> memref<2048xf32, #tpu.memory_space<hbm>>
    %dma_start3A_640 = tpu.memref_slice %arg7[%add3A_536] : memref<3145728xf32, #tpu.memory_space<hbm>> -> memref<2048xf32, #tpu.memory_space<hbm>>
    %dma_start3A_641 = arith.constant 26624 : i32
    %dma_start3A_642 = tpu.memref_slice %arg9[%dma_start3A_641] : memref<32768xf32, #tpu.memory_space<vmem>> -> memref<2048xf32, #tpu.memory_space<vmem>>
    tpu.enqueue_dma source(%dma_start3A_642 : memref<2048xf32, #tpu.memory_space<vmem>>) target(%dma_start3A_640 : memref<2048xf32, #tpu.memory_space<hbm>>) target_semaphore(%arg13 : memref<!tpu.dma_semaphore, #tpu.memory_space<semaphore_mem>>)
    %dma_start3A_643 = arith.constant 28672 : i32
    %dma_start3A_644 = tpu.memref_slice %arg9[%dma_start3A_643] : memref<32768xf32, #tpu.memory_space<vmem>> -> memref<2048xf32, #tpu.memory_space<vmem>>
    %dma_start3A_645 = tpu.memref_slice %arg7[%add3A_547] : memref<3145728xf32, #tpu.memory_space<hbm>> -> memref<2048xf32, #tpu.memory_space<hbm>>
    %dma_start3A_646 = tpu.memref_slice %arg7[%add3A_547] : memref<3145728xf32, #tpu.memory_space<hbm>> -> memref<2048xf32, #tpu.memory_space<hbm>>
    %dma_start3A_647 = arith.constant 28672 : i32
    %dma_start3A_648 = tpu.memref_slice %arg9[%dma_start3A_647] : memref<32768xf32, #tpu.memory_space<vmem>> -> memref<2048xf32, #tpu.memory_space<vmem>>
    tpu.enqueue_dma source(%dma_start3A_648 : memref<2048xf32, #tpu.memory_space<vmem>>) target(%dma_start3A_646 : memref<2048xf32, #tpu.memory_space<hbm>>) target_semaphore(%arg13 : memref<!tpu.dma_semaphore, #tpu.memory_space<semaphore_mem>>)
    %dma_start3A_649 = arith.constant 30720 : i32
    %dma_start3A_650 = tpu.memref_slice %arg9[%dma_start3A_649] : memref<32768xf32, #tpu.memory_space<vmem>> -> memref<2048xf32, #tpu.memory_space<vmem>>
    %dma_start3A_651 = tpu.memref_slice %arg7[%add3A_558] : memref<3145728xf32, #tpu.memory_space<hbm>> -> memref<2048xf32, #tpu.memory_space<hbm>>
    %dma_start3A_652 = tpu.memref_slice %arg7[%add3A_558] : memref<3145728xf32, #tpu.memory_space<hbm>> -> memref<2048xf32, #tpu.memory_space<hbm>>
    %dma_start3A_653 = arith.constant 30720 : i32
    %dma_start3A_654 = tpu.memref_slice %arg9[%dma_start3A_653] : memref<32768xf32, #tpu.memory_space<vmem>> -> memref<2048xf32, #tpu.memory_space<vmem>>
    tpu.enqueue_dma source(%dma_start3A_654 : memref<2048xf32, #tpu.memory_space<vmem>>) target(%dma_start3A_652 : memref<2048xf32, #tpu.memory_space<hbm>>) target_semaphore(%arg13 : memref<!tpu.dma_semaphore, #tpu.memory_space<semaphore_mem>>)
    %dma_wait3A_655 = arith.constant 0 : i32
    %dma_wait3A_656 = tpu.memref_slice %arg9[%dma_wait3A_655] : memref<32768xf32, #tpu.memory_space<vmem>> -> memref<2048xf32, #tpu.memory_space<vmem>>
    %dma_wait3A_657 = tpu.memref_slice %arg7[%add3A_393] : memref<3145728xf32, #tpu.memory_space<hbm>> -> memref<2048xf32, #tpu.memory_space<hbm>>
    %dma_wait3A_658 = tpu.memref_slice %arg7[%add3A_393] : memref<3145728xf32, #tpu.memory_space<hbm>> -> memref<2048xf32, #tpu.memory_space<hbm>>
    %dma_wait3A_659 = arith.constant 0 : i32
    %dma_wait3A_660 = tpu.memref_slice %arg9[%dma_wait3A_659] : memref<32768xf32, #tpu.memory_space<vmem>> -> memref<2048xf32, #tpu.memory_space<vmem>>
    tpu.wait_dma2 semaphore(%arg13 : memref<!tpu.dma_semaphore, #tpu.memory_space<semaphore_mem>>) src(%dma_wait3A_660 : memref<2048xf32, #tpu.memory_space<vmem>>) dst(%dma_wait3A_658 : memref<2048xf32, #tpu.memory_space<hbm>>)
    %dma_wait3A_661 = arith.constant 2048 : i32
    %dma_wait3A_662 = tpu.memref_slice %arg9[%dma_wait3A_661] : memref<32768xf32, #tpu.memory_space<vmem>> -> memref<2048xf32, #tpu.memory_space<vmem>>
    %dma_wait3A_663 = tpu.memref_slice %arg7[%add3A_404] : memref<3145728xf32, #tpu.memory_space<hbm>> -> memref<2048xf32, #tpu.memory_space<hbm>>
    %dma_wait3A_664 = tpu.memref_slice %arg7[%add3A_404] : memref<3145728xf32, #tpu.memory_space<hbm>> -> memref<2048xf32, #tpu.memory_space<hbm>>
    %dma_wait3A_665 = arith.constant 2048 : i32
    %dma_wait3A_666 = tpu.memref_slice %arg9[%dma_wait3A_665] : memref<32768xf32, #tpu.memory_space<vmem>> -> memref<2048xf32, #tpu.memory_space<vmem>>
    tpu.wait_dma2 semaphore(%arg13 : memref<!tpu.dma_semaphore, #tpu.memory_space<semaphore_mem>>) src(%dma_wait3A_666 : memref<2048xf32, #tpu.memory_space<vmem>>) dst(%dma_wait3A_664 : memref<2048xf32, #tpu.memory_space<hbm>>)
    %dma_wait3A_667 = arith.constant 4096 : i32
    %dma_wait3A_668 = tpu.memref_slice %arg9[%dma_wait3A_667] : memref<32768xf32, #tpu.memory_space<vmem>> -> memref<2048xf32, #tpu.memory_space<vmem>>
    %dma_wait3A_669 = tpu.memref_slice %arg7[%add3A_415] : memref<3145728xf32, #tpu.memory_space<hbm>> -> memref<2048xf32, #tpu.memory_space<hbm>>
    %dma_wait3A_670 = tpu.memref_slice %arg7[%add3A_415] : memref<3145728xf32, #tpu.memory_space<hbm>> -> memref<2048xf32, #tpu.memory_space<hbm>>
    %dma_wait3A_671 = arith.constant 4096 : i32
    %dma_wait3A_672 = tpu.memref_slice %arg9[%dma_wait3A_671] : memref<32768xf32, #tpu.memory_space<vmem>> -> memref<2048xf32, #tpu.memory_space<vmem>>
    tpu.wait_dma2 semaphore(%arg13 : memref<!tpu.dma_semaphore, #tpu.memory_space<semaphore_mem>>) src(%dma_wait3A_672 : memref<2048xf32, #tpu.memory_space<vmem>>) dst(%dma_wait3A_670 : memref<2048xf32, #tpu.memory_space<hbm>>)
    %dma_wait3A_673 = arith.constant 6144 : i32
    %dma_wait3A_674 = tpu.memref_slice %arg9[%dma_wait3A_673] : memref<32768xf32, #tpu.memory_space<vmem>> -> memref<2048xf32, #tpu.memory_space<vmem>>
    %dma_wait3A_675 = tpu.memref_slice %arg7[%add3A_426] : memref<3145728xf32, #tpu.memory_space<hbm>> -> memref<2048xf32, #tpu.memory_space<hbm>>
    %dma_wait3A_676 = tpu.memref_slice %arg7[%add3A_426] : memref<3145728xf32, #tpu.memory_space<hbm>> -> memref<2048xf32, #tpu.memory_space<hbm>>
    %dma_wait3A_677 = arith.constant 6144 : i32
    %dma_wait3A_678 = tpu.memref_slice %arg9[%dma_wait3A_677] : memref<32768xf32, #tpu.memory_space<vmem>> -> memref<2048xf32, #tpu.memory_space<vmem>>
    tpu.wait_dma2 semaphore(%arg13 : memref<!tpu.dma_semaphore, #tpu.memory_space<semaphore_mem>>) src(%dma_wait3A_678 : memref<2048xf32, #tpu.memory_space<vmem>>) dst(%dma_wait3A_676 : memref<2048xf32, #tpu.memory_space<hbm>>)
    %dma_wait3A_679 = arith.constant 8192 : i32
    %dma_wait3A_680 = tpu.memref_slice %arg9[%dma_wait3A_679] : memref<32768xf32, #tpu.memory_space<vmem>> -> memref<2048xf32, #tpu.memory_space<vmem>>
    %dma_wait3A_681 = tpu.memref_slice %arg7[%add3A_437] : memref<3145728xf32, #tpu.memory_space<hbm>> -> memref<2048xf32, #tpu.memory_space<hbm>>
    %dma_wait3A_682 = tpu.memref_slice %arg7[%add3A_437] : memref<3145728xf32, #tpu.memory_space<hbm>> -> memref<2048xf32, #tpu.memory_space<hbm>>
    %dma_wait3A_683 = arith.constant 8192 : i32
    %dma_wait3A_684 = tpu.memref_slice %arg9[%dma_wait3A_683] : memref<32768xf32, #tpu.memory_space<vmem>> -> memref<2048xf32, #tpu.memory_space<vmem>>
    tpu.wait_dma2 semaphore(%arg13 : memref<!tpu.dma_semaphore, #tpu.memory_space<semaphore_mem>>) src(%dma_wait3A_684 : memref<2048xf32, #tpu.memory_space<vmem>>) dst(%dma_wait3A_682 : memref<2048xf32, #tpu.memory_space<hbm>>)
    %dma_wait3A_685 = arith.constant 10240 : i32
    %dma_wait3A_686 = tpu.memref_slice %arg9[%dma_wait3A_685] : memref<32768xf32, #tpu.memory_space<vmem>> -> memref<2048xf32, #tpu.memory_space<vmem>>
    %dma_wait3A_687 = tpu.memref_slice %arg7[%add3A_448] : memref<3145728xf32, #tpu.memory_space<hbm>> -> memref<2048xf32, #tpu.memory_space<hbm>>
    %dma_wait3A_688 = tpu.memref_slice %arg7[%add3A_448] : memref<3145728xf32, #tpu.memory_space<hbm>> -> memref<2048xf32, #tpu.memory_space<hbm>>
    %dma_wait3A_689 = arith.constant 10240 : i32
    %dma_wait3A_690 = tpu.memref_slice %arg9[%dma_wait3A_689] : memref<32768xf32, #tpu.memory_space<vmem>> -> memref<2048xf32, #tpu.memory_space<vmem>>
    tpu.wait_dma2 semaphore(%arg13 : memref<!tpu.dma_semaphore, #tpu.memory_space<semaphore_mem>>) src(%dma_wait3A_690 : memref<2048xf32, #tpu.memory_space<vmem>>) dst(%dma_wait3A_688 : memref<2048xf32, #tpu.memory_space<hbm>>)
    %dma_wait3A_691 = arith.constant 12288 : i32
    %dma_wait3A_692 = tpu.memref_slice %arg9[%dma_wait3A_691] : memref<32768xf32, #tpu.memory_space<vmem>> -> memref<2048xf32, #tpu.memory_space<vmem>>
    %dma_wait3A_693 = tpu.memref_slice %arg7[%add3A_459] : memref<3145728xf32, #tpu.memory_space<hbm>> -> memref<2048xf32, #tpu.memory_space<hbm>>
    %dma_wait3A_694 = tpu.memref_slice %arg7[%add3A_459] : memref<3145728xf32, #tpu.memory_space<hbm>> -> memref<2048xf32, #tpu.memory_space<hbm>>
    %dma_wait3A_695 = arith.constant 12288 : i32
    %dma_wait3A_696 = tpu.memref_slice %arg9[%dma_wait3A_695] : memref<32768xf32, #tpu.memory_space<vmem>> -> memref<2048xf32, #tpu.memory_space<vmem>>
    tpu.wait_dma2 semaphore(%arg13 : memref<!tpu.dma_semaphore, #tpu.memory_space<semaphore_mem>>) src(%dma_wait3A_696 : memref<2048xf32, #tpu.memory_space<vmem>>) dst(%dma_wait3A_694 : memref<2048xf32, #tpu.memory_space<hbm>>)
    %dma_wait3A_697 = arith.constant 14336 : i32
    %dma_wait3A_698 = tpu.memref_slice %arg9[%dma_wait3A_697] : memref<32768xf32, #tpu.memory_space<vmem>> -> memref<2048xf32, #tpu.memory_space<vmem>>
    %dma_wait3A_699 = tpu.memref_slice %arg7[%add3A_470] : memref<3145728xf32, #tpu.memory_space<hbm>> -> memref<2048xf32, #tpu.memory_space<hbm>>
    %dma_wait3A_700 = tpu.memref_slice %arg7[%add3A_470] : memref<3145728xf32, #tpu.memory_space<hbm>> -> memref<2048xf32, #tpu.memory_space<hbm>>
    %dma_wait3A_701 = arith.constant 14336 : i32
    %dma_wait3A_702 = tpu.memref_slice %arg9[%dma_wait3A_701] : memref<32768xf32, #tpu.memory_space<vmem>> -> memref<2048xf32, #tpu.memory_space<vmem>>
    tpu.wait_dma2 semaphore(%arg13 : memref<!tpu.dma_semaphore, #tpu.memory_space<semaphore_mem>>) src(%dma_wait3A_702 : memref<2048xf32, #tpu.memory_space<vmem>>) dst(%dma_wait3A_700 : memref<2048xf32, #tpu.memory_space<hbm>>)
    %dma_wait3A_703 = arith.constant 16384 : i32
    %dma_wait3A_704 = tpu.memref_slice %arg9[%dma_wait3A_703] : memref<32768xf32, #tpu.memory_space<vmem>> -> memref<2048xf32, #tpu.memory_space<vmem>>
    %dma_wait3A_705 = tpu.memref_slice %arg7[%add3A_481] : memref<3145728xf32, #tpu.memory_space<hbm>> -> memref<2048xf32, #tpu.memory_space<hbm>>
    %dma_wait3A_706 = tpu.memref_slice %arg7[%add3A_481] : memref<3145728xf32, #tpu.memory_space<hbm>> -> memref<2048xf32, #tpu.memory_space<hbm>>
    %dma_wait3A_707 = arith.constant 16384 : i32
    %dma_wait3A_708 = tpu.memref_slice %arg9[%dma_wait3A_707] : memref<32768xf32, #tpu.memory_space<vmem>> -> memref<2048xf32, #tpu.memory_space<vmem>>
    tpu.wait_dma2 semaphore(%arg13 : memref<!tpu.dma_semaphore, #tpu.memory_space<semaphore_mem>>) src(%dma_wait3A_708 : memref<2048xf32, #tpu.memory_space<vmem>>) dst(%dma_wait3A_706 : memref<2048xf32, #tpu.memory_space<hbm>>)
    %dma_wait3A_709 = arith.constant 18432 : i32
    %dma_wait3A_710 = tpu.memref_slice %arg9[%dma_wait3A_709] : memref<32768xf32, #tpu.memory_space<vmem>> -> memref<2048xf32, #tpu.memory_space<vmem>>
    %dma_wait3A_711 = tpu.memref_slice %arg7[%add3A_492] : memref<3145728xf32, #tpu.memory_space<hbm>> -> memref<2048xf32, #tpu.memory_space<hbm>>
    %dma_wait3A_712 = tpu.memref_slice %arg7[%add3A_492] : memref<3145728xf32, #tpu.memory_space<hbm>> -> memref<2048xf32, #tpu.memory_space<hbm>>
    %dma_wait3A_713 = arith.constant 18432 : i32
    %dma_wait3A_714 = tpu.memref_slice %arg9[%dma_wait3A_713] : memref<32768xf32, #tpu.memory_space<vmem>> -> memref<2048xf32, #tpu.memory_space<vmem>>
    tpu.wait_dma2 semaphore(%arg13 : memref<!tpu.dma_semaphore, #tpu.memory_space<semaphore_mem>>) src(%dma_wait3A_714 : memref<2048xf32, #tpu.memory_space<vmem>>) dst(%dma_wait3A_712 : memref<2048xf32, #tpu.memory_space<hbm>>)
    %dma_wait3A_715 = arith.constant 20480 : i32
    %dma_wait3A_716 = tpu.memref_slice %arg9[%dma_wait3A_715] : memref<32768xf32, #tpu.memory_space<vmem>> -> memref<2048xf32, #tpu.memory_space<vmem>>
    %dma_wait3A_717 = tpu.memref_slice %arg7[%add3A_503] : memref<3145728xf32, #tpu.memory_space<hbm>> -> memref<2048xf32, #tpu.memory_space<hbm>>
    %dma_wait3A_718 = tpu.memref_slice %arg7[%add3A_503] : memref<3145728xf32, #tpu.memory_space<hbm>> -> memref<2048xf32, #tpu.memory_space<hbm>>
    %dma_wait3A_719 = arith.constant 20480 : i32
    %dma_wait3A_720 = tpu.memref_slice %arg9[%dma_wait3A_719] : memref<32768xf32, #tpu.memory_space<vmem>> -> memref<2048xf32, #tpu.memory_space<vmem>>
    tpu.wait_dma2 semaphore(%arg13 : memref<!tpu.dma_semaphore, #tpu.memory_space<semaphore_mem>>) src(%dma_wait3A_720 : memref<2048xf32, #tpu.memory_space<vmem>>) dst(%dma_wait3A_718 : memref<2048xf32, #tpu.memory_space<hbm>>)
    %dma_wait3A_721 = arith.constant 22528 : i32
    %dma_wait3A_722 = tpu.memref_slice %arg9[%dma_wait3A_721] : memref<32768xf32, #tpu.memory_space<vmem>> -> memref<2048xf32, #tpu.memory_space<vmem>>
    %dma_wait3A_723 = tpu.memref_slice %arg7[%add3A_514] : memref<3145728xf32, #tpu.memory_space<hbm>> -> memref<2048xf32, #tpu.memory_space<hbm>>
    %dma_wait3A_724 = tpu.memref_slice %arg7[%add3A_514] : memref<3145728xf32, #tpu.memory_space<hbm>> -> memref<2048xf32, #tpu.memory_space<hbm>>
    %dma_wait3A_725 = arith.constant 22528 : i32
    %dma_wait3A_726 = tpu.memref_slice %arg9[%dma_wait3A_725] : memref<32768xf32, #tpu.memory_space<vmem>> -> memref<2048xf32, #tpu.memory_space<vmem>>
    tpu.wait_dma2 semaphore(%arg13 : memref<!tpu.dma_semaphore, #tpu.memory_space<semaphore_mem>>) src(%dma_wait3A_726 : memref<2048xf32, #tpu.memory_space<vmem>>) dst(%dma_wait3A_724 : memref<2048xf32, #tpu.memory_space<hbm>>)
    %dma_wait3A_727 = arith.constant 24576 : i32
    %dma_wait3A_728 = tpu.memref_slice %arg9[%dma_wait3A_727] : memref<32768xf32, #tpu.memory_space<vmem>> -> memref<2048xf32, #tpu.memory_space<vmem>>
    %dma_wait3A_729 = tpu.memref_slice %arg7[%add3A_525] : memref<3145728xf32, #tpu.memory_space<hbm>> -> memref<2048xf32, #tpu.memory_space<hbm>>
    %dma_wait3A_730 = tpu.memref_slice %arg7[%add3A_525] : memref<3145728xf32, #tpu.memory_space<hbm>> -> memref<2048xf32, #tpu.memory_space<hbm>>
    %dma_wait3A_731 = arith.constant 24576 : i32
    %dma_wait3A_732 = tpu.memref_slice %arg9[%dma_wait3A_731] : memref<32768xf32, #tpu.memory_space<vmem>> -> memref<2048xf32, #tpu.memory_space<vmem>>
    tpu.wait_dma2 semaphore(%arg13 : memref<!tpu.dma_semaphore, #tpu.memory_space<semaphore_mem>>) src(%dma_wait3A_732 : memref<2048xf32, #tpu.memory_space<vmem>>) dst(%dma_wait3A_730 : memref<2048xf32, #tpu.memory_space<hbm>>)
    %dma_wait3A_733 = arith.constant 26624 : i32
    %dma_wait3A_734 = tpu.memref_slice %arg9[%dma_wait3A_733] : memref<32768xf32, #tpu.memory_space<vmem>> -> memref<2048xf32, #tpu.memory_space<vmem>>
    %dma_wait3A_735 = tpu.memref_slice %arg7[%add3A_536] : memref<3145728xf32, #tpu.memory_space<hbm>> -> memref<2048xf32, #tpu.memory_space<hbm>>
    %dma_wait3A_736 = tpu.memref_slice %arg7[%add3A_536] : memref<3145728xf32, #tpu.memory_space<hbm>> -> memref<2048xf32, #tpu.memory_space<hbm>>
    %dma_wait3A_737 = arith.constant 26624 : i32
    %dma_wait3A_738 = tpu.memref_slice %arg9[%dma_wait3A_737] : memref<32768xf32, #tpu.memory_space<vmem>> -> memref<2048xf32, #tpu.memory_space<vmem>>
    tpu.wait_dma2 semaphore(%arg13 : memref<!tpu.dma_semaphore, #tpu.memory_space<semaphore_mem>>) src(%dma_wait3A_738 : memref<2048xf32, #tpu.memory_space<vmem>>) dst(%dma_wait3A_736 : memref<2048xf32, #tpu.memory_space<hbm>>)
    %dma_wait3A_739 = arith.constant 28672 : i32
    %dma_wait3A_740 = tpu.memref_slice %arg9[%dma_wait3A_739] : memref<32768xf32, #tpu.memory_space<vmem>> -> memref<2048xf32, #tpu.memory_space<vmem>>
    %dma_wait3A_741 = tpu.memref_slice %arg7[%add3A_547] : memref<3145728xf32, #tpu.memory_space<hbm>> -> memref<2048xf32, #tpu.memory_space<hbm>>
    %dma_wait3A_742 = tpu.memref_slice %arg7[%add3A_547] : memref<3145728xf32, #tpu.memory_space<hbm>> -> memref<2048xf32, #tpu.memory_space<hbm>>
    %dma_wait3A_743 = arith.constant 28672 : i32
    %dma_wait3A_744 = tpu.memref_slice %arg9[%dma_wait3A_743] : memref<32768xf32, #tpu.memory_space<vmem>> -> memref<2048xf32, #tpu.memory_space<vmem>>
    tpu.wait_dma2 semaphore(%arg13 : memref<!tpu.dma_semaphore, #tpu.memory_space<semaphore_mem>>) src(%dma_wait3A_744 : memref<2048xf32, #tpu.memory_space<vmem>>) dst(%dma_wait3A_742 : memref<2048xf32, #tpu.memory_space<hbm>>)
    %dma_wait3A_745 = arith.constant 30720 : i32
    %dma_wait3A_746 = tpu.memref_slice %arg9[%dma_wait3A_745] : memref<32768xf32, #tpu.memory_space<vmem>> -> memref<2048xf32, #tpu.memory_space<vmem>>
    %dma_wait3A_747 = tpu.memref_slice %arg7[%add3A_558] : memref<3145728xf32, #tpu.memory_space<hbm>> -> memref<2048xf32, #tpu.memory_space<hbm>>
    %dma_wait3A_748 = tpu.memref_slice %arg7[%add3A_558] : memref<3145728xf32, #tpu.memory_space<hbm>> -> memref<2048xf32, #tpu.memory_space<hbm>>
    %dma_wait3A_749 = arith.constant 30720 : i32
    %dma_wait3A_750 = tpu.memref_slice %arg9[%dma_wait3A_749] : memref<32768xf32, #tpu.memory_space<vmem>> -> memref<2048xf32, #tpu.memory_space<vmem>>
    tpu.wait_dma2 semaphore(%arg13 : memref<!tpu.dma_semaphore, #tpu.memory_space<semaphore_mem>>) src(%dma_wait3A_750 : memref<2048xf32, #tpu.memory_space<vmem>>) dst(%dma_wait3A_748 : memref<2048xf32, #tpu.memory_space<hbm>>)
    %scan3A_751 = arith.constant 0 : i32
    %scan3A_752 = arith.constant 0 : i32
    %scan3A_753 = arith.constant 8 : i32
    %scan3A_754 = arith.addi %scan3A_752, %scan3A_753 : i32
    %scan3A_755 = arith.constant 1 : i32
    %scan3A_756 = scf.for %scan3A_942 = %scan3A_752 to %scan3A_754 step %scan3A_755 iter_args(%scan3A_943 = %scan3A_751) -> (i32)  : i32 {
      %sub3A = arith.constant 7 : i32
      %sub3A_944 = arith.subi %sub3A, %scan3A_942 : i32
      %mul3A_945 = arith.constant 8 : i32
      %mul3A_946 = arith.muli %arg0, %mul3A_945 : i32
      %add3A_947 = arith.addi %mul3A_946, %sub3A_944 : i32
      %mul3A_948 = arith.constant 66568 : i32
      %mul3A_949 = arith.muli %add3A_947, %mul3A_948 : i32
      %dma_start3A_950 = tpu.memref_slice %arg6[%mul3A_949] : memref<1065088xi32, #tpu.memory_space<hbm>> -> memref<66564xi32, #tpu.memory_space<hbm>>
      %dma_start3A_951 = tpu.memref_slice %arg6[%mul3A_949] : memref<1065088xi32, #tpu.memory_space<hbm>> -> memref<66564xi32, #tpu.memory_space<hbm>>
      tpu.enqueue_dma source(%dma_start3A_951 : memref<66564xi32, #tpu.memory_space<hbm>>) target(%arg8 : memref<66564xi32, #tpu.memory_space<vmem>>) target_semaphore(%arg12 : memref<!tpu.dma_semaphore, #tpu.memory_space<semaphore_mem>>)
      %mul3A_952 = arith.constant 8 : i32
      %mul3A_953 = arith.muli %arg0, %mul3A_952 : i32
      %add3A_954 = arith.addi %mul3A_953, %sub3A_944 : i32
      %mul3A_955 = arith.constant 2 : i32
      %mul3A_956 = arith.muli %add3A_954, %mul3A_955 : i32
      %mul3A_957 = arith.constant 65536 : i32
      %mul3A_958 = arith.muli %mul3A_956, %mul3A_957 : i32
      %add3A_959 = arith.addi %mul3A_958, %mul3A_0 : i32
      "tpu.region"() ({
        %run_scoped3A = tpu.sem_alloc : memref<!tpu.dma_semaphore, #tpu.memory_space<semaphore_mem>>
        %dma_start3A_992 = arith.constant 0 : i32
        %dma_start3A_993 = tpu.memref_slice %arg10[%dma_start3A_992] : memref<8192xf32, #tpu.memory_space<vmem>> -> memref<4096xf32, #tpu.memory_space<vmem>>
        %dma_start3A_994 = tpu.memref_slice %arg3[%add3A_959] : memref<2097152xf32, #tpu.memory_space<hbm>> -> memref<4096xf32, #tpu.memory_space<hbm>>
        %dma_start3A_995 = arith.constant 0 : i32
        %dma_start3A_996 = tpu.memref_slice %arg10[%dma_start3A_995] : memref<8192xf32, #tpu.memory_space<vmem>> -> memref<4096xf32, #tpu.memory_space<vmem>>
        %dma_start3A_997 = tpu.memref_slice %arg3[%add3A_959] : memref<2097152xf32, #tpu.memory_space<hbm>> -> memref<4096xf32, #tpu.memory_space<hbm>>
        tpu.enqueue_dma source(%dma_start3A_997 : memref<4096xf32, #tpu.memory_space<hbm>>) target(%dma_start3A_996 : memref<4096xf32, #tpu.memory_space<vmem>>) target_semaphore(%run_scoped3A : memref<!tpu.dma_semaphore, #tpu.memory_space<semaphore_mem>>)
        %dma_wait3A_998 = arith.constant 0 : i32
        %dma_wait3A_999 = tpu.memref_slice %arg10[%dma_wait3A_998] : memref<8192xf32, #tpu.memory_space<vmem>> -> memref<4096xf32, #tpu.memory_space<vmem>>
        %dma_wait3A_1000 = tpu.memref_slice %arg3[%add3A_959] : memref<2097152xf32, #tpu.memory_space<hbm>> -> memref<4096xf32, #tpu.memory_space<hbm>>
        %dma_wait3A_1001 = arith.constant 0 : i32
        %dma_wait3A_1002 = tpu.memref_slice %arg10[%dma_wait3A_1001] : memref<8192xf32, #tpu.memory_space<vmem>> -> memref<4096xf32, #tpu.memory_space<vmem>>
        %dma_wait3A_1003 = tpu.memref_slice %arg3[%add3A_959] : memref<2097152xf32, #tpu.memory_space<hbm>> -> memref<4096xf32, #tpu.memory_space<hbm>>
        tpu.wait_dma2 semaphore(%run_scoped3A : memref<!tpu.dma_semaphore, #tpu.memory_space<semaphore_mem>>) src(%dma_wait3A_1003 : memref<4096xf32, #tpu.memory_space<hbm>>) dst(%dma_wait3A_1002 : memref<4096xf32, #tpu.memory_space<vmem>>)
        tpu.yield
      }) : () -> ()
      %add3A_960 = arith.constant 65536 : i32
      %add3A_961 = arith.addi %add3A_959, %add3A_960 : i32
      "tpu.region"() ({
        %run_scoped3A = tpu.sem_alloc : memref<!tpu.dma_semaphore, #tpu.memory_space<semaphore_mem>>
        %dma_start3A_992 = arith.constant 4096 : i32
        %dma_start3A_993 = tpu.memref_slice %arg10[%dma_start3A_992] : memref<8192xf32, #tpu.memory_space<vmem>> -> memref<4096xf32, #tpu.memory_space<vmem>>
        %dma_start3A_994 = tpu.memref_slice %arg3[%add3A_961] : memref<2097152xf32, #tpu.memory_space<hbm>> -> memref<4096xf32, #tpu.memory_space<hbm>>
        %dma_start3A_995 = arith.constant 4096 : i32
        %dma_start3A_996 = tpu.memref_slice %arg10[%dma_start3A_995] : memref<8192xf32, #tpu.memory_space<vmem>> -> memref<4096xf32, #tpu.memory_space<vmem>>
        %dma_start3A_997 = tpu.memref_slice %arg3[%add3A_961] : memref<2097152xf32, #tpu.memory_space<hbm>> -> memref<4096xf32, #tpu.memory_space<hbm>>
        tpu.enqueue_dma source(%dma_start3A_997 : memref<4096xf32, #tpu.memory_space<hbm>>) target(%dma_start3A_996 : memref<4096xf32, #tpu.memory_space<vmem>>) target_semaphore(%run_scoped3A : memref<!tpu.dma_semaphore, #tpu.memory_space<semaphore_mem>>)
        %dma_wait3A_998 = arith.constant 4096 : i32
        %dma_wait3A_999 = tpu.memref_slice %arg10[%dma_wait3A_998] : memref<8192xf32, #tpu.memory_space<vmem>> -> memref<4096xf32, #tpu.memory_space<vmem>>
        %dma_wait3A_1000 = tpu.memref_slice %arg3[%add3A_961] : memref<2097152xf32, #tpu.memory_space<hbm>> -> memref<4096xf32, #tpu.memory_space<hbm>>
        %dma_wait3A_1001 = arith.constant 4096 : i32
        %dma_wait3A_1002 = tpu.memref_slice %arg10[%dma_wait3A_1001] : memref<8192xf32, #tpu.memory_space<vmem>> -> memref<4096xf32, #tpu.memory_space<vmem>>
        %dma_wait3A_1003 = tpu.memref_slice %arg3[%add3A_961] : memref<2097152xf32, #tpu.memory_space<hbm>> -> memref<4096xf32, #tpu.memory_space<hbm>>
        tpu.wait_dma2 semaphore(%run_scoped3A : memref<!tpu.dma_semaphore, #tpu.memory_space<semaphore_mem>>) src(%dma_wait3A_1003 : memref<4096xf32, #tpu.memory_space<hbm>>) dst(%dma_wait3A_1002 : memref<4096xf32, #tpu.memory_space<vmem>>)
        tpu.yield
      }) : () -> ()
      %mul3A_962 = arith.constant 8 : i32
      %mul3A_963 = arith.muli %arg0, %mul3A_962 : i32
      %add3A_964 = arith.addi %mul3A_963, %sub3A_944 : i32
      %mul3A_965 = arith.constant 3 : i32
      %mul3A_966 = arith.muli %add3A_964, %mul3A_965 : i32
      %add3A_967 = arith.constant 2 : i32
      %add3A_968 = arith.addi %mul3A_966, %add3A_967 : i32
      %mul3A_969 = arith.constant 65536 : i32
      %mul3A_970 = arith.muli %add3A_968, %mul3A_969 : i32
      %add3A_971 = arith.addi %mul3A_970, %mul3A_0 : i32
      %mul3A_972 = arith.constant 4096 : i32
      %mul3A_973 = arith.muli %sub3A_944, %mul3A_972 : i32
      "tpu.region"() ({
        %run_scoped3A = tpu.sem_alloc : memref<!tpu.dma_semaphore, #tpu.memory_space<semaphore_mem>>
        %dma_start3A_992 = tpu.memref_slice %arg9[%mul3A_973] : memref<32768xf32, #tpu.memory_space<vmem>> -> memref<4096xf32, #tpu.memory_space<vmem>>
        %dma_start3A_993 = tpu.memref_slice %arg4[%add3A_971] : memref<3145728xf32, #tpu.memory_space<hbm>> -> memref<4096xf32, #tpu.memory_space<hbm>>
        %dma_start3A_994 = tpu.memref_slice %arg9[%mul3A_973] : memref<32768xf32, #tpu.memory_space<vmem>> -> memref<4096xf32, #tpu.memory_space<vmem>>
        %dma_start3A_995 = tpu.memref_slice %arg4[%add3A_971] : memref<3145728xf32, #tpu.memory_space<hbm>> -> memref<4096xf32, #tpu.memory_space<hbm>>
        tpu.enqueue_dma source(%dma_start3A_995 : memref<4096xf32, #tpu.memory_space<hbm>>) target(%dma_start3A_994 : memref<4096xf32, #tpu.memory_space<vmem>>) target_semaphore(%run_scoped3A : memref<!tpu.dma_semaphore, #tpu.memory_space<semaphore_mem>>)
        %dma_wait3A_996 = tpu.memref_slice %arg9[%mul3A_973] : memref<32768xf32, #tpu.memory_space<vmem>> -> memref<4096xf32, #tpu.memory_space<vmem>>
        %dma_wait3A_997 = tpu.memref_slice %arg4[%add3A_971] : memref<3145728xf32, #tpu.memory_space<hbm>> -> memref<4096xf32, #tpu.memory_space<hbm>>
        %dma_wait3A_998 = tpu.memref_slice %arg9[%mul3A_973] : memref<32768xf32, #tpu.memory_space<vmem>> -> memref<4096xf32, #tpu.memory_space<vmem>>
        %dma_wait3A_999 = tpu.memref_slice %arg4[%add3A_971] : memref<3145728xf32, #tpu.memory_space<hbm>> -> memref<4096xf32, #tpu.memory_space<hbm>>
        tpu.wait_dma2 semaphore(%run_scoped3A : memref<!tpu.dma_semaphore, #tpu.memory_space<semaphore_mem>>) src(%dma_wait3A_999 : memref<4096xf32, #tpu.memory_space<hbm>>) dst(%dma_wait3A_998 : memref<4096xf32, #tpu.memory_space<vmem>>)
        tpu.yield
      }) : () -> ()
      %lt3A = arith.constant 7 : i32
      %lt3A_974 = arith.cmpi slt, %sub3A_944, %lt3A : i32
      %convert_element_type3A = arith.extui %lt3A_974 : i1 to i32
      %cond3A = arith.constant 0 : i32
      %cond3A_975 = arith.cmpi ne, %convert_element_type3A, %cond3A : i32
      scf.if %cond3A_975 {
        %add3A_992 = arith.constant 1 : i32
        %add3A_993 = arith.addi %sub3A_944, %add3A_992 : i32
        %mul3A_994 = arith.constant 8 : i32
        %mul3A_995 = arith.muli %arg0, %mul3A_994 : i32
        %add3A_996 = arith.addi %mul3A_995, %add3A_993 : i32
        %mul3A_997 = arith.constant 2 : i32
        %mul3A_998 = arith.muli %add3A_996, %mul3A_997 : i32
        %mul3A_999 = arith.constant 65536 : i32
        %mul3A_1000 = arith.muli %mul3A_998, %mul3A_999 : i32
        %add3A_1001 = arith.addi %mul3A_1000, %mul3A_0 : i32
        %dma_start3A_1002 = arith.constant 0 : i32
        %dma_start3A_1003 = tpu.memref_slice %arg11[%dma_start3A_1002] : memref<16384xf32, #tpu.memory_space<vmem>> -> memref<4096xf32, #tpu.memory_space<vmem>>
        %dma_start3A_1004 = tpu.memref_slice %arg2[%add3A_1001] : memref<2097152xf32, #tpu.memory_space<hbm>> -> memref<4096xf32, #tpu.memory_space<hbm>>
        %dma_start3A_1005 = arith.constant 0 : i32
        %dma_start3A_1006 = tpu.memref_slice %arg11[%dma_start3A_1005] : memref<16384xf32, #tpu.memory_space<vmem>> -> memref<4096xf32, #tpu.memory_space<vmem>>
        %dma_start3A_1007 = tpu.memref_slice %arg2[%add3A_1001] : memref<2097152xf32, #tpu.memory_space<hbm>> -> memref<4096xf32, #tpu.memory_space<hbm>>
        tpu.enqueue_dma source(%dma_start3A_1007 : memref<4096xf32, #tpu.memory_space<hbm>>) target(%dma_start3A_1006 : memref<4096xf32, #tpu.memory_space<vmem>>) target_semaphore(%arg13 : memref<!tpu.dma_semaphore, #tpu.memory_space<semaphore_mem>>)
        %add3A_1008 = arith.constant 65536 : i32
        %add3A_1009 = arith.addi %add3A_1001, %add3A_1008 : i32
        %dma_start3A_1010 = arith.constant 4096 : i32
        %dma_start3A_1011 = tpu.memref_slice %arg11[%dma_start3A_1010] : memref<16384xf32, #tpu.memory_space<vmem>> -> memref<4096xf32, #tpu.memory_space<vmem>>
        %dma_start3A_1012 = tpu.memref_slice %arg2[%add3A_1009] : memref<2097152xf32, #tpu.memory_space<hbm>> -> memref<4096xf32, #tpu.memory_space<hbm>>
        %dma_start3A_1013 = arith.constant 4096 : i32
        %dma_start3A_1014 = tpu.memref_slice %arg11[%dma_start3A_1013] : memref<16384xf32, #tpu.memory_space<vmem>> -> memref<4096xf32, #tpu.memory_space<vmem>>
        %dma_start3A_1015 = tpu.memref_slice %arg2[%add3A_1009] : memref<2097152xf32, #tpu.memory_space<hbm>> -> memref<4096xf32, #tpu.memory_space<hbm>>
        tpu.enqueue_dma source(%dma_start3A_1015 : memref<4096xf32, #tpu.memory_space<hbm>>) target(%dma_start3A_1014 : memref<4096xf32, #tpu.memory_space<vmem>>) target_semaphore(%arg13 : memref<!tpu.dma_semaphore, #tpu.memory_space<semaphore_mem>>)
      } else {
      }
      %dma_wait3A_976 = tpu.memref_slice %arg6[%mul3A_949] : memref<1065088xi32, #tpu.memory_space<hbm>> -> memref<66564xi32, #tpu.memory_space<hbm>>
      %dma_wait3A_977 = tpu.memref_slice %arg6[%mul3A_949] : memref<1065088xi32, #tpu.memory_space<hbm>> -> memref<66564xi32, #tpu.memory_space<hbm>>
      tpu.wait_dma2 semaphore(%arg12 : memref<!tpu.dma_semaphore, #tpu.memory_space<semaphore_mem>>) src(%dma_wait3A_977 : memref<66564xi32, #tpu.memory_space<hbm>>) dst(%arg8 : memref<66564xi32, #tpu.memory_space<vmem>>)
      %add3A_978 = arith.constant 1 : i32
      %add3A_979 = arith.addi %sub3A_944, %add3A_978 : i32
      %while3A = arith.constant 8 : i32
      %while3A_980 = arith.constant 0 : i32
      %while3A_981 = arith.subi %while3A, %add3A_979 : i32
      %while3A_982 = arith.addi %add3A_979, %while3A_981 : i32
      %while3A_983 = arith.constant 1 : i32
      %while3A_984 = arith.divsi %while3A_981, %while3A_983 : i32
      %while3A_985 = arith.muli %while3A_984, %while3A_983 : i32
      %while3A_986 = arith.addi %add3A_979, %while3A_985 : i32
      %while3A_987 = arith.constant 1 : i32
      %while3A_988 = scf.for %while3A_992 = %add3A_979 to %while3A_986 step %while3A_987 iter_args(%while3A_993 = %while3A_980) -> (i32)  : i32 {
        %sub3A_994 = arith.subi %while3A_992, %sub3A_944 : i32
        %sub3A_995 = arith.constant 1 : i32
        %sub3A_996 = arith.subi %sub3A_994, %sub3A_995 : i32
        %and3A = arith.constant 1 : i32
        %and3A_997 = arith.andi %sub3A_996, %and3A : i32
        %mul3A_998 = arith.constant 8192 : i32
        %mul3A_999 = arith.muli %and3A_997, %mul3A_998 : i32
        %mul3A_1000 = arith.constant 8 : i32
        %mul3A_1001 = arith.muli %arg0, %mul3A_1000 : i32
        %add3A_1002 = arith.addi %mul3A_1001, %while3A_992 : i32
        %mul3A_1003 = arith.constant 2 : i32
        %mul3A_1004 = arith.muli %add3A_1002, %mul3A_1003 : i32
        %mul3A_1005 = arith.constant 65536 : i32
        %mul3A_1006 = arith.muli %mul3A_1004, %mul3A_1005 : i32
        %add3A_1007 = arith.addi %mul3A_1006, %mul3A_0 : i32
        %dma_wait3A_1008 = tpu.memref_slice %arg11[%mul3A_999] : memref<16384xf32, #tpu.memory_space<vmem>> -> memref<4096xf32, #tpu.memory_space<vmem>>
        %dma_wait3A_1009 = tpu.memref_slice %arg2[%add3A_1007] : memref<2097152xf32, #tpu.memory_space<hbm>> -> memref<4096xf32, #tpu.memory_space<hbm>>
        %dma_wait3A_1010 = tpu.memref_slice %arg11[%mul3A_999] : memref<16384xf32, #tpu.memory_space<vmem>> -> memref<4096xf32, #tpu.memory_space<vmem>>
        %dma_wait3A_1011 = tpu.memref_slice %arg2[%add3A_1007] : memref<2097152xf32, #tpu.memory_space<hbm>> -> memref<4096xf32, #tpu.memory_space<hbm>>
        tpu.wait_dma2 semaphore(%arg13 : memref<!tpu.dma_semaphore, #tpu.memory_space<semaphore_mem>>) src(%dma_wait3A_1011 : memref<4096xf32, #tpu.memory_space<hbm>>) dst(%dma_wait3A_1010 : memref<4096xf32, #tpu.memory_space<vmem>>)
        %add3A_1012 = arith.constant 65536 : i32
        %add3A_1013 = arith.addi %add3A_1007, %add3A_1012 : i32
        %add3A_1014 = arith.constant 4096 : i32
        %add3A_1015 = arith.addi %mul3A_999, %add3A_1014 : i32
        %dma_wait3A_1016 = tpu.memref_slice %arg11[%add3A_1015] : memref<16384xf32, #tpu.memory_space<vmem>> -> memref<4096xf32, #tpu.memory_space<vmem>>
        %dma_wait3A_1017 = tpu.memref_slice %arg2[%add3A_1013] : memref<2097152xf32, #tpu.memory_space<hbm>> -> memref<4096xf32, #tpu.memory_space<hbm>>
        %dma_wait3A_1018 = tpu.memref_slice %arg11[%add3A_1015] : memref<16384xf32, #tpu.memory_space<vmem>> -> memref<4096xf32, #tpu.memory_space<vmem>>
        %dma_wait3A_1019 = tpu.memref_slice %arg2[%add3A_1013] : memref<2097152xf32, #tpu.memory_space<hbm>> -> memref<4096xf32, #tpu.memory_space<hbm>>
        tpu.wait_dma2 semaphore(%arg13 : memref<!tpu.dma_semaphore, #tpu.memory_space<semaphore_mem>>) src(%dma_wait3A_1019 : memref<4096xf32, #tpu.memory_space<hbm>>) dst(%dma_wait3A_1018 : memref<4096xf32, #tpu.memory_space<vmem>>)
        %add3A_1020 = arith.constant 1 : i32
        %add3A_1021 = arith.addi %while3A_992, %add3A_1020 : i32
        %lt3A_1022 = arith.constant 8 : i32
        %lt3A_1023 = arith.cmpi slt, %add3A_1021, %lt3A_1022 : i32
        %convert_element_type3A_1024 = arith.extui %lt3A_1023 : i1 to i32
        %cond3A_1025 = arith.constant 0 : i32
        %cond3A_1026 = arith.cmpi ne, %convert_element_type3A_1024, %cond3A_1025 : i32
        scf.if %cond3A_1026 {
          %add3A_1030 = arith.constant 1 : i32
          %add3A_1031 = arith.addi %while3A_992, %add3A_1030 : i32
          %sub3A_1032 = arith.constant 8192 : i32
          %sub3A_1033 = arith.subi %sub3A_1032, %mul3A_999 : i32
          %mul3A_1034 = arith.constant 8 : i32
          %mul3A_1035 = arith.muli %arg0, %mul3A_1034 : i32
          %add3A_1036 = arith.addi %mul3A_1035, %add3A_1031 : i32
          %mul3A_1037 = arith.constant 2 : i32
          %mul3A_1038 = arith.muli %add3A_1036, %mul3A_1037 : i32
          %mul3A_1039 = arith.constant 65536 : i32
          %mul3A_1040 = arith.muli %mul3A_1038, %mul3A_1039 : i32
          %add3A_1041 = arith.addi %mul3A_1040, %mul3A_0 : i32
          %dma_start3A_1042 = tpu.memref_slice %arg11[%sub3A_1033] : memref<16384xf32, #tpu.memory_space<vmem>> -> memref<4096xf32, #tpu.memory_space<vmem>>
          %dma_start3A_1043 = tpu.memref_slice %arg2[%add3A_1041] : memref<2097152xf32, #tpu.memory_space<hbm>> -> memref<4096xf32, #tpu.memory_space<hbm>>
          %dma_start3A_1044 = tpu.memref_slice %arg11[%sub3A_1033] : memref<16384xf32, #tpu.memory_space<vmem>> -> memref<4096xf32, #tpu.memory_space<vmem>>
          %dma_start3A_1045 = tpu.memref_slice %arg2[%add3A_1041] : memref<2097152xf32, #tpu.memory_space<hbm>> -> memref<4096xf32, #tpu.memory_space<hbm>>
          tpu.enqueue_dma source(%dma_start3A_1045 : memref<4096xf32, #tpu.memory_space<hbm>>) target(%dma_start3A_1044 : memref<4096xf32, #tpu.memory_space<vmem>>) target_semaphore(%arg13 : memref<!tpu.dma_semaphore, #tpu.memory_space<semaphore_mem>>)
          %add3A_1046 = arith.constant 65536 : i32
          %add3A_1047 = arith.addi %add3A_1041, %add3A_1046 : i32
          %add3A_1048 = arith.constant 4096 : i32
          %add3A_1049 = arith.addi %sub3A_1033, %add3A_1048 : i32
          %dma_start3A_1050 = tpu.memref_slice %arg11[%add3A_1049] : memref<16384xf32, #tpu.memory_space<vmem>> -> memref<4096xf32, #tpu.memory_space<vmem>>
          %dma_start3A_1051 = tpu.memref_slice %arg2[%add3A_1047] : memref<2097152xf32, #tpu.memory_space<hbm>> -> memref<4096xf32, #tpu.memory_space<hbm>>
          %dma_start3A_1052 = tpu.memref_slice %arg11[%add3A_1049] : memref<16384xf32, #tpu.memory_space<vmem>> -> memref<4096xf32, #tpu.memory_space<vmem>>
          %dma_start3A_1053 = tpu.memref_slice %arg2[%add3A_1047] : memref<2097152xf32, #tpu.memory_space<hbm>> -> memref<4096xf32, #tpu.memory_space<hbm>>
          tpu.enqueue_dma source(%dma_start3A_1053 : memref<4096xf32, #tpu.memory_space<hbm>>) target(%dma_start3A_1052 : memref<4096xf32, #tpu.memory_space<vmem>>) target_semaphore(%arg13 : memref<!tpu.dma_semaphore, #tpu.memory_space<semaphore_mem>>)
        } else {
        }
        %parallel_loop3A = arith.constant 0 : i32
        %parallel_loop3A_1027 = arith.constant 256 : i32
        %parallel_loop3A_1028 = arith.constant 1 : i32
        scf.for %parallel_loop3A_1030 = %parallel_loop3A to %parallel_loop3A_1027 step %parallel_loop3A_1028  : i32 {
          %parallel_loop3A_1031 = arith.constant 16 : i32
          %parallel_loop3A_1032 = arith.muli %parallel_loop3A_1030, %parallel_loop3A_1031 : i32
          %parallel_loop3A_1033 = arith.addi %mul3A_999, %parallel_loop3A_1032 : i32
          %parallel_loop3A_1034 = arith.index_cast %parallel_loop3A_1033 : i32 to index
          %parallel_loop3A_1035 = tpu.vector_load %arg11[%parallel_loop3A_1034] {strides = array<i32>} : memref<16384xf32, #tpu.memory_space<vmem>>, vector<16xf32>,
          %parallel_loop3A_1036 = arith.index_cast %parallel_loop3A_1032 : i32 to index
          %parallel_loop3A_1037 = tpu.vector_load %arg10[%parallel_loop3A_1036] {strides = array<i32>} : memref<8192xf32, #tpu.memory_space<vmem>>, vector<16xf32>,
          %parallel_loop3A_1038 = arith.subf %parallel_loop3A_1035, %parallel_loop3A_1037 : vector<16xf32>
          %parallel_loop3A_1039 = arith.constant 4096 : i32
          %parallel_loop3A_1040 = arith.addi %mul3A_999, %parallel_loop3A_1039 : i32
          %parallel_loop3A_1041 = arith.addi %parallel_loop3A_1040, %parallel_loop3A_1032 : i32
          %parallel_loop3A_1042 = arith.index_cast %parallel_loop3A_1041 : i32 to index
          %parallel_loop3A_1043 = tpu.vector_load %arg11[%parallel_loop3A_1042] {strides = array<i32>} : memref<16384xf32, #tpu.memory_space<vmem>>, vector<16xf32>,
          %parallel_loop3A_1044 = arith.constant 4096 : i32
          %parallel_loop3A_1045 = arith.addi %parallel_loop3A_1044, %parallel_loop3A_1032 : i32
          %parallel_loop3A_1046 = arith.index_cast %parallel_loop3A_1045 : i32 to index
          %parallel_loop3A_1047 = tpu.vector_load %arg10[%parallel_loop3A_1046] {strides = array<i32>} : memref<8192xf32, #tpu.memory_space<vmem>>, vector<16xf32>,
          %parallel_loop3A_1048 = arith.subf %parallel_loop3A_1043, %parallel_loop3A_1047 : vector<16xf32>
          %parallel_loop3A_1049 = arith.constant 5.000000e-01 : f32
          %parallel_loop3A_1050 = vector.broadcast %parallel_loop3A_1049 : f32 to vector<16xf32>
          %parallel_loop3A_1051 = arith.mulf %parallel_loop3A_1038, %parallel_loop3A_1050 : vector<16xf32>
          %parallel_loop3A_1052 = arith.fptosi %parallel_loop3A_1051 : vector<16xf32> to vector<16xi32>
          %parallel_loop3A_1053 = arith.sitofp %parallel_loop3A_1052 : vector<16xi32> to vector<16xf32>
          %parallel_loop3A_1054 = arith.addf %parallel_loop3A_1053, %parallel_loop3A_1053 : vector<16xf32>
          %parallel_loop3A_1055 = arith.subf %parallel_loop3A_1038, %parallel_loop3A_1054 : vector<16xf32>
          %parallel_loop3A_1056 = arith.constant 1.280000e+02 : f32
          %parallel_loop3A_1057 = vector.broadcast %parallel_loop3A_1056 : f32 to vector<16xf32>
          %parallel_loop3A_1058 = arith.mulf %parallel_loop3A_1055, %parallel_loop3A_1057 : vector<16xf32>
          %parallel_loop3A_1059 = arith.constant 5.000000e-01 : f32
          %parallel_loop3A_1060 = vector.broadcast %parallel_loop3A_1059 : f32 to vector<16xf32>
          %parallel_loop3A_1061 = arith.addf %parallel_loop3A_1058, %parallel_loop3A_1060 : vector<16xf32>
          %parallel_loop3A_1062 = arith.fptosi %parallel_loop3A_1061 : vector<16xf32> to vector<16xi32>
          %parallel_loop3A_1063 = arith.sitofp %parallel_loop3A_1062 : vector<16xi32> to vector<16xf32>
          %parallel_loop3A_1064 = arith.subf %parallel_loop3A_1061, %parallel_loop3A_1063 : vector<16xf32>
          %parallel_loop3A_1065 = arith.constant 5.000000e-01 : f32
          %parallel_loop3A_1066 = vector.broadcast %parallel_loop3A_1065 : f32 to vector<16xf32>
          %parallel_loop3A_1067 = arith.mulf %parallel_loop3A_1048, %parallel_loop3A_1066 : vector<16xf32>
          %parallel_loop3A_1068 = arith.fptosi %parallel_loop3A_1067 : vector<16xf32> to vector<16xi32>
          %parallel_loop3A_1069 = arith.sitofp %parallel_loop3A_1068 : vector<16xi32> to vector<16xf32>
          %parallel_loop3A_1070 = arith.addf %parallel_loop3A_1069, %parallel_loop3A_1069 : vector<16xf32>
          %parallel_loop3A_1071 = arith.subf %parallel_loop3A_1048, %parallel_loop3A_1070 : vector<16xf32>
          %parallel_loop3A_1072 = arith.constant 1.280000e+02 : f32
          %parallel_loop3A_1073 = vector.broadcast %parallel_loop3A_1072 : f32 to vector<16xf32>
          %parallel_loop3A_1074 = arith.mulf %parallel_loop3A_1071, %parallel_loop3A_1073 : vector<16xf32>
          %parallel_loop3A_1075 = arith.constant 5.000000e-01 : f32
          %parallel_loop3A_1076 = vector.broadcast %parallel_loop3A_1075 : f32 to vector<16xf32>
          %parallel_loop3A_1077 = arith.addf %parallel_loop3A_1074, %parallel_loop3A_1076 : vector<16xf32>
          %parallel_loop3A_1078 = arith.fptosi %parallel_loop3A_1077 : vector<16xf32> to vector<16xi32>
          %parallel_loop3A_1079 = arith.sitofp %parallel_loop3A_1078 : vector<16xi32> to vector<16xf32>
          %parallel_loop3A_1080 = arith.subf %parallel_loop3A_1077, %parallel_loop3A_1079 : vector<16xf32>
          %parallel_loop3A_1081 = arith.constant 1.000000e+00 : f32
          %parallel_loop3A_1082 = vector.broadcast %parallel_loop3A_1081 : f32 to vector<16xf32>
          %parallel_loop3A_1083 = arith.subf %parallel_loop3A_1082, %parallel_loop3A_1064 : vector<16xf32>
          %parallel_loop3A_1084 = arith.constant 1.000000e+00 : f32
          %parallel_loop3A_1085 = vector.broadcast %parallel_loop3A_1084 : f32 to vector<16xf32>
          %parallel_loop3A_1086 = arith.subf %parallel_loop3A_1085, %parallel_loop3A_1080 : vector<16xf32>
          %parallel_loop3A_1087 = arith.mulf %parallel_loop3A_1083, %parallel_loop3A_1086 : vector<16xf32>
          %parallel_loop3A_1088 = arith.mulf %parallel_loop3A_1083, %parallel_loop3A_1080 : vector<16xf32>
          %parallel_loop3A_1089 = arith.mulf %parallel_loop3A_1064, %parallel_loop3A_1086 : vector<16xf32>
          %parallel_loop3A_1090 = arith.mulf %parallel_loop3A_1064, %parallel_loop3A_1080 : vector<16xf32>
          %parallel_loop3A_1091 = arith.constant 258 : i32
          %parallel_loop3A_1092 = vector.broadcast %parallel_loop3A_1091 : i32 to vector<16xi32>
          %parallel_loop3A_1093 = arith.muli %parallel_loop3A_1078, %parallel_loop3A_1092 : vector<16xi32>
          %parallel_loop3A_1094 = arith.addi %parallel_loop3A_1093, %parallel_loop3A_1062 : vector<16xi32>
          %parallel_loop3A_1095 = arith.constant 258 : i32
          %parallel_loop3A_1096 = vector.broadcast %parallel_loop3A_1095 : i32 to vector<16xi32>
          %parallel_loop3A_1097 = arith.addi %parallel_loop3A_1094, %parallel_loop3A_1096 : vector<16xi32>
          %parallel_loop3A_1098 = arith.constant 1 : i32
          %parallel_loop3A_1099 = vector.broadcast %parallel_loop3A_1098 : i32 to vector<16xi32>
          %parallel_loop3A_1100 = arith.addi %parallel_loop3A_1094, %parallel_loop3A_1099 : vector<16xi32>
          %parallel_loop3A_1101 = arith.constant 1 : i32
          %parallel_loop3A_1102 = vector.broadcast %parallel_loop3A_1101 : i32 to vector<16xi32>
          %parallel_loop3A_1103 = arith.addi %parallel_loop3A_1097, %parallel_loop3A_1102 : vector<16xi32>
          %parallel_loop3A_1104 = tpu.vector_load_idx %arg8[%parallel_loop3A_1094] : memref<66564xi32, #tpu.memory_space<vmem>>[vector<16xi32>], vector<16xi32>,
          %parallel_loop3A_1105 = tpu.bitcast %parallel_loop3A_1104 : vector<16xi32> -> vector<16xf32>
          %parallel_loop3A_1106 = arith.mulf %parallel_loop3A_1087, %parallel_loop3A_1105 : vector<16xf32>
          %parallel_loop3A_1107 = tpu.vector_load_idx %arg8[%parallel_loop3A_1097] : memref<66564xi32, #tpu.memory_space<vmem>>[vector<16xi32>], vector<16xi32>,
          %parallel_loop3A_1108 = tpu.bitcast %parallel_loop3A_1107 : vector<16xi32> -> vector<16xf32>
          %parallel_loop3A_1109 = arith.mulf %parallel_loop3A_1088, %parallel_loop3A_1108 : vector<16xf32>
          %parallel_loop3A_1110 = arith.addf %parallel_loop3A_1106, %parallel_loop3A_1109 : vector<16xf32>
          %parallel_loop3A_1111 = tpu.vector_load_idx %arg8[%parallel_loop3A_1100] : memref<66564xi32, #tpu.memory_space<vmem>>[vector<16xi32>], vector<16xi32>,
          %parallel_loop3A_1112 = tpu.bitcast %parallel_loop3A_1111 : vector<16xi32> -> vector<16xf32>
          %parallel_loop3A_1113 = arith.mulf %parallel_loop3A_1089, %parallel_loop3A_1112 : vector<16xf32>
          %parallel_loop3A_1114 = arith.addf %parallel_loop3A_1110, %parallel_loop3A_1113 : vector<16xf32>
          %parallel_loop3A_1115 = tpu.vector_load_idx %arg8[%parallel_loop3A_1103] : memref<66564xi32, #tpu.memory_space<vmem>>[vector<16xi32>], vector<16xi32>,
          %parallel_loop3A_1116 = tpu.bitcast %parallel_loop3A_1115 : vector<16xi32> -> vector<16xf32>
          %parallel_loop3A_1117 = arith.mulf %parallel_loop3A_1090, %parallel_loop3A_1116 : vector<16xf32>
          %parallel_loop3A_1118 = arith.addf %parallel_loop3A_1114, %parallel_loop3A_1117 : vector<16xf32>
          %parallel_loop3A_1119 = arith.constant 4096 : i32
          %parallel_loop3A_1120 = arith.muli %while3A_992, %parallel_loop3A_1119 : i32
          %parallel_loop3A_1121 = arith.addi %parallel_loop3A_1120, %parallel_loop3A_1032 : i32
          %parallel_loop3A_1122 = arith.index_cast %parallel_loop3A_1121 : i32 to index
          %parallel_loop3A_1123 = tpu.vector_load %arg9[%parallel_loop3A_1122] {strides = array<i32>} : memref<32768xf32, #tpu.memory_space<vmem>>, vector<16xf32>,
          %parallel_loop3A_1124 = arith.addf %parallel_loop3A_1123, %parallel_loop3A_1118 : vector<16xf32>
          %parallel_loop3A_1125 = arith.index_cast %parallel_loop3A_1121 : i32 to index
          %parallel_loop3A_1126 = tpu.vector_load %arg9[%parallel_loop3A_1125] {strides = array<i32>} : memref<32768xf32, #tpu.memory_space<vmem>>, vector<16xf32>,
          tpu.vector_store %arg9[%parallel_loop3A_1125], %parallel_loop3A_1124 {strides = array<i32>} : memref<32768xf32, #tpu.memory_space<vmem>>, vector<16xf32>,
        } {sc.loop_unroll_factor = 8 : i64, sc.parallel_access}
        %while3A_1029 = arith.constant 0 : i32
        scf.yield %while3A_1029 : i32
      }
      %while3A_989 = arith.constant 1 : i32
      %while3A_990 = scf.for %while3A_992 = %while3A_986 to %while3A_982 step %while3A_989 iter_args(%while3A_993 = %while3A_988) -> (i32)  : i32 {
        %sub3A_994 = arith.subi %while3A_992, %sub3A_944 : i32
        %sub3A_995 = arith.constant 1 : i32
        %sub3A_996 = arith.subi %sub3A_994, %sub3A_995 : i32
        %and3A = arith.constant 1 : i32
        %and3A_997 = arith.andi %sub3A_996, %and3A : i32
        %mul3A_998 = arith.constant 8192 : i32
        %mul3A_999 = arith.muli %and3A_997, %mul3A_998 : i32
        %mul3A_1000 = arith.constant 8 : i32
        %mul3A_1001 = arith.muli %arg0, %mul3A_1000 : i32
        %add3A_1002 = arith.addi %mul3A_1001, %while3A_992 : i32
        %mul3A_1003 = arith.constant 2 : i32
        %mul3A_1004 = arith.muli %add3A_1002, %mul3A_1003 : i32
        %mul3A_1005 = arith.constant 65536 : i32
        %mul3A_1006 = arith.muli %mul3A_1004, %mul3A_1005 : i32
        %add3A_1007 = arith.addi %mul3A_1006, %mul3A_0 : i32
        %dma_wait3A_1008 = tpu.memref_slice %arg11[%mul3A_999] : memref<16384xf32, #tpu.memory_space<vmem>> -> memref<4096xf32, #tpu.memory_space<vmem>>
        %dma_wait3A_1009 = tpu.memref_slice %arg2[%add3A_1007] : memref<2097152xf32, #tpu.memory_space<hbm>> -> memref<4096xf32, #tpu.memory_space<hbm>>
        %dma_wait3A_1010 = tpu.memref_slice %arg11[%mul3A_999] : memref<16384xf32, #tpu.memory_space<vmem>> -> memref<4096xf32, #tpu.memory_space<vmem>>
        %dma_wait3A_1011 = tpu.memref_slice %arg2[%add3A_1007] : memref<2097152xf32, #tpu.memory_space<hbm>> -> memref<4096xf32, #tpu.memory_space<hbm>>
        tpu.wait_dma2 semaphore(%arg13 : memref<!tpu.dma_semaphore, #tpu.memory_space<semaphore_mem>>) src(%dma_wait3A_1011 : memref<4096xf32, #tpu.memory_space<hbm>>) dst(%dma_wait3A_1010 : memref<4096xf32, #tpu.memory_space<vmem>>)
        %add3A_1012 = arith.constant 65536 : i32
        %add3A_1013 = arith.addi %add3A_1007, %add3A_1012 : i32
        %add3A_1014 = arith.constant 4096 : i32
        %add3A_1015 = arith.addi %mul3A_999, %add3A_1014 : i32
        %dma_wait3A_1016 = tpu.memref_slice %arg11[%add3A_1015] : memref<16384xf32, #tpu.memory_space<vmem>> -> memref<4096xf32, #tpu.memory_space<vmem>>
        %dma_wait3A_1017 = tpu.memref_slice %arg2[%add3A_1013] : memref<2097152xf32, #tpu.memory_space<hbm>> -> memref<4096xf32, #tpu.memory_space<hbm>>
        %dma_wait3A_1018 = tpu.memref_slice %arg11[%add3A_1015] : memref<16384xf32, #tpu.memory_space<vmem>> -> memref<4096xf32, #tpu.memory_space<vmem>>
        %dma_wait3A_1019 = tpu.memref_slice %arg2[%add3A_1013] : memref<2097152xf32, #tpu.memory_space<hbm>> -> memref<4096xf32, #tpu.memory_space<hbm>>
        tpu.wait_dma2 semaphore(%arg13 : memref<!tpu.dma_semaphore, #tpu.memory_space<semaphore_mem>>) src(%dma_wait3A_1019 : memref<4096xf32, #tpu.memory_space<hbm>>) dst(%dma_wait3A_1018 : memref<4096xf32, #tpu.memory_space<vmem>>)
        %add3A_1020 = arith.constant 1 : i32
        %add3A_1021 = arith.addi %while3A_992, %add3A_1020 : i32
        %lt3A_1022 = arith.constant 8 : i32
        %lt3A_1023 = arith.cmpi slt, %add3A_1021, %lt3A_1022 : i32
        %convert_element_type3A_1024 = arith.extui %lt3A_1023 : i1 to i32
        %cond3A_1025 = arith.constant 0 : i32
        %cond3A_1026 = arith.cmpi ne, %convert_element_type3A_1024, %cond3A_1025 : i32
        scf.if %cond3A_1026 {
          %add3A_1030 = arith.constant 1 : i32
          %add3A_1031 = arith.addi %while3A_992, %add3A_1030 : i32
          %sub3A_1032 = arith.constant 8192 : i32
          %sub3A_1033 = arith.subi %sub3A_1032, %mul3A_999 : i32
          %mul3A_1034 = arith.constant 8 : i32
          %mul3A_1035 = arith.muli %arg0, %mul3A_1034 : i32
          %add3A_1036 = arith.addi %mul3A_1035, %add3A_1031 : i32
          %mul3A_1037 = arith.constant 2 : i32
          %mul3A_1038 = arith.muli %add3A_1036, %mul3A_1037 : i32
          %mul3A_1039 = arith.constant 65536 : i32
          %mul3A_1040 = arith.muli %mul3A_1038, %mul3A_1039 : i32
          %add3A_1041 = arith.addi %mul3A_1040, %mul3A_0 : i32
          %dma_start3A_1042 = tpu.memref_slice %arg11[%sub3A_1033] : memref<16384xf32, #tpu.memory_space<vmem>> -> memref<4096xf32, #tpu.memory_space<vmem>>
          %dma_start3A_1043 = tpu.memref_slice %arg2[%add3A_1041] : memref<2097152xf32, #tpu.memory_space<hbm>> -> memref<4096xf32, #tpu.memory_space<hbm>>
          %dma_start3A_1044 = tpu.memref_slice %arg11[%sub3A_1033] : memref<16384xf32, #tpu.memory_space<vmem>> -> memref<4096xf32, #tpu.memory_space<vmem>>
          %dma_start3A_1045 = tpu.memref_slice %arg2[%add3A_1041] : memref<2097152xf32, #tpu.memory_space<hbm>> -> memref<4096xf32, #tpu.memory_space<hbm>>
          tpu.enqueue_dma source(%dma_start3A_1045 : memref<4096xf32, #tpu.memory_space<hbm>>) target(%dma_start3A_1044 : memref<4096xf32, #tpu.memory_space<vmem>>) target_semaphore(%arg13 : memref<!tpu.dma_semaphore, #tpu.memory_space<semaphore_mem>>)
          %add3A_1046 = arith.constant 65536 : i32
          %add3A_1047 = arith.addi %add3A_1041, %add3A_1046 : i32
          %add3A_1048 = arith.constant 4096 : i32
          %add3A_1049 = arith.addi %sub3A_1033, %add3A_1048 : i32
          %dma_start3A_1050 = tpu.memref_slice %arg11[%add3A_1049] : memref<16384xf32, #tpu.memory_space<vmem>> -> memref<4096xf32, #tpu.memory_space<vmem>>
          %dma_start3A_1051 = tpu.memref_slice %arg2[%add3A_1047] : memref<2097152xf32, #tpu.memory_space<hbm>> -> memref<4096xf32, #tpu.memory_space<hbm>>
          %dma_start3A_1052 = tpu.memref_slice %arg11[%add3A_1049] : memref<16384xf32, #tpu.memory_space<vmem>> -> memref<4096xf32, #tpu.memory_space<vmem>>
          %dma_start3A_1053 = tpu.memref_slice %arg2[%add3A_1047] : memref<2097152xf32, #tpu.memory_space<hbm>> -> memref<4096xf32, #tpu.memory_space<hbm>>
          tpu.enqueue_dma source(%dma_start3A_1053 : memref<4096xf32, #tpu.memory_space<hbm>>) target(%dma_start3A_1052 : memref<4096xf32, #tpu.memory_space<vmem>>) target_semaphore(%arg13 : memref<!tpu.dma_semaphore, #tpu.memory_space<semaphore_mem>>)
        } else {
        }
        %parallel_loop3A = arith.constant 0 : i32
        %parallel_loop3A_1027 = arith.constant 256 : i32
        %parallel_loop3A_1028 = arith.constant 1 : i32
        scf.for %parallel_loop3A_1030 = %parallel_loop3A to %parallel_loop3A_1027 step %parallel_loop3A_1028  : i32 {
          %parallel_loop3A_1031 = arith.constant 16 : i32
          %parallel_loop3A_1032 = arith.muli %parallel_loop3A_1030, %parallel_loop3A_1031 : i32
          %parallel_loop3A_1033 = arith.addi %mul3A_999, %parallel_loop3A_1032 : i32
          %parallel_loop3A_1034 = arith.index_cast %parallel_loop3A_1033 : i32 to index
          %parallel_loop3A_1035 = tpu.vector_load %arg11[%parallel_loop3A_1034] {strides = array<i32>} : memref<16384xf32, #tpu.memory_space<vmem>>, vector<16xf32>,
          %parallel_loop3A_1036 = arith.index_cast %parallel_loop3A_1032 : i32 to index
          %parallel_loop3A_1037 = tpu.vector_load %arg10[%parallel_loop3A_1036] {strides = array<i32>} : memref<8192xf32, #tpu.memory_space<vmem>>, vector<16xf32>,
          %parallel_loop3A_1038 = arith.subf %parallel_loop3A_1035, %parallel_loop3A_1037 : vector<16xf32>
          %parallel_loop3A_1039 = arith.constant 4096 : i32
          %parallel_loop3A_1040 = arith.addi %mul3A_999, %parallel_loop3A_1039 : i32
          %parallel_loop3A_1041 = arith.addi %parallel_loop3A_1040, %parallel_loop3A_1032 : i32
          %parallel_loop3A_1042 = arith.index_cast %parallel_loop3A_1041 : i32 to index
          %parallel_loop3A_1043 = tpu.vector_load %arg11[%parallel_loop3A_1042] {strides = array<i32>} : memref<16384xf32, #tpu.memory_space<vmem>>, vector<16xf32>,
          %parallel_loop3A_1044 = arith.constant 4096 : i32
          %parallel_loop3A_1045 = arith.addi %parallel_loop3A_1044, %parallel_loop3A_1032 : i32
          %parallel_loop3A_1046 = arith.index_cast %parallel_loop3A_1045 : i32 to index
          %parallel_loop3A_1047 = tpu.vector_load %arg10[%parallel_loop3A_1046] {strides = array<i32>} : memref<8192xf32, #tpu.memory_space<vmem>>, vector<16xf32>,
          %parallel_loop3A_1048 = arith.subf %parallel_loop3A_1043, %parallel_loop3A_1047 : vector<16xf32>
          %parallel_loop3A_1049 = arith.constant 5.000000e-01 : f32
          %parallel_loop3A_1050 = vector.broadcast %parallel_loop3A_1049 : f32 to vector<16xf32>
          %parallel_loop3A_1051 = arith.mulf %parallel_loop3A_1038, %parallel_loop3A_1050 : vector<16xf32>
          %parallel_loop3A_1052 = arith.fptosi %parallel_loop3A_1051 : vector<16xf32> to vector<16xi32>
          %parallel_loop3A_1053 = arith.sitofp %parallel_loop3A_1052 : vector<16xi32> to vector<16xf32>
          %parallel_loop3A_1054 = arith.addf %parallel_loop3A_1053, %parallel_loop3A_1053 : vector<16xf32>
          %parallel_loop3A_1055 = arith.subf %parallel_loop3A_1038, %parallel_loop3A_1054 : vector<16xf32>
          %parallel_loop3A_1056 = arith.constant 1.280000e+02 : f32
          %parallel_loop3A_1057 = vector.broadcast %parallel_loop3A_1056 : f32 to vector<16xf32>
          %parallel_loop3A_1058 = arith.mulf %parallel_loop3A_1055, %parallel_loop3A_1057 : vector<16xf32>
          %parallel_loop3A_1059 = arith.constant 5.000000e-01 : f32
          %parallel_loop3A_1060 = vector.broadcast %parallel_loop3A_1059 : f32 to vector<16xf32>
          %parallel_loop3A_1061 = arith.addf %parallel_loop3A_1058, %parallel_loop3A_1060 : vector<16xf32>
          %parallel_loop3A_1062 = arith.fptosi %parallel_loop3A_1061 : vector<16xf32> to vector<16xi32>
          %parallel_loop3A_1063 = arith.sitofp %parallel_loop3A_1062 : vector<16xi32> to vector<16xf32>
          %parallel_loop3A_1064 = arith.subf %parallel_loop3A_1061, %parallel_loop3A_1063 : vector<16xf32>
          %parallel_loop3A_1065 = arith.constant 5.000000e-01 : f32
          %parallel_loop3A_1066 = vector.broadcast %parallel_loop3A_1065 : f32 to vector<16xf32>
          %parallel_loop3A_1067 = arith.mulf %parallel_loop3A_1048, %parallel_loop3A_1066 : vector<16xf32>
          %parallel_loop3A_1068 = arith.fptosi %parallel_loop3A_1067 : vector<16xf32> to vector<16xi32>
          %parallel_loop3A_1069 = arith.sitofp %parallel_loop3A_1068 : vector<16xi32> to vector<16xf32>
          %parallel_loop3A_1070 = arith.addf %parallel_loop3A_1069, %parallel_loop3A_1069 : vector<16xf32>
          %parallel_loop3A_1071 = arith.subf %parallel_loop3A_1048, %parallel_loop3A_1070 : vector<16xf32>
          %parallel_loop3A_1072 = arith.constant 1.280000e+02 : f32
          %parallel_loop3A_1073 = vector.broadcast %parallel_loop3A_1072 : f32 to vector<16xf32>
          %parallel_loop3A_1074 = arith.mulf %parallel_loop3A_1071, %parallel_loop3A_1073 : vector<16xf32>
          %parallel_loop3A_1075 = arith.constant 5.000000e-01 : f32
          %parallel_loop3A_1076 = vector.broadcast %parallel_loop3A_1075 : f32 to vector<16xf32>
          %parallel_loop3A_1077 = arith.addf %parallel_loop3A_1074, %parallel_loop3A_1076 : vector<16xf32>
          %parallel_loop3A_1078 = arith.fptosi %parallel_loop3A_1077 : vector<16xf32> to vector<16xi32>
          %parallel_loop3A_1079 = arith.sitofp %parallel_loop3A_1078 : vector<16xi32> to vector<16xf32>
          %parallel_loop3A_1080 = arith.subf %parallel_loop3A_1077, %parallel_loop3A_1079 : vector<16xf32>
          %parallel_loop3A_1081 = arith.constant 1.000000e+00 : f32
          %parallel_loop3A_1082 = vector.broadcast %parallel_loop3A_1081 : f32 to vector<16xf32>
          %parallel_loop3A_1083 = arith.subf %parallel_loop3A_1082, %parallel_loop3A_1064 : vector<16xf32>
          %parallel_loop3A_1084 = arith.constant 1.000000e+00 : f32
          %parallel_loop3A_1085 = vector.broadcast %parallel_loop3A_1084 : f32 to vector<16xf32>
          %parallel_loop3A_1086 = arith.subf %parallel_loop3A_1085, %parallel_loop3A_1080 : vector<16xf32>
          %parallel_loop3A_1087 = arith.mulf %parallel_loop3A_1083, %parallel_loop3A_1086 : vector<16xf32>
          %parallel_loop3A_1088 = arith.mulf %parallel_loop3A_1083, %parallel_loop3A_1080 : vector<16xf32>
          %parallel_loop3A_1089 = arith.mulf %parallel_loop3A_1064, %parallel_loop3A_1086 : vector<16xf32>
          %parallel_loop3A_1090 = arith.mulf %parallel_loop3A_1064, %parallel_loop3A_1080 : vector<16xf32>
          %parallel_loop3A_1091 = arith.constant 258 : i32
          %parallel_loop3A_1092 = vector.broadcast %parallel_loop3A_1091 : i32 to vector<16xi32>
          %parallel_loop3A_1093 = arith.muli %parallel_loop3A_1078, %parallel_loop3A_1092 : vector<16xi32>
          %parallel_loop3A_1094 = arith.addi %parallel_loop3A_1093, %parallel_loop3A_1062 : vector<16xi32>
          %parallel_loop3A_1095 = arith.constant 258 : i32
          %parallel_loop3A_1096 = vector.broadcast %parallel_loop3A_1095 : i32 to vector<16xi32>
          %parallel_loop3A_1097 = arith.addi %parallel_loop3A_1094, %parallel_loop3A_1096 : vector<16xi32>
          %parallel_loop3A_1098 = arith.constant 1 : i32
          %parallel_loop3A_1099 = vector.broadcast %parallel_loop3A_1098 : i32 to vector<16xi32>
          %parallel_loop3A_1100 = arith.addi %parallel_loop3A_1094, %parallel_loop3A_1099 : vector<16xi32>
          %parallel_loop3A_1101 = arith.constant 1 : i32
          %parallel_loop3A_1102 = vector.broadcast %parallel_loop3A_1101 : i32 to vector<16xi32>
          %parallel_loop3A_1103 = arith.addi %parallel_loop3A_1097, %parallel_loop3A_1102 : vector<16xi32>
          %parallel_loop3A_1104 = tpu.vector_load_idx %arg8[%parallel_loop3A_1094] : memref<66564xi32, #tpu.memory_space<vmem>>[vector<16xi32>], vector<16xi32>,
          %parallel_loop3A_1105 = tpu.bitcast %parallel_loop3A_1104 : vector<16xi32> -> vector<16xf32>
          %parallel_loop3A_1106 = arith.mulf %parallel_loop3A_1087, %parallel_loop3A_1105 : vector<16xf32>
          %parallel_loop3A_1107 = tpu.vector_load_idx %arg8[%parallel_loop3A_1097] : memref<66564xi32, #tpu.memory_space<vmem>>[vector<16xi32>], vector<16xi32>,
          %parallel_loop3A_1108 = tpu.bitcast %parallel_loop3A_1107 : vector<16xi32> -> vector<16xf32>
          %parallel_loop3A_1109 = arith.mulf %parallel_loop3A_1088, %parallel_loop3A_1108 : vector<16xf32>
          %parallel_loop3A_1110 = arith.addf %parallel_loop3A_1106, %parallel_loop3A_1109 : vector<16xf32>
          %parallel_loop3A_1111 = tpu.vector_load_idx %arg8[%parallel_loop3A_1100] : memref<66564xi32, #tpu.memory_space<vmem>>[vector<16xi32>], vector<16xi32>,
          %parallel_loop3A_1112 = tpu.bitcast %parallel_loop3A_1111 : vector<16xi32> -> vector<16xf32>
          %parallel_loop3A_1113 = arith.mulf %parallel_loop3A_1089, %parallel_loop3A_1112 : vector<16xf32>
          %parallel_loop3A_1114 = arith.addf %parallel_loop3A_1110, %parallel_loop3A_1113 : vector<16xf32>
          %parallel_loop3A_1115 = tpu.vector_load_idx %arg8[%parallel_loop3A_1103] : memref<66564xi32, #tpu.memory_space<vmem>>[vector<16xi32>], vector<16xi32>,
          %parallel_loop3A_1116 = tpu.bitcast %parallel_loop3A_1115 : vector<16xi32> -> vector<16xf32>
          %parallel_loop3A_1117 = arith.mulf %parallel_loop3A_1090, %parallel_loop3A_1116 : vector<16xf32>
          %parallel_loop3A_1118 = arith.addf %parallel_loop3A_1114, %parallel_loop3A_1117 : vector<16xf32>
          %parallel_loop3A_1119 = arith.constant 4096 : i32
          %parallel_loop3A_1120 = arith.muli %while3A_992, %parallel_loop3A_1119 : i32
          %parallel_loop3A_1121 = arith.addi %parallel_loop3A_1120, %parallel_loop3A_1032 : i32
          %parallel_loop3A_1122 = arith.index_cast %parallel_loop3A_1121 : i32 to index
          %parallel_loop3A_1123 = tpu.vector_load %arg9[%parallel_loop3A_1122] {strides = array<i32>} : memref<32768xf32, #tpu.memory_space<vmem>>, vector<16xf32>,
          %parallel_loop3A_1124 = arith.addf %parallel_loop3A_1123, %parallel_loop3A_1118 : vector<16xf32>
          %parallel_loop3A_1125 = arith.index_cast %parallel_loop3A_1121 : i32 to index
          %parallel_loop3A_1126 = tpu.vector_load %arg9[%parallel_loop3A_1125] {strides = array<i32>} : memref<32768xf32, #tpu.memory_space<vmem>>, vector<16xf32>,
          tpu.vector_store %arg9[%parallel_loop3A_1125], %parallel_loop3A_1124 {strides = array<i32>} : memref<32768xf32, #tpu.memory_space<vmem>>, vector<16xf32>,
        } {sc.loop_unroll_factor = 8 : i64, sc.parallel_access}
        %while3A_1029 = arith.constant 0 : i32
        scf.yield %while3A_1029 : i32
      }
      %scan3A_991 = arith.constant 0 : i32
      scf.yield %scan3A_991 : i32
    }
    %scan3A_757 = arith.constant 8 : i32
    %mul3A_758 = arith.constant 8 : i32
    %mul3A_759 = arith.muli %arg0, %mul3A_758 : i32
    %add3A_760 = arith.constant 0 : i32
    %add3A_761 = arith.addi %mul3A_759, %add3A_760 : i32
    %mul3A_762 = arith.constant 3 : i32
    %mul3A_763 = arith.muli %add3A_761, %mul3A_762 : i32
    %add3A_764 = arith.constant 2 : i32
    %add3A_765 = arith.addi %mul3A_763, %add3A_764 : i32
    %mul3A_766 = arith.constant 65536 : i32
    %mul3A_767 = arith.muli %add3A_765, %mul3A_766 : i32
    %add3A_768 = arith.addi %mul3A_767, %mul3A_0 : i32
    %mul3A_769 = arith.constant 8 : i32
    %mul3A_770 = arith.muli %arg0, %mul3A_769 : i32
    %add3A_771 = arith.constant 1 : i32
    %add3A_772 = arith.addi %mul3A_770, %add3A_771 : i32
    %mul3A_773 = arith.constant 3 : i32
    %mul3A_774 = arith.muli %add3A_772, %mul3A_773 : i32
    %add3A_775 = arith.constant 2 : i32
    %add3A_776 = arith.addi %mul3A_774, %add3A_775 : i32
    %mul3A_777 = arith.constant 65536 : i32
    %mul3A_778 = arith.muli %add3A_776, %mul3A_777 : i32
    %add3A_779 = arith.addi %mul3A_778, %mul3A_0 : i32
    %mul3A_780 = arith.constant 8 : i32
    %mul3A_781 = arith.muli %arg0, %mul3A_780 : i32
    %add3A_782 = arith.constant 2 : i32
    %add3A_783 = arith.addi %mul3A_781, %add3A_782 : i32
    %mul3A_784 = arith.constant 3 : i32
    %mul3A_785 = arith.muli %add3A_783, %mul3A_784 : i32
    %add3A_786 = arith.constant 2 : i32
    %add3A_787 = arith.addi %mul3A_785, %add3A_786 : i32
    %mul3A_788 = arith.constant 65536 : i32
    %mul3A_789 = arith.muli %add3A_787, %mul3A_788 : i32
    %add3A_790 = arith.addi %mul3A_789, %mul3A_0 : i32
    %mul3A_791 = arith.constant 8 : i32
    %mul3A_792 = arith.muli %arg0, %mul3A_791 : i32
    %add3A_793 = arith.constant 3 : i32
    %add3A_794 = arith.addi %mul3A_792, %add3A_793 : i32
    %mul3A_795 = arith.constant 3 : i32
    %mul3A_796 = arith.muli %add3A_794, %mul3A_795 : i32
    %add3A_797 = arith.constant 2 : i32
    %add3A_798 = arith.addi %mul3A_796, %add3A_797 : i32
    %mul3A_799 = arith.constant 65536 : i32
    %mul3A_800 = arith.muli %add3A_798, %mul3A_799 : i32
    %add3A_801 = arith.addi %mul3A_800, %mul3A_0 : i32
    %mul3A_802 = arith.constant 8 : i32
    %mul3A_803 = arith.muli %arg0, %mul3A_802 : i32
    %add3A_804 = arith.constant 4 : i32
    %add3A_805 = arith.addi %mul3A_803, %add3A_804 : i32
    %mul3A_806 = arith.constant 3 : i32
    %mul3A_807 = arith.muli %add3A_805, %mul3A_806 : i32
    %add3A_808 = arith.constant 2 : i32
    %add3A_809 = arith.addi %mul3A_807, %add3A_808 : i32
    %mul3A_810 = arith.constant 65536 : i32
    %mul3A_811 = arith.muli %add3A_809, %mul3A_810 : i32
    %add3A_812 = arith.addi %mul3A_811, %mul3A_0 : i32
    %mul3A_813 = arith.constant 8 : i32
    %mul3A_814 = arith.muli %arg0, %mul3A_813 : i32
    %add3A_815 = arith.constant 5 : i32
    %add3A_816 = arith.addi %mul3A_814, %add3A_815 : i32
    %mul3A_817 = arith.constant 3 : i32
    %mul3A_818 = arith.muli %add3A_816, %mul3A_817 : i32
    %add3A_819 = arith.constant 2 : i32
    %add3A_820 = arith.addi %mul3A_818, %add3A_819 : i32
    %mul3A_821 = arith.constant 65536 : i32
    %mul3A_822 = arith.muli %add3A_820, %mul3A_821 : i32
    %add3A_823 = arith.addi %mul3A_822, %mul3A_0 : i32
    %mul3A_824 = arith.constant 8 : i32
    %mul3A_825 = arith.muli %arg0, %mul3A_824 : i32
    %add3A_826 = arith.constant 6 : i32
    %add3A_827 = arith.addi %mul3A_825, %add3A_826 : i32
    %mul3A_828 = arith.constant 3 : i32
    %mul3A_829 = arith.muli %add3A_827, %mul3A_828 : i32
    %add3A_830 = arith.constant 2 : i32
    %add3A_831 = arith.addi %mul3A_829, %add3A_830 : i32
    %mul3A_832 = arith.constant 65536 : i32
    %mul3A_833 = arith.muli %add3A_831, %mul3A_832 : i32
    %add3A_834 = arith.addi %mul3A_833, %mul3A_0 : i32
    %mul3A_835 = arith.constant 8 : i32
    %mul3A_836 = arith.muli %arg0, %mul3A_835 : i32
    %add3A_837 = arith.constant 7 : i32
    %add3A_838 = arith.addi %mul3A_836, %add3A_837 : i32
    %mul3A_839 = arith.constant 3 : i32
    %mul3A_840 = arith.muli %add3A_838, %mul3A_839 : i32
    %add3A_841 = arith.constant 2 : i32
    %add3A_842 = arith.addi %mul3A_840, %add3A_841 : i32
    %mul3A_843 = arith.constant 65536 : i32
    %mul3A_844 = arith.muli %add3A_842, %mul3A_843 : i32
    %add3A_845 = arith.addi %mul3A_844, %mul3A_0 : i32
    %dma_start3A_846 = arith.constant 0 : i32
    %dma_start3A_847 = tpu.memref_slice %arg9[%dma_start3A_846] : memref<32768xf32, #tpu.memory_space<vmem>> -> memref<4096xf32, #tpu.memory_space<vmem>>
    %dma_start3A_848 = tpu.memref_slice %arg7[%add3A_768] : memref<3145728xf32, #tpu.memory_space<hbm>> -> memref<4096xf32, #tpu.memory_space<hbm>>
    %dma_start3A_849 = tpu.memref_slice %arg7[%add3A_768] : memref<3145728xf32, #tpu.memory_space<hbm>> -> memref<4096xf32, #tpu.memory_space<hbm>>
    %dma_start3A_850 = arith.constant 0 : i32
    %dma_start3A_851 = tpu.memref_slice %arg9[%dma_start3A_850] : memref<32768xf32, #tpu.memory_space<vmem>> -> memref<4096xf32, #tpu.memory_space<vmem>>
    tpu.enqueue_dma source(%dma_start3A_851 : memref<4096xf32, #tpu.memory_space<vmem>>) target(%dma_start3A_849 : memref<4096xf32, #tpu.memory_space<hbm>>) target_semaphore(%arg13 : memref<!tpu.dma_semaphore, #tpu.memory_space<semaphore_mem>>)
    %dma_start3A_852 = arith.constant 4096 : i32
    %dma_start3A_853 = tpu.memref_slice %arg9[%dma_start3A_852] : memref<32768xf32, #tpu.memory_space<vmem>> -> memref<4096xf32, #tpu.memory_space<vmem>>
    %dma_start3A_854 = tpu.memref_slice %arg7[%add3A_779] : memref<3145728xf32, #tpu.memory_space<hbm>> -> memref<4096xf32, #tpu.memory_space<hbm>>
    %dma_start3A_855 = tpu.memref_slice %arg7[%add3A_779] : memref<3145728xf32, #tpu.memory_space<hbm>> -> memref<4096xf32, #tpu.memory_space<hbm>>
    %dma_start3A_856 = arith.constant 4096 : i32
    %dma_start3A_857 = tpu.memref_slice %arg9[%dma_start3A_856] : memref<32768xf32, #tpu.memory_space<vmem>> -> memref<4096xf32, #tpu.memory_space<vmem>>
    tpu.enqueue_dma source(%dma_start3A_857 : memref<4096xf32, #tpu.memory_space<vmem>>) target(%dma_start3A_855 : memref<4096xf32, #tpu.memory_space<hbm>>) target_semaphore(%arg13 : memref<!tpu.dma_semaphore, #tpu.memory_space<semaphore_mem>>)
    %dma_start3A_858 = arith.constant 8192 : i32
    %dma_start3A_859 = tpu.memref_slice %arg9[%dma_start3A_858] : memref<32768xf32, #tpu.memory_space<vmem>> -> memref<4096xf32, #tpu.memory_space<vmem>>
    %dma_start3A_860 = tpu.memref_slice %arg7[%add3A_790] : memref<3145728xf32, #tpu.memory_space<hbm>> -> memref<4096xf32, #tpu.memory_space<hbm>>
    %dma_start3A_861 = tpu.memref_slice %arg7[%add3A_790] : memref<3145728xf32, #tpu.memory_space<hbm>> -> memref<4096xf32, #tpu.memory_space<hbm>>
    %dma_start3A_862 = arith.constant 8192 : i32
    %dma_start3A_863 = tpu.memref_slice %arg9[%dma_start3A_862] : memref<32768xf32, #tpu.memory_space<vmem>> -> memref<4096xf32, #tpu.memory_space<vmem>>
    tpu.enqueue_dma source(%dma_start3A_863 : memref<4096xf32, #tpu.memory_space<vmem>>) target(%dma_start3A_861 : memref<4096xf32, #tpu.memory_space<hbm>>) target_semaphore(%arg13 : memref<!tpu.dma_semaphore, #tpu.memory_space<semaphore_mem>>)
    %dma_start3A_864 = arith.constant 12288 : i32
    %dma_start3A_865 = tpu.memref_slice %arg9[%dma_start3A_864] : memref<32768xf32, #tpu.memory_space<vmem>> -> memref<4096xf32, #tpu.memory_space<vmem>>
    %dma_start3A_866 = tpu.memref_slice %arg7[%add3A_801] : memref<3145728xf32, #tpu.memory_space<hbm>> -> memref<4096xf32, #tpu.memory_space<hbm>>
    %dma_start3A_867 = tpu.memref_slice %arg7[%add3A_801] : memref<3145728xf32, #tpu.memory_space<hbm>> -> memref<4096xf32, #tpu.memory_space<hbm>>
    %dma_start3A_868 = arith.constant 12288 : i32
    %dma_start3A_869 = tpu.memref_slice %arg9[%dma_start3A_868] : memref<32768xf32, #tpu.memory_space<vmem>> -> memref<4096xf32, #tpu.memory_space<vmem>>
    tpu.enqueue_dma source(%dma_start3A_869 : memref<4096xf32, #tpu.memory_space<vmem>>) target(%dma_start3A_867 : memref<4096xf32, #tpu.memory_space<hbm>>) target_semaphore(%arg13 : memref<!tpu.dma_semaphore, #tpu.memory_space<semaphore_mem>>)
    %dma_start3A_870 = arith.constant 16384 : i32
    %dma_start3A_871 = tpu.memref_slice %arg9[%dma_start3A_870] : memref<32768xf32, #tpu.memory_space<vmem>> -> memref<4096xf32, #tpu.memory_space<vmem>>
    %dma_start3A_872 = tpu.memref_slice %arg7[%add3A_812] : memref<3145728xf32, #tpu.memory_space<hbm>> -> memref<4096xf32, #tpu.memory_space<hbm>>
    %dma_start3A_873 = tpu.memref_slice %arg7[%add3A_812] : memref<3145728xf32, #tpu.memory_space<hbm>> -> memref<4096xf32, #tpu.memory_space<hbm>>
    %dma_start3A_874 = arith.constant 16384 : i32
    %dma_start3A_875 = tpu.memref_slice %arg9[%dma_start3A_874] : memref<32768xf32, #tpu.memory_space<vmem>> -> memref<4096xf32, #tpu.memory_space<vmem>>
    tpu.enqueue_dma source(%dma_start3A_875 : memref<4096xf32, #tpu.memory_space<vmem>>) target(%dma_start3A_873 : memref<4096xf32, #tpu.memory_space<hbm>>) target_semaphore(%arg13 : memref<!tpu.dma_semaphore, #tpu.memory_space<semaphore_mem>>)
    %dma_start3A_876 = arith.constant 20480 : i32
    %dma_start3A_877 = tpu.memref_slice %arg9[%dma_start3A_876] : memref<32768xf32, #tpu.memory_space<vmem>> -> memref<4096xf32, #tpu.memory_space<vmem>>
    %dma_start3A_878 = tpu.memref_slice %arg7[%add3A_823] : memref<3145728xf32, #tpu.memory_space<hbm>> -> memref<4096xf32, #tpu.memory_space<hbm>>
    %dma_start3A_879 = tpu.memref_slice %arg7[%add3A_823] : memref<3145728xf32, #tpu.memory_space<hbm>> -> memref<4096xf32, #tpu.memory_space<hbm>>
    %dma_start3A_880 = arith.constant 20480 : i32
    %dma_start3A_881 = tpu.memref_slice %arg9[%dma_start3A_880] : memref<32768xf32, #tpu.memory_space<vmem>> -> memref<4096xf32, #tpu.memory_space<vmem>>
    tpu.enqueue_dma source(%dma_start3A_881 : memref<4096xf32, #tpu.memory_space<vmem>>) target(%dma_start3A_879 : memref<4096xf32, #tpu.memory_space<hbm>>) target_semaphore(%arg13 : memref<!tpu.dma_semaphore, #tpu.memory_space<semaphore_mem>>)
    %dma_start3A_882 = arith.constant 24576 : i32
    %dma_start3A_883 = tpu.memref_slice %arg9[%dma_start3A_882] : memref<32768xf32, #tpu.memory_space<vmem>> -> memref<4096xf32, #tpu.memory_space<vmem>>
    %dma_start3A_884 = tpu.memref_slice %arg7[%add3A_834] : memref<3145728xf32, #tpu.memory_space<hbm>> -> memref<4096xf32, #tpu.memory_space<hbm>>
    %dma_start3A_885 = tpu.memref_slice %arg7[%add3A_834] : memref<3145728xf32, #tpu.memory_space<hbm>> -> memref<4096xf32, #tpu.memory_space<hbm>>
    %dma_start3A_886 = arith.constant 24576 : i32
    %dma_start3A_887 = tpu.memref_slice %arg9[%dma_start3A_886] : memref<32768xf32, #tpu.memory_space<vmem>> -> memref<4096xf32, #tpu.memory_space<vmem>>
    tpu.enqueue_dma source(%dma_start3A_887 : memref<4096xf32, #tpu.memory_space<vmem>>) target(%dma_start3A_885 : memref<4096xf32, #tpu.memory_space<hbm>>) target_semaphore(%arg13 : memref<!tpu.dma_semaphore, #tpu.memory_space<semaphore_mem>>)
    %dma_start3A_888 = arith.constant 28672 : i32
    %dma_start3A_889 = tpu.memref_slice %arg9[%dma_start3A_888] : memref<32768xf32, #tpu.memory_space<vmem>> -> memref<4096xf32, #tpu.memory_space<vmem>>
    %dma_start3A_890 = tpu.memref_slice %arg7[%add3A_845] : memref<3145728xf32, #tpu.memory_space<hbm>> -> memref<4096xf32, #tpu.memory_space<hbm>>
    %dma_start3A_891 = tpu.memref_slice %arg7[%add3A_845] : memref<3145728xf32, #tpu.memory_space<hbm>> -> memref<4096xf32, #tpu.memory_space<hbm>>
    %dma_start3A_892 = arith.constant 28672 : i32
    %dma_start3A_893 = tpu.memref_slice %arg9[%dma_start3A_892] : memref<32768xf32, #tpu.memory_space<vmem>> -> memref<4096xf32, #tpu.memory_space<vmem>>
    tpu.enqueue_dma source(%dma_start3A_893 : memref<4096xf32, #tpu.memory_space<vmem>>) target(%dma_start3A_891 : memref<4096xf32, #tpu.memory_space<hbm>>) target_semaphore(%arg13 : memref<!tpu.dma_semaphore, #tpu.memory_space<semaphore_mem>>)
    %dma_wait3A_894 = arith.constant 0 : i32
    %dma_wait3A_895 = tpu.memref_slice %arg9[%dma_wait3A_894] : memref<32768xf32, #tpu.memory_space<vmem>> -> memref<4096xf32, #tpu.memory_space<vmem>>
    %dma_wait3A_896 = tpu.memref_slice %arg7[%add3A_768] : memref<3145728xf32, #tpu.memory_space<hbm>> -> memref<4096xf32, #tpu.memory_space<hbm>>
    %dma_wait3A_897 = tpu.memref_slice %arg7[%add3A_768] : memref<3145728xf32, #tpu.memory_space<hbm>> -> memref<4096xf32, #tpu.memory_space<hbm>>
    %dma_wait3A_898 = arith.constant 0 : i32
    %dma_wait3A_899 = tpu.memref_slice %arg9[%dma_wait3A_898] : memref<32768xf32, #tpu.memory_space<vmem>> -> memref<4096xf32, #tpu.memory_space<vmem>>
    tpu.wait_dma2 semaphore(%arg13 : memref<!tpu.dma_semaphore, #tpu.memory_space<semaphore_mem>>) src(%dma_wait3A_899 : memref<4096xf32, #tpu.memory_space<vmem>>) dst(%dma_wait3A_897 : memref<4096xf32, #tpu.memory_space<hbm>>)
    %dma_wait3A_900 = arith.constant 4096 : i32
    %dma_wait3A_901 = tpu.memref_slice %arg9[%dma_wait3A_900] : memref<32768xf32, #tpu.memory_space<vmem>> -> memref<4096xf32, #tpu.memory_space<vmem>>
    %dma_wait3A_902 = tpu.memref_slice %arg7[%add3A_779] : memref<3145728xf32, #tpu.memory_space<hbm>> -> memref<4096xf32, #tpu.memory_space<hbm>>
    %dma_wait3A_903 = tpu.memref_slice %arg7[%add3A_779] : memref<3145728xf32, #tpu.memory_space<hbm>> -> memref<4096xf32, #tpu.memory_space<hbm>>
    %dma_wait3A_904 = arith.constant 4096 : i32
    %dma_wait3A_905 = tpu.memref_slice %arg9[%dma_wait3A_904] : memref<32768xf32, #tpu.memory_space<vmem>> -> memref<4096xf32, #tpu.memory_space<vmem>>
    tpu.wait_dma2 semaphore(%arg13 : memref<!tpu.dma_semaphore, #tpu.memory_space<semaphore_mem>>) src(%dma_wait3A_905 : memref<4096xf32, #tpu.memory_space<vmem>>) dst(%dma_wait3A_903 : memref<4096xf32, #tpu.memory_space<hbm>>)
    %dma_wait3A_906 = arith.constant 8192 : i32
    %dma_wait3A_907 = tpu.memref_slice %arg9[%dma_wait3A_906] : memref<32768xf32, #tpu.memory_space<vmem>> -> memref<4096xf32, #tpu.memory_space<vmem>>
    %dma_wait3A_908 = tpu.memref_slice %arg7[%add3A_790] : memref<3145728xf32, #tpu.memory_space<hbm>> -> memref<4096xf32, #tpu.memory_space<hbm>>
    %dma_wait3A_909 = tpu.memref_slice %arg7[%add3A_790] : memref<3145728xf32, #tpu.memory_space<hbm>> -> memref<4096xf32, #tpu.memory_space<hbm>>
    %dma_wait3A_910 = arith.constant 8192 : i32
    %dma_wait3A_911 = tpu.memref_slice %arg9[%dma_wait3A_910] : memref<32768xf32, #tpu.memory_space<vmem>> -> memref<4096xf32, #tpu.memory_space<vmem>>
    tpu.wait_dma2 semaphore(%arg13 : memref<!tpu.dma_semaphore, #tpu.memory_space<semaphore_mem>>) src(%dma_wait3A_911 : memref<4096xf32, #tpu.memory_space<vmem>>) dst(%dma_wait3A_909 : memref<4096xf32, #tpu.memory_space<hbm>>)
    %dma_wait3A_912 = arith.constant 12288 : i32
    %dma_wait3A_913 = tpu.memref_slice %arg9[%dma_wait3A_912] : memref<32768xf32, #tpu.memory_space<vmem>> -> memref<4096xf32, #tpu.memory_space<vmem>>
    %dma_wait3A_914 = tpu.memref_slice %arg7[%add3A_801] : memref<3145728xf32, #tpu.memory_space<hbm>> -> memref<4096xf32, #tpu.memory_space<hbm>>
    %dma_wait3A_915 = tpu.memref_slice %arg7[%add3A_801] : memref<3145728xf32, #tpu.memory_space<hbm>> -> memref<4096xf32, #tpu.memory_space<hbm>>
    %dma_wait3A_916 = arith.constant 12288 : i32
    %dma_wait3A_917 = tpu.memref_slice %arg9[%dma_wait3A_916] : memref<32768xf32, #tpu.memory_space<vmem>> -> memref<4096xf32, #tpu.memory_space<vmem>>
    tpu.wait_dma2 semaphore(%arg13 : memref<!tpu.dma_semaphore, #tpu.memory_space<semaphore_mem>>) src(%dma_wait3A_917 : memref<4096xf32, #tpu.memory_space<vmem>>) dst(%dma_wait3A_915 : memref<4096xf32, #tpu.memory_space<hbm>>)
    %dma_wait3A_918 = arith.constant 16384 : i32
    %dma_wait3A_919 = tpu.memref_slice %arg9[%dma_wait3A_918] : memref<32768xf32, #tpu.memory_space<vmem>> -> memref<4096xf32, #tpu.memory_space<vmem>>
    %dma_wait3A_920 = tpu.memref_slice %arg7[%add3A_812] : memref<3145728xf32, #tpu.memory_space<hbm>> -> memref<4096xf32, #tpu.memory_space<hbm>>
    %dma_wait3A_921 = tpu.memref_slice %arg7[%add3A_812] : memref<3145728xf32, #tpu.memory_space<hbm>> -> memref<4096xf32, #tpu.memory_space<hbm>>
    %dma_wait3A_922 = arith.constant 16384 : i32
    %dma_wait3A_923 = tpu.memref_slice %arg9[%dma_wait3A_922] : memref<32768xf32, #tpu.memory_space<vmem>> -> memref<4096xf32, #tpu.memory_space<vmem>>
    tpu.wait_dma2 semaphore(%arg13 : memref<!tpu.dma_semaphore, #tpu.memory_space<semaphore_mem>>) src(%dma_wait3A_923 : memref<4096xf32, #tpu.memory_space<vmem>>) dst(%dma_wait3A_921 : memref<4096xf32, #tpu.memory_space<hbm>>)
    %dma_wait3A_924 = arith.constant 20480 : i32
    %dma_wait3A_925 = tpu.memref_slice %arg9[%dma_wait3A_924] : memref<32768xf32, #tpu.memory_space<vmem>> -> memref<4096xf32, #tpu.memory_space<vmem>>
    %dma_wait3A_926 = tpu.memref_slice %arg7[%add3A_823] : memref<3145728xf32, #tpu.memory_space<hbm>> -> memref<4096xf32, #tpu.memory_space<hbm>>
    %dma_wait3A_927 = tpu.memref_slice %arg7[%add3A_823] : memref<3145728xf32, #tpu.memory_space<hbm>> -> memref<4096xf32, #tpu.memory_space<hbm>>
    %dma_wait3A_928 = arith.constant 20480 : i32
    %dma_wait3A_929 = tpu.memref_slice %arg9[%dma_wait3A_928] : memref<32768xf32, #tpu.memory_space<vmem>> -> memref<4096xf32, #tpu.memory_space<vmem>>
    tpu.wait_dma2 semaphore(%arg13 : memref<!tpu.dma_semaphore, #tpu.memory_space<semaphore_mem>>) src(%dma_wait3A_929 : memref<4096xf32, #tpu.memory_space<vmem>>) dst(%dma_wait3A_927 : memref<4096xf32, #tpu.memory_space<hbm>>)
    %dma_wait3A_930 = arith.constant 24576 : i32
    %dma_wait3A_931 = tpu.memref_slice %arg9[%dma_wait3A_930] : memref<32768xf32, #tpu.memory_space<vmem>> -> memref<4096xf32, #tpu.memory_space<vmem>>
    %dma_wait3A_932 = tpu.memref_slice %arg7[%add3A_834] : memref<3145728xf32, #tpu.memory_space<hbm>> -> memref<4096xf32, #tpu.memory_space<hbm>>
    %dma_wait3A_933 = tpu.memref_slice %arg7[%add3A_834] : memref<3145728xf32, #tpu.memory_space<hbm>> -> memref<4096xf32, #tpu.memory_space<hbm>>
    %dma_wait3A_934 = arith.constant 24576 : i32
    %dma_wait3A_935 = tpu.memref_slice %arg9[%dma_wait3A_934] : memref<32768xf32, #tpu.memory_space<vmem>> -> memref<4096xf32, #tpu.memory_space<vmem>>
    tpu.wait_dma2 semaphore(%arg13 : memref<!tpu.dma_semaphore, #tpu.memory_space<semaphore_mem>>) src(%dma_wait3A_935 : memref<4096xf32, #tpu.memory_space<vmem>>) dst(%dma_wait3A_933 : memref<4096xf32, #tpu.memory_space<hbm>>)
    %dma_wait3A_936 = arith.constant 28672 : i32
    %dma_wait3A_937 = tpu.memref_slice %arg9[%dma_wait3A_936] : memref<32768xf32, #tpu.memory_space<vmem>> -> memref<4096xf32, #tpu.memory_space<vmem>>
    %dma_wait3A_938 = tpu.memref_slice %arg7[%add3A_845] : memref<3145728xf32, #tpu.memory_space<hbm>> -> memref<4096xf32, #tpu.memory_space<hbm>>
    %dma_wait3A_939 = tpu.memref_slice %arg7[%add3A_845] : memref<3145728xf32, #tpu.memory_space<hbm>> -> memref<4096xf32, #tpu.memory_space<hbm>>
    %dma_wait3A_940 = arith.constant 28672 : i32
    %dma_wait3A_941 = tpu.memref_slice %arg9[%dma_wait3A_940] : memref<32768xf32, #tpu.memory_space<vmem>> -> memref<4096xf32, #tpu.memory_space<vmem>>
    tpu.wait_dma2 semaphore(%arg13 : memref<!tpu.dma_semaphore, #tpu.memory_space<semaphore_mem>>) src(%dma_wait3A_941 : memref<4096xf32, #tpu.memory_space<vmem>>) dst(%dma_wait3A_939 : memref<4096xf32, #tpu.memory_space<hbm>>)
    return
  }
}

</mosaic_0001>

<sc_bundles>
// kernel: kernel.3.cloned.1.call-start
scs
__scs_entry_jumppad:
0x0: {  	(pc) =	sbr.rel $0x88, $3  }
0x1: {  	(tag) =	ssettag $0x0;
	lr =	simm.s32 $0x1  }
0x2: {  	[smem:$0x3F9F] =	sst lr;
	_ =	strace $0xD0000000  }
0x3: {  	_ = 	snop  }
0x4: {  	_ = 	snop  }
0x5: {  	_ = 	snop  }
0x6: {  	_ = 	snop  }
0x7: {  	_ = 	snop  }
__scs_overlays_trampoline_lowered:
0x8: {  	[smem:$0x3FAE] =	sst s0  }
0x9: {  	[smem:$0x3FAF] =	sst s1  }
0xa: {  	[smem:$0x3FB0] =	sst s2  }
0xb: {  	[smem:$0x3FB1] =	sst s3  }
0xc: {  	[smem:$0x3FB2] =	sst s4  }
0xd: {  	[smem:$0x3FB3] =	sst s5  }
0xe: {  	[smem:$0x3FB4] =	sst s6  }
0xf: {  	[smem:$0x3FB5] =	sst s7  }
0x10: {  	[smem:$0x3FB6] =	sst s8  }
0x11: {  	[smem:$0x3FB7] =	sst s9;
	s0 =	simm.s32 @!p0 $0x0  }
0x12: {  	s1 =	sld [smem:$0x3F9D];
	s0 =	simm.s32 @p0 $0x1  }
0x13: {  	[smem:$0x3FB8] =	sst s0;
	s0 =	simm.s32 @!p1 $0x0  }
0x14: {  	s2 =	sld [smem:$0x3F9C];
	s0 =	simm.s32 @p1 $0x1  }
0x15: {  	[smem:$0x3FB9] =	sst s0;
	s0 =	simm.s32 @!p2 $0x0  }
0x16: {  	s3 =	sld [smem:$0x3FDB];
	s0 =	simm.s32 @p2 $0x1  }
0x17: {  	s4 =	simm.s32 $0x1BF5;
	[smem:$0x3FBB] =	sst s0  }
0x18: {  	s0 =	sld [smem:$0x3F9E];
	_ =	swait.ge [sflag:s4], $0x0  }
0x19: {  	s7 =	sld [smem:$0x3F9F]  }
0x1a: {  	s8 =	sadd.s32 $0xFFFFE003, lr  }
0x1b: {  	s9 =	sadd.s32 $0xFFFFFEF7, lr;
	s5 =	simm.s32 $0xFFFFFFFF;
	p2 =	slt.u32 s8, $0xFFFFF086  }
0x1c: {  	p1 =	slt.u32 s9, $0xF7A;
	s5 =	simm.s32 @!p2 $0x0  }
0x1d: {  	s5 =	simm.s32 @p1 $0x1;
	p0 =	seq.s32 s7, s2  }
0x1e: {  	s7 =	smul.u32 @!p0 $0xF7A, s2;
	p2 =	seq.s32 @!p0 s5, $0x0  }
0x1f: {  	s9 =	smul.u32 $0xF7A, s1;
	s8 =	simm.s32 @!p0 $0x1BF5;
	p2 =	por !p2, p0  }
0x20: {  	[sflag:s8] =	ssyncset.s32 @!p0 $0xFFFFF086;
	s6 =	sadd.s32 @!p0 s3, s7;
	s7 =	simm.s32 @!p0 $0x108  }
0x21: {  	s3 =	sadd.s32 s3, s9;
	s6 =	sadd.s32 @!p0 $0x88, s6;
	s7 =	simm.s32 @p2 $0x1082  }
0x22: {  	[simem:s7], [sflag:s8] =	dma.local @!p0 [hbm:s6], $0xF7A  }
0x23: {  	s9 =	sor.u32 $0xD0000000, s2;
	s6 =	simm.s32 $0x108;
	_ =	swait.ge @!p0 [sflag:s8], $0x0  }
0x24: {  	s3 =	sadd.s32 $0x88, s3;
	s6 =	simm.s32 @!p1 $0x1082;
	[sflag:s4] =	ssyncset.s32 $0xFFFFF086  }
0x25: {  	[simem:s6], [sflag:s4] =	dma.local [hbm:s3], $0xF7A  }
0x26: {  	[smem:$0x3F9F] =	sst s1;
	(tag) =	ssettag s2;
	_ =	strace s9  }
0x27: {  	s1 =	sld [smem:$0x3FAF]  }
0x28: {  	s2 =	sld [smem:$0x3FB0]  }
0x29: {  	s4 =	sld [smem:$0x3FB2]  }
0x2a: {  	p0 =	seq.s32 s5, $0x0;
	s5 =	sld [smem:$0x3FB3]  }
0x2b: {  	s6 =	sld [smem:$0x3FB4]  }
0x2c: {  	s7 =	sld [smem:$0x3FB5]  }
0x2d: {  	s3 =	simm.s32 $0x108;
	s8 =	sld [smem:$0x3FB6]  }
0x2e: {  	s3 =	simm.s32 @!p0 $0x1082;
	s9 =	sld [smem:$0x3FB7]  }
0x2f: {  	lr =	sadd.s32 s0, s3;
	s0 =	sld [smem:$0x3FAE]  }
0x30: {  	s3 =	sld [smem:$0x3FB1]  }
0x31: {  	[smem:$0x3FBA] =	sst s10  }
0x32: {  	s10 =	sld [smem:$0x3FB8];
	_ =	sdelay $0x3  }
0x33: {  	p0 =	seq.s32 s10, $0x1;
	s10 =	sld [smem:$0x3FBA];
	_ =	sdelay $0x3  }
0x34: {  	[smem:$0x3FBA] =	sst s10  }
0x35: {  	s10 =	sld [smem:$0x3FB9];
	_ =	sdelay $0x3  }
0x36: {  	p1 =	seq.s32 s10, $0x1;
	s10 =	sld [smem:$0x3FBA];
	_ =	sdelay $0x3  }
0x37: {  	[smem:$0x3FBA] =	sst s10  }
0x38: {  	s10 =	sld [smem:$0x3FBB]  }
0x39: {  	_ = 	snop;
	(pc) =	sbr.ind lr, $3  }
0x3a: {  	_ = 	snop  }
0x3b: {  	_ = 	snop  }
0x3c: {  	p2 =	seq.s32 s10, $0x1;
	s10 =	sld [smem:$0x3FBA]  }
0x3d: {  	_ =	shalt  }
0x3e: {  	_ =	shalt  }
0x3f: {  	_ =	shalt  }
0x40: {  	_ =	shalt  }
0x41: {  	_ =	shalt  }
0x42: {  	_ =	shalt  }
0x43: {  	_ =	shalt  }
0x44: {  	_ =	shalt  }
0x45: {  	_ =	shalt  }
0x46: {  	_ =	shalt  }
0x47: {  	_ =	shalt  }
0x48: {  	_ =	shalt  }
0x49: {  	_ =	shalt  }
0x4a: {  	_ =	shalt  }
0x4b: {  	_ =	shalt  }
0x4c: {  	_ =	shalt  }
0x4d: {  	_ =	shalt  }
0x4e: {  	_ =	shalt  }
0x4f: {  	_ =	shalt  }
0x50: {  	_ =	shalt  }
0x51: {  	_ =	shalt  }
0x52: {  	_ =	shalt  }
0x53: {  	_ =	shalt  }
0x54: {  	_ =	shalt  }
0x55: {  	_ =	shalt  }
0x56: {  	_ =	shalt  }
0x57: {  	_ =	shalt  }
0x58: {  	_ =	shalt  }
0x59: {  	_ =	shalt  }
0x5a: {  	_ =	shalt  }
0x5b: {  	_ =	shalt  }
0x5c: {  	_ =	shalt  }
0x5d: {  	_ =	shalt  }
0x5e: {  	_ =	shalt  }
0x5f: {  	_ =	shalt  }
0x60: {  	_ =	shalt  }
0x61: {  	_ =	shalt  }
0x62: {  	_ =	shalt  }
0x63: {  	_ =	shalt  }
0x64: {  	_ =	shalt  }
0x65: {  	_ =	shalt  }
0x66: {  	_ =	shalt  }
0x67: {  	_ =	shalt  }
0x68: {  	_ =	shalt  }
0x69: {  	_ =	shalt  }
0x6a: {  	_ =	shalt  }
0x6b: {  	_ =	shalt  }
0x6c: {  	_ =	shalt  }
0x6d: {  	_ =	shalt  }
0x6e: {  	_ =	shalt  }
0x6f: {  	_ =	shalt  }
0x70: {  	_ =	shalt  }
0x71: {  	_ =	shalt  }
0x72: {  	_ =	shalt  }
0x73: {  	_ =	shalt  }
0x74: {  	_ =	shalt  }
0x75: {  	_ =	shalt  }
0x76: {  	_ =	shalt  }
0x77: {  	_ =	shalt  }
0x78: {  	_ =	shalt  }
0x79: {  	_ =	shalt  }
0x7a: {  	_ =	shalt  }
0x7b: {  	_ =	shalt  }
0x7c: {  	_ =	shalt  }
0x7d: {  	_ =	shalt  }
0x7e: {  	_ =	shalt  }
0x7f: {  	_ =	shalt  }
0x80: {  	_ =	shalt  }
0x81: {  	_ =	shalt  }
0x82: {  	_ =	shalt  }
0x83: {  	_ =	shalt  }
0x84: {  	_ =	shalt  }
0x85: {  	_ =	shalt  }
0x86: {  	_ =	shalt  }
0x87: {  	_ =	shalt  }
.Lfunc_end0:
.L_simem_size_0:
called_computation_lowered:
.L_overlay_start_0:
0x88: {  	s2 =	sld [smem:$0x3FD9]  }
0x89: {  	s3 =	sld [smem:$0x3FFE];
	_ =	sdelay $0x1  }
0x8a: {  	s1 =	srdreg.scid  }
0x8b: {  	s0 =	sand.u32 $0x1, s1  }
0x8c: {  	s17 =	sshll.u32 s0, $0xA;
	s2 =	sadd.s32 s3, s2  }
0x8d: {  	s2 =	sadd.s32 s2, s17  }
0x8e: {  	[smem:$0x3FC6] =	sst s2  }
0x8f: {  	_ = 	snop  }
0x90: {  	s2 =	sld [smem:$0x3FD0];
	(tm) =	ssettm $0x1  }
0x91: {  	s18 =	sld [smem:$0x3FFB];
	_ =	sdelay $0x3  }
0x92: {  	_ =	strace s18  }
0x93: {  	s3 =	sld [smem:$0x3FFC];
	_ =	sdelay $0x3  }
0x94: {  	_ =	strace s3  }
0x95: {  	s3 =	sld [smem:$0x3FFD];
	_ =	sdelay $0x3  }
0x96: {  	_ =	strace s3  }
0x97: {  	_ =	strace $0x8FFFFFFF  }
0x98: {  	s19 =	sld [smem:$0x3FDB];
	_ =	sdelay $0x1  }
0x99: {  	s4 =	simm.s32 $_scs_section_size  }
0x9a: {  	s5 =	simm.s32 $_size__tile_overlayer_lowered;
	s6 =	simm.s32 $_tile_overlayer_lowered  }
0x9b: {  	s22 =	simm.s32 $0x1BFF;
	s21 =	sshll.u32 s6, $0x1;
	s3 =	sadd.s32 s4, s19  }
0x9c: {  	s7 =	simm.s32 $0x0;
	s20 =	sshll.u32 s5, $0x1;
	s5 =	sadd.s32 s21, s3  }
0x9d: {  	[timem:s7], [sflag:s22] =	dma.local [hbm:s5], s20  }
0x9e: {  	_ =	swait.ge [sflag:s22], s20  }
0x9f: {  	s4 =	ssub.s32 $0x0, s20;
	[sflag:s22] =	ssyncset.done $0x0  }
0xa0: {  	[sflag:s22] =	ssyncadd.s32 s4;
	_ =	sdelay $0x1  }
0xa1: {  	s23 =	simm.s32 $0x1B8B  }
0xa2: {  	_ =	swait.ge [sflag:s23], $0x1  }
0xa3: {  	[sflag:s23] =	ssyncset.done $0x0  }
0xa4: {  	s25 =	simm.s32 $0x1B8E;
	s24 =	sld [smem:$0x3FFE];
	[sflag:s23] =	ssyncadd.s32 $0xFFFFFFFF  }
0xa5: {  	s26 =	simm.s32 $execute0_lowered;
	[smem:$0x3FD2] =	sst s25  }
0xa6: {  	s5 =	sshll.u32 s26, $0x1;
	_ =	strace $0x80000046;
	[dreg:$0x1] =	wrdreg $0xFFFFFFFF  }
0xa7: {  	s28 =	simm.s32 $_size_execute0_lowered;
	s3 =	sadd.s32 s3, s5;
	[dreg:$0x0] =	wrdreg $0x0  }
0xa8: {  	s5 =	sshll.u32 s28, $0x1;
	[dreg:$0x2] =	wrdreg s3  }
0xa9: {  	[dreg:$0x3] =	wrdreg s5  }
0xaa: {  	[dreg:$0x4] =	wrdreg $0xC0  }
0xab: {  	_ =	task [dreg:s7], $0x5FFFF  }
0xac: {  	[dreg:$0x1] =	wrdreg $0xFFFFFFFF  }
0xad: {  	[dreg:$0x0] =	wrdreg $0x60  }
0xae: {  	[dreg:$0x2] =	wrdreg s24  }
0xaf: {  	[dreg:$0x3] =	wrdreg s2  }
0xb0: {  	[dreg:$0x4] =	wrdreg $0x9  }
0xb1: {  	_ =	task.clear_ibuf [dreg:s7], $0x5FFFF;
	_ =	strace $0x90000046  }
0xb2: {  	s29 =	simm.s32 $0x9;
	_ =	strace $0x80000048  }
0xb3: {  	_ =	swait.ge [sflag:s29], $0x1  }
0xb4: {  	[sflag:s29] =	ssyncadd.s32 $0xFFFFFFFF  }
0xb5: {  	_ =	strace $0x90000048  }
0xb6: {  	_ =	sfence  }
0xb7: {  	s30 =	sld [smem:$0x0];
	_ =	sdelay $0x2  }
0xb8: {  	s31 =	sshll.u32 s1, $0xD;
	s1 =	sshrl.u32 s1, $0x2  }
0xb9: {  	s3 =	sand.u32 $0x4000, s31;
	s1 =	sadd.s32 s1, s30  }
0xba: {  	s0 =	sor.u32 s3, s0;
	s1 =	sshll.u32 s1, $0x11  }
0xbb: {  	s0 =	sor.u32 s1, s0  }
0xbc: {  	s0 =	sadd.s32 $0x8F2B, s0  }
0xbd: {  	[sflag:s0] =	ssyncadd.remote.s32 $0x1  }
0xbe: {  	_ =	sfence.sel $0xFFFF  }
0xbf: {  	[dreg:$0x0] =	wrdreg $0xFFFFFFFF;
	(pc) =	sbr.abs _section_cstart, $3  }
0xc0: {  	[dreg:$0x1] =	wrdreg $0xFFFFFFFF  }
0xc1: {  	_ =	task.clear_ibuf [dreg:s7], $0x2FFFF;
	_ =	strace $0x9FFFFFFF  }
0xc2: {  	(tm) =	ssettm $0x7FFFFFFF  }
0xc3: {  	_ =	shalt  }
tec
execute0_lowered:
.L_overlay_start_1:
0x0: {  	(tag) =	ssettag $0x1  }
0x1: {  	s2 =	srdreg.scid  }
0x2: {  	s1 =	rddreg [dreg:$0x0];
	s3 =	sand.u32 $0x1, s2  }
0x3: {  	s0 =	simm.s32 $0x0;
	s24 =	stileid.u32;
	s9 =	smul.u32 $0x180000, s3  }
0x4: {  	[smem:$0x7FF] =	sst s0;
	s5 =	sadd.s32 $0xE2000, s1;
	s4 =	ssub.s32 $0x2, s3  }
0x5: {  	s2 =	sshll.u32 s24, $0xC;
	s6 =	sshrl.u32 s4, $0x1;
	s10 =	sor.u32 $0x30000, s9  }
0x6: {  	s11 =	sor.u32 $0x60000, s9;
	s4 =	ssub.s32 s4, s6;
	s12 =	sadd.s32 $0x90000, s9  }
0x7: {  	s13 =	sadd.s32 $0xC0000, s9;
	s14 =	sadd.s32 $0xF0000, s9;
	s17 =	sadd.s32 $0x120000, s9  }
0x8: {  	s18 =	sadd.s32 $0x150000, s9;
	s19 =	sor.u32 $0x10000, s9;
	s23 =	sor.u32 $0x40000, s9  }
0x9: {  	s25 =	sor.u32 s2, s10;
	s7 =	sor.u32 s2, s11;
	s8 =	sor.u32 s2, s12  }
0xa: {  	s15 =	sor.u32 s2, s13;
	s16 =	sor.u32 s2, s14;
	s20 =	sor.u32 s2, s17  }
0xb: {  	s21 =	sor.u32 s2, s18;
	s22 =	sor.u32 s2, s19;
	s24 =	sor.u32 s2, s23  }
0xc: {  	s6 =	sshrl.u32 s25, $0x3;
	s7 =	sshrl.u32 s7, $0x3;
	s28 =	sshrl.u32 s16, $0x3  }
0xd: {  	s30 =	sshrl.u32 s20, $0x3;
	s22 =	sshrl.u32 s22, $0x3;
	s24 =	sshrl.u32 s24, $0x3  }
0xe: {  	s16 =	sor.u32 $0x70000, s9;
	s6 =	sadd.s32 s5, s6;
	s26 =	sadd.s32 s5, s7  }
0xf: {  	s7 =	sshrl.u32 s15, $0x3;
	s20 =	sadd.s32 s5, s30;
	[dreg:$0x3] =	wrdreg s6  }
0x10: {  	s15 =	sadd.s32 s5, s22;
	s25 =	sadd.s32 s5, s24;
	[dreg:$0x4] =	wrdreg s26  }
0x11: {  	s22 =	sadd.s32 $0x100000, s9;
	s24 =	sadd.s32 $0x130000, s9;
	[dreg:$0x6] =	wrdreg s20  }
0x12: {  	s6 =	sshrl.u32 s8, $0x3;
	s8 =	sadd.s32 s5, s28;
	[dreg:$0x7] =	wrdreg s15  }
0x13: {  	[dreg:$0x8] =	wrdreg s25;
	s26 =	sor.u32 s2, s16;
	s20 =	sadd.s32 $0xA0000, s9  }
0x14: {  	[dreg:$0x5] =	wrdreg s8;
	s8 =	sshrl.u32 s21, $0x3;
	s15 =	sshrl.u32 s26, $0x3  }
0x15: {  	s21 =	sadd.s32 $0xD0000, s9;
	s28 =	sor.u32 s2, s20;
	s15 =	sadd.s32 s5, s15  }
0x16: {  	s30 =	sor.u32 s2, s21;
	s25 =	sshrl.u32 s28, $0x3;
	[dreg:$0x9] =	wrdreg s15  }
0x17: {  	s26 =	sshrl.u32 s30, $0x3;
	s15 =	sadd.s32 s5, s25;
	s30 =	sor.u32 s2, s22  }
0x18: {  	s25 =	sadd.s32 $0x160000, s9;
	[dreg:$0xa] =	wrdreg s15;
	s28 =	sadd.s32 s5, s26  }
0x19: {  	s15 =	sshrl.u32 s30, $0x3;
	s26 =	sor.u32 s2, s24;
	[dreg:$0xb] =	wrdreg s28  }
0x1a: {  	s28 =	sor.u32 s2, s25;
	s15 =	sadd.s32 s5, s15;
	s26 =	sshrl.u32 s26, $0x3  }
0x1b: {  	[dreg:$0xc] =	wrdreg s15;
	s30 =	sshrl.u32 s28, $0x3;
	s15 =	sadd.s32 s5, s26  }
0x1c: {  	[dreg:$0xd] =	wrdreg s15;
	s26 =	sadd.s32 s5, s30  }
0x1d: {  	s15 =	sor.u32 $0x800, s2;
	[dreg:$0xe] =	wrdreg s26  }
0x1e: {  	s10 =	sor.u32 s15, s10;
	s11 =	sor.u32 s15, s11;
	s12 =	sor.u32 s15, s12  }
0x1f: {  	s13 =	sor.u32 s15, s13;
	s14 =	sor.u32 s15, s14;
	s17 =	sor.u32 s15, s17  }
0x20: {  	s18 =	sor.u32 s15, s18;
	s19 =	sor.u32 s15, s19;
	s23 =	sor.u32 s15, s23  }
0x21: {  	s20 =	sor.u32 s15, s20;
	s21 =	sor.u32 s15, s21;
	s22 =	sor.u32 s15, s22  }
0x22: {  	s26 =	sor.u32 s2, s9;
	s9 =	sor.u32 s9, s15;
	s24 =	sor.u32 s15, s24  }
0x23: {  	s25 =	sor.u32 s15, s25;
	s9 =	sshrl.u32 s9, $0x3;
	s28 =	sshrl.u32 s10, $0x3  }
0x24: {  	s30 =	sshrl.u32 s11, $0x3;
	s12 =	sshrl.u32 s12, $0x3;
	s13 =	sshrl.u32 s13, $0x3  }
0x25: {  	s10 =	sshrl.u32 s17, $0x3;
	s17 =	sshrl.u32 s20, $0x3;
	s9 =	sadd.s32 s5, s9  }
0x26: {  	s20 =	sshrl.u32 s22, $0x3;
	s11 =	sadd.s32 s5, s30;
	[dreg:$0xf] =	wrdreg s9  }
0x27: {  	s9 =	sadd.s32 s5, s28;
	[dreg:$0x11] =	wrdreg s11;
	s28 =	sshrl.u32 s14, $0x3  }
0x28: {  	s11 =	sshrl.u32 s18, $0x3;
	s14 =	sshrl.u32 s23, $0x3;
	s18 =	sadd.s32 s5, s17  }
0x29: {  	s23 =	sshrl.u32 s25, $0x3;
	s25 =	sadd.s32 $0x80000, s26;
	[dreg:$0x10] =	wrdreg s9  }
0x2a: {  	s9 =	sadd.s32 s5, s12;
	s30 =	sadd.s32 s5, s28;
	[dreg:$0x1a] =	wrdreg s18  }
0x2b: {  	s12 =	sshrl.u32 s19, $0x3;
	s19 =	sshrl.u32 s21, $0x3;
	[dreg:$0x12] =	wrdreg s9  }
0x2c: {  	s21 =	sshrl.u32 s24, $0x3;
	s9 =	sadd.s32 s5, s13;
	[dreg:$0x14] =	wrdreg s30  }
0x2d: {  	s24 =	sshrl.u32 s26, $0x3;
	s13 =	sadd.s32 s5, s12;
	[dreg:$0x13] =	wrdreg s9  }
0x2e: {  	s28 =	sadd.s32 $0x110000, s26;
	s22 =	sadd.s32 s5, s21;
	[dreg:$0x17] =	wrdreg s13  }
0x2f: {  	s30 =	sadd.s32 $0x140000, s26;
	s26 =	sadd.s32 s5, s7;
	[dreg:$0x1d] =	wrdreg s22  }
0x30: {  	s9 =	sadd.s32 s5, s10;
	[smem:$0x7F1] =	sst s26  }
0x31: {  	s10 =	sshrl.u32 s25, $0x3;
	s25 =	sadd.s32 s5, s6;
	[dreg:$0x15] =	wrdreg s9  }
0x32: {  	s9 =	sadd.s32 s5, s11;
	[smem:$0x7F0] =	sst s25  }
0x33: {  	s12 =	sshrl.u32 s30, $0x3;
	s10 =	sadd.s32 s5, s10;
	[dreg:$0x16] =	wrdreg s9  }
0x34: {  	s13 =	sadd.s32 s5, s12;
	[dreg:$0x1f] =	wrdreg s10  }
0x35: {  	s11 =	sshrl.u32 s28, $0x3;
	[smem:$0x7EF] =	sst s13  }
0x36: {  	s9 =	sadd.s32 s5, s14;
	s10 =	sadd.s32 s5, s11;
	s11 =	rddreg [dreg:$0x1]  }
0x37: {  	s28 =	sadd.s32 $0xE6000, s1;
	[dreg:$0x18] =	wrdreg s9  }
0x38: {  	s16 =	sor.u32 s15, s16;
	s30 =	sadd.s32 s24, s28;
	[smem:$0x7EE] =	sst s10  }
0x39: {  	s16 =	sshrl.u32 s16, $0x3;
	s6 =	sadd.s32 s6, s28;
	[smem:$0x7F3] =	sst s30  }
0x3a: {  	s31 =	simm.s32 $0x18408;
	s9 =	sadd.s32 s5, s16;
	[smem:$0x7F4] =	sst s6  }
0x3b: {  	s29 =	sor.u32 $0x20000, s2;
	s10 =	sadd.s32 s8, s28;
	[dreg:$0x19] =	wrdreg s9  }
0x3c: {  	s17 =	sadd.s32 $0xA2000, s1;
	s9 =	sadd.s32 s5, s19;
	[smem:$0x7F6] =	sst s10  }
0x3d: {  	s18 =	sadd.s32 $0x20C00, s1;
	[dreg:$0x1b] =	wrdreg s9;
	s9 =	sadd.s32 s5, s20  }
0x3e: {  	s21 =	sadd.s32 $0x22C00, s1;
	[dreg:$0x1c] =	wrdreg s9;
	s9 =	sadd.s32 s5, s23  }
0x3f: {  	s14 =	sadd.s32 s5, s24;
	s5 =	sadd.s32 s5, s8;
	[dreg:$0x1e] =	wrdreg s9  }
0x40: {  	s22 =	sadd.s32 $0xA4000, s1;
	[smem:$0x7F2] =	sst s5;
	s9 =	sadd.s32 s7, s28  }
0x41: {  	s25 =	sor.u32 $0x100000, s2;
	s20 =	smax.u32 s4, $0x1;
	[smem:$0x7F5] =	sst s9  }
0x42: {  	s23 =	sor.u32 $0x10000, s2;
	_ =	strace $0x80000047;
	[smem:$0x7F7] =	sst s20  }
0x43: {  	s13 =	sadd.s32 $0x200, s1;
	s24 =	sor.u32 $0x10800, s2;
	[smem:$0x7F8] =	sst s23  }
.Ltmp0:
0x44: {  	s28 =	sor.u32 $0x100800, s2;
	[smem:$0x7F9] =	sst s24;
	(pc) =	sbr.rel .LBB2_1-.Ltmp0, $4  }
0x45: {  	s16 =	sshll.u32 s3, $0x3;
	s30 =	sadd.s32 $0xA000, s14;
	[smem:$0x7FA] =	sst s28  }
0x46: {  	s3 =	simm.s32 $0x18C08;
	s6 =	simm.s32 $0x0;
	[smem:$0x7FB] =	sst s14  }
0x47: {  	s19 =	sadd.s32 $0x81600, s1;
	s1 =	simm.s32 $0x3;
	[smem:$0x7FC] =	sst s30  }
0x48: {  	s4 =	simm.s32 $0x1;
	s14 =	simm.s32 $0x2;
	[smem:$0x7FD] =	sst s13  }
.LBB2_13:
0x49: {  	s5 =	sld [smem:$0x7F3];
	_ =	sdelay $0x1  }
0x4a: {  	s26 =	sld [smem:$0x7FC]  }
0x4b: {  	[hbm4b:s5+s0] =	stream.linear.scatter [tilespmem:s28], [sflag:$0x2], $0x1000, $0x38;
	[tilespmem:$0x1E408] =	vst v63  }
0x4c: {  	s6 =	simm.s32 $0x11408;
	s7 =	sld [smem:$0x7F4]  }
0x4d: {  	[hbm4b:s26+s0] =	stream.linear.scatter [tilespmem:s6], [sflag:$0x2], $0x1000, $0x38;
	[tilespmem:$0x1E408] =	vst v63  }
0x4e: {  	s30 =	simm.s32 $0x12408;
	s28 =	rddreg [dreg:$0x1f]  }
0x4f: {  	[hbm4b:s28+s0] =	stream.linear.scatter [tilespmem:s30], [sflag:$0x2], $0x1000, $0x38;
	[tilespmem:$0x1E408] =	vst v63  }
0x50: {  	s8 =	simm.s32 $0x13408;
	s9 =	sld [smem:$0x7F5]  }
0x51: {  	[hbm4b:s7+s0] =	stream.linear.scatter [tilespmem:s8], [sflag:$0x2], $0x1000, $0x38;
	[tilespmem:$0x1E408] =	vst v63  }
0x52: {  	s10 =	simm.s32 $0x14408;
	s12 =	sld [smem:$0x7EE]  }
0x53: {  	[hbm4b:s9+s0] =	stream.linear.scatter [tilespmem:s10], [sflag:$0x2], $0x1000, $0x38;
	[tilespmem:$0x1E408] =	vst v63  }
0x54: {  	s13 =	simm.s32 $0x15408;
	s20 =	sld [smem:$0x7EF]  }
0x55: {  	[hbm4b:s12+s0] =	stream.linear.scatter [tilespmem:s13], [sflag:$0x2], $0x1000, $0x38;
	[tilespmem:$0x1E408] =	vst v63  }
0x56: {  	s23 =	simm.s32 $0x16408;
	s24 =	sld [smem:$0x7F6]  }
0x57: {  	[hbm4b:s20+s0] =	stream.linear.scatter [tilespmem:s23], [sflag:$0x2], $0x1000, $0x38;
	[tilespmem:$0x1E408] =	vst v63  }
0x58: {  	s26 =	simm.s32 $0x17408  }
0x59: {  	[hbm4b:s24+s0] =	stream.linear.scatter [tilespmem:s26], [sflag:$0x2], $0x1000, $0x38;
	[tilespmem:$0x1E408] =	vst v63  }
0x5a: {  	_ =	swait.ge [sflag:s14], $0x1000  }
0x5b: {  	[sflag:s14] =	ssyncset.done $0x0  }
0x5c: {  	[sflag:s14] =	ssyncadd.s32 $0xFFFFF000  }
0x5d: {  	_ =	swait.ge [sflag:s14], $0x1000  }
0x5e: {  	[sflag:s14] =	ssyncset.done $0x0  }
0x5f: {  	[sflag:s14] =	ssyncadd.s32 $0xFFFFF000  }
0x60: {  	_ =	swait.ge [sflag:s14], $0x1000  }
0x61: {  	[sflag:s14] =	ssyncset.done $0x0  }
0x62: {  	[sflag:s14] =	ssyncadd.s32 $0xFFFFF000  }
0x63: {  	_ =	swait.ge [sflag:s14], $0x1000  }
0x64: {  	[sflag:s14] =	ssyncset.done $0x0  }
0x65: {  	[sflag:s14] =	ssyncadd.s32 $0xFFFFF000  }
0x66: {  	_ =	swait.ge [sflag:s14], $0x1000  }
0x67: {  	[sflag:s14] =	ssyncset.done $0x0  }
0x68: {  	[sflag:s14] =	ssyncadd.s32 $0xFFFFF000  }
0x69: {  	_ =	swait.ge [sflag:s14], $0x1000  }
0x6a: {  	[sflag:s14] =	ssyncset.done $0x0  }
0x6b: {  	[sflag:s14] =	ssyncadd.s32 $0xFFFFF000  }
0x6c: {  	_ =	swait.ge [sflag:s14], $0x1000  }
0x6d: {  	[sflag:s14] =	ssyncset.done $0x0  }
0x6e: {  	[sflag:s14] =	ssyncadd.s32 $0xFFFFF000  }
0x6f: {  	_ =	swait.ge [sflag:s14], $0x1000  }
0x70: {  	s28 =	sld [smem:$0x7ED]  }
0x71: {  	s30 =	sld [smem:$0x7F7];
	_ =	sdelay $0x1  }
0x72: {  	s6 =	sadd.s32 $0x1, s28  }
0x73: {  	p0 =	sne.s32 s6, s30  }
.Ltmp1:
0x74: {  	_ = 	snop;
	(pc) =	sbr.rel @!p0 .LBB2_14-.Ltmp1, $3  }
0x75: {  	_ =	sdelay $0x1  }
0x76: {  	[sflag:s14] =	ssyncset.done $0x0  }
0x77: {  	[sflag:s14] =	ssyncadd.s32 $0xFFFFF000  }
.LBB2_1:
.Ltmp2:
0x78: {  	(pc) =	sbr.rel .LBB2_2-.Ltmp2, $3  }
0x79: {  	_ =	sdelay $0x1  }
0x7a: {  	[smem:$0x7ED] =	sst s6  }
0x7b: {  	s20 =	simm.s32 $0x18458;
	s12 =	simm.s32 $0x10408;
	s10 =	simm.s32 $0x0  }
.LBB2_3:
0x7c: {  	_ =	swait.ge [sflag:s4], $0x10404  }
0x7d: {  	[sflag:s4] =	ssyncset.done $0x0  }
0x7e: {  	[sflag:s4] =	ssyncadd.s32 $0xFFFEFBFC  }
.LBB2_4:
0x7f: {  	s10 =	sadd.s32 $0x1, s10  }
0x80: {  	p0 =	sne.s32 s10, $0x8  }
.Ltmp3:
0x81: {  	_ = 	snop;
	(pc) =	sbr.rel @!p0 .LBB2_5-.Ltmp3, $2  }
0x82: {  	_ =	sdelay $0x2  }
0x83: {  	s20 =	sadd.s32 $0xFFFFF800, s20;
	s12 =	sadd.s32 $0xFFFFF800, s12  }
.LBB2_2:
0x84: {  	s5 =	sxor.u32 $0x7, s10  }
0x85: {  	s6 =	sor.u32 s16, s5  }
0x86: {  	s7 =	smul.u32 $0x2081, s6;
	_ =	sdelay $0x1  }
0x87: {  	s24 =	sshll.u32 s6, $0x11;
	s7 =	sadd.s32 s19, s7  }
0x88: {  	[tilespmem:s0], [sflag:$0x1] =	stream.linear.gather [hbm4b:s7+s0], $0x10404, $0x38;
	[tilespmem:$0x1E408] =	vst v63  }
0x89: {  	s7 =	sor.u32 s2, s24  }
0x8a: {  	s7 =	sshrl.u32 s7, $0x3  }
0x8b: {  	s8 =	sadd.s32 s18, s7  }
0x8c: {  	[tilespmem:s31], [sflag:$0x3] =	stream.linear.gather [hbm4b:s8+s0], $0x800, $0x38;
	[tilespmem:$0x1E408] =	vst v63  }
0x8d: {  	_ =	swait.ge [sflag:s1], $0x800  }
0x8e: {  	[sflag:s1] =	ssyncset.done $0x0  }
0x8f: {  	s6 =	smul.u32 $0x30000, s6;
	s7 =	sadd.s32 s7, s21;
	[sflag:s1] =	ssyncadd.s32 $0xFFFFF800  }
0x90: {  	[tilespmem:s3], [sflag:$0x3] =	stream.linear.gather [hbm4b:s7+s0], $0x800, $0x38;
	[tilespmem:$0x1E408] =	vst v63  }
0x91: {  	s26 =	sor.u32 s2, s6;
	_ =	swait.ge [sflag:s1], $0x800  }
0x92: {  	s5 =	sshll.u32 s5, $0xB;
	s7 =	sshrl.u32 s26, $0x3;
	[sflag:s1] =	ssyncset.done $0x0  }
0x93: {  	s5 =	sor.u32 $0x10408, s5;
	s7 =	sadd.s32 s11, s7;
	[sflag:s1] =	ssyncadd.s32 $0xFFFFF800  }
0x94: {  	[tilespmem:s5], [sflag:$0x3] =	stream.linear.gather [hbm4b:s7+s0], $0x800, $0x38;
	[tilespmem:$0x1E408] =	vst v63  }
0x95: {  	_ =	swait.ge [sflag:s1], $0x800  }
0x96: {  	s28 =	sld [smem:$0x7F8];
	_ =	sdelay $0x2  }
0x97: {  	s30 =	sshll.u32 s10, $0xB;
	[sflag:s1] =	ssyncset.done $0x0;
	s5 =	sadd.s32 s28, s6  }
0x98: {  	p0 =	sne.s32 s10, $0x0;
	[sflag:s1] =	ssyncadd.s32 $0xFFFFF800;
	s5 =	sshrl.u32 s5, $0x3  }
.Ltmp4:
0x99: {  	s6 =	ssub.s32 $0x17C08, s30;
	s5 =	sadd.s32 s11, s5;
	(pc) =	sbr.rel @!p0 .LBB2_3-.Ltmp4, $4  }
0x9a: {  	[tilespmem:s6], [sflag:$0x3] =	stream.linear.gather [hbm4b:s5+s0], $0x800, $0x38;
	[tilespmem:$0x1E408] =	vst v63  }
0x9b: {  	_ =	swait.ge [sflag:s1], $0x800  }
0x9c: {  	[sflag:s1] =	ssyncset.done $0x0  }
0x9d: {  	[sflag:s1] =	ssyncadd.s32 $0xFFFFF800  }
0x9e: {  	s5 =	ssub.s32 s16, s10  }
0x9f: {  	s5 =	sshll.u32 s5, $0x11  }
0xa0: {  	s5 =	sadd.s32 s25, s5  }
0xa1: {  	s5 =	sshrl.u32 s5, $0x3  }
0xa2: {  	s7 =	simm.s32 $0x1A408;
	s6 =	sadd.s32 s17, s5  }
0xa3: {  	[tilespmem:s7], [sflag:$0x2] =	stream.linear.gather [hbm4b:s6+s0], $0x800, $0x38;
	[tilespmem:$0x1E408] =	vst v63  }
0xa4: {  	s28 =	simm.s32 $0x1AC08;
	s5 =	sadd.s32 s5, s22  }
0xa5: {  	[tilespmem:s28], [sflag:$0x2] =	stream.linear.gather [hbm4b:s5+s0], $0x800, $0x38;
	[tilespmem:$0x1E408] =	vst v63  }
0xa6: {  	_ =	swait.ge [sflag:s4], $0x10404  }
0xa7: {  	p0 =	por $0x0, $0x0;
	s9 =	smov.u32 s12;
	[sflag:s4] =	ssyncset.done $0x0  }
0xa8: {  	s30 =	smov.u32 s20;
	s6 =	ssub.s32 $0x8, s10;
	[sflag:s4] =	ssyncadd.s32 $0xFFFEFBFC  }
.LBB2_17:
0xa9: {  	s5 =	simm.s32 $0x1  }
0xaa: {  	s7 =	smov.u32 s6;
	_ =	swait.ge [sflag:s14], $0x800;
	s6 =	sadd.s32 $0x1, s6  }
0xab: {  	s5 =	simm.s32 @!p0 $0x0;
	[sflag:s14] =	ssyncset.done $0x0;
	p1 =	seq.s32 s7, $0x7  }
0xac: {  	s13 =	sadd.s32 s10, s7;
	s5 =	sshll.u32 s5, $0xC;
	s8 =	sadd.s32 @!p1 s16, s6  }
0xad: {  	[sflag:s14] =	ssyncadd.s32 $0xFFFFF800;
	s13 =	sshll.u32 s13, $0xC;
	s8 =	sshll.u32 @!p1 s8, $0x11  }
0xae: {  	s26 =	simm.s32 @!p1 $0x0;
	_ =	swait.ge [sflag:s14], $0x800;
	s8 =	sor.u32 @!p1 s2, s8  }
0xaf: {  	s13 =	sand.u32 $0x1000, s13;
	[sflag:s14] =	ssyncset.done $0x0;
	s23 =	sshrl.u32 @!p1 s8, $0x3  }
0xb0: {  	[sflag:s14] =	ssyncadd.s32 $0xFFFFF800;
	s8 =	ssub.s32 @!p1 $0x1B408, s13;
	s24 =	sadd.s32 @!p1 s17, s23  }
0xb1: {  	[tilespmem:s8], [sflag:$0x2] =	stream.linear.gather @!p1 [hbm4b:s24+s26], $0x800, $0x38;
	[tilespmem:$0x1E408] =	vst v63  }
0xb2: {  	s13 =	ssub.s32 @!p1 $0x1BC08, s13;
	s23 =	sadd.s32 @!p1 s23, s22;
	s8 =	sor.u32 $0x1AC08, s5  }
0xb3: {  	[tilespmem:s13], [sflag:$0x2] =	stream.linear.gather @!p1 [hbm4b:s23+s26], $0x800, $0x38;
	[tilespmem:$0x1E408] =	vst v63  }
0xb4: {  	s28 =	simm.s32 $0x18C08;
	v0 =	vld [tilespmem:s8+$0x50]  }
0xb5: {  	v1 =	vld [tilespmem:s28+$0x50]  }
0xb6: {  	v2 =	vld [tilespmem:s8+$0xFFFFF850]  }
0xb7: {  	v3 =	vld [tilespmem:s28+$0xFFFFF850]  }
0xb8: {  	v4 =	vld [tilespmem:s8+$0x0]  }
0xb9: {  	v5 =	vld [tilespmem:s28+$0x0]  }
0xba: {  	v7 =	vld [tilespmem:s8+$0x20]  }
0xbb: {  	v8 =	vld [tilespmem:s28+$0x20]  }
0xbc: {  	v9 =	vld [tilespmem:s8+$0x30]  }
0xbd: {  	v10 =	vld [tilespmem:s28+$0x30];
	_ =	sdelay $0x1  }
0xbe: {  	v6 =	vld [tilespmem:s8+$0x10]  }
0xbf: {  	v11 =	vld [tilespmem:s8+$0x40];
	v0 =	vsub.f32 v0, v1;
	v2 =	vsub.f32 v2, v3  }
0xc0: {  	v52 =	vld [tilespmem:s28+$0x40];
	v4 =	vsub.f32 v4, v5;
	v7 =	vsub.f32 v7, v8  }
0xc1: {  	v1 =	vld [tilespmem:s28+$0x10];
	v9 =	vsub.f32 v9, v10;
	v3 =	vmul.f32 $5.000000000e-01, v0;
	v51 =	vmul.f32 $5.000000000e-01, v2  }
0xc2: {  	v15 =	vld [tilespmem:s28+$0xFFFFF810];
	v12 =	vmul.f32 $5.000000000e-01, v4;
	v16 =	vmul.f32 $5.000000000e-01, v7  }
0xc3: {  	v8 =	vld [tilespmem:s8+$0xFFFFF810];
	v17 =	vmul.f32 $5.000000000e-01, v9;
	v3 =	vtrunc.f32 v3  }
0xc4: {  	v5 =	vtrunc.f32 v51;
	v12 =	vtrunc.f32 v12  }
0xc5: {  	v16 =	vtrunc.f32 v16;
	v17 =	vtrunc.f32 v17  }
0xc6: {  	v3 =	vcvt.f32.s32 v3;
	v1 =	vsub.f32 v6, v1;
	v5 =	vcvt.f32.s32 v5  }
0xc7: {  	v12 =	vcvt.f32.s32 v12;
	v6 =	vsub.f32 v11, v52;
	v16 =	vcvt.f32.s32 v16  }
0xc8: {  	v8 =	vsub.f32 v8, v15;
	v17 =	vcvt.f32.s32 v17;
	v3 =	vcvt.s32.f32 v3  }
0xc9: {  	v53 =	vld [tilespmem:s28+$0xFFFFF830];
	v14 =	vmul.f32 $5.000000000e-01, v1;
	v5 =	vcvt.s32.f32 v5  }
0xca: {  	v11 =	vld [tilespmem:s8+$0xFFFFF830];
	v18 =	vmul.f32 $5.000000000e-01, v6;
	v21 =	vmul.f32 $5.000000000e-01, v8  }
0xcb: {  	v12 =	vcvt.s32.f32 v12;
	v16 =	vcvt.s32.f32 v16  }
0xcc: {  	v17 =	vcvt.s32.f32 v17;
	v3 =	vadd.f32 v3, v3;
	v14 =	vtrunc.f32 v14  }
0xcd: {  	v5 =	vadd.f32 v5, v5;
	v18 =	vtrunc.f32 v18;
	v12 =	vadd.f32 v12, v12  }
0xce: {  	v13 =	vld [tilespmem:s28+$0xFFFFF800];
	v21 =	vtrunc.f32 v21;
	v16 =	vadd.f32 v16, v16;
	v17 =	vadd.f32 v17, v17  }
0xcf: {  	v20 =	vld [tilespmem:s8+$0xFFFFF800];
	v14 =	vcvt.f32.s32 v14;
	v11 =	vsub.f32 v11, v53;
	v18 =	vcvt.f32.s32 v18  }
0xd0: {  	v21 =	vcvt.f32.s32 v21;
	v0 =	vsub.f32 v0, v3;
	v2 =	vsub.f32 v2, v5  }
0xd1: {  	v12 =	vsub.f32 v4, v12;
	v24 =	vmul.f32 $5.000000000e-01, v11;
	v14 =	vcvt.s32.f32 v14  }
0xd2: {  	v10 =	vld [tilespmem:s8+$0xFFFFF820];
	v7 =	vsub.f32 v7, v16;
	v18 =	vcvt.s32.f32 v18;
	v21 =	vcvt.s32.f32 v21  }
0xd3: {  	v3 =	vld [tilespmem:s28+$0xFFFFF820];
	v9 =	vsub.f32 v9, v17;
	v0 =	vmul.f32 $1.280000000e+02, v0;
	v2 =	vmul.f32 $1.280000000e+02, v2  }
0xd4: {  	v13 =	vsub.f32 v20, v13;
	v12 =	vmul.f32 $1.280000000e+02, v12;
	v7 =	vmul.f32 $1.280000000e+02, v7  }
0xd5: {  	v9 =	vmul.f32 $1.280000000e+02, v9;
	v20 =	vtrunc.f32 v24;
	v14 =	vadd.f32 v14, v14  }
0xd6: {  	v24 =	vmul.f32 $5.000000000e-01, v13;
	v18 =	vadd.f32 v18, v18;
	v0 =	vadd.f32 $5.000000000e-01, v0  }
0xd7: {  	v19 =	vld [tilespmem:s8+$0xFFFFF840];
	v16 =	vadd.f32 v21, v21;
	v2 =	vadd.f32 $5.000000000e-01, v2;
	v20 =	vcvt.f32.s32 v20  }
0xd8: {  	v15 =	vld [tilespmem:s28+$0xFFFFF840];
	v3 =	vsub.f32 v10, v3;
	v24 =	vtrunc.f32 v24;
	v10 =	vtrunc.f32 v0  }
0xd9: {  	v14 =	vsub.f32 v1, v14;
	v54 =	vtrunc.f32 v2;
	v24 =	vcvt.f32.s32 v24  }
0xda: {  	v6 =	vsub.f32 v6, v18;
	v20 =	vcvt.s32.f32 v20;
	v10 =	vcvt.f32.s32 v10  }
0xdb: {  	v8 =	vsub.f32 v8, v16;
	v22 =	vmul.f32 $5.000000000e-01, v3;
	v5 =	vcvt.f32.s32 v54  }
0xdc: {  	v9 =	vadd.f32 $5.000000000e-01, v9;
	v14 =	vmul.f32 $1.280000000e+02, v14;
	v6 =	vmul.f32 $1.280000000e+02, v6  }
0xdd: {  	v15 =	vsub.f32 v19, v15;
	v8 =	vmul.f32 $1.280000000e+02, v8;
	v24 =	vcvt.s32.f32 v24  }
0xde: {  	v18 =	vadd.f32 v20, v20;
	v20 =	vtrunc.f32 v9;
	v23 =	vmul.u32 $0x102, v10  }
0xdf: {  	v12 =	vadd.f32 $5.000000000e-01, v12;
	v19 =	vtrunc.f32 v22;
	v10 =	vcvt.s32.f32 v10  }
0xe0: {  	v14 =	vadd.f32 $5.000000000e-01, v14;
	v6 =	vadd.f32 $5.000000000e-01, v6;
	v22 =	vadd.s32 v5, v23  }
0xe1: {  	v19 =	vcvt.f32.s32 v19;
	v11 =	vsub.f32 v11, v18;
	v25 =	vadd.s32 $0x102, v22  }
0xe2: {  	v18 =	vadd.f32 $5.000000000e-01, v8;
	v23 =	vmul.f32 $5.000000000e-01, v15;
	v5 =	vcvt.s32.f32 v5  }
0xe3: {  	v8 =	vtrunc.f32 v14;
	v21 =	vtrunc.f32 v6;
	v26 =	vadd.s32 $0x1, v22  }
0xe4: {  	s23 =	simm.s32 $0x0;
	v10 =	vsub.f32 v0, v10;
	v19 =	vcvt.s32.f32 v19;
	v23 =	vtrunc.f32 v23  }
0xe5: {  	v27 =	vadd.s32 $0x103, v22;
	v5 =	vsub.f32 v2, v5;
	v23 =	vcvt.f32.s32 v23;
	v22 =	vld.idx.msk [tilespmem:v22+s23+$0x0], $0xffff  }
0xe6: {  	v11 =	vmul.f32 $1.280000000e+02, v11;
	v29 =	vsub.f32 $1.000000000e+00, v10;
	v17 =	vadd.f32 v19, v19;
	v25 =	vld.idx.msk [tilespmem:v25+s23+$0x0], $0xffff  }
0xe7: {  	v21 =	vcvt.f32.s32 v21;
	v28 =	vsub.f32 $1.000000000e+00, v5;
	v23 =	vcvt.s32.f32 v23  }
0xe8: {  	v4 =	vmul.f32 v29, v5;
	v54 =	vmul.f32 v10, v5;
	v3 =	vsub.f32 v3, v17;
	v2 =	vld.idx.msk [tilespmem:v26+s23+$0x0], $0xffff  }
0xe9: {  	v17 =	vtrunc.f32 v12;
	v26 =	vmul.f32 v29, v28;
	v19 =	vadd.f32 v23, v23  }
0xea: {  	v7 =	vadd.f32 $5.000000000e-01, v7;
	v53 =	vld.idx.msk [tilespmem:v27+s23+$0x0], $0xffff;
	v27 =	vmul.f32 v10, v28;
	v17 =	vcvt.f32.s32 v17  }
0xeb: {  	v15 =	vsub.f32 v15, v19;
	v28 =	vshll.u32 v22, $0x10;
	v29 =	vshll.u32 v25, $0x10  }
0xec: {  	v11 =	vadd.f32 $5.000000000e-01, v11;
	v28 =	vmul.f32 v28, v26;
	v29 =	vmul.f32 v29, v27  }
0xed: {  	v3 =	vmul.f32 $1.280000000e+02, v3;
	v30 =	vshll.u32 v2, $0x10;
	v15 =	vmul.f32 $1.280000000e+02, v15  }
0xee: {  	v23 =	vtrunc.f32 v18;
	v10 =	vmul.f32 v30, v4;
	v55 =	vadd.f32 v28, v29  }
0xef: {  	v23 =	vcvt.f32.s32 v23;
	v15 =	vadd.f32 $5.000000000e-01, v15;
	v28 =	vshll.u32 v53, $0x10;
	v29 =	vld [tilespmem:s30+$0xFFFFC000]  }
0xf0: {  	v16 =	vmul.f32 v22, v26;
	v5 =	vadd.f32 v55, v10;
	v10 =	vmul.f32 v28, v54  }
0xf1: {  	v3 =	vadd.f32 $5.000000000e-01, v3;
	v22 =	vcvt.f32.s32 v8;
	v28 =	vtrunc.f32 v15  }
0xf2: {  	v30 =	vmul.u32 $0x102, v21;
	v28 =	vcvt.f32.s32 v28;
	v5 =	vadd.f32 v5, v10  }
0xf3: {  	v19 =	vtrunc.f32 v7;
	v10 =	vadd.f32 v24, v24;
	v24 =	vmul.u32 $0x102, v22  }
0xf4: {  	v22 =	vcvt.s32.f32 v22;
	v30 =	vadd.s32 v28, v30;
	v5 =	vadd.f32 v5, v29  }
0xf5: {  	v10 =	vsub.f32 v13, v10;
	v13 =	vmul.f32 v25, v27;
	v25 =	vtrunc.f32 v3  }
0xf6: {  	v27 =	vtrunc.f32 v11;
	v24 =	vadd.s32 v23, v24;
	v23 =	vcvt.s32.f32 v23  }
0xf7: {  	v14 =	vsub.f32 v14, v22;
	v62 =	vadd.s32 $0x1, v30;
	v25 =	vcvt.f32.s32 v25  }
0xf8: {  	v27 =	vcvt.f32.s32 v27;
	v32 =	vadd.s32 $0x102, v24;
	v22 =	vadd.s32 $0x1, v24  }
0xf9: {  	v10 =	vmul.f32 $1.280000000e+02, v10;
	v1 =	vadd.f32 v16, v13;
	v13 =	vcvt.f32.s32 v19  }
0xfa: {  	v16 =	vcvt.f32.s32 v20;
	v20 =	vmul.u32 $0x102, v17;
	v17 =	vcvt.s32.f32 v17  }
0xfb: {  	v18 =	vsub.f32 v18, v23;
	v10 =	vadd.f32 $5.000000000e-01, v10;
	v26 =	vmul.u32 $0x102, v13  }
0xfc: {  	v29 =	vmul.u32 $0x102, v16;
	v13 =	vcvt.s32.f32 v13;
	v12 =	vsub.f32 v12, v17  }
0xfd: {  	v17 =	vsub.f32 $1.000000000e+00, v18;
	v37 =	vld.idx.msk [tilespmem:v24+s23+$0x0], $0xffff;
	v24 =	vadd.s32 $0x103, v24;
	v19 =	vtrunc.f32 v10  }
0xfe: {  	v26 =	vadd.s32 v25, v26;
	v29 =	vadd.s32 v27, v29;
	v25 =	vcvt.s32.f32 v25  }
0xff: {  	v27 =	vcvt.s32.f32 v27;
	v7 =	vsub.f32 v7, v13;
	v33 =	vadd.s32 $0x102, v26  }
0x100: {  	v19 =	vcvt.f32.s32 v19;
	v34 =	vadd.s32 $0x1, v26;
	v38 =	vadd.s32 $0x1, v29  }
0x101: {  	v23 =	vsub.f32 v3, v25;
	v3 =	vcvt.s32.f32 v21;
	v13 =	vsub.f32 v11, v27  }
0x102: {  	v11 =	vadd.s32 $0x102, v29;
	v20 =	vadd.s32 v19, v20;
	v19 =	vcvt.s32.f32 v19  }
0x103: {  	v35 =	vsub.f32 $1.000000000e+00, v7;
	v31 =	vadd.s32 $0x102, v20;
	v57 =	vsub.f32 $1.000000000e+00, v23;
	v45 =	vld.idx.msk [tilespmem:v26+s23+$0x0], $0xffff  }
0x104: {  	v19 =	vsub.f32 v10, v19;
	v10 =	vcvt.s32.f32 v16;
	v16 =	vcvt.s32.f32 v28;
	v33 =	vld.idx.msk [tilespmem:v33+s23+$0x0], $0xffff  }
0x105: {  	v56 =	vadd.s32 $0x1, v20;
	v36 =	vsub.f32 $1.000000000e+00, v13;
	v28 =	vsub.f32 v6, v3;
	v34 =	vld.idx.msk [tilespmem:v34+s23+$0x0], $0xffff  }
0x106: {  	v26 =	vadd.s32 $0x103, v26;
	v25 =	vsub.f32 v9, v10;
	v27 =	vsub.f32 v15, v16;
	v15 =	vld.idx.msk [tilespmem:v32+s23+$0x0], $0xffff  }
0x107: {  	v46 =	vmul.f32 v35, v57;
	v3 =	vsub.f32 $1.000000000e+00, v19;
	v16 =	vsub.f32 $1.000000000e+00, v12;
	v11 =	vld.idx.msk [tilespmem:v11+s23+$0x0], $0xffff  }
0x108: {  	v9 =	vadd.s32 $0x102, v30;
	v32 =	vmul.f32 v7, v57;
	v50 =	vsub.f32 $1.000000000e+00, v28;
	v21 =	vld.idx.msk [tilespmem:v20+s23+$0x0], $0xffff  }
0x109: {  	v20 =	vadd.s32 $0x103, v20;
	v10 =	vld.idx.msk [tilespmem:v31+s23+$0x0], $0xffff;
	v31 =	vsub.f32 $1.000000000e+00, v14;
	v41 =	vmul.f32 v16, v3  }
0x10a: {  	v39 =	vsub.f32 $1.000000000e+00, v25;
	v3 =	vmul.f32 v12, v3;
	v49 =	vmul.f32 v25, v36  }
0x10b: {  	v40 =	vsub.f32 $1.000000000e+00, v27;
	v16 =	vmul.f32 v16, v19;
	v63 =	vmul.f32 v45, v46  }
0x10c: {  	v59 =	vshll.u32 v45, $0x10;
	v43 =	vmul.f32 v31, v17;
	v17 =	vmul.f32 v14, v17  }
0x10d: {  	v48 =	vshll.u32 v33, $0x10;
	v36 =	vmul.f32 v39, v36;
	v6 =	vshll.u32 v34, $0x10  }
0x10e: {  	v44 =	vshll.u32 v15, $0x10;
	v58 =	vshll.u32 v11, $0x10;
	v48 =	vmul.f32 v48, v32  }
0x10f: {  	v32 =	vmul.f32 v33, v32;
	v33 =	vmul.f32 v59, v46;
	v47 =	vshll.u32 v21, $0x10  }
0x110: {  	v9 =	vld.idx.msk [tilespmem:v9+s23+$0x0], $0xffff;
	v44 =	vmul.f32 v44, v17;
	v42 =	vshll.u32 v10, $0x10;
	v47 =	vmul.f32 v47, v41  }
0x111: {  	v42 =	vmul.f32 v42, v3;
	v3 =	vmul.f32 v10, v3;
	v10 =	vshll.u32 v37, $0x10  }
0x112: {  	v15 =	vmul.f32 v15, v17;
	v17 =	vld.idx.msk [tilespmem:v29+s23+$0x0], $0xffff;
	v29 =	vadd.s32 $0x103, v29;
	v10 =	vmul.f32 v10, v43  }
0x113: {  	v42 =	vadd.f32 v47, v42;
	v47 =	vmul.f32 v58, v49;
	v49 =	vmul.f32 v11, v49  }
0x114: {  	v22 =	vld.idx.msk [tilespmem:v22+s23+$0x0], $0xffff;
	v11 =	vmul.f32 v21, v41;
	v21 =	vmul.f32 v28, v40;
	v41 =	vadd.f32 v33, v48  }
0x115: {  	v60 =	vshll.u32 v9, $0x10;
	v48 =	vld.idx.msk [tilespmem:v56+s23+$0x0], $0xffff;
	v33 =	vmul.f32 v37, v43;
	v40 =	vmul.f32 v50, v40  }
0x116: {  	v44 =	vadd.f32 v10, v44;
	v10 =	vld.idx.msk [tilespmem:v30+s23+$0x0], $0xffff;
	v61 =	vmul.f32 v60, v21;
	v21 =	vmul.f32 v9, v21  }
0x117: {  	v9 =	vshll.u32 v17, $0x10;
	v17 =	vmul.f32 v17, v36;
	v51 =	vadd.f32 v11, v3  }
0x118: {  	v37 =	vld.idx.msk [tilespmem:v62+s23+$0x0], $0xffff;
	v11 =	vmul.f32 v31, v18;
	v52 =	vadd.f32 v33, v15;
	v15 =	vmul.f32 v35, v23  }
0x119: {  	v55 =	vld [tilespmem:s30+$0xFFFFFFC0];
	v30 =	vadd.s32 $0x103, v30;
	v31 =	vmul.f32 v39, v13;
	v9 =	vmul.f32 v9, v36  }
0x11a: {  	v38 =	vld.idx.msk [tilespmem:v38+s23+$0x0], $0xffff;
	v58 =	vmul.f32 v22, v11;
	v36 =	vmul.f32 v6, v15;
	v49 =	vadd.f32 v17, v49  }
0x11b: {  	v56 =	vld [tilespmem:s30+$0xFFFFFFB0];
	v60 =	vshll.u32 v48, $0x10;
	v57 =	vmul.f32 v48, v16;
	v59 =	vshll.u32 v10, $0x10  }
0x11c: {  	v43 =	vld [tilespmem:s30+$0xFFFFFFF0];
	v46 =	vadd.f32 v9, v47;
	v62 =	vmul.f32 v60, v16;
	v45 =	vmul.f32 v59, v40  }
0x11d: {  	v17 =	vld.idx.msk [tilespmem:v24+s23+$0x0], $0xffff;
	v60 =	vmul.f32 v34, v15;
	v15 =	vshll.u32 v37, $0x10;
	v34 =	vmul.f32 v2, v4  }
0x11e: {  	v9 =	vld [tilespmem:s30+$0xFFFFBFB0];
	v40 =	vmul.f32 v10, v40;
	v59 =	vmul.f32 v50, v27;
	v45 =	vadd.f32 v45, v61  }
0x11f: {  	v16 =	vld.idx.msk [tilespmem:v20+s23+$0x0], $0xffff;
	v61 =	vshll.u32 v22, $0x10;
	v22 =	vshll.u32 v38, $0x10;
	v38 =	vmul.f32 v38, v31  }
0x120: {  	v35 =	vadd.f32 v63, v32;
	v20 =	vld.idx.msk [tilespmem:v30+s23+$0x0], $0xffff;
	v24 =	vmul.f32 v15, v59;
	v37 =	vmul.f32 v37, v59  }
0x121: {  	v10 =	vld [tilespmem:s30+$0xFFFFBFC0];
	v40 =	vadd.f32 v40, v21;
	v21 =	vmul.f32 v7, v23;
	v63 =	vmul.f32 v61, v11  }
0x122: {  	v30 =	vadd.f32 v41, v36;
	v61 =	vmul.f32 v22, v31;
	v31 =	vmul.f32 v12, v19;
	v19 =	vld.idx.msk [tilespmem:v26+s23+$0x0], $0xffff  }
0x123: {  	v32 =	vadd.f32 v42, v62;
	v15 =	vmul.f32 v25, v13;
	v22 =	vmul.f32 v14, v18;
	v18 =	vld.idx.msk [tilespmem:v29+s23+$0x0], $0xffff  }
0x124: {  	v42 =	vld [tilespmem:s30+$0x0];
	v23 =	vshll.u32 v17, $0x10;
	v25 =	vadd.f32 v51, v57;
	v26 =	vadd.f32 v52, v58  }
0x125: {  	v13 =	vld [tilespmem:s30+$0xFFFFBFF0];
	v14 =	vmul.f32 v28, v27;
	v29 =	vadd.f32 v45, v24;
	v24 =	vadd.f32 v35, v60  }
0x126: {  	v11 =	vld [tilespmem:s30+$0xFFFFBFD0];
	v2 =	vshll.u32 v16, $0x10;
	v27 =	vadd.f32 v49, v38;
	v33 =	vadd.f32 v44, v63  }
0x127: {  	v12 =	vld [tilespmem:s30+$0xFFFFBFE0];
	v28 =	vadd.f32 v46, v61;
	v35 =	vmul.f32 v2, v31;
	v36 =	vmul.f32 v23, v22  }
0x128: {  	s5 =	sadd.s32 $0x1B3E8, s5;
	s24 =	simm.s32 $0x0;
	v44 =	vld [tilespmem:s30+$0xFFFFFFD0];
	v23 =	vadd.f32 v40, v37;
	v62 =	vshll.u32 v19, $0x10;
	v63 =	vshll.u32 v18, $0x10  }
0x129: {  	s26 =	sadd.s32 $0x60, s8;
	s13 =	smov.u32 s30;
	s8 =	smov.u32 s30;
	[tilespmem:s30+$0xFFFFC000] =	vst v5;
	v46 =	vld [tilespmem:s30+$0xFFFFFFE0];
	v37 =	vshll.u32 v20, $0x10;
	v38 =	vmul.f32 v62, v21;
	v39 =	vmul.f32 v63, v15  }
.LBB2_18:
0x12a: {  	v40 =	vld [tilespmem:s26+$0x50]  }
0x12b: {  	s28 =	sadd.s32 $0x60, s28;
	v19 =	vmul.f32 v19, v21;
	v21 =	vld [tilespmem:s26+$0xFFFFF850]  }
0x12c: {  	v16 =	vmul.f32 v16, v31;
	v17 =	vmul.f32 v17, v22;
	v51 =	vld [tilespmem:s28+$0x50]  }
0x12d: {  	v15 =	vmul.f32 v18, v15;
	v31 =	vmul.f32 v37, v14;
	v32 =	vadd.f32 v32, v35;
	v18 =	vld [tilespmem:s28+$0xFFFFF850]  }
0x12e: {  	v22 =	vadd.f32 v33, v36;
	v14 =	vmul.f32 v20, v14;
	v20 =	vadd.f32 v30, v38;
	v30 =	vld [tilespmem:s28+$0x0]  }
0x12f: {  	v28 =	vadd.f32 v28, v39;
	v19 =	vadd.f32 v24, v19;
	v24 =	vld [tilespmem:s26+$0x10]  }
0x130: {  	v25 =	vadd.f32 v25, v16;
	v15 =	vadd.f32 v27, v15;
	v27 =	vld [tilespmem:s28+$0x10]  }
0x131: {  	v17 =	vadd.f32 v26, v17;
	v14 =	vadd.f32 v23, v14;
	v23 =	vld [tilespmem:s28+$0x30]  }
0x132: {  	v0 =	vmul.f32 v53, v54;
	v29 =	vadd.f32 v29, v31;
	v8 =	vadd.f32 v1, v34;
	v1 =	vld [tilespmem:s26+$0x0]  }
0x133: {  	v10 =	vadd.f32 v22, v10;
	v11 =	vadd.f32 v20, v11;
	v20 =	vld [tilespmem:s26+$0x30]  }
0x134: {  	v9 =	vadd.f32 v32, v9;
	v16 =	vadd.f32 v8, v0;
	v0 =	vld [tilespmem:s26+$0x20]  }
0x135: {  	v26 =	vsub.f32 v40, v51;
	v18 =	vsub.f32 v21, v18;
	v21 =	vld [tilespmem:s28+$0x20];
	[tilespmem:s8+$0xFFFFBFC0] =	vst v10  }
0x136: {  	v6 =	vadd.f32 v25, v56;
	v10 =	vadd.f32 v28, v12;
	[tilespmem:s8+$0xFFFFBFD0] =	vst v11;
	v11 =	vld [tilespmem:s28+$0x40]  }
0x137: {  	[tilespmem:s8+$0xFFFFBFB0] =	vst v9;
	v9 =	vsub.f32 v24, v27;
	v24 =	vld [tilespmem:s26+$0x40];
	v8 =	vmul.f32 $5.000000000e-01, v26;
	v22 =	vmul.f32 $5.000000000e-01, v18  }
0x138: {  	v12 =	vadd.f32 v29, v13;
	v25 =	vld [tilespmem:s28+$0xFFFFF800];
	[tilespmem:s8+$0xFFFFFFB0] =	vst v6;
	v1 =	vsub.f32 v1, v30  }
0x139: {  	v3 =	vadd.f32 v17, v55;
	v4 =	vld [tilespmem:s26+$0xFFFFF800];
	v8 =	vtrunc.f32 v8;
	v22 =	vtrunc.f32 v22  }
0x13a: {  	v52 =	vld [tilespmem:s28+$0xFFFFF810];
	[tilespmem:s8+$0xFFFFBFF0] =	vst v12;
	v8 =	vcvt.f32.s32 v8;
	v13 =	vmul.f32 $5.000000000e-01, v1  }
0x13b: {  	v5 =	vadd.f32 v14, v43;
	v12 =	vld [tilespmem:s26+$0xFFFFF810];
	[tilespmem:s8+$0xFFFFFFC0] =	vst v3;
	v3 =	vadd.f32 v19, v44;
	v22 =	vcvt.f32.s32 v22  }
0x13c: {  	[tilespmem:s8+$0xFFFFBFE0] =	vst v10;
	v11 =	vsub.f32 v24, v11;
	v27 =	vcvt.s32.f32 v8;
	v10 =	vtrunc.f32 v13  }
0x13d: {  	v13 =	vmul.f32 $5.000000000e-01, v9;
	v8 =	vsub.f32 v0, v21;
	v21 =	vcvt.s32.f32 v22  }
0x13e: {  	v25 =	vsub.f32 v4, v25;
	v0 =	vcvt.f32.s32 v10;
	v28 =	vmul.f32 $5.000000000e-01, v11  }
0x13f: {  	v22 =	vadd.f32 v27, v27;
	v13 =	vtrunc.f32 v13;
	v27 =	vmul.f32 $5.000000000e-01, v8  }
0x140: {  	v10 =	vsub.f32 v20, v23;
	v29 =	vmul.f32 $5.000000000e-01, v25;
	v20 =	vcvt.f32.s32 v13  }
0x141: {  	v23 =	vld [tilespmem:s28+$0xFFFFF820];
	v21 =	vadd.f32 v21, v21;
	v28 =	vtrunc.f32 v28;
	v0 =	vcvt.s32.f32 v0  }
0x142: {  	v13 =	vld [tilespmem:s26+$0xFFFFF820];
	v22 =	vsub.f32 v26, v22;
	v26 =	vtrunc.f32 v27;
	v27 =	vmul.f32 $5.000000000e-01, v10  }
0x143: {  	v18 =	vsub.f32 v18, v21;
	v29 =	vtrunc.f32 v29;
	v24 =	vcvt.f32.s32 v26  }
0x144: {  	v12 =	vsub.f32 v12, v52;
	v14 =	vcvt.s32.f32 v20;
	v21 =	vmul.f32 $1.280000000e+02, v22  }
0x145: {  	v26 =	vld [tilespmem:s26+$0xFFFFF830];
	v30 =	vadd.f32 v0, v0;
	v29 =	vcvt.f32.s32 v29;
	v17 =	vmul.f32 $1.280000000e+02, v18  }
0x146: {  	v22 =	vld [tilespmem:s28+$0xFFFFF830];
	v27 =	vtrunc.f32 v27;
	v0 =	vcvt.s32.f32 v24;
	v18 =	vadd.f32 $5.000000000e-01, v21  }
0x147: {  	v21 =	vcvt.f32.s32 v27;
	v13 =	vsub.f32 v13, v23;
	v17 =	vadd.f32 $5.000000000e-01, v17  }
0x148: {  	v53 =	vld [tilespmem:s26+$0xFFFFF840];
	[tilespmem:s8+$0xFFFFFFD0] =	vst v3;
	v3 =	vadd.f32 v15, v46;
	v23 =	vmul.f32 $5.000000000e-01, v12;
	v19 =	vtrunc.f32 v18  }
0x149: {  	v16 =	vadd.f32 v16, v42;
	v27 =	vld [tilespmem:s28+$0xFFFFF840];
	v7 =	vmul.f32 $5.000000000e-01, v13;
	v15 =	vtrunc.f32 v17  }
0x14a: {  	[tilespmem:s8+$0xFFFFFFE0] =	vst v3;
	v58 =	vadd.f32 v14, v14;
	v3 =	vtrunc.f32 v23;
	v21 =	vcvt.s32.f32 v21  }
0x14b: {  	v19 =	vcvt.f32.s32 v19;
	v22 =	vsub.f32 v26, v22;
	v26 =	vcvt.f32.s32 v28  }
0x14c: {  	v59 =	vsub.f32 v9, v58;
	v15 =	vcvt.f32.s32 v15;
	v3 =	vcvt.f32.s32 v3  }
0x14d: {  	v54 =	vtrunc.f32 v7;
	v28 =	vmul.u32 $0x102, v19;
	v23 =	vmul.f32 $5.000000000e-01, v22  }
0x14e: {  	v27 =	vsub.f32 v53, v27;
	v57 =	vcvt.s32.f32 v15;
	v26 =	vcvt.s32.f32 v26  }
0x14f: {  	v21 =	vadd.f32 v21, v21;
	v4 =	vcvt.f32.s32 v54;
	v3 =	vcvt.s32.f32 v3  }
0x150: {  	v55 =	vadd.s32 v15, v28;
	v56 =	vtrunc.f32 v23;
	v23 =	vmul.f32 $5.000000000e-01, v27  }
0x151: {  	[tilespmem:s8+$0xFFFFFFF0] =	vst v5;
	v15 =	vcvt.s32.f32 v19;
	v5 =	vsub.f32 v17, v57;
	v26 =	vadd.f32 v26, v26  }
0x152: {  	v4 =	vcvt.s32.f32 v4;
	v28 =	vadd.s32 $0x102, v55;
	v19 =	vadd.s32 $0x103, v55  }
0x153: {  	v7 =	vcvt.f32.s32 v56;
	v20 =	vtrunc.f32 v23;
	v17 =	vsub.f32 v18, v15  }
0x154: {  	v23 =	vadd.s32 $0x1, v55;
	v18 =	vadd.f32 v0, v0;
	v15 =	vsub.f32 $1.000000000e+00, v5  }
0x155: {  	v26 =	vsub.f32 v11, v26;
	v63 =	vadd.f32 v4, v4;
	v20 =	vcvt.f32.s32 v20  }
0x156: {  	v7 =	vcvt.s32.f32 v7;
	v31 =	vmul.f32 v17, v15;
	v8 =	vsub.f32 v8, v18;
	v24 =	vld.idx.msk [tilespmem:v55+s23+$0x0], $0xffff  }
0x157: {  	v18 =	vsub.f32 v10, v21;
	v21 =	vmul.f32 $1.280000000e+02, v59;
	v26 =	vmul.f32 $1.280000000e+02, v26;
	v28 =	vld.idx.msk [tilespmem:v28+s23+$0x0], $0xffff  }
0x158: {  	v20 =	vcvt.s32.f32 v20;
	v7 =	vadd.f32 v7, v7;
	v14 =	vld.idx.msk [tilespmem:v19+s23+$0x0], $0xffff;
	v19 =	vsub.f32 v1, v30  }
0x159: {  	v8 =	vmul.f32 $1.280000000e+02, v8;
	v18 =	vmul.f32 $1.280000000e+02, v18;
	v0 =	vld.idx.msk [tilespmem:v23+s23+$0x0], $0xffff;
	v23 =	vsub.f32 $1.000000000e+00, v17  }
0x15a: {  	v20 =	vadd.f32 v20, v20;
	v22 =	vsub.f32 v22, v7;
	v19 =	vmul.f32 $1.280000000e+02, v19  }
0x15b: {  	v18 =	vadd.f32 $5.000000000e-01, v18;
	v30 =	vmul.f32 v23, v15;
	v2 =	vmul.f32 v23, v5  }
0x15c: {  	v15 =	vmul.f32 v17, v5;
	v20 =	vsub.f32 v27, v20;
	v22 =	vmul.f32 $1.280000000e+02, v22  }
0x15d: {  	v1 =	vshll.u32 v24, $0x10;
	v19 =	vadd.f32 $5.000000000e-01, v19;
	v6 =	vtrunc.f32 v18  }
0x15e: {  	v23 =	vshll.u32 v28, $0x10;
	v60 =	vmul.f32 v1, v30;
	v17 =	vshll.u32 v14, $0x10  }
0x15f: {  	v24 =	vmul.f32 v24, v30;
	v30 =	vadd.f32 $5.000000000e-01, v26;
	v20 =	vmul.f32 $1.280000000e+02, v20  }
0x160: {  	s8 =	sadd.s32 $0x60, s8;
	v7 =	vadd.f32 $5.000000000e-01, v22;
	v9 =	vmul.f32 v23, v31;
	v23 =	vcvt.s32.f32 v29  }
0x161: {  	[tilespmem:$0x1FF80] =	vst v0;
	v29 =	vshll.u32 v0, $0x10;
	v0 =	vld [tilespmem:s8+$0xFFFFBFB0];
	v17 =	vmul.f32 v17, v15;
	v26 =	vtrunc.f32 v19  }
0x162: {  	v62 =	vmul.f32 v29, v2;
	v20 =	vadd.f32 $5.000000000e-01, v20;
	v22 =	vtrunc.f32 v30  }
0x163: {  	v26 =	vcvt.f32.s32 v26;
	v56 =	vtrunc.f32 v7;
	v61 =	vadd.f32 v60, v9  }
0x164: {  	v27 =	vadd.f32 $5.000000000e-01, v21;
	v22 =	vcvt.f32.s32 v22;
	v37 =	vcvt.f32.s32 v56  }
0x165: {  	v29 =	vld [tilespmem:s8+$0xFFFFC000];
	v52 =	vmul.u32 $0x102, v26;
	v57 =	vtrunc.f32 v20;
	v5 =	vadd.f32 v61, v62  }
0x166: {  	v26 =	vcvt.s32.f32 v26;
	v59 =	vmul.u32 $0x102, v22;
	v38 =	vcvt.f32.s32 v57;
	[tilespmem:$0x1FFB0] =	vst v0;
	v0 =	vld [tilespmem:s8+$0xFFFFFFB0]  }
0x167: {  	v49 =	vcvt.s32.f32 v22;
	v5 =	vadd.f32 v5, v17;
	v17 =	vadd.f32 v23, v23  }
0x168: {  	v22 =	vsub.f32 v19, v26;
	v23 =	vadd.f32 v3, v3;
	v40 =	vadd.s32 v38, v59  }
0x169: {  	v38 =	vcvt.s32.f32 v38;
	v30 =	vsub.f32 v30, v49;
	v17 =	vsub.f32 v25, v17  }
0x16a: {  	v23 =	vsub.f32 v12, v23;
	v25 =	vmul.f32 v28, v31;
	v28 =	vsub.f32 v13, v63  }
0x16b: {  	v5 =	vadd.f32 v5, v29;
	v29 =	vadd.f32 $5.000000000e-01, v8;
	[tilespmem:$0x1FF70] =	vst v0;
	v0 =	vld [tilespmem:s8+$0xFFFFFFC0];
	v17 =	vmul.f32 $1.280000000e+02, v17  }
0x16c: {  	v56 =	vsub.f32 $1.000000000e+00, v30;
	v23 =	vmul.f32 $1.280000000e+02, v23;
	v8 =	vmul.f32 $1.280000000e+02, v28  }
0x16d: {  	[tilespmem:s8+$0xFFFFC000] =	vst v5;
	v28 =	vtrunc.f32 v27;
	v5 =	vtrunc.f32 v29;
	v1 =	vadd.f32 v24, v25  }
0x16e: {  	v25 =	vcvt.f32.s32 v6;
	v28 =	vcvt.f32.s32 v28;
	v17 =	vadd.f32 $5.000000000e-01, v17  }
0x16f: {  	v24 =	vcvt.f32.s32 v5;
	v23 =	vadd.f32 $5.000000000e-01, v23;
	v31 =	vadd.f32 $5.000000000e-01, v8  }
0x170: {  	v58 =	vmul.u32 $0x102, v25;
	v62 =	vcvt.s32.f32 v25;
	v54 =	vmul.u32 $0x102, v28;
	[tilespmem:$0x1FF60] =	vst v0;
	v0 =	vld [tilespmem:s8+$0xFFFFFFD0]  }
0x171: {  	v21 =	vld [tilespmem:s8+$0x0];
	[tilespmem:s13+$0x0] =	vst v16;
	v16 =	vmul.u32 $0x102, v24;
	v28 =	vcvt.s32.f32 v28;
	v53 =	vtrunc.f32 v23  }
0x172: {  	v61 =	vcvt.s32.f32 v24;
	v39 =	vadd.s32 v37, v58;
	v33 =	vcvt.f32.s32 v53  }
0x173: {  	v55 =	vtrunc.f32 v31;
	v37 =	vcvt.s32.f32 v37;
	v48 =	vadd.s32 $0x102, v39  }
0x174: {  	v36 =	vcvt.f32.s32 v55;
	v24 =	vsub.f32 v27, v28;
	v35 =	vadd.s32 v33, v54  }
0x175: {  	v26 =	vsub.f32 v29, v61;
	v28 =	vsub.f32 v18, v62;
	v18 =	vadd.s32 $0x1, v39;
	[tilespmem:$0x1FFF0] =	vst v0;
	v0 =	vld [tilespmem:s8+$0xFFFFFFE0]  }
0x176: {  	v51 =	vld.idx.msk [tilespmem:v40+s23+$0x0], $0xffff;
	v29 =	vsub.f32 v20, v38;
	v38 =	vadd.s32 $0x1, v40;
	v16 =	vadd.s32 v36, v16  }
0x177: {  	v27 =	vsub.f32 v7, v37;
	v37 =	vsub.f32 $1.000000000e+00, v22;
	v60 =	vadd.s32 $0x102, v35;
	v46 =	vld.idx.msk [tilespmem:v39+s23+$0x0], $0xffff  }
0x178: {  	v36 =	vcvt.s32.f32 v36;
	v49 =	vsub.f32 $1.000000000e+00, v26;
	v45 =	vadd.s32 $0x102, v16;
	v34 =	vld.idx.msk [tilespmem:v48+s23+$0x0], $0xffff  }
0x179: {  	v33 =	vcvt.s32.f32 v33;
	v54 =	vsub.f32 $1.000000000e+00, v28;
	v7 =	vsub.f32 $1.000000000e+00, v29;
	v47 =	vld.idx.msk [tilespmem:v35+s23+$0x0], $0xffff  }
0x17a: {  	v6 =	vsub.f32 $1.000000000e+00, v27;
	v25 =	vsub.f32 v31, v36;
	v39 =	vadd.s32 $0x103, v39;
	[tilespmem:$0x1FFE0] =	vst v0;
	v0 =	vld [tilespmem:s8+$0xFFFFFFF0]  }
0x17b: {  	v63 =	vadd.s32 $0x1, v35;
	v23 =	vsub.f32 v23, v33;
	v31 =	vadd.s32 $0x1, v16;
	v50 =	vld.idx.msk [tilespmem:v16+s23+$0x0], $0xffff  }
0x17c: {  	[tilespmem:$0x1FF90] =	vst v2;
	v55 =	vmul.f32 v30, v7;
	v2 =	vmul.f32 v54, v6;
	v5 =	vsub.f32 $1.000000000e+00, v25;
	v42 =	vld.idx.msk [tilespmem:v60+s23+$0x0], $0xffff  }
0x17d: {  	v53 =	vmul.f32 v28, v6;
	v4 =	vsub.f32 $1.000000000e+00, v23;
	v36 =	vld.idx.msk [tilespmem:v45+s23+$0x0], $0xffff;
	v45 =	vsub.f32 $1.000000000e+00, v24  }
0x17e: {  	v6 =	vshll.u32 v51, $0x10;
	v60 =	vld.idx.msk [tilespmem:v18+s23+$0x0], $0xffff;
	v62 =	vmul.f32 v49, v5;
	v48 =	vmul.f32 v26, v5  }
0x17f: {  	v18 =	vld.idx.msk [tilespmem:v39+s23+$0x0], $0xffff;
	v39 =	vshll.u32 v46, $0x10;
	v59 =	vmul.f32 v45, v4;
	[tilespmem:$0x1FFC0] =	vst v0;
	v0 =	vmovc v21;
	v21 =	vtrunc.f32 v17  }
0x180: {  	v35 =	vadd.s32 $0x103, v35;
	v39 =	vmul.f32 v39, v2;
	v21 =	vcvt.f32.s32 v21  }
0x181: {  	v33 =	vld.idx.msk [tilespmem:v63+s23+$0x0], $0xffff;
	v2 =	vmul.f32 v46, v2;
	v3 =	vshll.u32 v47, $0x10;
	v5 =	vshll.u32 v50, $0x10  }
0x182: {  	v31 =	vld.idx.msk [tilespmem:v31+s23+$0x0], $0xffff;
	v61 =	vshll.u32 v42, $0x10;
	v63 =	vshll.u32 v36, $0x10;
	v32 =	vadd.s32 v21, v52  }
0x183: {  	v3 =	vmul.f32 v3, v59;
	v21 =	vcvt.s32.f32 v21;
	v41 =	vadd.s32 $0x102, v32  }
0x184: {  	v5 =	vmul.f32 v5, v62;
	[tilespmem:$0x1FFD0] =	vst v0;
	v0 =	vmul.f32 v56, v7;
	v19 =	vadd.s32 $0x1, v32  }
0x185: {  	v36 =	vmul.f32 v36, v48;
	v21 =	vsub.f32 v17, v21;
	v17 =	vadd.s32 $0x102, v40  }
0x186: {  	v38 =	vld.idx.msk [tilespmem:v38+s23+$0x0], $0xffff;
	v8 =	vshll.u32 v33, $0x10;
	v63 =	vmul.f32 v63, v48;
	v6 =	vmul.f32 v6, v0  }
0x187: {  	v9 =	vshll.u32 v31, $0x10;
	v0 =	vmul.f32 v51, v0;
	v51 =	vmul.f32 v45, v23;
	v44 =	vld.idx.msk [tilespmem:v32+s23+$0x0], $0xffff  }
0x188: {  	v48 =	vmul.f32 v50, v62;
	v62 =	vmul.f32 v54, v27;
	v5 =	vadd.f32 v5, v63;
	v41 =	vld.idx.msk [tilespmem:v41+s23+$0x0], $0xffff  }
0x189: {  	v63 =	vmul.f32 v47, v59;
	v8 =	vmul.f32 v8, v51;
	v20 =	vsub.f32 $1.000000000e+00, v21;
	v52 =	vld.idx.msk [tilespmem:v19+s23+$0x0], $0xffff  }
0x18a: {  	v50 =	vmul.f32 v37, v21;
	v43 =	vld.idx.msk [tilespmem:v17+s23+$0x0], $0xffff;
	v17 =	vadd.s32 $0x103, v32;
	v32 =	vmul.f32 v24, v4  }
0x18b: {  	v19 =	vadd.s32 $0x103, v16;
	v57 =	vmul.f32 v37, v20;
	v58 =	vmul.f32 v22, v20  }
0x18c: {  	v20 =	vadd.s32 $0x103, v40;
	v61 =	vmul.f32 v61, v32;
	v32 =	vmul.f32 v42, v32  }
0x18d: {  	[tilespmem:$0x1FFA0] =	vst v1;
	v42 =	vshll.u32 v38, $0x10;
	v1 =	vshll.u32 v44, $0x10;
	v40 =	vshll.u32 v41, $0x10  }
0x18e: {  	v7 =	vshll.u32 v52, $0x10;
	v1 =	vmul.f32 v1, v57;
	v41 =	vmul.f32 v41, v58  }
0x18f: {  	v3 =	vadd.f32 v3, v61;
	v61 =	vmul.f32 v44, v57;
	v44 =	vadd.f32 v48, v36;
	v16 =	vld.idx.msk [tilespmem:v17+s23+$0x0], $0xffff  }
0x190: {  	v57 =	vmul.f32 v33, v51;
	v17 =	vld.idx.msk [tilespmem:v35+s23+$0x0], $0xffff;
	v35 =	vshll.u32 v34, $0x10;
	v40 =	vmul.f32 v40, v58  }
0x191: {  	v11 =	vld [tilespmem:s8+$0xFFFFBFD0];
	v4 =	vshll.u32 v43, $0x10;
	v34 =	vmul.f32 v34, v53;
	v43 =	vmul.f32 v43, v55  }
0x192: {  	v10 =	vld [tilespmem:s8+$0xFFFFBFC0];
	v58 =	vshll.u32 v60, $0x10;
	v7 =	vmul.f32 v7, v50;
	v35 =	vmul.f32 v35, v53  }
0x193: {  	v19 =	vld.idx.msk [tilespmem:v19+s23+$0x0], $0xffff;
	v4 =	vmul.f32 v4, v55;
	v33 =	vadd.f32 v3, v8;
	v1 =	vadd.f32 v1, v40  }
0x194: {  	v12 =	vld [tilespmem:s8+$0xFFFFBFE0];
	v40 =	vadd.f32 v61, v41;
	v41 =	vadd.f32 v63, v32;
	v61 =	vmul.f32 v49, v25  }
0x195: {  	v20 =	vld.idx.msk [tilespmem:v20+s23+$0x0], $0xffff;
	v2 =	vadd.f32 v2, v34;
	v63 =	vmul.f32 v56, v29;
	v0 =	vadd.f32 v0, v43  }
0x196: {  	v54 =	vmovc v15;
	v15 =	vld [tilespmem:$0x1FF90];
	v43 =	vmul.f32 v58, v62;
	v62 =	vmul.f32 v60, v62;
	v39 =	vadd.f32 v39, v35  }
0x197: {  	v53 =	vmovc v14;
	v14 =	vld [tilespmem:$0x1FF80];
	v4 =	vadd.f32 v6, v4;
	v6 =	vmul.f32 v52, v50;
	v9 =	vmul.f32 v9, v61  }
0x198: {  	v13 =	vld [tilespmem:s8+$0xFFFFBFF0];
	v42 =	vmul.f32 v42, v63;
	v58 =	vshll.u32 v19, $0x10;
	v59 =	vmul.f32 v31, v61  }
0x199: {  	v46 =	vld [tilespmem:$0x1FFE0];
	v61 =	vshll.u32 v18, $0x10;
	v63 =	vmul.f32 v38, v63;
	v31 =	vmul.f32 v22, v21  }
0x19a: {  	s24 =	sadd.s32 $0x6, s24;
	v55 =	vld [tilespmem:$0x1FF60];
	v37 =	vshll.u32 v20, $0x10;
	v32 =	vadd.f32 v1, v7;
	v22 =	vmul.f32 v24, v23  }
0x19b: {  	p1 =	slt.u32 s24, $0x78;
	v56 =	vld [tilespmem:$0x1FF70];
	v21 =	vmul.f32 v26, v25;
	v26 =	vadd.f32 v41, v57;
	v36 =	vshll.u32 v16, $0x10  }
.Ltmp5:
0x19c: {  	v1 =	vld [tilespmem:$0x1FFA0];
	v45 =	vshll.u32 v17, $0x10;
	v25 =	vadd.f32 v40, v6;
	v34 =	vmul.f32 v14, v15;
	(pc) =	sbr.rel @p1 .LBB2_18-.Ltmp5, $4  }
0x19d: {  	v15 =	vmul.f32 v28, v27;
	v14 =	vmul.f32 v30, v29;
	v30 =	vadd.f32 v5, v9;
	v9 =	vld [tilespmem:$0x1FFB0]  }
0x19e: {  	v35 =	vmul.f32 v36, v31;
	v28 =	vadd.f32 v39, v43;
	v43 =	vld [tilespmem:$0x1FFC0];
	v36 =	vmul.f32 v45, v22  }
0x19f: {  	v29 =	vadd.f32 v4, v42;
	v42 =	vld [tilespmem:$0x1FFD0];
	v38 =	vmul.f32 v58, v21;
	v24 =	vadd.f32 v44, v59  }
0x1a0: {  	s26 =	sadd.s32 $0x60, s26;
	s13 =	smov.u32 s8;
	v44 =	vld [tilespmem:$0x1FFF0];
	v27 =	vadd.f32 v2, v62;
	v23 =	vadd.f32 v0, v63;
	v39 =	vmul.f32 v61, v15  }
0x1a1: {  	v0 =	vadd.f32 v32, v35  }
0x1a2: {  	v1 =	vadd.f32 v1, v34;
	v2 =	vadd.f32 v33, v36  }
0x1a3: {  	v3 =	vmul.f32 v37, v14;
	v4 =	vadd.f32 v30, v38;
	v0 =	vadd.f32 v0, v9  }
0x1a4: {  	v5 =	vmul.f32 v16, v31;
	v6 =	vadd.f32 v28, v39;
	v2 =	vadd.f32 v2, v10  }
0x1a5: {  	v7 =	vmul.f32 v17, v22;
	v3 =	vadd.f32 v29, v3;
	v4 =	vadd.f32 v4, v11;
	[tilespmem:s8+$0xFFFFBFB0] =	vst v0  }
0x1a6: {  	v60 =	vmul.f32 v53, v54;
	v5 =	vadd.f32 v25, v5;
	v57 =	vadd.f32 v6, v12;
	[tilespmem:s8+$0xFFFFBFC0] =	vst v2  }
0x1a7: {  	v58 =	vmul.f32 v18, v15;
	v7 =	vadd.f32 v26, v7;
	v3 =	vadd.f32 v3, v13;
	[tilespmem:s8+$0xFFFFBFD0] =	vst v4  }
0x1a8: {  	v52 =	vmul.f32 v19, v21;
	v1 =	vadd.f32 v1, v60;
	v5 =	vadd.f32 v5, v56;
	[tilespmem:s8+$0xFFFFBFE0] =	vst v57  }
0x1a9: {  	v59 =	vmul.f32 v20, v14;
	v6 =	vadd.f32 v27, v58;
	v61 =	vadd.f32 v7, v55;
	[tilespmem:s8+$0xFFFFBFF0] =	vst v3  }
0x1aa: {  	v0 =	vadd.f32 v24, v52;
	v1 =	vadd.f32 v1, v42;
	[tilespmem:s8+$0xFFFFFFB0] =	vst v5  }
0x1ab: {  	v4 =	vadd.f32 v23, v59;
	v62 =	vadd.f32 v6, v46;
	[tilespmem:s8+$0xFFFFFFC0] =	vst v61  }
0x1ac: {  	v0 =	vadd.f32 v0, v44;
	[tilespmem:s13+$0x0] =	vst v1  }
0x1ad: {  	v63 =	vadd.f32 v4, v43;
	[tilespmem:s8+$0xFFFFFFE0] =	vst v62  }
0x1ae: {  	[tilespmem:s8+$0xFFFFFFD0] =	vst v0  }
0x1af: {  	[tilespmem:s8+$0xFFFFFFF0] =	vst v63  }
.LBB2_20:
0x1b0: {  	s8 =	sshra.s32 s23, $0x2  }
0x1b1: {  	s13 =	sadd.s32 s8, s5;
	v1 =	vld [tilespmem:s8+$0x193E8]  }
0x1b2: {  	v0 =	vld [tilespmem:s13+$0x0]  }
0x1b3: {  	v3 =	vld [tilespmem:s8+$0x18BE8]  }
0x1b4: {  	v2 =	vld [tilespmem:s13+$0xFFFFF800];
	_ =	sdelay $0x2  }
0x1b5: {  	v0 =	vsub.f32 v0, v1;
	_ =	sdelay $0x1  }
0x1b6: {  	v51 =	vsub.f32 v2, v3;
	v52 =	vmul.f32 $5.000000000e-01, v0;
	_ =	sdelay $0x1  }
0x1b7: {  	v3 =	vmul.f32 $5.000000000e-01, v51;
	v2 =	vtrunc.f32 v52  }
0x1b8: {  	v2 =	vcvt.f32.s32 v2  }
0x1b9: {  	v3 =	vtrunc.f32 v3  }
0x1ba: {  	v3 =	vcvt.f32.s32 v3;
	v2 =	vcvt.s32.f32 v2;
	_ =	sdelay $0x1  }
0x1bb: {  	v3 =	vcvt.s32.f32 v3;
	v2 =	vadd.f32 v2, v2;
	_ =	sdelay $0x1  }
0x1bc: {  	v3 =	vadd.f32 v3, v3;
	v0 =	vsub.f32 v0, v2;
	_ =	sdelay $0x1  }
0x1bd: {  	v1 =	vsub.f32 v51, v3;
	v0 =	vmul.f32 $1.280000000e+02, v0;
	_ =	sdelay $0x1  }
0x1be: {  	v1 =	vmul.f32 $1.280000000e+02, v1;
	v0 =	vadd.f32 $5.000000000e-01, v0;
	_ =	sdelay $0x1  }
0x1bf: {  	v1 =	vadd.f32 $5.000000000e-01, v1;
	v53 =	vtrunc.f32 v0  }
0x1c0: {  	v2 =	vcvt.f32.s32 v53  }
0x1c1: {  	v54 =	vtrunc.f32 v1  }
0x1c2: {  	v3 =	vcvt.f32.s32 v54;
	v4 =	vmul.u32 $0x102, v2;
	_ =	sdelay $0x1  }
0x1c3: {  	v4 =	vadd.s32 v3, v4  }
0x1c4: {  	v5 =	vadd.s32 $0x102, v4;
	_ =	sdelay $0x1  }
0x1c5: {  	v2 =	vcvt.s32.f32 v2;
	v3 =	vcvt.s32.f32 v3;
	v6 =	vadd.s32 $0x1, v4  }
0x1c6: {  	v7 =	vadd.s32 $0x103, v4  }
0x1c7: {  	v0 =	vsub.f32 v0, v2;
	v1 =	vsub.f32 v1, v3;
	v4 =	vld.idx.msk [tilespmem:v4+s0+$0x0], $0xffff  }
0x1c8: {  	v55 =	vld.idx.msk [tilespmem:v5+s0+$0x0], $0xffff  }
0x1c9: {  	v56 =	vsub.f32 $1.000000000e+00, v0;
	v3 =	vsub.f32 $1.000000000e+00, v1  }
0x1ca: {  	v6 =	vld.idx.msk [tilespmem:v6+s0+$0x0], $0xffff  }
0x1cb: {  	v8 =	vmul.f32 v56, v3;
	v3 =	vmul.f32 v0, v3;
	v7 =	vld.idx.msk [tilespmem:v7+s0+$0x0], $0xffff  }
0x1cc: {  	v5 =	vmul.f32 v56, v1;
	v0 =	vmul.f32 v0, v1;
	v9 =	vshll.u32 v4, $0x10  }
0x1cd: {  	v4 =	vmul.f32 v4, v8;
	v10 =	vshll.u32 v55, $0x10;
	v2 =	vmul.f32 v55, v3  }
0x1ce: {  	v9 =	vmul.f32 v9, v8;
	v10 =	vmul.f32 v10, v3  }
0x1cf: {  	s8 =	sadd.s32 s8, s9;
	v57 =	vshll.u32 v6, $0x10;
	v60 =	vmul.f32 v6, v5;
	v2 =	vadd.f32 v4, v2  }
0x1d0: {  	v63 =	vld [tilespmem:s8+$0x87E0];
	v59 =	vshll.u32 v7, $0x10;
	v3 =	vmul.f32 v57, v5;
	v58 =	vadd.f32 v9, v10  }
0x1d1: {  	v61 =	vld [tilespmem:s8+$0x47E0];
	v62 =	vmul.f32 v59, v0;
	v0 =	vmul.f32 v7, v0;
	v2 =	vadd.f32 v2, v60  }
0x1d2: {  	v1 =	vadd.f32 v58, v3  }
0x1d3: {  	p1 =	seq.s32 s23, $0x40;
	v0 =	vadd.f32 v2, v0  }
.Ltmp6:
0x1d4: {  	v1 =	vadd.f32 v1, v62;
	(pc) =	sbr.rel @!p1 .LBB2_20-.Ltmp6, $4  }
0x1d5: {  	v0 =	vadd.f32 v0, v63  }
0x1d6: {  	v1 =	vadd.f32 v1, v61  }
0x1d7: {  	[tilespmem:s8+$0x87E0] =	vst v0  }
0x1d8: {  	s23 =	sadd.s32 $0x40, s23;
	[tilespmem:s8+$0x47E0] =	vst v1  }
0x1d9: {  	p1 =	sgt.u32 s7, $0x6  }
.Ltmp7:
0x1da: {  	_ = 	snop;
	(pc) =	sbr.rel @!p1 .LBB2_17-.Ltmp7, $4  }
.Ltmp8:
0x1db: {  	_ = 	snop;
	(pc) =	sbr.rel @p1 .LBB2_4-.Ltmp8, $4  }
0x1dc: {  	_ = 	snop  }
0x1dd: {  	_ = 	snop  }
0x1de: {  	s30 =	sadd.s32 $0x800, s30;
	p0 =	por !p0, !p0;
	s9 =	sadd.s32 $0x800, s9  }
0x1df: {  	_ = 	snop  }
.LBB2_5:
0x1e0: {  	s5 =	sld [smem:$0x7FB];
	_ =	sdelay $0x1  }
0x1e1: {  	s8 =	simm.s32 $0x0;
	s9 =	simm.s32 $0x10408;
	s10 =	rddreg [dreg:$0x3]  }
0x1e2: {  	[hbm4b:s5+s8] =	stream.linear.scatter [tilespmem:s9], [sflag:$0x2], $0x800, $0x38;
	[tilespmem:$0x1E408] =	vst v63  }
0x1e3: {  	s6 =	simm.s32 $0x10C08;
	s12 =	rddreg [dreg:$0x4]  }
0x1e4: {  	[hbm4b:s10+s8] =	stream.linear.scatter [tilespmem:s6], [sflag:$0x2], $0x800, $0x38;
	[tilespmem:$0x1E408] =	vst v63  }
0x1e5: {  	s13 =	simm.s32 $0x11408;
	s20 =	sld [smem:$0x7F0]  }
0x1e6: {  	[hbm4b:s12+s8] =	stream.linear.scatter [tilespmem:s13], [sflag:$0x2], $0x800, $0x38;
	[tilespmem:$0x1E408] =	vst v63  }
0x1e7: {  	s23 =	simm.s32 $0x11C08;
	s24 =	sld [smem:$0x7F1]  }
0x1e8: {  	[hbm4b:s20+s8] =	stream.linear.scatter [tilespmem:s23], [sflag:$0x2], $0x800, $0x38;
	[tilespmem:$0x1E408] =	vst v63  }
0x1e9: {  	s26 =	simm.s32 $0x12408;
	s28 =	rddreg [dreg:$0x5]  }
0x1ea: {  	[hbm4b:s24+s8] =	stream.linear.scatter [tilespmem:s26], [sflag:$0x2], $0x800, $0x38;
	[tilespmem:$0x1E408] =	vst v63  }
0x1eb: {  	s30 =	simm.s32 $0x12C08;
	s7 =	rddreg [dreg:$0x6]  }
0x1ec: {  	[hbm4b:s28+s8] =	stream.linear.scatter [tilespmem:s30], [sflag:$0x2], $0x800, $0x38;
	[tilespmem:$0x1E408] =	vst v63  }
0x1ed: {  	s10 =	simm.s32 $0x13408;
	s12 =	sld [smem:$0x7F2]  }
0x1ee: {  	[hbm4b:s7+s8] =	stream.linear.scatter [tilespmem:s10], [sflag:$0x2], $0x800, $0x38;
	[tilespmem:$0x1E408] =	vst v63  }
0x1ef: {  	s13 =	simm.s32 $0x13C08  }
0x1f0: {  	[hbm4b:s12+s8] =	stream.linear.scatter [tilespmem:s13], [sflag:$0x2], $0x800, $0x38;
	[tilespmem:$0x1E408] =	vst v63  }
0x1f1: {  	s20 =	rddreg [dreg:$0x7];
	s23 =	simm.s32 $0x14408  }
0x1f2: {  	[hbm4b:s20+s8] =	stream.linear.scatter [tilespmem:s23], [sflag:$0x2], $0x800, $0x38;
	[tilespmem:$0x1E408] =	vst v63  }
0x1f3: {  	s24 =	rddreg [dreg:$0x8];
	s26 =	simm.s32 $0x14C08  }
0x1f4: {  	[hbm4b:s24+s8] =	stream.linear.scatter [tilespmem:s26], [sflag:$0x2], $0x800, $0x38;
	[tilespmem:$0x1E408] =	vst v63  }
0x1f5: {  	s28 =	rddreg [dreg:$0x9];
	s30 =	simm.s32 $0x15408  }
0x1f6: {  	[hbm4b:s28+s8] =	stream.linear.scatter [tilespmem:s30], [sflag:$0x2], $0x800, $0x38;
	[tilespmem:$0x1E408] =	vst v63  }
0x1f7: {  	s7 =	rddreg [dreg:$0xa];
	s10 =	simm.s32 $0x15C08  }
0x1f8: {  	[hbm4b:s7+s8] =	stream.linear.scatter [tilespmem:s10], [sflag:$0x2], $0x800, $0x38;
	[tilespmem:$0x1E408] =	vst v63  }
0x1f9: {  	s12 =	rddreg [dreg:$0xb];
	s13 =	simm.s32 $0x16408  }
0x1fa: {  	[hbm4b:s12+s8] =	stream.linear.scatter [tilespmem:s13], [sflag:$0x2], $0x800, $0x38;
	[tilespmem:$0x1E408] =	vst v63  }
0x1fb: {  	s20 =	rddreg [dreg:$0xc];
	s23 =	simm.s32 $0x16C08  }
0x1fc: {  	[hbm4b:s20+s8] =	stream.linear.scatter [tilespmem:s23], [sflag:$0x2], $0x800, $0x38;
	[tilespmem:$0x1E408] =	vst v63  }
0x1fd: {  	s24 =	rddreg [dreg:$0xd];
	s26 =	simm.s32 $0x17408  }
0x1fe: {  	[hbm4b:s24+s8] =	stream.linear.scatter [tilespmem:s26], [sflag:$0x2], $0x800, $0x38;
	[tilespmem:$0x1E408] =	vst v63  }
0x1ff: {  	s28 =	rddreg [dreg:$0xe];
	s30 =	simm.s32 $0x17C08  }
0x200: {  	[hbm4b:s28+s8] =	stream.linear.scatter [tilespmem:s30], [sflag:$0x2], $0x800, $0x38;
	[tilespmem:$0x1E408] =	vst v63  }
0x201: {  	_ =	swait.ge [sflag:s14], $0x800  }
0x202: {  	[sflag:s14] =	ssyncset.done $0x0  }
0x203: {  	[sflag:s14] =	ssyncadd.s32 $0xFFFFF800  }
0x204: {  	_ =	swait.ge [sflag:s14], $0x800  }
0x205: {  	[sflag:s14] =	ssyncset.done $0x0  }
0x206: {  	[sflag:s14] =	ssyncadd.s32 $0xFFFFF800  }
0x207: {  	_ =	swait.ge [sflag:s14], $0x800  }
0x208: {  	[sflag:s14] =	ssyncset.done $0x0  }
0x209: {  	[sflag:s14] =	ssyncadd.s32 $0xFFFFF800  }
0x20a: {  	_ =	swait.ge [sflag:s14], $0x800  }
0x20b: {  	[sflag:s14] =	ssyncset.done $0x0  }
0x20c: {  	[sflag:s14] =	ssyncadd.s32 $0xFFFFF800  }
0x20d: {  	_ =	swait.ge [sflag:s14], $0x800  }
0x20e: {  	[sflag:s14] =	ssyncset.done $0x0  }
0x20f: {  	[sflag:s14] =	ssyncadd.s32 $0xFFFFF800  }
0x210: {  	_ =	swait.ge [sflag:s14], $0x800  }
0x211: {  	[sflag:s14] =	ssyncset.done $0x0  }
0x212: {  	[sflag:s14] =	ssyncadd.s32 $0xFFFFF800  }
0x213: {  	_ =	swait.ge [sflag:s14], $0x800  }
0x214: {  	[sflag:s14] =	ssyncset.done $0x0  }
0x215: {  	[sflag:s14] =	ssyncadd.s32 $0xFFFFF800  }
0x216: {  	_ =	swait.ge [sflag:s14], $0x800  }
0x217: {  	[sflag:s14] =	ssyncset.done $0x0  }
0x218: {  	[sflag:s14] =	ssyncadd.s32 $0xFFFFF800  }
0x219: {  	_ =	swait.ge [sflag:s14], $0x800  }
0x21a: {  	[sflag:s14] =	ssyncset.done $0x0  }
0x21b: {  	[sflag:s14] =	ssyncadd.s32 $0xFFFFF800  }
0x21c: {  	_ =	swait.ge [sflag:s14], $0x800  }
0x21d: {  	[sflag:s14] =	ssyncset.done $0x0  }
0x21e: {  	[sflag:s14] =	ssyncadd.s32 $0xFFFFF800  }
0x21f: {  	_ =	swait.ge [sflag:s14], $0x800  }
0x220: {  	[sflag:s14] =	ssyncset.done $0x0  }
0x221: {  	[sflag:s14] =	ssyncadd.s32 $0xFFFFF800  }
0x222: {  	_ =	swait.ge [sflag:s14], $0x800  }
0x223: {  	[sflag:s14] =	ssyncset.done $0x0  }
0x224: {  	[sflag:s14] =	ssyncadd.s32 $0xFFFFF800  }
0x225: {  	_ =	swait.ge [sflag:s14], $0x800  }
0x226: {  	[sflag:s14] =	ssyncset.done $0x0  }
0x227: {  	[sflag:s14] =	ssyncadd.s32 $0xFFFFF800  }
0x228: {  	_ =	swait.ge [sflag:s14], $0x800  }
0x229: {  	[sflag:s14] =	ssyncset.done $0x0  }
0x22a: {  	[sflag:s14] =	ssyncadd.s32 $0xFFFFF800  }
0x22b: {  	_ =	swait.ge [sflag:s14], $0x800  }
.Ltmp9:
0x22c: {  	[sflag:s14] =	ssyncset.done $0x0;
	(pc) =	sbr.rel .LBB2_6-.Ltmp9, $4  }
0x22d: {  	[sflag:s14] =	ssyncadd.s32 $0xFFFFF800  }
0x22e: {  	_ =	swait.ge [sflag:s14], $0x800  }
0x22f: {  	[sflag:s14] =	ssyncset.done $0x0  }
0x230: {  	s10 =	simm.s32 $0x18458;
	[sflag:s14] =	ssyncadd.s32 $0xFFFFF800  }
.LBB2_7:
0x231: {  	_ =	swait.ge [sflag:s4], $0x10404  }
0x232: {  	[sflag:s4] =	ssyncset.done $0x0  }
0x233: {  	[sflag:s4] =	ssyncadd.s32 $0xFFFEFBFC  }
.LBB2_8:
0x234: {  	s8 =	sadd.s32 $0x1, s8  }
0x235: {  	p0 =	sne.s32 s8, $0x8  }
.Ltmp10:
0x236: {  	_ = 	snop;
	(pc) =	sbr.rel @!p0 .LBB2_9-.Ltmp10, $2  }
0x237: {  	_ =	sdelay $0x2  }
0x238: {  	s10 =	sadd.s32 $0xFFFFF800, s10;
	s9 =	sadd.s32 $0xFFFFF800, s9  }
.LBB2_6:
0x239: {  	s5 =	sxor.u32 $0x7, s8  }
0x23a: {  	s6 =	sor.u32 s16, s5  }
0x23b: {  	s7 =	smul.u32 $0x2081, s6;
	_ =	sdelay $0x1  }
0x23c: {  	s24 =	sshll.u32 s6, $0x11;
	s7 =	sadd.s32 s19, s7  }
0x23d: {  	[tilespmem:s0], [sflag:$0x1] =	stream.linear.gather [hbm4b:s7+s0], $0x10404, $0x38;
	[tilespmem:$0x1E408] =	vst v63  }
0x23e: {  	s7 =	sor.u32 s15, s24  }
0x23f: {  	s7 =	sshrl.u32 s7, $0x3  }
0x240: {  	s12 =	sadd.s32 s18, s7  }
0x241: {  	[tilespmem:s31], [sflag:$0x3] =	stream.linear.gather [hbm4b:s12+s0], $0x800, $0x38;
	[tilespmem:$0x1E408] =	vst v63  }
0x242: {  	_ =	swait.ge [sflag:s1], $0x800  }
0x243: {  	[sflag:s1] =	ssyncset.done $0x0  }
0x244: {  	s6 =	smul.u32 $0x30000, s6;
	s7 =	sadd.s32 s7, s21;
	[sflag:s1] =	ssyncadd.s32 $0xFFFFF800  }
0x245: {  	[tilespmem:s3], [sflag:$0x3] =	stream.linear.gather [hbm4b:s7+s0], $0x800, $0x38;
	[tilespmem:$0x1E408] =	vst v63  }
0x246: {  	s26 =	sor.u32 s15, s6;
	_ =	swait.ge [sflag:s1], $0x800  }
0x247: {  	s5 =	sshll.u32 s5, $0xB;
	s7 =	sshrl.u32 s26, $0x3;
	[sflag:s1] =	ssyncset.done $0x0  }
0x248: {  	s5 =	sor.u32 $0x10408, s5;
	s7 =	sadd.s32 s11, s7;
	[sflag:s1] =	ssyncadd.s32 $0xFFFFF800  }
0x249: {  	[tilespmem:s5], [sflag:$0x3] =	stream.linear.gather [hbm4b:s7+s0], $0x800, $0x38;
	[tilespmem:$0x1E408] =	vst v63  }
0x24a: {  	_ =	swait.ge [sflag:s1], $0x800  }
0x24b: {  	s28 =	sld [smem:$0x7F9];
	_ =	sdelay $0x2  }
0x24c: {  	s30 =	sshll.u32 s8, $0xB;
	[sflag:s1] =	ssyncset.done $0x0;
	s5 =	sadd.s32 s28, s6  }
0x24d: {  	p0 =	sne.s32 s8, $0x0;
	[sflag:s1] =	ssyncadd.s32 $0xFFFFF800;
	s5 =	sshrl.u32 s5, $0x3  }
.Ltmp11:
0x24e: {  	s6 =	ssub.s32 $0x17C08, s30;
	s5 =	sadd.s32 s11, s5;
	(pc) =	sbr.rel @!p0 .LBB2_7-.Ltmp11, $4  }
0x24f: {  	[tilespmem:s6], [sflag:$0x3] =	stream.linear.gather [hbm4b:s5+s0], $0x800, $0x38;
	[tilespmem:$0x1E408] =	vst v63  }
0x250: {  	_ =	swait.ge [sflag:s1], $0x800  }
0x251: {  	[sflag:s1] =	ssyncset.done $0x0  }
0x252: {  	[sflag:s1] =	ssyncadd.s32 $0xFFFFF800  }
0x253: {  	s6 =	sld [smem:$0x7FA]  }
0x254: {  	s5 =	ssub.s32 s16, s8  }
0x255: {  	s5 =	sshll.u32 s5, $0x11  }
0x256: {  	s5 =	sadd.s32 s6, s5  }
0x257: {  	s5 =	sshrl.u32 s5, $0x3  }
0x258: {  	s7 =	simm.s32 $0x1A408;
	s28 =	sadd.s32 s17, s5  }
0x259: {  	[tilespmem:s7], [sflag:$0x2] =	stream.linear.gather [hbm4b:s28+s0], $0x800, $0x38;
	[tilespmem:$0x1E408] =	vst v63  }
0x25a: {  	s30 =	simm.s32 $0x1AC08;
	s5 =	sadd.s32 s5, s22  }
0x25b: {  	[tilespmem:s30], [sflag:$0x2] =	stream.linear.gather [hbm4b:s5+s0], $0x800, $0x38;
	[tilespmem:$0x1E408] =	vst v63  }
0x25c: {  	_ =	swait.ge [sflag:s4], $0x10404  }
0x25d: {  	p0 =	por $0x0, $0x0;
	s12 =	smov.u32 s9;
	[sflag:s4] =	ssyncset.done $0x0  }
0x25e: {  	s13 =	smov.u32 s10;
	s7 =	ssub.s32 $0x8, s8;
	[sflag:s4] =	ssyncadd.s32 $0xFFFEFBFC  }
.LBB2_23:
0x25f: {  	s5 =	simm.s32 $0x1  }
0x260: {  	s6 =	smov.u32 s7;
	_ =	swait.ge [sflag:s14], $0x800;
	s7 =	sadd.s32 $0x1, s7  }
0x261: {  	s5 =	simm.s32 @!p0 $0x0;
	[sflag:s14] =	ssyncset.done $0x0;
	p1 =	seq.s32 s6, $0x7  }
0x262: {  	s23 =	sadd.s32 s8, s6;
	s5 =	sshll.u32 s5, $0xC;
	s20 =	sadd.s32 @!p1 s16, s7  }
0x263: {  	[sflag:s14] =	ssyncadd.s32 $0xFFFFF800;
	s23 =	sshll.u32 s23, $0xC;
	s20 =	sshll.u32 @!p1 s20, $0x11  }
0x264: {  	s28 =	simm.s32 @!p1 $0x0;
	_ =	swait.ge [sflag:s14], $0x800;
	s20 =	sor.u32 @!p1 s15, s20  }
0x265: {  	s23 =	sand.u32 $0x1000, s23;
	[sflag:s14] =	ssyncset.done $0x0;
	s24 =	sshrl.u32 @!p1 s20, $0x3  }
0x266: {  	[sflag:s14] =	ssyncadd.s32 $0xFFFFF800;
	s20 =	ssub.s32 @!p1 $0x1B408, s23;
	s26 =	sadd.s32 @!p1 s17, s24  }
0x267: {  	[tilespmem:s20], [sflag:$0x2] =	stream.linear.gather @!p1 [hbm4b:s26+s28], $0x800, $0x38;
	[tilespmem:$0x1E408] =	vst v63  }
0x268: {  	s23 =	ssub.s32 @!p1 $0x1BC08, s23;
	s24 =	sadd.s32 @!p1 s24, s22;
	s26 =	sor.u32 $0x1AC08, s5  }
0x269: {  	[tilespmem:s23], [sflag:$0x2] =	stream.linear.gather @!p1 [hbm4b:s24+s28], $0x800, $0x38;
	[tilespmem:$0x1E408] =	vst v63  }
0x26a: {  	s28 =	simm.s32 $0x18C08;
	v0 =	vld [tilespmem:s26+$0x50]  }
0x26b: {  	v1 =	vld [tilespmem:s28+$0x50]  }
0x26c: {  	v2 =	vld [tilespmem:s26+$0xFFFFF850]  }
0x26d: {  	v3 =	vld [tilespmem:s28+$0xFFFFF850]  }
0x26e: {  	v4 =	vld [tilespmem:s26+$0x0]  }
0x26f: {  	v5 =	vld [tilespmem:s28+$0x0]  }
0x270: {  	v7 =	vld [tilespmem:s26+$0x20]  }
0x271: {  	v8 =	vld [tilespmem:s28+$0x20]  }
0x272: {  	v9 =	vld [tilespmem:s26+$0x30]  }
0x273: {  	v10 =	vld [tilespmem:s28+$0x30];
	_ =	sdelay $0x1  }
0x274: {  	v6 =	vld [tilespmem:s26+$0x10]  }
0x275: {  	v11 =	vld [tilespmem:s26+$0x40];
	v0 =	vsub.f32 v0, v1;
	v2 =	vsub.f32 v2, v3  }
0x276: {  	v52 =	vld [tilespmem:s28+$0x40];
	v4 =	vsub.f32 v4, v5;
	v7 =	vsub.f32 v7, v8  }
0x277: {  	v1 =	vld [tilespmem:s28+$0x10];
	v9 =	vsub.f32 v9, v10;
	v3 =	vmul.f32 $5.000000000e-01, v0;
	v51 =	vmul.f32 $5.000000000e-01, v2  }
0x278: {  	v15 =	vld [tilespmem:s28+$0xFFFFF810];
	v12 =	vmul.f32 $5.000000000e-01, v4;
	v16 =	vmul.f32 $5.000000000e-01, v7  }
0x279: {  	v8 =	vld [tilespmem:s26+$0xFFFFF810];
	v17 =	vmul.f32 $5.000000000e-01, v9;
	v3 =	vtrunc.f32 v3  }
0x27a: {  	v5 =	vtrunc.f32 v51;
	v12 =	vtrunc.f32 v12  }
0x27b: {  	v16 =	vtrunc.f32 v16;
	v17 =	vtrunc.f32 v17  }
0x27c: {  	v3 =	vcvt.f32.s32 v3;
	v1 =	vsub.f32 v6, v1;
	v5 =	vcvt.f32.s32 v5  }
0x27d: {  	v12 =	vcvt.f32.s32 v12;
	v6 =	vsub.f32 v11, v52;
	v16 =	vcvt.f32.s32 v16  }
0x27e: {  	v8 =	vsub.f32 v8, v15;
	v17 =	vcvt.f32.s32 v17;
	v3 =	vcvt.s32.f32 v3  }
0x27f: {  	v53 =	vld [tilespmem:s28+$0xFFFFF830];
	v14 =	vmul.f32 $5.000000000e-01, v1;
	v5 =	vcvt.s32.f32 v5  }
0x280: {  	v11 =	vld [tilespmem:s26+$0xFFFFF830];
	v18 =	vmul.f32 $5.000000000e-01, v6;
	v21 =	vmul.f32 $5.000000000e-01, v8  }
0x281: {  	v12 =	vcvt.s32.f32 v12;
	v16 =	vcvt.s32.f32 v16  }
0x282: {  	v17 =	vcvt.s32.f32 v17;
	v3 =	vadd.f32 v3, v3;
	v14 =	vtrunc.f32 v14  }
0x283: {  	v5 =	vadd.f32 v5, v5;
	v18 =	vtrunc.f32 v18;
	v12 =	vadd.f32 v12, v12  }
0x284: {  	v13 =	vld [tilespmem:s28+$0xFFFFF800];
	v21 =	vtrunc.f32 v21;
	v16 =	vadd.f32 v16, v16;
	v17 =	vadd.f32 v17, v17  }
0x285: {  	v20 =	vld [tilespmem:s26+$0xFFFFF800];
	v14 =	vcvt.f32.s32 v14;
	v11 =	vsub.f32 v11, v53;
	v18 =	vcvt.f32.s32 v18  }
0x286: {  	v21 =	vcvt.f32.s32 v21;
	v0 =	vsub.f32 v0, v3;
	v2 =	vsub.f32 v2, v5  }
0x287: {  	v12 =	vsub.f32 v4, v12;
	v24 =	vmul.f32 $5.000000000e-01, v11;
	v14 =	vcvt.s32.f32 v14  }
0x288: {  	v10 =	vld [tilespmem:s26+$0xFFFFF820];
	v7 =	vsub.f32 v7, v16;
	v18 =	vcvt.s32.f32 v18;
	v21 =	vcvt.s32.f32 v21  }
0x289: {  	v3 =	vld [tilespmem:s28+$0xFFFFF820];
	v9 =	vsub.f32 v9, v17;
	v0 =	vmul.f32 $1.280000000e+02, v0;
	v2 =	vmul.f32 $1.280000000e+02, v2  }
0x28a: {  	v13 =	vsub.f32 v20, v13;
	v12 =	vmul.f32 $1.280000000e+02, v12;
	v7 =	vmul.f32 $1.280000000e+02, v7  }
0x28b: {  	v9 =	vmul.f32 $1.280000000e+02, v9;
	v20 =	vtrunc.f32 v24;
	v14 =	vadd.f32 v14, v14  }
0x28c: {  	v24 =	vmul.f32 $5.000000000e-01, v13;
	v18 =	vadd.f32 v18, v18;
	v0 =	vadd.f32 $5.000000000e-01, v0  }
0x28d: {  	v19 =	vld [tilespmem:s26+$0xFFFFF840];
	v16 =	vadd.f32 v21, v21;
	v2 =	vadd.f32 $5.000000000e-01, v2;
	v20 =	vcvt.f32.s32 v20  }
0x28e: {  	v15 =	vld [tilespmem:s28+$0xFFFFF840];
	v3 =	vsub.f32 v10, v3;
	v24 =	vtrunc.f32 v24;
	v10 =	vtrunc.f32 v0  }
0x28f: {  	v14 =	vsub.f32 v1, v14;
	v54 =	vtrunc.f32 v2;
	v24 =	vcvt.f32.s32 v24  }
0x290: {  	v6 =	vsub.f32 v6, v18;
	v20 =	vcvt.s32.f32 v20;
	v10 =	vcvt.f32.s32 v10  }
0x291: {  	v8 =	vsub.f32 v8, v16;
	v22 =	vmul.f32 $5.000000000e-01, v3;
	v5 =	vcvt.f32.s32 v54  }
0x292: {  	v9 =	vadd.f32 $5.000000000e-01, v9;
	v14 =	vmul.f32 $1.280000000e+02, v14;
	v6 =	vmul.f32 $1.280000000e+02, v6  }
0x293: {  	v15 =	vsub.f32 v19, v15;
	v8 =	vmul.f32 $1.280000000e+02, v8;
	v24 =	vcvt.s32.f32 v24  }
0x294: {  	v18 =	vadd.f32 v20, v20;
	v20 =	vtrunc.f32 v9;
	v23 =	vmul.u32 $0x102, v10  }
0x295: {  	v12 =	vadd.f32 $5.000000000e-01, v12;
	v19 =	vtrunc.f32 v22;
	v10 =	vcvt.s32.f32 v10  }
0x296: {  	v14 =	vadd.f32 $5.000000000e-01, v14;
	v6 =	vadd.f32 $5.000000000e-01, v6;
	v22 =	vadd.s32 v5, v23  }
0x297: {  	v19 =	vcvt.f32.s32 v19;
	v11 =	vsub.f32 v11, v18;
	v25 =	vadd.s32 $0x102, v22  }
0x298: {  	v18 =	vadd.f32 $5.000000000e-01, v8;
	v23 =	vmul.f32 $5.000000000e-01, v15;
	v5 =	vcvt.s32.f32 v5  }
0x299: {  	v8 =	vtrunc.f32 v14;
	v21 =	vtrunc.f32 v6;
	v26 =	vadd.s32 $0x1, v22  }
0x29a: {  	s23 =	simm.s32 $0x0;
	v10 =	vsub.f32 v0, v10;
	v19 =	vcvt.s32.f32 v19;
	v23 =	vtrunc.f32 v23  }
0x29b: {  	v27 =	vadd.s32 $0x103, v22;
	v5 =	vsub.f32 v2, v5;
	v23 =	vcvt.f32.s32 v23;
	v22 =	vld.idx.msk [tilespmem:v22+s23+$0x0], $0xffff  }
0x29c: {  	v11 =	vmul.f32 $1.280000000e+02, v11;
	v29 =	vsub.f32 $1.000000000e+00, v10;
	v17 =	vadd.f32 v19, v19;
	v25 =	vld.idx.msk [tilespmem:v25+s23+$0x0], $0xffff  }
0x29d: {  	v21 =	vcvt.f32.s32 v21;
	v28 =	vsub.f32 $1.000000000e+00, v5;
	v23 =	vcvt.s32.f32 v23  }
0x29e: {  	v4 =	vmul.f32 v29, v5;
	v54 =	vmul.f32 v10, v5;
	v3 =	vsub.f32 v3, v17;
	v2 =	vld.idx.msk [tilespmem:v26+s23+$0x0], $0xffff  }
0x29f: {  	v17 =	vtrunc.f32 v12;
	v26 =	vmul.f32 v29, v28;
	v19 =	vadd.f32 v23, v23  }
0x2a0: {  	v7 =	vadd.f32 $5.000000000e-01, v7;
	v53 =	vld.idx.msk [tilespmem:v27+s23+$0x0], $0xffff;
	v27 =	vmul.f32 v10, v28;
	v17 =	vcvt.f32.s32 v17  }
0x2a1: {  	v15 =	vsub.f32 v15, v19;
	v28 =	vshll.u32 v22, $0x10;
	v29 =	vshll.u32 v25, $0x10  }
0x2a2: {  	v11 =	vadd.f32 $5.000000000e-01, v11;
	v28 =	vmul.f32 v28, v26;
	v29 =	vmul.f32 v29, v27  }
0x2a3: {  	v3 =	vmul.f32 $1.280000000e+02, v3;
	v30 =	vshll.u32 v2, $0x10;
	v15 =	vmul.f32 $1.280000000e+02, v15  }
0x2a4: {  	v23 =	vtrunc.f32 v18;
	v10 =	vmul.f32 v30, v4;
	v55 =	vadd.f32 v28, v29  }
0x2a5: {  	v23 =	vcvt.f32.s32 v23;
	v15 =	vadd.f32 $5.000000000e-01, v15;
	v28 =	vshll.u32 v53, $0x10;
	v29 =	vld [tilespmem:s13+$0xFFFFC000]  }
0x2a6: {  	v16 =	vmul.f32 v22, v26;
	v5 =	vadd.f32 v55, v10;
	v10 =	vmul.f32 v28, v54  }
0x2a7: {  	v3 =	vadd.f32 $5.000000000e-01, v3;
	v22 =	vcvt.f32.s32 v8;
	v28 =	vtrunc.f32 v15  }
0x2a8: {  	v30 =	vmul.u32 $0x102, v21;
	v28 =	vcvt.f32.s32 v28;
	v5 =	vadd.f32 v5, v10  }
0x2a9: {  	v19 =	vtrunc.f32 v7;
	v10 =	vadd.f32 v24, v24;
	v24 =	vmul.u32 $0x102, v22  }
0x2aa: {  	v22 =	vcvt.s32.f32 v22;
	v30 =	vadd.s32 v28, v30;
	v5 =	vadd.f32 v5, v29  }
0x2ab: {  	v10 =	vsub.f32 v13, v10;
	v13 =	vmul.f32 v25, v27;
	v25 =	vtrunc.f32 v3  }
0x2ac: {  	v27 =	vtrunc.f32 v11;
	v24 =	vadd.s32 v23, v24;
	v23 =	vcvt.s32.f32 v23  }
0x2ad: {  	v14 =	vsub.f32 v14, v22;
	v62 =	vadd.s32 $0x1, v30;
	v25 =	vcvt.f32.s32 v25  }
0x2ae: {  	v27 =	vcvt.f32.s32 v27;
	v32 =	vadd.s32 $0x102, v24;
	v22 =	vadd.s32 $0x1, v24  }
0x2af: {  	v10 =	vmul.f32 $1.280000000e+02, v10;
	v1 =	vadd.f32 v16, v13;
	v13 =	vcvt.f32.s32 v19  }
0x2b0: {  	v16 =	vcvt.f32.s32 v20;
	v20 =	vmul.u32 $0x102, v17;
	v17 =	vcvt.s32.f32 v17  }
0x2b1: {  	v18 =	vsub.f32 v18, v23;
	v10 =	vadd.f32 $5.000000000e-01, v10;
	v26 =	vmul.u32 $0x102, v13  }
0x2b2: {  	v29 =	vmul.u32 $0x102, v16;
	v13 =	vcvt.s32.f32 v13;
	v12 =	vsub.f32 v12, v17  }
0x2b3: {  	v17 =	vsub.f32 $1.000000000e+00, v18;
	v37 =	vld.idx.msk [tilespmem:v24+s23+$0x0], $0xffff;
	v24 =	vadd.s32 $0x103, v24;
	v19 =	vtrunc.f32 v10  }
0x2b4: {  	v26 =	vadd.s32 v25, v26;
	v29 =	vadd.s32 v27, v29;
	v25 =	vcvt.s32.f32 v25  }
0x2b5: {  	v27 =	vcvt.s32.f32 v27;
	v7 =	vsub.f32 v7, v13;
	v33 =	vadd.s32 $0x102, v26  }
0x2b6: {  	v19 =	vcvt.f32.s32 v19;
	v34 =	vadd.s32 $0x1, v26;
	v38 =	vadd.s32 $0x1, v29  }
0x2b7: {  	v23 =	vsub.f32 v3, v25;
	v3 =	vcvt.s32.f32 v21;
	v13 =	vsub.f32 v11, v27  }
0x2b8: {  	v11 =	vadd.s32 $0x102, v29;
	v20 =	vadd.s32 v19, v20;
	v19 =	vcvt.s32.f32 v19  }
0x2b9: {  	v35 =	vsub.f32 $1.000000000e+00, v7;
	v31 =	vadd.s32 $0x102, v20;
	v57 =	vsub.f32 $1.000000000e+00, v23;
	v45 =	vld.idx.msk [tilespmem:v26+s23+$0x0], $0xffff  }
0x2ba: {  	v19 =	vsub.f32 v10, v19;
	v10 =	vcvt.s32.f32 v16;
	v16 =	vcvt.s32.f32 v28;
	v33 =	vld.idx.msk [tilespmem:v33+s23+$0x0], $0xffff  }
0x2bb: {  	v56 =	vadd.s32 $0x1, v20;
	v36 =	vsub.f32 $1.000000000e+00, v13;
	v28 =	vsub.f32 v6, v3;
	v34 =	vld.idx.msk [tilespmem:v34+s23+$0x0], $0xffff  }
0x2bc: {  	v26 =	vadd.s32 $0x103, v26;
	v25 =	vsub.f32 v9, v10;
	v27 =	vsub.f32 v15, v16;
	v15 =	vld.idx.msk [tilespmem:v32+s23+$0x0], $0xffff  }
0x2bd: {  	v46 =	vmul.f32 v35, v57;
	v3 =	vsub.f32 $1.000000000e+00, v19;
	v16 =	vsub.f32 $1.000000000e+00, v12;
	v11 =	vld.idx.msk [tilespmem:v11+s23+$0x0], $0xffff  }
0x2be: {  	v9 =	vadd.s32 $0x102, v30;
	v32 =	vmul.f32 v7, v57;
	v50 =	vsub.f32 $1.000000000e+00, v28;
	v21 =	vld.idx.msk [tilespmem:v20+s23+$0x0], $0xffff  }
0x2bf: {  	v20 =	vadd.s32 $0x103, v20;
	v10 =	vld.idx.msk [tilespmem:v31+s23+$0x0], $0xffff;
	v31 =	vsub.f32 $1.000000000e+00, v14;
	v41 =	vmul.f32 v16, v3  }
0x2c0: {  	v39 =	vsub.f32 $1.000000000e+00, v25;
	v3 =	vmul.f32 v12, v3;
	v49 =	vmul.f32 v25, v36  }
0x2c1: {  	v40 =	vsub.f32 $1.000000000e+00, v27;
	v16 =	vmul.f32 v16, v19;
	v63 =	vmul.f32 v45, v46  }
0x2c2: {  	v59 =	vshll.u32 v45, $0x10;
	v43 =	vmul.f32 v31, v17;
	v17 =	vmul.f32 v14, v17  }
0x2c3: {  	v48 =	vshll.u32 v33, $0x10;
	v36 =	vmul.f32 v39, v36;
	v6 =	vshll.u32 v34, $0x10  }
0x2c4: {  	v44 =	vshll.u32 v15, $0x10;
	v58 =	vshll.u32 v11, $0x10;
	v48 =	vmul.f32 v48, v32  }
0x2c5: {  	v32 =	vmul.f32 v33, v32;
	v33 =	vmul.f32 v59, v46;
	v47 =	vshll.u32 v21, $0x10  }
0x2c6: {  	v9 =	vld.idx.msk [tilespmem:v9+s23+$0x0], $0xffff;
	v44 =	vmul.f32 v44, v17;
	v42 =	vshll.u32 v10, $0x10;
	v47 =	vmul.f32 v47, v41  }
0x2c7: {  	v42 =	vmul.f32 v42, v3;
	v3 =	vmul.f32 v10, v3;
	v10 =	vshll.u32 v37, $0x10  }
0x2c8: {  	v15 =	vmul.f32 v15, v17;
	v17 =	vld.idx.msk [tilespmem:v29+s23+$0x0], $0xffff;
	v29 =	vadd.s32 $0x103, v29;
	v10 =	vmul.f32 v10, v43  }
0x2c9: {  	v42 =	vadd.f32 v47, v42;
	v47 =	vmul.f32 v58, v49;
	v49 =	vmul.f32 v11, v49  }
0x2ca: {  	v22 =	vld.idx.msk [tilespmem:v22+s23+$0x0], $0xffff;
	v11 =	vmul.f32 v21, v41;
	v21 =	vmul.f32 v28, v40;
	v41 =	vadd.f32 v33, v48  }
0x2cb: {  	v60 =	vshll.u32 v9, $0x10;
	v48 =	vld.idx.msk [tilespmem:v56+s23+$0x0], $0xffff;
	v33 =	vmul.f32 v37, v43;
	v40 =	vmul.f32 v50, v40  }
0x2cc: {  	v44 =	vadd.f32 v10, v44;
	v10 =	vld.idx.msk [tilespmem:v30+s23+$0x0], $0xffff;
	v61 =	vmul.f32 v60, v21;
	v21 =	vmul.f32 v9, v21  }
0x2cd: {  	v9 =	vshll.u32 v17, $0x10;
	v17 =	vmul.f32 v17, v36;
	v51 =	vadd.f32 v11, v3  }
0x2ce: {  	v37 =	vld.idx.msk [tilespmem:v62+s23+$0x0], $0xffff;
	v11 =	vmul.f32 v31, v18;
	v52 =	vadd.f32 v33, v15;
	v15 =	vmul.f32 v35, v23  }
0x2cf: {  	v55 =	vld [tilespmem:s13+$0xFFFFFFC0];
	v30 =	vadd.s32 $0x103, v30;
	v31 =	vmul.f32 v39, v13;
	v9 =	vmul.f32 v9, v36  }
0x2d0: {  	v38 =	vld.idx.msk [tilespmem:v38+s23+$0x0], $0xffff;
	v58 =	vmul.f32 v22, v11;
	v36 =	vmul.f32 v6, v15;
	v49 =	vadd.f32 v17, v49  }
0x2d1: {  	v56 =	vld [tilespmem:s13+$0xFFFFFFB0];
	v60 =	vshll.u32 v48, $0x10;
	v57 =	vmul.f32 v48, v16;
	v59 =	vshll.u32 v10, $0x10  }
0x2d2: {  	v43 =	vld [tilespmem:s13+$0xFFFFFFF0];
	v46 =	vadd.f32 v9, v47;
	v62 =	vmul.f32 v60, v16;
	v45 =	vmul.f32 v59, v40  }
0x2d3: {  	v17 =	vld.idx.msk [tilespmem:v24+s23+$0x0], $0xffff;
	v60 =	vmul.f32 v34, v15;
	v15 =	vshll.u32 v37, $0x10;
	v34 =	vmul.f32 v2, v4  }
0x2d4: {  	v9 =	vld [tilespmem:s13+$0xFFFFBFB0];
	v40 =	vmul.f32 v10, v40;
	v59 =	vmul.f32 v50, v27;
	v45 =	vadd.f32 v45, v61  }
0x2d5: {  	v16 =	vld.idx.msk [tilespmem:v20+s23+$0x0], $0xffff;
	v61 =	vshll.u32 v22, $0x10;
	v22 =	vshll.u32 v38, $0x10;
	v38 =	vmul.f32 v38, v31  }
0x2d6: {  	v35 =	vadd.f32 v63, v32;
	v20 =	vld.idx.msk [tilespmem:v30+s23+$0x0], $0xffff;
	v24 =	vmul.f32 v15, v59;
	v37 =	vmul.f32 v37, v59  }
0x2d7: {  	v10 =	vld [tilespmem:s13+$0xFFFFBFC0];
	v40 =	vadd.f32 v40, v21;
	v21 =	vmul.f32 v7, v23;
	v63 =	vmul.f32 v61, v11  }
0x2d8: {  	v30 =	vadd.f32 v41, v36;
	v61 =	vmul.f32 v22, v31;
	v31 =	vmul.f32 v12, v19;
	v19 =	vld.idx.msk [tilespmem:v26+s23+$0x0], $0xffff  }
0x2d9: {  	v32 =	vadd.f32 v42, v62;
	v15 =	vmul.f32 v25, v13;
	v22 =	vmul.f32 v14, v18;
	v18 =	vld.idx.msk [tilespmem:v29+s23+$0x0], $0xffff  }
0x2da: {  	v42 =	vld [tilespmem:s13+$0x0];
	v23 =	vshll.u32 v17, $0x10;
	v25 =	vadd.f32 v51, v57;
	v26 =	vadd.f32 v52, v58  }
0x2db: {  	v13 =	vld [tilespmem:s13+$0xFFFFBFF0];
	v14 =	vmul.f32 v28, v27;
	v29 =	vadd.f32 v45, v24;
	v24 =	vadd.f32 v35, v60  }
0x2dc: {  	v11 =	vld [tilespmem:s13+$0xFFFFBFD0];
	v2 =	vshll.u32 v16, $0x10;
	v27 =	vadd.f32 v49, v38;
	v33 =	vadd.f32 v44, v63  }
0x2dd: {  	v12 =	vld [tilespmem:s13+$0xFFFFBFE0];
	v28 =	vadd.f32 v46, v61;
	v35 =	vmul.f32 v2, v31;
	v36 =	vmul.f32 v23, v22  }
0x2de: {  	s30 =	smov.u32 s13;
	s5 =	sadd.s32 $0x1B3E8, s5;
	v44 =	vld [tilespmem:s13+$0xFFFFFFD0];
	v23 =	vadd.f32 v40, v37;
	v62 =	vshll.u32 v19, $0x10;
	v63 =	vshll.u32 v18, $0x10  }
0x2df: {  	s20 =	smov.u32 s13;
	s24 =	simm.s32 $0x0;
	s26 =	sadd.s32 $0x60, s26;
	[tilespmem:s13+$0xFFFFC000] =	vst v5;
	v46 =	vld [tilespmem:s13+$0xFFFFFFE0];
	v37 =	vshll.u32 v20, $0x10;
	v38 =	vmul.f32 v62, v21;
	v39 =	vmul.f32 v63, v15  }
.LBB2_24:
0x2e0: {  	v40 =	vld [tilespmem:s26+$0x50]  }
0x2e1: {  	s28 =	sadd.s32 $0x60, s28;
	v19 =	vmul.f32 v19, v21;
	v21 =	vld [tilespmem:s26+$0xFFFFF850]  }
0x2e2: {  	v16 =	vmul.f32 v16, v31;
	v17 =	vmul.f32 v17, v22;
	v51 =	vld [tilespmem:s28+$0x50]  }
0x2e3: {  	v15 =	vmul.f32 v18, v15;
	v31 =	vmul.f32 v37, v14;
	v32 =	vadd.f32 v32, v35;
	v18 =	vld [tilespmem:s28+$0xFFFFF850]  }
0x2e4: {  	v22 =	vadd.f32 v33, v36;
	v14 =	vmul.f32 v20, v14;
	v20 =	vadd.f32 v30, v38;
	v30 =	vld [tilespmem:s28+$0x0]  }
0x2e5: {  	v28 =	vadd.f32 v28, v39;
	v19 =	vadd.f32 v24, v19;
	v24 =	vld [tilespmem:s26+$0x10]  }
0x2e6: {  	v25 =	vadd.f32 v25, v16;
	v15 =	vadd.f32 v27, v15;
	v27 =	vld [tilespmem:s28+$0x10]  }
0x2e7: {  	v17 =	vadd.f32 v26, v17;
	v14 =	vadd.f32 v23, v14;
	v23 =	vld [tilespmem:s28+$0x30]  }
0x2e8: {  	v0 =	vmul.f32 v53, v54;
	v29 =	vadd.f32 v29, v31;
	v8 =	vadd.f32 v1, v34;
	v1 =	vld [tilespmem:s26+$0x0]  }
0x2e9: {  	v10 =	vadd.f32 v22, v10;
	v11 =	vadd.f32 v20, v11;
	v20 =	vld [tilespmem:s26+$0x30]  }
0x2ea: {  	v9 =	vadd.f32 v32, v9;
	v16 =	vadd.f32 v8, v0;
	v0 =	vld [tilespmem:s26+$0x20]  }
0x2eb: {  	v26 =	vsub.f32 v40, v51;
	v18 =	vsub.f32 v21, v18;
	v21 =	vld [tilespmem:s28+$0x20];
	[tilespmem:s30+$0xFFFFBFC0] =	vst v10  }
0x2ec: {  	v6 =	vadd.f32 v25, v56;
	v10 =	vadd.f32 v28, v12;
	[tilespmem:s30+$0xFFFFBFD0] =	vst v11;
	v11 =	vld [tilespmem:s28+$0x40]  }
0x2ed: {  	[tilespmem:s30+$0xFFFFBFB0] =	vst v9;
	v9 =	vsub.f32 v24, v27;
	v24 =	vld [tilespmem:s26+$0x40];
	v8 =	vmul.f32 $5.000000000e-01, v26;
	v22 =	vmul.f32 $5.000000000e-01, v18  }
0x2ee: {  	v12 =	vadd.f32 v29, v13;
	v25 =	vld [tilespmem:s28+$0xFFFFF800];
	[tilespmem:s30+$0xFFFFFFB0] =	vst v6;
	v1 =	vsub.f32 v1, v30  }
0x2ef: {  	v3 =	vadd.f32 v17, v55;
	v4 =	vld [tilespmem:s26+$0xFFFFF800];
	v8 =	vtrunc.f32 v8;
	v22 =	vtrunc.f32 v22  }
0x2f0: {  	v52 =	vld [tilespmem:s28+$0xFFFFF810];
	[tilespmem:s30+$0xFFFFBFF0] =	vst v12;
	v8 =	vcvt.f32.s32 v8;
	v13 =	vmul.f32 $5.000000000e-01, v1  }
0x2f1: {  	v5 =	vadd.f32 v14, v43;
	v12 =	vld [tilespmem:s26+$0xFFFFF810];
	[tilespmem:s30+$0xFFFFFFC0] =	vst v3;
	v3 =	vadd.f32 v19, v44;
	v22 =	vcvt.f32.s32 v22  }
0x2f2: {  	[tilespmem:s30+$0xFFFFBFE0] =	vst v10;
	v11 =	vsub.f32 v24, v11;
	v27 =	vcvt.s32.f32 v8;
	v10 =	vtrunc.f32 v13  }
0x2f3: {  	v13 =	vmul.f32 $5.000000000e-01, v9;
	v8 =	vsub.f32 v0, v21;
	v21 =	vcvt.s32.f32 v22  }
0x2f4: {  	v25 =	vsub.f32 v4, v25;
	v0 =	vcvt.f32.s32 v10;
	v28 =	vmul.f32 $5.000000000e-01, v11  }
0x2f5: {  	v22 =	vadd.f32 v27, v27;
	v13 =	vtrunc.f32 v13;
	v27 =	vmul.f32 $5.000000000e-01, v8  }
0x2f6: {  	v10 =	vsub.f32 v20, v23;
	v29 =	vmul.f32 $5.000000000e-01, v25;
	v20 =	vcvt.f32.s32 v13  }
0x2f7: {  	v23 =	vld [tilespmem:s28+$0xFFFFF820];
	v21 =	vadd.f32 v21, v21;
	v28 =	vtrunc.f32 v28;
	v0 =	vcvt.s32.f32 v0  }
0x2f8: {  	v13 =	vld [tilespmem:s26+$0xFFFFF820];
	v22 =	vsub.f32 v26, v22;
	v26 =	vtrunc.f32 v27;
	v27 =	vmul.f32 $5.000000000e-01, v10  }
0x2f9: {  	v18 =	vsub.f32 v18, v21;
	v29 =	vtrunc.f32 v29;
	v24 =	vcvt.f32.s32 v26  }
0x2fa: {  	v12 =	vsub.f32 v12, v52;
	v14 =	vcvt.s32.f32 v20;
	v21 =	vmul.f32 $1.280000000e+02, v22  }
0x2fb: {  	v26 =	vld [tilespmem:s26+$0xFFFFF830];
	v30 =	vadd.f32 v0, v0;
	v29 =	vcvt.f32.s32 v29;
	v17 =	vmul.f32 $1.280000000e+02, v18  }
0x2fc: {  	v22 =	vld [tilespmem:s28+$0xFFFFF830];
	v27 =	vtrunc.f32 v27;
	v0 =	vcvt.s32.f32 v24;
	v18 =	vadd.f32 $5.000000000e-01, v21  }
0x2fd: {  	v21 =	vcvt.f32.s32 v27;
	v13 =	vsub.f32 v13, v23;
	v17 =	vadd.f32 $5.000000000e-01, v17  }
0x2fe: {  	v53 =	vld [tilespmem:s26+$0xFFFFF840];
	[tilespmem:s30+$0xFFFFFFD0] =	vst v3;
	v3 =	vadd.f32 v15, v46;
	v23 =	vmul.f32 $5.000000000e-01, v12;
	v19 =	vtrunc.f32 v18  }
0x2ff: {  	v16 =	vadd.f32 v16, v42;
	v27 =	vld [tilespmem:s28+$0xFFFFF840];
	v7 =	vmul.f32 $5.000000000e-01, v13;
	v15 =	vtrunc.f32 v17  }
0x300: {  	[tilespmem:s30+$0xFFFFFFE0] =	vst v3;
	v58 =	vadd.f32 v14, v14;
	v3 =	vtrunc.f32 v23;
	v21 =	vcvt.s32.f32 v21  }
0x301: {  	v19 =	vcvt.f32.s32 v19;
	v22 =	vsub.f32 v26, v22;
	v26 =	vcvt.f32.s32 v28  }
0x302: {  	v59 =	vsub.f32 v9, v58;
	v15 =	vcvt.f32.s32 v15;
	v3 =	vcvt.f32.s32 v3  }
0x303: {  	v54 =	vtrunc.f32 v7;
	v28 =	vmul.u32 $0x102, v19;
	v23 =	vmul.f32 $5.000000000e-01, v22  }
0x304: {  	v27 =	vsub.f32 v53, v27;
	v57 =	vcvt.s32.f32 v15;
	v26 =	vcvt.s32.f32 v26  }
0x305: {  	v21 =	vadd.f32 v21, v21;
	v4 =	vcvt.f32.s32 v54;
	v3 =	vcvt.s32.f32 v3  }
0x306: {  	v55 =	vadd.s32 v15, v28;
	v56 =	vtrunc.f32 v23;
	v23 =	vmul.f32 $5.000000000e-01, v27  }
0x307: {  	[tilespmem:s30+$0xFFFFFFF0] =	vst v5;
	v15 =	vcvt.s32.f32 v19;
	v5 =	vsub.f32 v17, v57;
	v26 =	vadd.f32 v26, v26  }
0x308: {  	v4 =	vcvt.s32.f32 v4;
	v28 =	vadd.s32 $0x102, v55;
	v19 =	vadd.s32 $0x103, v55  }
0x309: {  	v7 =	vcvt.f32.s32 v56;
	v20 =	vtrunc.f32 v23;
	v17 =	vsub.f32 v18, v15  }
0x30a: {  	v23 =	vadd.s32 $0x1, v55;
	v18 =	vadd.f32 v0, v0;
	v15 =	vsub.f32 $1.000000000e+00, v5  }
0x30b: {  	v26 =	vsub.f32 v11, v26;
	v63 =	vadd.f32 v4, v4;
	v20 =	vcvt.f32.s32 v20  }
0x30c: {  	v7 =	vcvt.s32.f32 v7;
	v31 =	vmul.f32 v17, v15;
	v8 =	vsub.f32 v8, v18;
	v24 =	vld.idx.msk [tilespmem:v55+s23+$0x0], $0xffff  }
0x30d: {  	v18 =	vsub.f32 v10, v21;
	v21 =	vmul.f32 $1.280000000e+02, v59;
	v26 =	vmul.f32 $1.280000000e+02, v26;
	v28 =	vld.idx.msk [tilespmem:v28+s23+$0x0], $0xffff  }
0x30e: {  	v20 =	vcvt.s32.f32 v20;
	v7 =	vadd.f32 v7, v7;
	v14 =	vld.idx.msk [tilespmem:v19+s23+$0x0], $0xffff;
	v19 =	vsub.f32 v1, v30  }
0x30f: {  	v8 =	vmul.f32 $1.280000000e+02, v8;
	v18 =	vmul.f32 $1.280000000e+02, v18;
	v0 =	vld.idx.msk [tilespmem:v23+s23+$0x0], $0xffff;
	v23 =	vsub.f32 $1.000000000e+00, v17  }
0x310: {  	v20 =	vadd.f32 v20, v20;
	v22 =	vsub.f32 v22, v7;
	v19 =	vmul.f32 $1.280000000e+02, v19  }
0x311: {  	v18 =	vadd.f32 $5.000000000e-01, v18;
	v30 =	vmul.f32 v23, v15;
	v2 =	vmul.f32 v23, v5  }
0x312: {  	v15 =	vmul.f32 v17, v5;
	v20 =	vsub.f32 v27, v20;
	v22 =	vmul.f32 $1.280000000e+02, v22  }
0x313: {  	v1 =	vshll.u32 v24, $0x10;
	v19 =	vadd.f32 $5.000000000e-01, v19;
	v6 =	vtrunc.f32 v18  }
0x314: {  	v23 =	vshll.u32 v28, $0x10;
	v60 =	vmul.f32 v1, v30;
	v17 =	vshll.u32 v14, $0x10  }
0x315: {  	v24 =	vmul.f32 v24, v30;
	v30 =	vadd.f32 $5.000000000e-01, v26;
	v20 =	vmul.f32 $1.280000000e+02, v20  }
0x316: {  	s30 =	sadd.s32 $0x60, s30;
	v7 =	vadd.f32 $5.000000000e-01, v22;
	v9 =	vmul.f32 v23, v31;
	v23 =	vcvt.s32.f32 v29  }
0x317: {  	[tilespmem:$0x1FEE0] =	vst v0;
	v29 =	vshll.u32 v0, $0x10;
	v0 =	vld [tilespmem:s30+$0xFFFFBFB0];
	v17 =	vmul.f32 v17, v15;
	v26 =	vtrunc.f32 v19  }
0x318: {  	v62 =	vmul.f32 v29, v2;
	v20 =	vadd.f32 $5.000000000e-01, v20;
	v22 =	vtrunc.f32 v30  }
0x319: {  	v26 =	vcvt.f32.s32 v26;
	v56 =	vtrunc.f32 v7;
	v61 =	vadd.f32 v60, v9  }
0x31a: {  	v27 =	vadd.f32 $5.000000000e-01, v21;
	v22 =	vcvt.f32.s32 v22;
	v37 =	vcvt.f32.s32 v56  }
0x31b: {  	v29 =	vld [tilespmem:s30+$0xFFFFC000];
	v52 =	vmul.u32 $0x102, v26;
	v57 =	vtrunc.f32 v20;
	v5 =	vadd.f32 v61, v62  }
0x31c: {  	v26 =	vcvt.s32.f32 v26;
	v59 =	vmul.u32 $0x102, v22;
	v38 =	vcvt.f32.s32 v57;
	[tilespmem:$0x1FF10] =	vst v0;
	v0 =	vld [tilespmem:s30+$0xFFFFFFB0]  }
0x31d: {  	v49 =	vcvt.s32.f32 v22;
	v5 =	vadd.f32 v5, v17;
	v17 =	vadd.f32 v23, v23  }
0x31e: {  	v22 =	vsub.f32 v19, v26;
	v23 =	vadd.f32 v3, v3;
	v40 =	vadd.s32 v38, v59  }
0x31f: {  	v38 =	vcvt.s32.f32 v38;
	v30 =	vsub.f32 v30, v49;
	v17 =	vsub.f32 v25, v17  }
0x320: {  	v23 =	vsub.f32 v12, v23;
	v25 =	vmul.f32 v28, v31;
	v28 =	vsub.f32 v13, v63  }
0x321: {  	v5 =	vadd.f32 v5, v29;
	v29 =	vadd.f32 $5.000000000e-01, v8;
	[tilespmem:$0x1FED0] =	vst v0;
	v0 =	vld [tilespmem:s30+$0xFFFFFFC0];
	v17 =	vmul.f32 $1.280000000e+02, v17  }
0x322: {  	v56 =	vsub.f32 $1.000000000e+00, v30;
	v23 =	vmul.f32 $1.280000000e+02, v23;
	v8 =	vmul.f32 $1.280000000e+02, v28  }
0x323: {  	[tilespmem:s30+$0xFFFFC000] =	vst v5;
	v28 =	vtrunc.f32 v27;
	v5 =	vtrunc.f32 v29;
	v1 =	vadd.f32 v24, v25  }
0x324: {  	v25 =	vcvt.f32.s32 v6;
	v28 =	vcvt.f32.s32 v28;
	v17 =	vadd.f32 $5.000000000e-01, v17  }
0x325: {  	v24 =	vcvt.f32.s32 v5;
	v23 =	vadd.f32 $5.000000000e-01, v23;
	v31 =	vadd.f32 $5.000000000e-01, v8  }
0x326: {  	v58 =	vmul.u32 $0x102, v25;
	v62 =	vcvt.s32.f32 v25;
	v54 =	vmul.u32 $0x102, v28;
	[tilespmem:$0x1FEC0] =	vst v0;
	v0 =	vld [tilespmem:s30+$0xFFFFFFD0]  }
0x327: {  	v21 =	vld [tilespmem:s30+$0x0];
	[tilespmem:s20+$0x0] =	vst v16;
	v16 =	vmul.u32 $0x102, v24;
	v28 =	vcvt.s32.f32 v28;
	v53 =	vtrunc.f32 v23  }
0x328: {  	v61 =	vcvt.s32.f32 v24;
	v39 =	vadd.s32 v37, v58;
	v33 =	vcvt.f32.s32 v53  }
0x329: {  	v55 =	vtrunc.f32 v31;
	v37 =	vcvt.s32.f32 v37;
	v48 =	vadd.s32 $0x102, v39  }
0x32a: {  	v36 =	vcvt.f32.s32 v55;
	v24 =	vsub.f32 v27, v28;
	v35 =	vadd.s32 v33, v54  }
0x32b: {  	v26 =	vsub.f32 v29, v61;
	v28 =	vsub.f32 v18, v62;
	v18 =	vadd.s32 $0x1, v39;
	[tilespmem:$0x1FF50] =	vst v0;
	v0 =	vld [tilespmem:s30+$0xFFFFFFE0]  }
0x32c: {  	v51 =	vld.idx.msk [tilespmem:v40+s23+$0x0], $0xffff;
	v29 =	vsub.f32 v20, v38;
	v38 =	vadd.s32 $0x1, v40;
	v16 =	vadd.s32 v36, v16  }
0x32d: {  	v27 =	vsub.f32 v7, v37;
	v37 =	vsub.f32 $1.000000000e+00, v22;
	v60 =	vadd.s32 $0x102, v35;
	v46 =	vld.idx.msk [tilespmem:v39+s23+$0x0], $0xffff  }
0x32e: {  	v36 =	vcvt.s32.f32 v36;
	v49 =	vsub.f32 $1.000000000e+00, v26;
	v45 =	vadd.s32 $0x102, v16;
	v34 =	vld.idx.msk [tilespmem:v48+s23+$0x0], $0xffff  }
0x32f: {  	v33 =	vcvt.s32.f32 v33;
	v54 =	vsub.f32 $1.000000000e+00, v28;
	v7 =	vsub.f32 $1.000000000e+00, v29;
	v47 =	vld.idx.msk [tilespmem:v35+s23+$0x0], $0xffff  }
0x330: {  	v6 =	vsub.f32 $1.000000000e+00, v27;
	v25 =	vsub.f32 v31, v36;
	v39 =	vadd.s32 $0x103, v39;
	[tilespmem:$0x1FF40] =	vst v0;
	v0 =	vld [tilespmem:s30+$0xFFFFFFF0]  }
0x331: {  	v63 =	vadd.s32 $0x1, v35;
	v23 =	vsub.f32 v23, v33;
	v31 =	vadd.s32 $0x1, v16;
	v50 =	vld.idx.msk [tilespmem:v16+s23+$0x0], $0xffff  }
0x332: {  	[tilespmem:$0x1FEF0] =	vst v2;
	v55 =	vmul.f32 v30, v7;
	v2 =	vmul.f32 v54, v6;
	v5 =	vsub.f32 $1.000000000e+00, v25;
	v42 =	vld.idx.msk [tilespmem:v60+s23+$0x0], $0xffff  }
0x333: {  	v53 =	vmul.f32 v28, v6;
	v4 =	vsub.f32 $1.000000000e+00, v23;
	v36 =	vld.idx.msk [tilespmem:v45+s23+$0x0], $0xffff;
	v45 =	vsub.f32 $1.000000000e+00, v24  }
0x334: {  	v6 =	vshll.u32 v51, $0x10;
	v60 =	vld.idx.msk [tilespmem:v18+s23+$0x0], $0xffff;
	v62 =	vmul.f32 v49, v5;
	v48 =	vmul.f32 v26, v5  }
0x335: {  	v18 =	vld.idx.msk [tilespmem:v39+s23+$0x0], $0xffff;
	v39 =	vshll.u32 v46, $0x10;
	v59 =	vmul.f32 v45, v4;
	[tilespmem:$0x1FF20] =	vst v0;
	v0 =	vmovc v21;
	v21 =	vtrunc.f32 v17  }
0x336: {  	v35 =	vadd.s32 $0x103, v35;
	v39 =	vmul.f32 v39, v2;
	v21 =	vcvt.f32.s32 v21  }
0x337: {  	v33 =	vld.idx.msk [tilespmem:v63+s23+$0x0], $0xffff;
	v2 =	vmul.f32 v46, v2;
	v3 =	vshll.u32 v47, $0x10;
	v5 =	vshll.u32 v50, $0x10  }
0x338: {  	v31 =	vld.idx.msk [tilespmem:v31+s23+$0x0], $0xffff;
	v61 =	vshll.u32 v42, $0x10;
	v63 =	vshll.u32 v36, $0x10;
	v32 =	vadd.s32 v21, v52  }
0x339: {  	v3 =	vmul.f32 v3, v59;
	v21 =	vcvt.s32.f32 v21;
	v41 =	vadd.s32 $0x102, v32  }
0x33a: {  	v5 =	vmul.f32 v5, v62;
	[tilespmem:$0x1FF30] =	vst v0;
	v0 =	vmul.f32 v56, v7;
	v19 =	vadd.s32 $0x1, v32  }
0x33b: {  	v36 =	vmul.f32 v36, v48;
	v21 =	vsub.f32 v17, v21;
	v17 =	vadd.s32 $0x102, v40  }
0x33c: {  	v38 =	vld.idx.msk [tilespmem:v38+s23+$0x0], $0xffff;
	v8 =	vshll.u32 v33, $0x10;
	v63 =	vmul.f32 v63, v48;
	v6 =	vmul.f32 v6, v0  }
0x33d: {  	v9 =	vshll.u32 v31, $0x10;
	v0 =	vmul.f32 v51, v0;
	v51 =	vmul.f32 v45, v23;
	v44 =	vld.idx.msk [tilespmem:v32+s23+$0x0], $0xffff  }
0x33e: {  	v48 =	vmul.f32 v50, v62;
	v62 =	vmul.f32 v54, v27;
	v5 =	vadd.f32 v5, v63;
	v41 =	vld.idx.msk [tilespmem:v41+s23+$0x0], $0xffff  }
0x33f: {  	v63 =	vmul.f32 v47, v59;
	v8 =	vmul.f32 v8, v51;
	v20 =	vsub.f32 $1.000000000e+00, v21;
	v52 =	vld.idx.msk [tilespmem:v19+s23+$0x0], $0xffff  }
0x340: {  	v50 =	vmul.f32 v37, v21;
	v43 =	vld.idx.msk [tilespmem:v17+s23+$0x0], $0xffff;
	v17 =	vadd.s32 $0x103, v32;
	v32 =	vmul.f32 v24, v4  }
0x341: {  	v19 =	vadd.s32 $0x103, v16;
	v57 =	vmul.f32 v37, v20;
	v58 =	vmul.f32 v22, v20  }
0x342: {  	v20 =	vadd.s32 $0x103, v40;
	v61 =	vmul.f32 v61, v32;
	v32 =	vmul.f32 v42, v32  }
0x343: {  	[tilespmem:$0x1FF00] =	vst v1;
	v42 =	vshll.u32 v38, $0x10;
	v1 =	vshll.u32 v44, $0x10;
	v40 =	vshll.u32 v41, $0x10  }
0x344: {  	v7 =	vshll.u32 v52, $0x10;
	v1 =	vmul.f32 v1, v57;
	v41 =	vmul.f32 v41, v58  }
0x345: {  	v3 =	vadd.f32 v3, v61;
	v61 =	vmul.f32 v44, v57;
	v44 =	vadd.f32 v48, v36;
	v16 =	vld.idx.msk [tilespmem:v17+s23+$0x0], $0xffff  }
0x346: {  	v57 =	vmul.f32 v33, v51;
	v17 =	vld.idx.msk [tilespmem:v35+s23+$0x0], $0xffff;
	v35 =	vshll.u32 v34, $0x10;
	v40 =	vmul.f32 v40, v58  }
0x347: {  	v11 =	vld [tilespmem:s30+$0xFFFFBFD0];
	v4 =	vshll.u32 v43, $0x10;
	v34 =	vmul.f32 v34, v53;
	v43 =	vmul.f32 v43, v55  }
0x348: {  	v10 =	vld [tilespmem:s30+$0xFFFFBFC0];
	v58 =	vshll.u32 v60, $0x10;
	v7 =	vmul.f32 v7, v50;
	v35 =	vmul.f32 v35, v53  }
0x349: {  	v19 =	vld.idx.msk [tilespmem:v19+s23+$0x0], $0xffff;
	v4 =	vmul.f32 v4, v55;
	v33 =	vadd.f32 v3, v8;
	v1 =	vadd.f32 v1, v40  }
0x34a: {  	v12 =	vld [tilespmem:s30+$0xFFFFBFE0];
	v40 =	vadd.f32 v61, v41;
	v41 =	vadd.f32 v63, v32;
	v61 =	vmul.f32 v49, v25  }
0x34b: {  	v20 =	vld.idx.msk [tilespmem:v20+s23+$0x0], $0xffff;
	v2 =	vadd.f32 v2, v34;
	v63 =	vmul.f32 v56, v29;
	v0 =	vadd.f32 v0, v43  }
0x34c: {  	v54 =	vmovc v15;
	v15 =	vld [tilespmem:$0x1FEF0];
	v43 =	vmul.f32 v58, v62;
	v62 =	vmul.f32 v60, v62;
	v39 =	vadd.f32 v39, v35  }
0x34d: {  	v53 =	vmovc v14;
	v14 =	vld [tilespmem:$0x1FEE0];
	v4 =	vadd.f32 v6, v4;
	v6 =	vmul.f32 v52, v50;
	v9 =	vmul.f32 v9, v61  }
0x34e: {  	v13 =	vld [tilespmem:s30+$0xFFFFBFF0];
	v42 =	vmul.f32 v42, v63;
	v58 =	vshll.u32 v19, $0x10;
	v59 =	vmul.f32 v31, v61  }
0x34f: {  	v46 =	vld [tilespmem:$0x1FF40];
	v61 =	vshll.u32 v18, $0x10;
	v63 =	vmul.f32 v38, v63;
	v31 =	vmul.f32 v22, v21  }
0x350: {  	s24 =	sadd.s32 $0x6, s24;
	v55 =	vld [tilespmem:$0x1FEC0];
	v37 =	vshll.u32 v20, $0x10;
	v32 =	vadd.f32 v1, v7;
	v22 =	vmul.f32 v24, v23  }
0x351: {  	p1 =	slt.u32 s24, $0x78;
	v56 =	vld [tilespmem:$0x1FED0];
	v21 =	vmul.f32 v26, v25;
	v26 =	vadd.f32 v41, v57;
	v36 =	vshll.u32 v16, $0x10  }
.Ltmp12:
0x352: {  	v1 =	vld [tilespmem:$0x1FF00];
	v45 =	vshll.u32 v17, $0x10;
	v25 =	vadd.f32 v40, v6;
	v34 =	vmul.f32 v14, v15;
	(pc) =	sbr.rel @p1 .LBB2_24-.Ltmp12, $4  }
0x353: {  	v15 =	vmul.f32 v28, v27;
	v14 =	vmul.f32 v30, v29;
	v30 =	vadd.f32 v5, v9;
	v9 =	vld [tilespmem:$0x1FF10]  }
0x354: {  	v35 =	vmul.f32 v36, v31;
	v28 =	vadd.f32 v39, v43;
	v43 =	vld [tilespmem:$0x1FF20];
	v36 =	vmul.f32 v45, v22  }
0x355: {  	v29 =	vadd.f32 v4, v42;
	v42 =	vld [tilespmem:$0x1FF30];
	v38 =	vmul.f32 v58, v21;
	v24 =	vadd.f32 v44, v59  }
0x356: {  	s26 =	sadd.s32 $0x60, s26;
	s20 =	smov.u32 s30;
	v44 =	vld [tilespmem:$0x1FF50];
	v27 =	vadd.f32 v2, v62;
	v23 =	vadd.f32 v0, v63;
	v39 =	vmul.f32 v61, v15  }
0x357: {  	v0 =	vadd.f32 v32, v35  }
0x358: {  	v1 =	vadd.f32 v1, v34;
	v2 =	vadd.f32 v33, v36  }
0x359: {  	v3 =	vmul.f32 v37, v14;
	v4 =	vadd.f32 v30, v38;
	v0 =	vadd.f32 v0, v9  }
0x35a: {  	v5 =	vmul.f32 v16, v31;
	v6 =	vadd.f32 v28, v39;
	v2 =	vadd.f32 v2, v10  }
0x35b: {  	v7 =	vmul.f32 v17, v22;
	v3 =	vadd.f32 v29, v3;
	v4 =	vadd.f32 v4, v11;
	[tilespmem:s30+$0xFFFFBFB0] =	vst v0  }
0x35c: {  	v60 =	vmul.f32 v53, v54;
	v5 =	vadd.f32 v25, v5;
	v57 =	vadd.f32 v6, v12;
	[tilespmem:s30+$0xFFFFBFC0] =	vst v2  }
0x35d: {  	v58 =	vmul.f32 v18, v15;
	v7 =	vadd.f32 v26, v7;
	v3 =	vadd.f32 v3, v13;
	[tilespmem:s30+$0xFFFFBFD0] =	vst v4  }
0x35e: {  	v52 =	vmul.f32 v19, v21;
	v1 =	vadd.f32 v1, v60;
	v5 =	vadd.f32 v5, v56;
	[tilespmem:s30+$0xFFFFBFE0] =	vst v57  }
0x35f: {  	v59 =	vmul.f32 v20, v14;
	v6 =	vadd.f32 v27, v58;
	v61 =	vadd.f32 v7, v55;
	[tilespmem:s30+$0xFFFFBFF0] =	vst v3  }
0x360: {  	v0 =	vadd.f32 v24, v52;
	v1 =	vadd.f32 v1, v42;
	[tilespmem:s30+$0xFFFFFFB0] =	vst v5  }
0x361: {  	v4 =	vadd.f32 v23, v59;
	v62 =	vadd.f32 v6, v46;
	[tilespmem:s30+$0xFFFFFFC0] =	vst v61  }
0x362: {  	v0 =	vadd.f32 v0, v44;
	[tilespmem:s20+$0x0] =	vst v1  }
0x363: {  	v63 =	vadd.f32 v4, v43;
	[tilespmem:s30+$0xFFFFFFE0] =	vst v62  }
0x364: {  	[tilespmem:s30+$0xFFFFFFD0] =	vst v0  }
0x365: {  	[tilespmem:s30+$0xFFFFFFF0] =	vst v63  }
.LBB2_26:
0x366: {  	s20 =	sshra.s32 s23, $0x2  }
0x367: {  	s24 =	sadd.s32 s20, s5;
	v1 =	vld [tilespmem:s20+$0x193E8]  }
0x368: {  	v0 =	vld [tilespmem:s24+$0x0]  }
0x369: {  	v3 =	vld [tilespmem:s20+$0x18BE8]  }
0x36a: {  	v2 =	vld [tilespmem:s24+$0xFFFFF800];
	_ =	sdelay $0x2  }
0x36b: {  	v0 =	vsub.f32 v0, v1;
	_ =	sdelay $0x1  }
0x36c: {  	v51 =	vsub.f32 v2, v3;
	v52 =	vmul.f32 $5.000000000e-01, v0;
	_ =	sdelay $0x1  }
0x36d: {  	v3 =	vmul.f32 $5.000000000e-01, v51;
	v2 =	vtrunc.f32 v52  }
0x36e: {  	v2 =	vcvt.f32.s32 v2  }
0x36f: {  	v3 =	vtrunc.f32 v3  }
0x370: {  	v3 =	vcvt.f32.s32 v3;
	v2 =	vcvt.s32.f32 v2;
	_ =	sdelay $0x1  }
0x371: {  	v3 =	vcvt.s32.f32 v3;
	v2 =	vadd.f32 v2, v2;
	_ =	sdelay $0x1  }
0x372: {  	v3 =	vadd.f32 v3, v3;
	v0 =	vsub.f32 v0, v2;
	_ =	sdelay $0x1  }
0x373: {  	v1 =	vsub.f32 v51, v3;
	v0 =	vmul.f32 $1.280000000e+02, v0;
	_ =	sdelay $0x1  }
0x374: {  	v1 =	vmul.f32 $1.280000000e+02, v1;
	v0 =	vadd.f32 $5.000000000e-01, v0;
	_ =	sdelay $0x1  }
0x375: {  	v1 =	vadd.f32 $5.000000000e-01, v1;
	v53 =	vtrunc.f32 v0  }
0x376: {  	v2 =	vcvt.f32.s32 v53  }
0x377: {  	v54 =	vtrunc.f32 v1  }
0x378: {  	v3 =	vcvt.f32.s32 v54;
	v4 =	vmul.u32 $0x102, v2;
	_ =	sdelay $0x1  }
0x379: {  	v4 =	vadd.s32 v3, v4  }
0x37a: {  	v5 =	vadd.s32 $0x102, v4;
	_ =	sdelay $0x1  }
0x37b: {  	v2 =	vcvt.s32.f32 v2;
	v3 =	vcvt.s32.f32 v3;
	v6 =	vadd.s32 $0x1, v4  }
0x37c: {  	v7 =	vadd.s32 $0x103, v4  }
0x37d: {  	v0 =	vsub.f32 v0, v2;
	v1 =	vsub.f32 v1, v3;
	v4 =	vld.idx.msk [tilespmem:v4+s0+$0x0], $0xffff  }
0x37e: {  	v55 =	vld.idx.msk [tilespmem:v5+s0+$0x0], $0xffff  }
0x37f: {  	v56 =	vsub.f32 $1.000000000e+00, v0;
	v3 =	vsub.f32 $1.000000000e+00, v1  }
0x380: {  	v6 =	vld.idx.msk [tilespmem:v6+s0+$0x0], $0xffff  }
0x381: {  	v8 =	vmul.f32 v56, v3;
	v3 =	vmul.f32 v0, v3;
	v7 =	vld.idx.msk [tilespmem:v7+s0+$0x0], $0xffff  }
0x382: {  	v5 =	vmul.f32 v56, v1;
	v0 =	vmul.f32 v0, v1;
	v9 =	vshll.u32 v4, $0x10  }
0x383: {  	v4 =	vmul.f32 v4, v8;
	v10 =	vshll.u32 v55, $0x10;
	v2 =	vmul.f32 v55, v3  }
0x384: {  	v9 =	vmul.f32 v9, v8;
	v10 =	vmul.f32 v10, v3  }
0x385: {  	s20 =	sadd.s32 s20, s12;
	v57 =	vshll.u32 v6, $0x10;
	v60 =	vmul.f32 v6, v5;
	v2 =	vadd.f32 v4, v2  }
0x386: {  	v63 =	vld [tilespmem:s20+$0x87E0];
	v59 =	vshll.u32 v7, $0x10;
	v3 =	vmul.f32 v57, v5;
	v58 =	vadd.f32 v9, v10  }
0x387: {  	v61 =	vld [tilespmem:s20+$0x47E0];
	v62 =	vmul.f32 v59, v0;
	v0 =	vmul.f32 v7, v0;
	v2 =	vadd.f32 v2, v60  }
0x388: {  	v1 =	vadd.f32 v58, v3  }
0x389: {  	p1 =	seq.s32 s23, $0x40;
	v0 =	vadd.f32 v2, v0  }
.Ltmp13:
0x38a: {  	v1 =	vadd.f32 v1, v62;
	(pc) =	sbr.rel @!p1 .LBB2_26-.Ltmp13, $4  }
0x38b: {  	v0 =	vadd.f32 v0, v63  }
0x38c: {  	v1 =	vadd.f32 v1, v61  }
0x38d: {  	[tilespmem:s20+$0x87E0] =	vst v0  }
0x38e: {  	s23 =	sadd.s32 $0x40, s23;
	[tilespmem:s20+$0x47E0] =	vst v1  }
0x38f: {  	p1 =	sgt.u32 s6, $0x6  }
.Ltmp14:
0x390: {  	_ = 	snop;
	(pc) =	sbr.rel @!p1 .LBB2_23-.Ltmp14, $4  }
.Ltmp15:
0x391: {  	_ = 	snop;
	(pc) =	sbr.rel @p1 .LBB2_8-.Ltmp15, $4  }
0x392: {  	_ = 	snop  }
0x393: {  	_ = 	snop  }
0x394: {  	s13 =	sadd.s32 $0x800, s13;
	p0 =	por !p0, !p0;
	s12 =	sadd.s32 $0x800, s12  }
0x395: {  	_ = 	snop  }
.LBB2_9:
0x396: {  	s8 =	simm.s32 $0x0;
	s5 =	rddreg [dreg:$0xf];
	s28 =	simm.s32 $0x10408  }
0x397: {  	[hbm4b:s5+s8] =	stream.linear.scatter [tilespmem:s28], [sflag:$0x2], $0x800, $0x38;
	[tilespmem:$0x1E408] =	vst v63  }
0x398: {  	s7 =	rddreg [dreg:$0x10];
	s6 =	simm.s32 $0x10C08  }
0x399: {  	[hbm4b:s7+s8] =	stream.linear.scatter [tilespmem:s6], [sflag:$0x2], $0x800, $0x38;
	[tilespmem:$0x1E408] =	vst v63  }
0x39a: {  	s9 =	rddreg [dreg:$0x11];
	s10 =	simm.s32 $0x11408  }
0x39b: {  	[hbm4b:s9+s8] =	stream.linear.scatter [tilespmem:s10], [sflag:$0x2], $0x800, $0x38;
	[tilespmem:$0x1E408] =	vst v63  }
0x39c: {  	s12 =	rddreg [dreg:$0x12];
	s13 =	simm.s32 $0x11C08  }
0x39d: {  	[hbm4b:s12+s8] =	stream.linear.scatter [tilespmem:s13], [sflag:$0x2], $0x800, $0x38;
	[tilespmem:$0x1E408] =	vst v63  }
0x39e: {  	s20 =	rddreg [dreg:$0x13];
	s23 =	simm.s32 $0x12408  }
0x39f: {  	[hbm4b:s20+s8] =	stream.linear.scatter [tilespmem:s23], [sflag:$0x2], $0x800, $0x38;
	[tilespmem:$0x1E408] =	vst v63  }
0x3a0: {  	s24 =	rddreg [dreg:$0x14];
	s26 =	simm.s32 $0x12C08  }
0x3a1: {  	[hbm4b:s24+s8] =	stream.linear.scatter [tilespmem:s26], [sflag:$0x2], $0x800, $0x38;
	[tilespmem:$0x1E408] =	vst v63  }
0x3a2: {  	s6 =	rddreg [dreg:$0x15];
	s7 =	simm.s32 $0x13408  }
0x3a3: {  	[hbm4b:s6+s8] =	stream.linear.scatter [tilespmem:s7], [sflag:$0x2], $0x800, $0x38;
	[tilespmem:$0x1E408] =	vst v63  }
0x3a4: {  	s9 =	rddreg [dreg:$0x16];
	s10 =	simm.s32 $0x13C08  }
0x3a5: {  	[hbm4b:s9+s8] =	stream.linear.scatter [tilespmem:s10], [sflag:$0x2], $0x800, $0x38;
	[tilespmem:$0x1E408] =	vst v63  }
0x3a6: {  	s12 =	rddreg [dreg:$0x17];
	s13 =	simm.s32 $0x14408  }
0x3a7: {  	[hbm4b:s12+s8] =	stream.linear.scatter [tilespmem:s13], [sflag:$0x2], $0x800, $0x38;
	[tilespmem:$0x1E408] =	vst v63  }
0x3a8: {  	s20 =	rddreg [dreg:$0x18];
	s23 =	simm.s32 $0x14C08  }
0x3a9: {  	[hbm4b:s20+s8] =	stream.linear.scatter [tilespmem:s23], [sflag:$0x2], $0x800, $0x38;
	[tilespmem:$0x1E408] =	vst v63  }
0x3aa: {  	s24 =	rddreg [dreg:$0x19];
	s26 =	simm.s32 $0x15408  }
0x3ab: {  	[hbm4b:s24+s8] =	stream.linear.scatter [tilespmem:s26], [sflag:$0x2], $0x800, $0x38;
	[tilespmem:$0x1E408] =	vst v63  }
0x3ac: {  	s6 =	rddreg [dreg:$0x1a];
	s7 =	simm.s32 $0x15C08  }
0x3ad: {  	[hbm4b:s6+s8] =	stream.linear.scatter [tilespmem:s7], [sflag:$0x2], $0x800, $0x38;
	[tilespmem:$0x1E408] =	vst v63  }
0x3ae: {  	s9 =	rddreg [dreg:$0x1b];
	s10 =	simm.s32 $0x16408  }
0x3af: {  	[hbm4b:s9+s8] =	stream.linear.scatter [tilespmem:s10], [sflag:$0x2], $0x800, $0x38;
	[tilespmem:$0x1E408] =	vst v63  }
0x3b0: {  	s12 =	rddreg [dreg:$0x1c];
	s13 =	simm.s32 $0x16C08  }
0x3b1: {  	[hbm4b:s12+s8] =	stream.linear.scatter [tilespmem:s13], [sflag:$0x2], $0x800, $0x38;
	[tilespmem:$0x1E408] =	vst v63  }
0x3b2: {  	s20 =	rddreg [dreg:$0x1d];
	s23 =	simm.s32 $0x17408  }
0x3b3: {  	[hbm4b:s20+s8] =	stream.linear.scatter [tilespmem:s23], [sflag:$0x2], $0x800, $0x38;
	[tilespmem:$0x1E408] =	vst v63  }
0x3b4: {  	s24 =	rddreg [dreg:$0x1e];
	s26 =	simm.s32 $0x17C08  }
0x3b5: {  	[hbm4b:s24+s8] =	stream.linear.scatter [tilespmem:s26], [sflag:$0x2], $0x800, $0x38;
	[tilespmem:$0x1E408] =	vst v63  }
0x3b6: {  	_ =	swait.ge [sflag:s14], $0x800  }
0x3b7: {  	[sflag:s14] =	ssyncset.done $0x0  }
0x3b8: {  	[sflag:s14] =	ssyncadd.s32 $0xFFFFF800  }
0x3b9: {  	_ =	swait.ge [sflag:s14], $0x800  }
0x3ba: {  	[sflag:s14] =	ssyncset.done $0x0  }
0x3bb: {  	[sflag:s14] =	ssyncadd.s32 $0xFFFFF800  }
0x3bc: {  	_ =	swait.ge [sflag:s14], $0x800  }
0x3bd: {  	[sflag:s14] =	ssyncset.done $0x0  }
0x3be: {  	[sflag:s14] =	ssyncadd.s32 $0xFFFFF800  }
0x3bf: {  	_ =	swait.ge [sflag:s14], $0x800  }
0x3c0: {  	[sflag:s14] =	ssyncset.done $0x0  }
0x3c1: {  	[sflag:s14] =	ssyncadd.s32 $0xFFFFF800  }
0x3c2: {  	_ =	swait.ge [sflag:s14], $0x800  }
0x3c3: {  	[sflag:s14] =	ssyncset.done $0x0  }
0x3c4: {  	[sflag:s14] =	ssyncadd.s32 $0xFFFFF800  }
0x3c5: {  	_ =	swait.ge [sflag:s14], $0x800  }
0x3c6: {  	[sflag:s14] =	ssyncset.done $0x0  }
0x3c7: {  	[sflag:s14] =	ssyncadd.s32 $0xFFFFF800  }
0x3c8: {  	_ =	swait.ge [sflag:s14], $0x800  }
0x3c9: {  	[sflag:s14] =	ssyncset.done $0x0  }
0x3ca: {  	[sflag:s14] =	ssyncadd.s32 $0xFFFFF800  }
0x3cb: {  	_ =	swait.ge [sflag:s14], $0x800  }
0x3cc: {  	[sflag:s14] =	ssyncset.done $0x0  }
0x3cd: {  	[sflag:s14] =	ssyncadd.s32 $0xFFFFF800  }
0x3ce: {  	_ =	swait.ge [sflag:s14], $0x800  }
0x3cf: {  	[sflag:s14] =	ssyncset.done $0x0  }
0x3d0: {  	[sflag:s14] =	ssyncadd.s32 $0xFFFFF800  }
0x3d1: {  	_ =	swait.ge [sflag:s14], $0x800  }
0x3d2: {  	[sflag:s14] =	ssyncset.done $0x0  }
0x3d3: {  	[sflag:s14] =	ssyncadd.s32 $0xFFFFF800  }
0x3d4: {  	_ =	swait.ge [sflag:s14], $0x800  }
0x3d5: {  	[sflag:s14] =	ssyncset.done $0x0  }
0x3d6: {  	[sflag:s14] =	ssyncadd.s32 $0xFFFFF800  }
0x3d7: {  	_ =	swait.ge [sflag:s14], $0x800  }
0x3d8: {  	[sflag:s14] =	ssyncset.done $0x0  }
0x3d9: {  	[sflag:s14] =	ssyncadd.s32 $0xFFFFF800  }
0x3da: {  	_ =	swait.ge [sflag:s14], $0x800  }
0x3db: {  	[sflag:s14] =	ssyncset.done $0x0  }
0x3dc: {  	[sflag:s14] =	ssyncadd.s32 $0xFFFFF800  }
0x3dd: {  	_ =	swait.ge [sflag:s14], $0x800  }
0x3de: {  	[sflag:s14] =	ssyncset.done $0x0  }
0x3df: {  	[sflag:s14] =	ssyncadd.s32 $0xFFFFF800  }
0x3e0: {  	_ =	swait.ge [sflag:s14], $0x800  }
.Ltmp16:
0x3e1: {  	[sflag:s14] =	ssyncset.done $0x0;
	(pc) =	sbr.rel .LBB2_10-.Ltmp16, $4  }
0x3e2: {  	[sflag:s14] =	ssyncadd.s32 $0xFFFFF800  }
0x3e3: {  	_ =	swait.ge [sflag:s14], $0x800  }
0x3e4: {  	s30 =	simm.s32 $0x19408;
	[sflag:s14] =	ssyncset.done $0x0  }
0x3e5: {  	s9 =	simm.s32 $0x18448;
	s26 =	sld [smem:$0x7FD];
	[sflag:s14] =	ssyncadd.s32 $0xFFFFF800  }
.LBB2_11:
0x3e6: {  	_ =	swait.ge [sflag:s4], $0x10404  }
0x3e7: {  	[sflag:s4] =	ssyncset.done $0x0  }
0x3e8: {  	[sflag:s4] =	ssyncadd.s32 $0xFFFEFBFC  }
.LBB2_12:
0x3e9: {  	s8 =	sadd.s32 $0x1, s8  }
0x3ea: {  	p0 =	sne.s32 s8, $0x8  }
.Ltmp17:
0x3eb: {  	_ = 	snop;
	(pc) =	sbr.rel @!p0 .LBB2_13-.Ltmp17, $2  }
0x3ec: {  	_ =	sdelay $0x2  }
0x3ed: {  	s9 =	sadd.s32 $0xFFFFF000, s9  }
.LBB2_10:
0x3ee: {  	s5 =	sxor.u32 $0x7, s8  }
0x3ef: {  	s6 =	sor.u32 s16, s5  }
0x3f0: {  	s7 =	smul.u32 $0x2081, s6;
	_ =	sdelay $0x1  }
0x3f1: {  	s24 =	sshll.u32 s6, $0x11;
	s7 =	sadd.s32 s26, s7  }
0x3f2: {  	[tilespmem:s0], [sflag:$0x1] =	stream.linear.gather [hbm4b:s7+s0], $0x10404, $0x38;
	[tilespmem:$0x1E408] =	vst v63  }
0x3f3: {  	s7 =	sor.u32 s2, s24  }
0x3f4: {  	s7 =	sshrl.u32 s7, $0x3  }
0x3f5: {  	s10 =	sadd.s32 s18, s7  }
0x3f6: {  	[tilespmem:s31], [sflag:$0x3] =	stream.linear.gather [hbm4b:s10+s0], $0x1000, $0x38;
	[tilespmem:$0x1E408] =	vst v63  }
0x3f7: {  	_ =	swait.ge [sflag:s1], $0x1000  }
0x3f8: {  	p0 =	sne.s32 s8, $0x0;
	[sflag:s1] =	ssyncset.done $0x0  }
0x3f9: {  	s6 =	smul.u32 $0x30000, s6;
	s7 =	sadd.s32 s7, s21;
	[sflag:s1] =	ssyncadd.s32 $0xFFFFF000  }
0x3fa: {  	[tilespmem:s30], [sflag:$0x3] =	stream.linear.gather [hbm4b:s7+s0], $0x1000, $0x38;
	[tilespmem:$0x1E408] =	vst v63  }
0x3fb: {  	s5 =	sshll.u32 s5, $0xC;
	s6 =	sadd.s32 s29, s6;
	_ =	swait.ge [sflag:s1], $0x1000  }
0x3fc: {  	s5 =	sor.u32 $0x10408, s5;
	s6 =	sshrl.u32 s6, $0x3;
	[sflag:s1] =	ssyncset.done $0x0  }
.Ltmp18:
0x3fd: {  	s6 =	sadd.s32 s11, s6;
	[sflag:s1] =	ssyncadd.s32 $0xFFFFF000;
	(pc) =	sbr.rel @!p0 .LBB2_11-.Ltmp18, $4  }
0x3fe: {  	[tilespmem:s5], [sflag:$0x3] =	stream.linear.gather [hbm4b:s6+s0], $0x1000, $0x38;
	[tilespmem:$0x1E408] =	vst v63  }
0x3ff: {  	_ =	swait.ge [sflag:s1], $0x1000  }
0x400: {  	[sflag:s1] =	ssyncset.done $0x0  }
0x401: {  	[sflag:s1] =	ssyncadd.s32 $0xFFFFF000  }
0x402: {  	s5 =	ssub.s32 s16, s8  }
0x403: {  	s5 =	sshll.u32 s5, $0x11  }
0x404: {  	s5 =	sadd.s32 s25, s5  }
0x405: {  	s5 =	sshrl.u32 s5, $0x3  }
0x406: {  	s7 =	simm.s32 $0x1A408;
	s6 =	sadd.s32 s17, s5  }
0x407: {  	[tilespmem:s7], [sflag:$0x2] =	stream.linear.gather [hbm4b:s6+s0], $0x1000, $0x38;
	[tilespmem:$0x1E408] =	vst v63  }
0x408: {  	s24 =	simm.s32 $0x1B408;
	s5 =	sadd.s32 s5, s22  }
0x409: {  	[tilespmem:s24], [sflag:$0x2] =	stream.linear.gather [hbm4b:s5+s0], $0x1000, $0x38;
	[tilespmem:$0x1E408] =	vst v63  }
0x40a: {  	_ =	swait.ge [sflag:s4], $0x10404  }
0x40b: {  	p0 =	por $0x0, $0x0;
	[sflag:s4] =	ssyncset.done $0x0  }
0x40c: {  	s7 =	ssub.s32 $0x8, s8;
	s6 =	smov.u32 s9;
	[sflag:s4] =	ssyncadd.s32 $0xFFFEFBFC  }
.LBB2_29:
0x40d: {  	s5 =	simm.s32 $0x1  }
0x40e: {  	s10 =	smov.u32 s7;
	_ =	swait.ge [sflag:s14], $0x1000;
	s7 =	sadd.s32 $0x1, s7  }
0x40f: {  	s5 =	simm.s32 @!p0 $0x0;
	[sflag:s14] =	ssyncset.done $0x0;
	p1 =	seq.s32 s10, $0x7  }
0x410: {  	s13 =	sadd.s32 s8, s10;
	s5 =	sshll.u32 s5, $0xD;
	s12 =	sadd.s32 @!p1 s16, s7  }
0x411: {  	[sflag:s14] =	ssyncadd.s32 $0xFFFFF000;
	s13 =	sshll.u32 s13, $0xD;
	s12 =	sshll.u32 @!p1 s12, $0x11  }
0x412: {  	s24 =	simm.s32 @!p1 $0x0;
	_ =	swait.ge [sflag:s14], $0x1000;
	s12 =	sor.u32 @!p1 s2, s12  }
0x413: {  	s13 =	sand.u32 $0x2000, s13;
	[sflag:s14] =	ssyncset.done $0x0;
	s12 =	sshrl.u32 @!p1 s12, $0x3  }
0x414: {  	s20 =	ssub.s32 @!p1 $0x1C408, s13;
	[sflag:s14] =	ssyncadd.s32 $0xFFFFF000;
	s23 =	sadd.s32 @!p1 s17, s12  }
0x415: {  	[tilespmem:s20], [sflag:$0x2] =	stream.linear.gather @!p1 [hbm4b:s23+s24], $0x1000, $0x38;
	[tilespmem:$0x1E408] =	vst v63  }
0x416: {  	s5 =	sadd.s32 $0x1B408, s5;
	s13 =	ssub.s32 @!p1 $0x1D408, s13;
	s12 =	sadd.s32 @!p1 s12, s22  }
0x417: {  	[tilespmem:s13], [sflag:$0x2] =	stream.linear.gather @!p1 [hbm4b:s12+s24], $0x1000, $0x38;
	[tilespmem:$0x1E408] =	vst v63  }
0x418: {  	s12 =	simm.s32 $0x19408;
	v0 =	vld [tilespmem:s5+$0x70]  }
0x419: {  	v1 =	vld [tilespmem:s12+$0x70]  }
0x41a: {  	v2 =	vld [tilespmem:s5+$0xFFFFF070]  }
0x41b: {  	v3 =	vld [tilespmem:s12+$0xFFFFF070];
	_ =	sdelay $0x1  }
0x41c: {  	v4 =	vld [tilespmem:s5+$0x0]  }
0x41d: {  	v5 =	vld [tilespmem:s12+$0x0];
	v7 =	vsub.f32 v0, v1  }
0x41e: {  	v6 =	vld [tilespmem:s5+$0x10]  }
0x41f: {  	v37 =	vld [tilespmem:s12+$0x10];
	v2 =	vsub.f32 v2, v3;
	v3 =	vmul.f32 $5.000000000e-01, v7  }
0x420: {  	v38 =	vld [tilespmem:s5+$0x20]  }
0x421: {  	v8 =	vld [tilespmem:s12+$0x20];
	v9 =	vmul.f32 $5.000000000e-01, v2;
	v3 =	vtrunc.f32 v3  }
0x422: {  	v10 =	vld [tilespmem:s12+$0x30];
	v3 =	vcvt.f32.s32 v3  }
0x423: {  	v12 =	vld [tilespmem:s5+$0x40];
	v39 =	vtrunc.f32 v9  }
0x424: {  	v19 =	vld [tilespmem:s5+$0xFFFFF030];
	v13 =	vcvt.f32.s32 v39;
	v3 =	vcvt.s32.f32 v3  }
0x425: {  	v21 =	vld [tilespmem:s12+$0xFFFFF030]  }
0x426: {  	v4 =	vsub.f32 v4, v5;
	v5 =	vld [tilespmem:s5+$0x30];
	v13 =	vcvt.s32.f32 v13;
	v3 =	vadd.f32 v3, v3  }
0x427: {  	v15 =	vld [tilespmem:s12+$0x50];
	v6 =	vsub.f32 v6, v37;
	v40 =	vsub.f32 v38, v8  }
0x428: {  	v8 =	vld [tilespmem:s5+$0x50];
	v13 =	vadd.f32 v13, v13;
	v3 =	vsub.f32 v7, v3  }
0x429: {  	v11 =	vmul.f32 $5.000000000e-01, v4;
	v14 =	vmul.f32 $5.000000000e-01, v6;
	v9 =	vld [tilespmem:s12+$0x40]  }
0x42a: {  	v18 =	vld [tilespmem:s12+$0xFFFFF020];
	v19 =	vsub.f32 v19, v21;
	v2 =	vsub.f32 v2, v13;
	v3 =	vmul.f32 $1.280000000e+02, v3  }
0x42b: {  	v11 =	vtrunc.f32 v11;
	v14 =	vtrunc.f32 v14;
	v41 =	vsub.f32 v5, v10;
	v5 =	vld [tilespmem:s5+$0x60]  }
0x42c: {  	v10 =	vcvt.f32.s32 v14;
	v14 =	vld [tilespmem:s12+$0x60];
	v2 =	vmul.f32 $1.280000000e+02, v2;
	v3 =	vadd.f32 $5.000000000e-01, v3  }
0x42d: {  	v16 =	vmul.f32 $5.000000000e-01, v40;
	v11 =	vcvt.f32.s32 v11;
	v8 =	vsub.f32 v8, v15;
	v15 =	vld [tilespmem:s5+$0xFFFFF020]  }
0x42e: {  	v9 =	vsub.f32 v12, v9;
	v12 =	vld [tilespmem:s5+$0xFFFFF010];
	v2 =	vadd.f32 $5.000000000e-01, v2;
	v20 =	vtrunc.f32 v3  }
0x42f: {  	v32 =	vmul.f32 $5.000000000e-01, v19;
	v13 =	vld [tilespmem:s12+$0xFFFFF010];
	v20 =	vcvt.f32.s32 v20  }
0x430: {  	v11 =	vcvt.s32.f32 v11;
	v23 =	vtrunc.f32 v2  }
0x431: {  	v27 =	vld [tilespmem:s5+$0xFFFFF050];
	v10 =	vcvt.s32.f32 v10;
	v23 =	vcvt.f32.s32 v23;
	v25 =	vmul.u32 $0x102, v20  }
0x432: {  	v5 =	vsub.f32 v5, v14;
	v14 =	vmul.f32 $5.000000000e-01, v8;
	v15 =	vsub.f32 v15, v18;
	v18 =	vld [tilespmem:s12+$0xFFFFF050]  }
0x433: {  	v24 =	vld [tilespmem:s12+$0xFFFFF040];
	v7 =	vtrunc.f32 v16;
	v16 =	vmul.f32 $5.000000000e-01, v41;
	v25 =	vadd.s32 v23, v25  }
0x434: {  	v17 =	vmul.f32 $5.000000000e-01, v9;
	v12 =	vsub.f32 v12, v13;
	v13 =	vld [tilespmem:s5+$0xFFFFF040];
	v29 =	vadd.s32 $0x102, v25  }
0x435: {  	v7 =	vcvt.f32.s32 v7;
	v22 =	vmul.f32 $5.000000000e-01, v5  }
0x436: {  	v30 =	vld [tilespmem:s12+$0xFFFFF060];
	v20 =	vcvt.s32.f32 v20;
	v23 =	vcvt.s32.f32 v23;
	v33 =	vadd.s32 $0x1, v25  }
0x437: {  	v21 =	vld [tilespmem:s5+$0xFFFFF060];
	v14 =	vtrunc.f32 v14;
	v28 =	vmul.f32 $5.000000000e-01, v15;
	v18 =	vsub.f32 v27, v18  }
0x438: {  	v3 =	vsub.f32 v3, v20;
	v27 =	vadd.s32 $0x103, v25;
	v2 =	vsub.f32 v2, v23;
	v25 =	vld.idx.msk [tilespmem:v25+s0+$0x0], $0xffff  }
0x439: {  	v16 =	vtrunc.f32 v16;
	v17 =	vtrunc.f32 v17;
	v13 =	vsub.f32 v13, v24;
	v20 =	vld.idx.msk [tilespmem:v29+s0+$0x0], $0xffff  }
0x43a: {  	v14 =	vcvt.f32.s32 v14;
	v43 =	vsub.f32 $1.000000000e+00, v3;
	v42 =	vsub.f32 $1.000000000e+00, v2  }
0x43b: {  	v10 =	vadd.f32 v10, v10;
	v34 =	vmul.f32 $5.000000000e-01, v13;
	v23 =	vtrunc.f32 v32;
	v33 =	vld.idx.msk [tilespmem:v33+s0+$0x0], $0xffff  }
0x43c: {  	v21 =	vsub.f32 v21, v30;
	v35 =	vmul.f32 v43, v42;
	v32 =	vmul.f32 v3, v42  }
0x43d: {  	v6 =	vsub.f32 v6, v10;
	v30 =	vtrunc.f32 v34;
	v34 =	vmul.f32 v43, v2;
	v27 =	vld.idx.msk [tilespmem:v27+s0+$0x0], $0xffff  }
0x43e: {  	v25 =	vmul.f32 v25, v35;
	v20 =	vmul.f32 v20, v32  }
0x43f: {  	v6 =	vmul.f32 $1.280000000e+02, v6;
	v16 =	vcvt.f32.s32 v16  }
0x440: {  	v2 =	vmul.f32 v3, v2;
	v3 =	vmul.f32 v33, v34;
	v20 =	vadd.f32 v25, v20  }
0x441: {  	v45 =	vld [tilespmem:s6+$0x30];
	v11 =	vadd.f32 v11, v11;
	v17 =	vcvt.f32.s32 v17;
	v22 =	vtrunc.f32 v22  }
0x442: {  	v31 =	vld [tilespmem:s12+$0xFFFFF000];
	v28 =	vtrunc.f32 v28;
	v2 =	vmul.f32 v27, v2;
	v3 =	vadd.f32 v20, v3  }
0x443: {  	v4 =	vsub.f32 v4, v11;
	v22 =	vcvt.f32.s32 v22;
	v16 =	vcvt.s32.f32 v16;
	v24 =	vld [tilespmem:s5+$0xFFFFF000]  }
0x444: {  	v28 =	vcvt.f32.s32 v28;
	v14 =	vcvt.s32.f32 v14;
	v2 =	vadd.f32 v3, v2  }
0x445: {  	v51 =	vadd.f32 $5.000000000e-01, v6;
	v26 =	vmul.f32 $5.000000000e-01, v12;
	v16 =	vadd.f32 v16, v16  }
0x446: {  	v10 =	vcvt.s32.f32 v17;
	v17 =	vcvt.s32.f32 v22;
	v2 =	vadd.f32 v2, v45  }
0x447: {  	v49 =	vtrunc.f32 v51;
	v26 =	vtrunc.f32 v26;
	v1 =	vsub.f32 v41, v16  }
0x448: {  	v26 =	vcvt.f32.s32 v26;
	v24 =	vsub.f32 v24, v31;
	v29 =	vmul.f32 $5.000000000e-01, v18;
	[tilespmem:$0x1FEB0] =	vst v2  }
0x449: {  	v14 =	vadd.f32 v14, v14;
	v1 =	vmul.f32 $1.280000000e+02, v1;
	v31 =	vmul.f32 $5.000000000e-01, v21;
	v59 =	vld [tilespmem:s6+$0xFFFFFFC0]  }
0x44a: {  	v10 =	vadd.f32 v10, v10;
	v36 =	vmul.f32 $5.000000000e-01, v24;
	v29 =	vtrunc.f32 v29  }
0x44b: {  	v17 =	vadd.f32 v17, v17;
	v31 =	vtrunc.f32 v31;
	v11 =	vcvt.f32.s32 v29  }
0x44c: {  	v8 =	vsub.f32 v8, v14;
	v22 =	vcvt.s32.f32 v26;
	v27 =	vcvt.f32.s32 v31  }
0x44d: {  	v5 =	vsub.f32 v5, v17;
	v44 =	vtrunc.f32 v36;
	v11 =	vcvt.s32.f32 v11  }
0x44e: {  	v17 =	vadd.f32 $5.000000000e-01, v1;
	v25 =	vcvt.f32.s32 v44;
	v26 =	vcvt.s32.f32 v27;
	[tilespmem:$0x1FE40] =	vst v59  }
0x44f: {  	v11 =	vadd.f32 v11, v11;
	v20 =	vcvt.f32.s32 v23;
	v23 =	vcvt.f32.s32 v30;
	v1 =	vld [tilespmem:s6+$0xFFFFFFD0]  }
0x450: {  	v22 =	vadd.f32 v22, v22;
	v46 =	vcvt.s32.f32 v25;
	v25 =	vcvt.s32.f32 v28  }
0x451: {  	v26 =	vadd.f32 v26, v26;
	v11 =	vsub.f32 v18, v11;
	v3 =	vcvt.s32.f32 v7  }
0x452: {  	v20 =	vcvt.s32.f32 v20;
	v23 =	vcvt.s32.f32 v23;
	v25 =	vadd.f32 v25, v25  }
0x453: {  	v52 =	vcvt.f32.s32 v49;
	v14 =	vsub.f32 v21, v26;
	v3 =	vadd.f32 v3, v3  }
0x454: {  	v8 =	vmul.f32 $1.280000000e+02, v8;
	v20 =	vadd.f32 v20, v20;
	v23 =	vadd.f32 v23, v23;
	[tilespmem:$0x1FE50] =	vst v1  }
0x455: {  	v48 =	vmul.f32 $1.280000000e+02, v11;
	v2 =	vadd.f32 v46, v46;
	v0 =	vsub.f32 v40, v3;
	v1 =	vld [tilespmem:s6+$0xFFFFFFE0]  }
0x456: {  	v3 =	vmul.f32 $1.280000000e+02, v4;
	v4 =	vsub.f32 v9, v10;
	v9 =	vsub.f32 v12, v22  }
0x457: {  	v11 =	vmul.f32 $1.280000000e+02, v14;
	v10 =	vsub.f32 v15, v25;
	v12 =	vsub.f32 v19, v20  }
0x458: {  	v13 =	vsub.f32 v13, v23;
	v23 =	vadd.f32 $5.000000000e-01, v48;
	v0 =	vmul.f32 $1.280000000e+02, v0  }
0x459: {  	v4 =	vmul.f32 $1.280000000e+02, v4;
	v15 =	vadd.f32 $5.000000000e-01, v3;
	v3 =	vmul.f32 $1.280000000e+02, v5  }
0x45a: {  	v25 =	vadd.f32 $5.000000000e-01, v11;
	v5 =	vmul.f32 $1.280000000e+02, v9;
	v6 =	vmul.f32 $1.280000000e+02, v10;
	[tilespmem:$0x1FE60] =	vst v1  }
0x45b: {  	v2 =	vsub.f32 v24, v2;
	v47 =	vmul.f32 $1.280000000e+02, v12;
	v10 =	vmul.f32 $1.280000000e+02, v13;
	v61 =	vld [tilespmem:s6+$0xFFFFFFF0]  }
0x45c: {  	v31 =	vtrunc.f32 v23;
	v55 =	vtrunc.f32 v25;
	v19 =	vadd.f32 $5.000000000e-01, v4  }
0x45d: {  	v7 =	vadd.f32 $5.000000000e-01, v8;
	v31 =	vcvt.f32.s32 v31;
	v2 =	vmul.f32 $1.280000000e+02, v2  }
0x45e: {  	v16 =	vadd.f32 $5.000000000e-01, v0;
	v4 =	vtrunc.f32 v15;
	v50 =	vtrunc.f32 v19  }
0x45f: {  	v20 =	vadd.f32 $5.000000000e-01, v3;
	v13 =	vadd.f32 $5.000000000e-01, v5;
	v0 =	vcvt.f32.s32 v50  }
0x460: {  	v14 =	vadd.f32 $5.000000000e-01, v6;
	v5 =	vtrunc.f32 v17;
	v6 =	vtrunc.f32 v7;
	[tilespmem:$0x1FE70] =	vst v61  }
0x461: {  	v4 =	vcvt.f32.s32 v4;
	v54 =	vmul.u32 $0x102, v0;
	v60 =	vcvt.s32.f32 v0;
	v0 =	vld [tilespmem:s6+$0x0]  }
0x462: {  	v18 =	vadd.f32 $5.000000000e-01, v47;
	v5 =	vcvt.f32.s32 v5;
	v6 =	vcvt.f32.s32 v6  }
0x463: {  	v21 =	vadd.f32 $5.000000000e-01, v10;
	v3 =	vtrunc.f32 v16;
	v10 =	vtrunc.f32 v20  }
0x464: {  	v24 =	vtrunc.f32 v13;
	v26 =	vtrunc.f32 v14  }
0x465: {  	v22 =	vmul.u32 $0x102, v52;
	v28 =	vtrunc.f32 v18;
	v30 =	vtrunc.f32 v21  }
0x466: {  	v12 =	vadd.f32 $5.000000000e-01, v2;
	v53 =	vcvt.f32.s32 v3;
	v10 =	vcvt.f32.s32 v10;
	[tilespmem:$0x1FE80] =	vst v0  }
0x467: {  	v3 =	vmul.u32 $0x102, v4;
	v24 =	vcvt.f32.s32 v24;
	v26 =	vcvt.f32.s32 v26;
	v0 =	vld [tilespmem:s6+$0x10]  }
0x468: {  	v29 =	vmul.u32 $0x102, v5;
	v28 =	vcvt.f32.s32 v28;
	v30 =	vcvt.f32.s32 v30  }
0x469: {  	v56 =	vmul.u32 $0x102, v6;
	v58 =	vcvt.s32.f32 v4;
	v40 =	vcvt.s32.f32 v5  }
0x46a: {  	v43 =	vcvt.s32.f32 v6;
	v11 =	vtrunc.f32 v12;
	v27 =	vmul.u32 $0x102, v53  }
0x46b: {  	v11 =	vcvt.f32.s32 v11;
	v57 =	vmul.u32 $0x102, v10;
	v37 =	vadd.s32 v24, v22  }
0x46c: {  	v22 =	vcvt.f32.s32 v55;
	v24 =	vcvt.s32.f32 v24;
	v29 =	vadd.s32 v28, v29;
	[tilespmem:$0x1FE90] =	vst v0  }
0x46d: {  	v39 =	vcvt.s32.f32 v53;
	v28 =	vcvt.s32.f32 v28;
	v41 =	vadd.s32 v31, v56;
	v0 =	vld [tilespmem:s6+$0x20]  }
0x46e: {  	v31 =	vcvt.s32.f32 v31;
	v47 =	vcvt.s32.f32 v10;
	v36 =	vadd.s32 v11, v3  }
0x46f: {  	v15 =	vsub.f32 v15, v58;
	v45 =	vadd.s32 $0x102, v37;
	v48 =	vadd.s32 $0x102, v29  }
0x470: {  	v50 =	vadd.s32 $0x102, v41;
	v11 =	vcvt.s32.f32 v11;
	v38 =	vadd.s32 v26, v27  }
0x471: {  	v27 =	vcvt.s32.f32 v52;
	v26 =	vcvt.s32.f32 v26;
	v32 =	vadd.s32 v30, v54  }
0x472: {  	v30 =	vcvt.s32.f32 v30;
	v35 =	vadd.s32 v22, v57;
	v42 =	vadd.s32 $0x102, v36;
	[tilespmem:$0x1FEA0] =	vst v0  }
0x473: {  	v44 =	vcvt.s32.f32 v22;
	v13 =	vsub.f32 v13, v24;
	v62 =	vsub.f32 v18, v28;
	v33 =	vld.idx.msk [tilespmem:v36+s0+$0x0], $0xffff  }
0x474: {  	v57 =	vsub.f32 v17, v40;
	v22 =	vsub.f32 v19, v60;
	v46 =	vadd.s32 $0x102, v38;
	v2 =	vld.idx.msk [tilespmem:v37+s0+$0x0], $0xffff  }
0x475: {  	v28 =	vadd.s32 $0x1, v37;
	v23 =	vsub.f32 v23, v31;
	v54 =	vsub.f32 v7, v43;
	v0 =	vld.idx.msk [tilespmem:v38+s0+$0x0], $0xffff  }
0x476: {  	v53 =	vsub.f32 $1.000000000e+00, v15;
	v49 =	vadd.s32 $0x102, v32;
	v34 =	vadd.s32 $0x1, v32;
	v40 =	vld.idx.msk [tilespmem:v29+s0+$0x0], $0xffff  }
0x477: {  	v59 =	vadd.s32 $0x1, v35;
	v11 =	vsub.f32 v12, v11;
	v9 =	vsub.f32 v51, v27;
	v19 =	vld.idx.msk [tilespmem:v42+s0+$0x0], $0xffff  }
0x478: {  	v27 =	vadd.s32 $0x102, v35;
	v14 =	vsub.f32 v14, v26;
	v12 =	vsub.f32 v16, v39;
	v63 =	vld.idx.msk [tilespmem:v45+s0+$0x0], $0xffff  }
0x479: {  	v51 =	vadd.s32 $0x1, v36;
	v18 =	vsub.f32 v21, v30;
	v26 =	vsub.f32 v20, v47;
	v20 =	vld.idx.msk [tilespmem:v46+s0+$0x0], $0xffff  }
0x47a: {  	v21 =	vadd.s32 $0x1, v38;
	v30 =	vadd.s32 $0x1, v29;
	v4 =	vsub.f32 $1.000000000e+00, v23;
	v43 =	vld.idx.msk [tilespmem:v48+s0+$0x0], $0xffff  }
0x47b: {  	v25 =	vsub.f32 v25, v44;
	v44 =	vadd.s32 $0x1, v41;
	v31 =	vsub.f32 $1.000000000e+00, v11;
	v47 =	vld.idx.msk [tilespmem:v49+s0+$0x0], $0xffff  }
0x47c: {  	v17 =	vmovc v62;
	v5 =	vsub.f32 $1.000000000e+00, v9;
	v60 =	vmul.f32 v54, v4;
	v42 =	vsub.f32 $1.000000000e+00, v13;
	v50 =	vld.idx.msk [tilespmem:v50+s0+$0x0], $0xffff  }
0x47d: {  	v39 =	vmul.f32 v15, v31;
	v45 =	vsub.f32 $1.000000000e+00, v14;
	v46 =	vsub.f32 $1.000000000e+00, v17;
	v56 =	vld.idx.msk [tilespmem:v32+s0+$0x0], $0xffff  }
0x47e: {  	v31 =	vmul.f32 v53, v31;
	v48 =	vsub.f32 $1.000000000e+00, v18;
	v28 =	vld.idx.msk [tilespmem:v28+s0+$0x0], $0xffff;
	v52 =	vmul.f32 v9, v42  }
0x47f: {  	v62 =	vadd.s32 $0x103, v38;
	v34 =	vld.idx.msk [tilespmem:v34+s0+$0x0], $0xffff;
	v3 =	vmul.f32 v12, v45;
	v55 =	vmul.f32 v57, v46  }
0x480: {  	v61 =	vadd.s32 $0x103, v37;
	v38 =	vld.idx.msk [tilespmem:v44+s0+$0x0], $0xffff;
	v58 =	vmul.f32 v22, v48;
	v42 =	vmul.f32 v5, v42  }
0x481: {  	v36 =	vadd.s32 $0x103, v36;
	v1 =	vmul.f32 v63, v52;
	v52 =	vmul.f32 v20, v3;
	v20 =	vld.idx.msk [tilespmem:v27+s0+$0x0], $0xffff  }
0x482: {  	v19 =	vmul.f32 v19, v39;
	v43 =	vmul.f32 v43, v55;
	v27 =	vld.idx.msk [tilespmem:v51+s0+$0x0], $0xffff;
	v51 =	vsub.f32 $1.000000000e+00, v12  }
0x483: {  	v44 =	vadd.s32 $0x103, v32;
	v37 =	vld.idx.msk [tilespmem:v59+s0+$0x0], $0xffff;
	v47 =	vmul.f32 v47, v58;
	v50 =	vmul.f32 v50, v60  }
0x484: {  	v58 =	vsub.f32 $1.000000000e+00, v25;
	v60 =	vmul.f32 v33, v31;
	v31 =	vld.idx.msk [tilespmem:v21+s0+$0x0], $0xffff;
	v21 =	vmul.f32 v51, v45  }
0x485: {  	v59 =	vld [tilespmem:$0x1FEB0];
	v42 =	vmul.f32 v2, v42;
	v3 =	vsub.f32 $1.000000000e+00, v22;
	v45 =	vsub.f32 $1.000000000e+00, v54  }
0x486: {  	v39 =	vld.idx.msk [tilespmem:v41+s0+$0x0], $0xffff;
	v63 =	vsub.f32 $1.000000000e+00, v57;
	v49 =	vmul.f32 v26, v58;
	v21 =	vmul.f32 v0, v21  }
0x487: {  	v55 =	vld.idx.msk [tilespmem:v35+s0+$0x0], $0xffff;
	v0 =	vadd.s32 $0x103, v29;
	v29 =	vmul.f32 v3, v48;
	v32 =	vmul.f32 v45, v4  }
0x488: {  	v33 =	vld.idx.msk [tilespmem:v30+s0+$0x0], $0xffff;
	v49 =	vmul.f32 v20, v49;
	v20 =	vadd.f32 v60, v19;
	v60 =	vsub.f32 $1.000000000e+00, v26  }
0x489: {  	v30 =	vld.idx.msk [tilespmem:v36+s0+$0x0], $0xffff;
	v48 =	vadd.s32 $0x103, v41;
	v19 =	vmul.f32 v63, v46;
	v46 =	vmul.f32 v56, v29  }
0x48a: {  	[tilespmem:s6+$0x30] =	vst v59;
	v56 =	vadd.s32 $0x103, v35;
	v29 =	vld.idx.msk [tilespmem:v61+s0+$0x0], $0xffff;
	v41 =	vadd.f32 v21, v52;
	v36 =	vmul.f32 v60, v58  }
0x48b: {  	v19 =	vmul.f32 v40, v19;
	v40 =	vadd.f32 v42, v1;
	v1 =	vmul.f32 v39, v32;
	v32 =	vld.idx.msk [tilespmem:v62+s0+$0x0], $0xffff  }
0x48c: {  	v42 =	vmul.f32 v53, v11;
	v58 =	vld.idx.msk [tilespmem:v44+s0+$0x0], $0xffff;
	v44 =	vmul.f32 v3, v18;
	v21 =	vadd.f32 v46, v47  }
0x48d: {  	v46 =	vmul.f32 v5, v13;
	v61 =	vmul.f32 v55, v36;
	v39 =	vadd.f32 v19, v43;
	v19 =	vld.idx.msk [tilespmem:v0+s0+$0x0], $0xffff  }
0x48e: {  	s20 =	sadd.s32 $0x80, s5;
	v47 =	vmul.f32 v63, v17;
	v43 =	vmul.f32 v51, v14;
	v36 =	vadd.f32 v1, v50;
	v5 =	vld.idx.msk [tilespmem:v48+s0+$0x0], $0xffff  }
0x48f: {  	s23 =	smov.u32 s6;
	s13 =	simm.s32 $0x0;
	s5 =	smov.u32 s6;
	v48 =	vmul.f32 v45, v23;
	v45 =	vmul.f32 v60, v25;
	v35 =	vadd.f32 v61, v49;
	v59 =	vld.idx.msk [tilespmem:v56+s0+$0x0], $0xffff  }
.LBB2_30:
0x490: {  	v49 =	vld [tilespmem:s20+$0x70]  }
0x491: {  	v51 =	vld [tilespmem:s20+$0xFFFFF070];
	v10 =	vmul.f32 v15, v11  }
0x492: {  	v55 =	vld [tilespmem:s20+$0x0];
	v56 =	vmul.f32 v9, v13;
	v60 =	vmul.f32 v12, v14  }
0x493: {  	s12 =	sadd.s32 $0x80, s12;
	v16 =	vmul.f32 v57, v17;
	v14 =	vmul.f32 v22, v18;
	v17 =	vld [tilespmem:s20+$0x10]  }
0x494: {  	v15 =	vmul.f32 v54, v23;
	v13 =	vmul.f32 v26, v25;
	v50 =	vld [tilespmem:s12+$0x70]  }
0x495: {  	v27 =	vmul.f32 v27, v42;
	v28 =	vmul.f32 v28, v46;
	v53 =	vld [tilespmem:s12+$0xFFFFF070]  }
0x496: {  	v31 =	vmul.f32 v31, v43;
	v33 =	vmul.f32 v33, v47;
	v61 =	vld [tilespmem:s12+$0x0]  }
0x497: {  	v52 =	vmul.f32 v38, v48;
	v22 =	vld [tilespmem:s12+$0x10];
	v20 =	vadd.f32 v20, v27;
	v27 =	vmul.f32 v34, v44  }
0x498: {  	v11 =	vmul.f32 v37, v45;
	v23 =	vmul.f32 v30, v10  }
0x499: {  	v2 =	vmul.f32 v19, v16;
	v31 =	vadd.f32 v41, v31;
	v12 =	vadd.f32 v21, v27  }
0x49a: {  	v24 =	vld [tilespmem:s20+$0x20];
	v7 =	vmul.f32 v58, v14;
	v20 =	vadd.f32 v20, v23;
	v18 =	vsub.f32 v49, v50  }
0x49b: {  	v26 =	vld [tilespmem:s12+$0x20];
	v23 =	vmul.f32 v29, v56;
	v25 =	vsub.f32 v51, v53;
	v27 =	vsub.f32 v55, v61  }
0x49c: {  	v29 =	vmul.f32 v32, v60;
	v30 =	vsub.f32 v17, v22;
	v21 =	vmul.f32 $5.000000000e-01, v18  }
0x49d: {  	v62 =	vld [tilespmem:s20+$0x30];
	v63 =	vmul.f32 $5.000000000e-01, v25;
	v16 =	vmul.f32 $5.000000000e-01, v27  }
0x49e: {  	v0 =	vld [tilespmem:s12+$0x30];
	v19 =	vadd.f32 v31, v29;
	v31 =	vmul.f32 $5.000000000e-01, v30;
	v21 =	vtrunc.f32 v21  }
0x49f: {  	v28 =	vadd.f32 v40, v28;
	v22 =	vld [tilespmem:s20+$0x40];
	v17 =	vtrunc.f32 v63;
	v29 =	vtrunc.f32 v16  }
0x4a0: {  	v16 =	vsub.f32 v24, v26;
	v24 =	vld [tilespmem:s20+$0x50];
	v31 =	vtrunc.f32 v31;
	v1 =	vcvt.f32.s32 v21  }
0x4a1: {  	v21 =	vadd.f32 v28, v23;
	v23 =	vld [tilespmem:s12+$0x40];
	v17 =	vcvt.f32.s32 v17;
	v26 =	vcvt.f32.s32 v29  }
0x4a2: {  	v33 =	vadd.f32 v39, v33;
	v29 =	vld [tilespmem:s12+$0x50];
	v31 =	vcvt.f32.s32 v31;
	v28 =	vcvt.s32.f32 v1  }
0x4a3: {  	v10 =	vadd.f32 v36, v52;
	v44 =	vcvt.s32.f32 v17;
	v17 =	vsub.f32 v62, v0;
	v0 =	vld [tilespmem:s20+$0xFFFFF050]  }
0x4a4: {  	v8 =	vmul.f32 v5, v15;
	v1 =	vld [tilespmem:s12+$0xFFFFF050];
	v31 =	vcvt.s32.f32 v31;
	v28 =	vadd.f32 v28, v28  }
0x4a5: {  	v46 =	vld [tilespmem:s20+$0x60];
	v33 =	vadd.f32 v33, v2;
	v45 =	vmul.f32 $5.000000000e-01, v16;
	v34 =	vadd.f32 v44, v44  }
0x4a6: {  	v47 =	vld [tilespmem:s12+$0x60];
	v49 =	vmul.f32 $5.000000000e-01, v17;
	v42 =	vadd.f32 v31, v31;
	v48 =	vsub.f32 v18, v28  }
0x4a7: {  	v54 =	vld [tilespmem:s20+$0xFFFFF030];
	v28 =	vtrunc.f32 v45;
	v18 =	vsub.f32 v22, v23;
	v23 =	vsub.f32 v25, v34  }
0x4a8: {  	v39 =	vld [tilespmem:s12+$0xFFFFF000];
	v36 =	vtrunc.f32 v49;
	v22 =	vsub.f32 v24, v29;
	v28 =	vcvt.f32.s32 v28  }
0x4a9: {  	v2 =	vld [tilespmem:s20+$0xFFFFF060];
	v36 =	vcvt.f32.s32 v36;
	v31 =	vsub.f32 v0, v1;
	v25 =	vmul.f32 $1.280000000e+02, v48  }
0x4aa: {  	v11 =	vadd.f32 v35, v11;
	v50 =	vld [tilespmem:s20+$0xFFFFF010];
	v52 =	vmul.f32 $5.000000000e-01, v18;
	v24 =	vmul.f32 $1.280000000e+02, v23  }
0x4ab: {  	v51 =	vld [tilespmem:s12+$0xFFFFF010];
	v53 =	vmul.f32 $5.000000000e-01, v22;
	v23 =	vsub.f32 v46, v47;
	v0 =	vmul.f32 $5.000000000e-01, v31  }
0x4ac: {  	v55 =	vld [tilespmem:s12+$0xFFFFF030];
	v30 =	vsub.f32 v30, v42;
	v28 =	vcvt.s32.f32 v28;
	v36 =	vcvt.s32.f32 v36  }
0x4ad: {  	v29 =	vld [tilespmem:s20+$0xFFFFF020];
	v41 =	vadd.f32 $5.000000000e-01, v25;
	v38 =	vtrunc.f32 v52;
	v56 =	vmul.f32 $5.000000000e-01, v23  }
0x4ae: {  	v25 =	vld [tilespmem:s12+$0xFFFFF020];
	v57 =	vtrunc.f32 v53;
	v35 =	vcvt.f32.s32 v38;
	v38 =	vadd.f32 $5.000000000e-01, v24  }
0x4af: {  	v52 =	vld [tilespmem:s12+$0xFFFFF060];
	v37 =	vcvt.f32.s32 v57;
	v28 =	vadd.f32 v28, v28;
	v24 =	vtrunc.f32 v41  }
0x4b0: {  	v53 =	vld [tilespmem:s20+$0xFFFFF000];
	v36 =	vadd.f32 v36, v36;
	v44 =	vtrunc.f32 v56;
	v45 =	vcvt.f32.s32 v24  }
0x4b1: {  	v61 =	vld [tilespmem:s12+$0xFFFFF040];
	v24 =	vsub.f32 v50, v51;
	v60 =	vtrunc.f32 v38;
	v44 =	vcvt.f32.s32 v44  }
0x4b2: {  	v34 =	vld [tilespmem:s20+$0xFFFFF040];
	v15 =	vsub.f32 v16, v28;
	v40 =	vcvt.f32.s32 v60;
	v62 =	vmul.u32 $0x102, v45  }
0x4b3: {  	v63 =	vmul.f32 $5.000000000e-01, v24;
	v25 =	vsub.f32 v29, v25;
	v29 =	vcvt.s32.f32 v26  }
0x4b4: {  	v26 =	vsub.f32 v54, v55;
	v45 =	vcvt.s32.f32 v45;
	v32 =	vsub.f32 v2, v52  }
0x4b5: {  	v39 =	vsub.f32 v53, v39;
	v44 =	vcvt.s32.f32 v44;
	v15 =	vmul.f32 $1.280000000e+02, v15  }
0x4b6: {  	v46 =	vadd.s32 v40, v62;
	v50 =	vmul.f32 $5.000000000e-01, v25;
	v51 =	vadd.f32 v29, v29  }
0x4b7: {  	v47 =	vtrunc.f32 v63;
	v29 =	vsub.f32 v34, v61;
	v40 =	vcvt.s32.f32 v40  }
0x4b8: {  	v60 =	vmul.f32 $5.000000000e-01, v26;
	v57 =	vadd.s32 $0x102, v46;
	v61 =	vadd.s32 $0x1, v46  }
0x4b9: {  	v55 =	vmul.f32 $5.000000000e-01, v29;
	v49 =	vtrunc.f32 v50;
	v38 =	vsub.f32 v38, v40  }
0x4ba: {  	v53 =	vld [tilespmem:$0x1FE60];
	v40 =	vsub.f32 v41, v45;
	v43 =	vtrunc.f32 v60;
	v45 =	vtrunc.f32 v0  }
0x4bb: {  	v27 =	vsub.f32 v27, v51;
	v0 =	vld [tilespmem:$0x1FE40];
	v42 =	vcvt.f32.s32 v49;
	v56 =	vcvt.f32.s32 v43  }
0x4bc: {  	v62 =	vadd.s32 $0x103, v46;
	v49 =	vcvt.s32.f32 v35;
	v50 =	vtrunc.f32 v55;
	v46 =	vld.idx.msk [tilespmem:v46+s0+$0x0], $0xffff  }
0x4bd: {  	v1 =	vsub.f32 $1.000000000e+00, v38;
	v2 =	vsub.f32 $1.000000000e+00, v40;
	v27 =	vmul.f32 $1.280000000e+02, v27;
	v63 =	vld.idx.msk [tilespmem:v57+s0+$0x0], $0xffff  }
0x4be: {  	v42 =	vcvt.s32.f32 v42;
	v34 =	vld.idx.msk [tilespmem:v61+s0+$0x0], $0xffff;
	v61 =	vmul.f32 $5.000000000e-01, v39  }
0x4bf: {  	v16 =	vsub.f32 v17, v36;
	v57 =	vmul.f32 $5.000000000e-01, v32;
	v60 =	vmul.f32 v2, v1  }
0x4c0: {  	v52 =	vmul.f32 v40, v1;
	v3 =	vadd.f32 v20, v0;
	v20 =	vtrunc.f32 v61  }
0x4c1: {  	v44 =	vadd.f32 v44, v44;
	v48 =	vld.idx.msk [tilespmem:v62+s0+$0x0], $0xffff;
	v62 =	vmul.f32 v2, v38;
	v20 =	vcvt.f32.s32 v20  }
0x4c2: {  	v1 =	vadd.f32 v19, v53;
	v46 =	vmul.f32 v46, v60;
	v60 =	vld [tilespmem:$0x1FE70];
	v41 =	vmul.f32 v63, v52  }
0x4c3: {  	v27 =	vadd.f32 $5.000000000e-01, v27;
	v42 =	vadd.f32 v42, v42;
	v51 =	vtrunc.f32 v57;
	v63 =	vld [tilespmem:$0x1FE50]  }
0x4c4: {  	v34 =	vmul.f32 v34, v62;
	v53 =	vcvt.s32.f32 v20;
	v46 =	vadd.f32 v46, v41  }
0x4c5: {  	v57 =	vcvt.f32.s32 v50;
	[tilespmem:s5+$0xFFFFFFE0] =	vst v1;
	v1 =	vadd.f32 $5.000000000e-01, v15;
	v20 =	vadd.f32 v10, v8  }
0x4c6: {  	v62 =	vcvt.f32.s32 v45;
	v41 =	vadd.f32 v53, v53;
	v19 =	vadd.f32 v46, v34  }
0x4c7: {  	v33 =	vadd.f32 v33, v60;
	v34 =	vcvt.s32.f32 v56;
	v56 =	vcvt.s32.f32 v57  }
0x4c8: {  	s23 =	sadd.s32 $0x80, s23;
	v57 =	vcvt.s32.f32 v62;
	v4 =	vadd.f32 v21, v63;
	v21 =	vmul.f32 v40, v38  }
0x4c9: {  	v61 =	vld [tilespmem:s23+$0xFFFFFFE0];
	v40 =	vcvt.f32.s32 v47;
	v63 =	vcvt.f32.s32 v51;
	v34 =	vadd.f32 v34, v34  }
0x4ca: {  	v51 =	vcvt.s32.f32 v37;
	v37 =	vadd.f32 v56, v56;
	v14 =	vadd.f32 v57, v57  }
0x4cb: {  	v21 =	vmul.f32 v48, v21;
	v48 =	vld [tilespmem:s23+$0xFFFFFFF0];
	[tilespmem:s5+$0xFFFFFFF0] =	vst v33;
	v40 =	vcvt.s32.f32 v40;
	v33 =	vadd.f32 v49, v49  }
0x4cc: {  	v35 =	vadd.f32 v51, v51;
	v60 =	vcvt.s32.f32 v63;
	v14 =	vsub.f32 v31, v14  }
0x4cd: {  	v21 =	vadd.f32 v19, v21;
	v40 =	vadd.f32 v40, v40  }
0x4ce: {  	[tilespmem:$0x1FE60] =	vst v61;
	v61 =	vadd.f32 v60, v60;
	v9 =	vsub.f32 v18, v33  }
0x4cf: {  	v13 =	vmul.f32 v59, v13;
	v17 =	vsub.f32 v22, v35;
	v18 =	vsub.f32 v39, v41  }
0x4d0: {  	v30 =	vmul.f32 $1.280000000e+02, v30;
	v22 =	vsub.f32 v23, v44;
	v19 =	vadd.f32 v12, v7  }
0x4d1: {  	v16 =	vmul.f32 $1.280000000e+02, v16;
	v23 =	vsub.f32 v24, v40;
	v24 =	vsub.f32 v25, v42  }
0x4d2: {  	v14 =	vmul.f32 $1.280000000e+02, v14;
	v25 =	vsub.f32 v26, v34;
	v26 =	vsub.f32 v29, v37  }
0x4d3: {  	v9 =	vmul.f32 $1.280000000e+02, v9;
	v17 =	vmul.f32 $1.280000000e+02, v17;
	v28 =	vsub.f32 v32, v61  }
0x4d4: {  	v18 =	vmul.f32 $1.280000000e+02, v18;
	v22 =	vmul.f32 $1.280000000e+02, v22;
	v29 =	vadd.f32 $5.000000000e-01, v30  }
0x4d5: {  	v32 =	vadd.f32 $5.000000000e-01, v16;
	v23 =	vmul.f32 $1.280000000e+02, v23;
	v30 =	vmul.f32 $1.280000000e+02, v24  }
0x4d6: {  	v37 =	vadd.f32 $5.000000000e-01, v14;
	v25 =	vmul.f32 $1.280000000e+02, v25;
	v31 =	vmul.f32 $1.280000000e+02, v26  }
0x4d7: {  	v52 =	vld [tilespmem:s23+$0x30];
	v16 =	vmul.f32 $1.280000000e+02, v28;
	v28 =	vtrunc.f32 v27;
	v2 =	vadd.f32 $5.000000000e-01, v17  }
0x4d8: {  	v17 =	vadd.f32 $5.000000000e-01, v18;
	v18 =	vtrunc.f32 v29;
	v62 =	vtrunc.f32 v32  }
0x4d9: {  	[tilespmem:s5+$0xFFFFFFC0] =	vst v3;
	v33 =	vadd.f32 $5.000000000e-01, v9;
	v12 =	vcvt.f32.s32 v28;
	v18 =	vcvt.f32.s32 v18  }
0x4da: {  	v54 =	vld [tilespmem:s23+$0xFFFFFFC0];
	v26 =	vadd.f32 $5.000000000e-01, v22;
	v28 =	vcvt.f32.s32 v62;
	v57 =	vtrunc.f32 v37  }
0x4db: {  	v50 =	vld [tilespmem:s23+$0x0];
	v22 =	vadd.f32 $5.000000000e-01, v23;
	v23 =	vadd.f32 $5.000000000e-01, v30;
	v30 =	vtrunc.f32 v1  }
0x4dc: {  	[tilespmem:s5+$0xFFFFFFD0] =	vst v4;
	v52 =	vadd.f32 v21, v52;
	v63 =	vtrunc.f32 v33;
	v14 =	vtrunc.f32 v2  }
0x4dd: {  	v55 =	vld [tilespmem:s23+$0xFFFFFFD0];
	v38 =	vadd.f32 $5.000000000e-01, v16;
	v16 =	vtrunc.f32 v26;
	v60 =	vcvt.f32.s32 v57  }
0x4de: {  	v21 =	vadd.f32 v11, v13;
	v10 =	vcvt.f32.s32 v30;
	v13 =	vcvt.f32.s32 v63  }
0x4df: {  	[tilespmem:$0x1FE40] =	vst v54;
	v54 =	vld [tilespmem:s23+$0x10];
	v25 =	vadd.f32 $5.000000000e-01, v25;
	v14 =	vcvt.f32.s32 v14;
	v30 =	vtrunc.f32 v17  }
0x4e0: {  	[tilespmem:$0x1FDF0] =	vst v50;
	v31 =	vadd.f32 $5.000000000e-01, v31;
	v16 =	vcvt.f32.s32 v16;
	v50 =	vtrunc.f32 v22  }
0x4e1: {  	[tilespmem:$0x1FE70] =	vst v48;
	v11 =	vmul.u32 $0x102, v12;
	v51 =	vtrunc.f32 v23;
	v30 =	vcvt.f32.s32 v30  }
0x4e2: {  	[tilespmem:$0x1FE50] =	vst v55;
	v55 =	vld [tilespmem:s23+$0x20];
	v0 =	vmul.u32 $0x102, v18;
	v53 =	vtrunc.f32 v25;
	v35 =	vcvt.f32.s32 v50  }
0x4e3: {  	[tilespmem:s23+$0x30] =	vst v52;
	v52 =	vmul.u32 $0x102, v10;
	v36 =	vcvt.f32.s32 v51;
	v48 =	vadd.s32 v30, v11  }
0x4e4: {  	[tilespmem:$0x1FE00] =	vst v54;
	v54 =	vmul.u32 $0x102, v28;
	v40 =	vcvt.f32.s32 v53;
	v34 =	vadd.s32 v35, v0  }
0x4e5: {  	v58 =	vtrunc.f32 v38;
	v59 =	vmul.u32 $0x102, v14;
	v49 =	vadd.s32 v36, v52  }
0x4e6: {  	v47 =	vmul.u32 $0x102, v16;
	v61 =	vcvt.f32.s32 v58;
	v51 =	vadd.s32 v40, v54  }
0x4e7: {  	v12 =	vcvt.s32.f32 v12;
	[tilespmem:$0x1FE10] =	vst v55;
	v55 =	vtrunc.f32 v31;
	v46 =	vadd.s32 v60, v59  }
0x4e8: {  	v56 =	vmul.u32 $0x102, v13;
	v11 =	vcvt.f32.s32 v55;
	v47 =	vadd.s32 v61, v47;
	v62 =	vld.idx.msk [tilespmem:v48+s0+$0x0], $0xffff  }
0x4e9: {  	v18 =	vcvt.s32.f32 v18;
	v57 =	vadd.s32 $0x102, v48;
	v63 =	vld.idx.msk [tilespmem:v34+s0+$0x0], $0xffff  }
0x4ea: {  	v28 =	vcvt.s32.f32 v28;
	v15 =	vsub.f32 v27, v12;
	v43 =	vadd.s32 v11, v56;
	v39 =	vld.idx.msk [tilespmem:v49+s0+$0x0], $0xffff  }
0x4eb: {  	v45 =	vcvt.s32.f32 v35;
	v53 =	vcvt.s32.f32 v40;
	v35 =	vadd.s32 $0x102, v34;
	v40 =	vld.idx.msk [tilespmem:v51+s0+$0x0], $0xffff  }
0x4ec: {  	v30 =	vcvt.s32.f32 v30;
	v56 =	vcvt.s32.f32 v60;
	v60 =	vadd.s32 $0x102, v49;
	v42 =	vld.idx.msk [tilespmem:v46+s0+$0x0], $0xffff  }
0x4ed: {  	v55 =	vcvt.s32.f32 v13;
	v0 =	vadd.s32 $0x102, v46;
	v13 =	vsub.f32 v22, v45;
	v45 =	vld.idx.msk [tilespmem:v47+s0+$0x0], $0xffff  }
0x4ee: {  	v50 =	vcvt.s32.f32 v36;
	v44 =	vcvt.s32.f32 v61;
	v27 =	vadd.s32 $0x102, v47;
	v36 =	vld.idx.msk [tilespmem:v57+s0+$0x0], $0xffff  }
0x4ef: {  	v61 =	vcvt.s32.f32 v16;
	v16 =	vsub.f32 v29, v18;
	v29 =	vadd.s32 $0x1, v34;
	v41 =	vld.idx.msk [tilespmem:v43+s0+$0x0], $0xffff  }
0x4f0: {  	v58 =	vcvt.s32.f32 v14;
	v52 =	vcvt.s32.f32 v10;
	v14 =	vsub.f32 v23, v50;
	v50 =	vld.idx.msk [tilespmem:v35+s0+$0x0], $0xffff  }
0x4f1: {  	v24 =	vsub.f32 v17, v30;
	v30 =	vadd.s32 $0x1, v48;
	v17 =	vsub.f32 v25, v53;
	v53 =	vld.idx.msk [tilespmem:v60+s0+$0x0], $0xffff  }
0x4f2: {  	v12 =	vsub.f32 v1, v52;
	v52 =	vadd.s32 $0x1, v49;
	v0 =	vld.idx.msk [tilespmem:v0+s0+$0x0], $0xffff  }
0x4f3: {  	v26 =	vsub.f32 v26, v61;
	v57 =	vsub.f32 v32, v28;
	v32 =	vadd.s32 $0x1, v51;
	v61 =	vld.idx.msk [tilespmem:v27+s0+$0x0], $0xffff  }
0x4f4: {  	v28 =	vld.idx.msk [tilespmem:v29+s0+$0x0], $0xffff  }
0x4f5: {  	v54 =	vcvt.s32.f32 v11;
	v29 =	vld [tilespmem:$0x1FE80]  }
0x4f6: {  	v23 =	vsub.f32 v37, v56;
	v37 =	vadd.s32 $0x1, v46;
	v27 =	vld.idx.msk [tilespmem:v30+s0+$0x0], $0xffff  }
0x4f7: {  	v18 =	vsub.f32 v31, v54;
	v31 =	vld.idx.msk [tilespmem:v52+s0+$0x0], $0xffff;
	[tilespmem:$0x1FE20] =	vst v62;
	v62 =	vadd.s32 $0x102, v51  }
0x4f8: {  	v22 =	vsub.f32 v33, v55;
	v55 =	vadd.s32 $0x1, v43;
	v25 =	vsub.f32 v38, v44;
	v33 =	vld.idx.msk [tilespmem:v32+s0+$0x0], $0xffff  }
0x4f9: {  	v44 =	vsub.f32 $1.000000000e+00, v15;
	v38 =	vsub.f32 $1.000000000e+00, v24;
	[tilespmem:$0x1FE30] =	vst v63;
	v63 =	vadd.s32 $0x102, v43;
	v32 =	vld [tilespmem:$0x1FEA0]  }
0x4fa: {  	v49 =	vadd.s32 $0x103, v49;
	v19 =	vadd.f32 v19, v29;
	v29 =	vld [tilespmem:$0x1FE90]  }
0x4fb: {  	v7 =	vmul.f32 v44, v38;
	v8 =	vmul.f32 v15, v38;
	v38 =	vld.idx.msk [tilespmem:v37+s0+$0x0], $0xffff  }
0x4fc: {  	v35 =	vld.idx.msk [tilespmem:v62+s0+$0x0], $0xffff  }
0x4fd: {  	v54 =	vsub.f32 v2, v58;
	v48 =	vadd.s32 $0x103, v48;
	v62 =	vadd.s32 $0x103, v34;
	v34 =	vld.idx.msk [tilespmem:v55+s0+$0x0], $0xffff  }
0x4fe: {  	v4 =	vsub.f32 $1.000000000e+00, v22;
	v52 =	vsub.f32 $1.000000000e+00, v18;
	v56 =	vld.idx.msk [tilespmem:v63+s0+$0x0], $0xffff  }
0x4ff: {  	v58 =	vadd.s32 $0x1, v47;
	v21 =	vadd.f32 v21, v32;
	v32 =	vld.idx.msk [tilespmem:v49+s0+$0x0], $0xffff;
	v20 =	vadd.f32 v20, v29  }
0x500: {  	v1 =	vsub.f32 $1.000000000e+00, v12;
	v2 =	vsub.f32 $1.000000000e+00, v17;
	v51 =	vadd.s32 $0x103, v51;
	[tilespmem:s5+$0x0] =	vst v19;
	v19 =	vld [tilespmem:$0x1FDF0]  }
0x501: {  	v63 =	vsub.f32 $1.000000000e+00, v14;
	v49 =	vmul.f32 v4, v52;
	v52 =	vmul.f32 v22, v52;
	[tilespmem:s5+$0x10] =	vst v20;
	v20 =	vld [tilespmem:$0x1FE00]  }
0x502: {  	v5 =	vsub.f32 $1.000000000e+00, v23;
	v6 =	vsub.f32 $1.000000000e+00, v54;
	v30 =	vld.idx.msk [tilespmem:v48+s0+$0x0], $0xffff  }
0x503: {  	v3 =	vsub.f32 $1.000000000e+00, v57;
	v48 =	vmul.f32 v1, v63;
	v52 =	vmul.f32 v56, v52;
	v56 =	vld [tilespmem:$0x1FE20]  }
0x504: {  	v37 =	vld.idx.msk [tilespmem:v58+s0+$0x0], $0xffff;
	v55 =	vsub.f32 $1.000000000e+00, v25;
	v11 =	vmul.f32 v12, v63;
	v63 =	vmul.f32 v57, v2  }
0x505: {  	v43 =	vadd.s32 $0x103, v43;
	v29 =	vld.idx.msk [tilespmem:v62+s0+$0x0], $0xffff;
	v62 =	vmul.f32 v3, v2;
	v2 =	vmul.f32 v54, v5  }
0x506: {  	v58 =	vmovc v19;
	v19 =	vld.idx.msk [tilespmem:v51+s0+$0x0], $0xffff;
	v51 =	vmul.f32 v6, v5;
	v5 =	vmov v20;
	v20 =	vmul.f32 v26, v55  }
0x507: {  	v59 =	vsub.f32 $1.000000000e+00, v13;
	v60 =	vsub.f32 $1.000000000e+00, v16;
	[tilespmem:s5+$0x20] =	vst v21;
	v21 =	vld [tilespmem:$0x1FE10];
	v0 =	vmul.f32 v0, v2  }
0x508: {  	v10 =	vsub.f32 $1.000000000e+00, v26;
	v2 =	vmul.f32 v56, v7;
	v7 =	vmul.f32 v61, v20;
	v20 =	vld [tilespmem:$0x1FE30]  }
0x509: {  	v9 =	vmul.f32 v60, v59;
	v59 =	vmul.f32 v16, v59  }
0x50a: {  	v8 =	vmul.f32 v36, v8;
	[tilespmem:$0x1FE80] =	vst v58;
	v58 =	vld.idx.msk [tilespmem:v43+s0+$0x0], $0xffff;
	v43 =	vmul.f32 v10, v55  }
0x50b: {  	v47 =	vadd.s32 $0x103, v47;
	v36 =	vmul.f32 v35, v63;
	v62 =	vmul.f32 v40, v62  }
0x50c: {  	v46 =	vadd.s32 $0x103, v46;
	v63 =	vmul.f32 v45, v43;
	v43 =	vmul.f32 v1, v14  }
0x50d: {  	s13 =	sadd.s32 $0x8, s13;
	[tilespmem:$0x1FE90] =	vst v5;
	v5 =	vmov v21;
	v21 =	vmul.f32 v50, v59;
	v9 =	vmul.f32 v20, v9  }
0x50e: {  	p1 =	slt.u32 s13, $0xF8;
	v45 =	vmul.f32 v10, v25;
	v61 =	vmul.f32 v39, v48;
	v39 =	vadd.f32 v62, v36  }
.Ltmp19:
0x50f: {  	v48 =	vmul.f32 v6, v23;
	v40 =	vadd.f32 v9, v21;
	v9 =	vmul.f32 v42, v51;
	(pc) =	sbr.rel @p1 .LBB2_30-.Ltmp19, $4  }
0x510: {  	v50 =	vmul.f32 v53, v11;
	v59 =	vld.idx.msk [tilespmem:v47+s0+$0x0], $0xffff;
	v47 =	vmul.f32 v3, v17;
	[tilespmem:$0x1FEA0] =	vst v5  }
0x511: {  	v5 =	vld.idx.msk [tilespmem:v46+s0+$0x0], $0xffff;
	v46 =	vmul.f32 v60, v13;
	v20 =	vadd.f32 v2, v8;
	v8 =	vmul.f32 v41, v49  }
0x512: {  	v11 =	vmovc v24;
	v35 =	vadd.f32 v63, v7;
	v41 =	vadd.f32 v61, v50;
	v42 =	vmul.f32 v44, v24  }
0x513: {  	s20 =	sadd.s32 $0x80, s20;
	s5 =	smov.u32 s23;
	v44 =	vmul.f32 v4, v18;
	v21 =	vadd.f32 v8, v52;
	v36 =	vadd.f32 v9, v0;
	v9 =	vmovc v16  }
0x514: {  	v0 =	vmul.f32 v27, v42;
	v1 =	vmul.f32 v28, v46  }
0x515: {  	v7 =	vmul.f32 v15, v11;
	v51 =	vmul.f32 v22, v18  }
0x516: {  	v9 =	vmul.f32 v9, v13;
	v50 =	vmul.f32 v57, v17;
	v56 =	vld [tilespmem:$0x1FE40]  }
0x517: {  	v0 =	vadd.f32 v20, v0;
	v7 =	vmul.f32 v30, v7;
	v57 =	vmul.f32 v58, v51;
	v58 =	vld [tilespmem:$0x1FE50]  }
0x518: {  	v1 =	vadd.f32 v40, v1;
	v9 =	vmul.f32 v29, v9  }
0x519: {  	v0 =	vadd.f32 v0, v7  }
0x51a: {  	v1 =	vadd.f32 v1, v9  }
0x51b: {  	v0 =	vadd.f32 v0, v56  }
0x51c: {  	v1 =	vadd.f32 v1, v58  }
0x51d: {  	v2 =	vmul.f32 v31, v43;
	v10 =	vmul.f32 v12, v14;
	[tilespmem:s5+$0xFFFFFFC0] =	vst v0  }
0x51e: {  	v3 =	vmul.f32 v33, v47;
	v0 =	vld [tilespmem:$0x1FE60];
	[tilespmem:s5+$0xFFFFFFD0] =	vst v1  }
0x51f: {  	v52 =	vmul.f32 v54, v23;
	v2 =	vadd.f32 v41, v2;
	v54 =	vmul.f32 v32, v10;
	v1 =	vld [tilespmem:$0x1FE70]  }
0x520: {  	v3 =	vadd.f32 v39, v3;
	v55 =	vmul.f32 v19, v50  }
0x521: {  	v2 =	vadd.f32 v2, v54  }
0x522: {  	v3 =	vadd.f32 v3, v55  }
0x523: {  	v0 =	vadd.f32 v2, v0  }
0x524: {  	v1 =	vadd.f32 v3, v1  }
0x525: {  	v4 =	vmul.f32 v34, v44;
	[tilespmem:s5+$0xFFFFFFE0] =	vst v0  }
0x526: {  	v6 =	vmul.f32 v38, v48;
	v62 =	vld [tilespmem:$0x1FE80];
	[tilespmem:s5+$0xFFFFFFF0] =	vst v1  }
0x527: {  	v8 =	vmul.f32 v37, v45;
	v53 =	vmul.f32 v26, v25;
	v4 =	vadd.f32 v21, v4;
	v1 =	vld [tilespmem:$0x1FE90]  }
0x528: {  	v6 =	vadd.f32 v36, v6;
	v5 =	vmul.f32 v5, v52;
	v63 =	vld [tilespmem:$0x1FEA0]  }
0x529: {  	v8 =	vadd.f32 v35, v8;
	v59 =	vmul.f32 v59, v53;
	v4 =	vadd.f32 v4, v57  }
0x52a: {  	v60 =	vadd.f32 v6, v5  }
0x52b: {  	v61 =	vadd.f32 v8, v59;
	v2 =	vadd.f32 v4, v62  }
0x52c: {  	v1 =	vadd.f32 v60, v1  }
0x52d: {  	v0 =	vadd.f32 v61, v63;
	[tilespmem:s5+$0x0] =	vst v2  }
0x52e: {  	[tilespmem:s5+$0x10] =	vst v1  }
0x52f: {  	[tilespmem:s5+$0x20] =	vst v0  }
0x530: {  	p1 =	sgt.u32 s10, $0x6  }
.Ltmp20:
0x531: {  	_ = 	snop;
	(pc) =	sbr.rel @!p1 .LBB2_29-.Ltmp20, $4  }
.Ltmp21:
0x532: {  	_ = 	snop;
	(pc) =	sbr.rel @p1 .LBB2_12-.Ltmp21, $4  }
0x533: {  	_ = 	snop  }
0x534: {  	_ = 	snop  }
0x535: {  	p0 =	por !p0, !p0;
	s6 =	sadd.s32 $0x1000, s6  }
0x536: {  	_ = 	snop  }
.LBB2_14:
0x537: {  	_ =	sfence.sel $0x180000  }
0x538: {  	[bflag:$0x0] =	sbarrier.arrive $0xFFFF  }
0x539: {  	_ =	strace $0x90000047  }
0x53a: {  	s0 =	stileid.u32;
	[bflag:$0x2] =	sbarrier.arrive $0xFFFF  }
0x53b: {  	p0 =	sne.s32 s0, $0x0;
	s0 =	rddreg [dreg:$0x2]  }
0x53c: {  	s0 =	sadd.s32 @!p0 $0x100000, s0  }
0x53d: {  	[sflag:s0] =	ssyncadd.tile.s32 @!p0 $0x1;
	_ =	shalt  }
.Lfunc_end2:
_tile_overlayer_lowered:
.L_overlay_start_2:
0x53e: {  	(tag) =	ssettag $0x2  }
0x53f: {  	s0 =	rddreg [dreg:$0x0];
	s2 =	stileid.u32  }
0x540: {  	s1 =	rddreg [dreg:$0x1];
	p0 =	sne.s32 s2, $0x0  }
0x541: {  	s3 =	rddreg [dreg:$0x2];
	[bflag:$0x3] =	sbarrier.arrive $0xFFFF;
	s2 =	simm.s32 @!p0 $0x1C03  }
0x542: {  	[timem:s3], [sflag:s2] =	dma.local @!p0 [hbm:s0], s1  }
0x543: {  	s0 =	simm.s32 @!p0 $0x3  }
0x544: {  	_ =	swait.ge @!p0 [sflag:s0], s1  }
0x545: {  	s1 =	ssub.s32 @!p0 $0x0, s1;
	[sflag:s0] =	ssyncset.done @!p0 $0x0  }
0x546: {  	[sflag:s0] =	ssyncadd.s32 @!p0 s1  }
0x547: {  	[bflag:$0x3] =	sbarrier.arrive $0xFFFF  }
0x548: {  	_ =	shalt  }

</sc_bundles>
